<compile_context>
chip_gen: v7x
topology: tpu7x:2x2x1
jax: 0.10.2.dev20260603
libtpu: 0.0.44.dev20260713+nightly
codegen_flags: <defaults>
</compile_context>

<pallas_src>
import functools

import jax
import jax.numpy as jnp
from jax import lax
from jax.experimental import pallas as pl
from jax.experimental.pallas import tpu as pltpu
from jax.experimental.pallas import tpu_sc as plsc

N = 320000
D = 128
NSEG = 10000
NJ = D // 16
NC = 2
NS = 16
NW = NC * NS
SEG_PER_TILE = 320
NSEG_PAD = NW * SEG_PER_TILE
BLK = 64
BLK_STAGE = BLK + 8
OFF_LEN = SEG_PER_TILE + 24


def _body(x_hbm, off_hbm, t_hbm, p_hbm, out_hbm, off_v, blk_v, out_v, t_v, p_v):
    wid = lax.axis_index("s") * NC + lax.axis_index("c")
    seg_lo = wid * SEG_PER_TILE

    pltpu.sync_copy(off_hbm.at[pl.ds(seg_lo, OFF_LEN)], off_v)
    pltpu.sync_copy(t_hbm, t_v)
    pltpu.sync_copy(p_hbm, p_v)

    pv = p_v[pl.ds(0, 16)]
    w0 = pv[0]
    w1 = pv[1]
    w2 = pv[2]
    w3 = pv[3]
    w4 = pv[4]
    addend = pv[5]
    tj = [jnp.clip(t_v[pl.ds(16 * j, 16)], 0.0, 1.0) for j in range(NJ)]

    inf = jnp.float32(jnp.inf)

    def seg_body(sl, carry):
        ov = off_v[pl.ds(sl, 16)]
        row_lo = ov[0]
        row_hi = ov[1]
        nrows = row_hi - row_lo
        nblk = (nrows + (BLK - 1)) // BLK

        mn0 = tuple(jnp.full((16,), inf, jnp.float32) for _ in range(NJ))
        mx0 = tuple(jnp.full((16,), -inf, jnp.float32) for _ in range(NJ))
        sm0 = tuple(jnp.zeros((16,), jnp.float32) for _ in range(NJ))

        def p1_upd(cc, r):
            mn, mx, sm = cc
            vs = [blk_v[r, pl.ds(16 * j, 16)] for j in range(NJ)]
            mn = tuple(jnp.minimum(a, v) for a, v in zip(mn, vs))
            mx = tuple(jnp.maximum(a, v) for a, v in zip(mx, vs))
            sm = tuple(a + v for a, v in zip(sm, vs))
            return (mn, mx, sm)

        def p1_blk(b, c):
            start = row_lo + b * BLK
            startc = jnp.minimum((start // 8) * 8, N - BLK_STAGE)
            pltpu.sync_copy(x_hbm.at[pl.ds(startc, BLK_STAGE)], blk_v)
            cnt = jnp.minimum(row_hi - start, BLK)
            base = start - startc
            n4 = cnt // 4

            def p1_row4(q, cc):
                r = base + q * 4
                for u in range(4):
                    cc = p1_upd(cc, r + u)
                return cc

            c = lax.fori_loop(0, n4, p1_row4, c)

            def p1_row(rr, cc):
                return p1_upd(cc, base + rr)

            return lax.fori_loop(n4 * 4, cnt, p1_row, c)

        mn, mx, sm = lax.fori_loop(0, nblk, p1_blk, (mn0, mx0, sm0))

        bias = tuple(t * b + (1.0 - t) * a for t, a, b in zip(tj, mn, mx))
        rs0 = tuple(jnp.zeros((16,), jnp.float32) for _ in range(NJ))

        def p2_upd(cc, r):
            vs = [blk_v[r, pl.ds(16 * j, 16)] for j in range(NJ)]
            return tuple(
                a + jnp.maximum(v - bb, 0.0)
                for a, v, bb in zip(cc, vs, bias)
            )

        def p2_blk(b, c):
            start = row_lo + b * BLK
            startc = jnp.minimum((start // 8) * 8, N - BLK_STAGE)

            @pl.when(nblk > 1)
            def _():
                pltpu.sync_copy(x_hbm.at[pl.ds(startc, BLK_STAGE)], blk_v)

            cnt = jnp.minimum(row_hi - start, BLK)
            base = start - startc
            n4 = cnt // 4

            def p2_row4(q, cc):
                r = base + q * 4
                for u in range(4):
                    cc = p2_upd(cc, r + u)
                return cc

            c = lax.fori_loop(0, n4, p2_row4, c)

            def p2_row(rr, cc):
                return p2_upd(cc, base + rr)

            return lax.fori_loop(n4 * 4, cnt, p2_row, c)

        rs = lax.fori_loop(0, nblk, p2_blk, rs0)

        cntf = nrows.astype(jnp.float32)
        for j in range(NJ):
            out_v[sl, pl.ds(16 * j, 16)] = (
                w0 * cntf + w1 * mn[j] + w2 * mx[j]
                + w3 * rs[j] + w4 * sm[j] + addend
            )
        return carry

    lax.fori_loop(0, SEG_PER_TILE, seg_body, 0)
    pltpu.sync_copy(out_v, out_hbm.at[pl.ds(seg_lo, SEG_PER_TILE)])


_sc_call = functools.partial(
    pl.kernel,
    mesh=plsc.VectorSubcoreMesh(core_axis_name="c", subcore_axis_name="s"),
    out_type=jax.ShapeDtypeStruct((NSEG_PAD, D), jnp.float32),
    scratch_types=[
        pltpu.VMEM((OFF_LEN,), jnp.int32),
        pltpu.VMEM((BLK_STAGE, D), jnp.float32),
        pltpu.VMEM((SEG_PER_TILE, D), jnp.float32),
        pltpu.VMEM((D,), jnp.float32),
        pltpu.VMEM((16,), jnp.float32),
    ],
)(_body)


def kernel(x, batch_idx, max_index, t, W):
    idx = batch_idx.astype(jnp.int32)
    queries = jnp.arange(NSEG_PAD + 24, dtype=jnp.int32)
    off = jnp.searchsorted(idx, queries, side="left").astype(jnp.int32)
    params = (
        jnp.zeros((16,), jnp.float32)
        .at[:5].set(W.reshape(-1).astype(jnp.float32))
        .at[5].set((jnp.asarray(max_index) - NSEG).astype(jnp.float32))
    )
    out_pad = _sc_call(x, off, t.astype(jnp.float32), params)
    return out_pad[:NSEG]

# --- scband reference (transcript-rebuilt; emitter-appended) ---
"""Pipeline reference for scband-adaptive-re-lu-85624468013527 (READ-ONLY COPY).

The authoritative reference and input builder live on the scoring server;
editing this copy changes nothing except your own understanding.
"""

import jax, jax.numpy as jnp
import numpy as np

N = 320000
D = 128
NSEG = 10000


def setup_inputs(seed: int = 0) -> dict:
    key = jax.random.key(seed)
    k1, k2, k3, k4 = jax.random.split(key, 4)
    x = jax.random.normal(k1, (N, D), dtype=jnp.float32)
    batch_idx = jnp.sort(jax.random.randint(k2, (N,), 0, NSEG, dtype=jnp.int64))
    # learned params
    t = jax.random.uniform(k3, (D,), dtype=jnp.float32, minval=0.0, maxval=1.0)
    # xavier_normal for Linear(5 -> 1): std = sqrt(2 / (fan_in + fan_out))
    std = float(np.sqrt(2.0 / (5 + 1)))
    W = jax.random.normal(k4, (1, 5), dtype=jnp.float32) * std
    return {"x": x, "batch_idx": batch_idx, "max_index": NSEG, "t": t, "W": W}


def reference(x, batch_idx, max_index, t, W):
    # clamp_convex_weight=True: t in [0, 1]
    t = jnp.clip(t, 0.0, 1.0)
    n = NSEG
    d = x.shape[1]
    min_values = jax.ops.segment_min(x, batch_idx, num_segments=n)
    max_values = jax.ops.segment_max(x, batch_idx, num_segments=n)
    repeated_min = min_values[batch_idx, :]
    repeated_max = max_values[batch_idx, :]
    bias = t * repeated_max + (1.0 - t) * repeated_min
    translated = x - bias
    post_relu = jax.nn.relu(translated)
    relu_sum = jax.ops.segment_sum(post_relu, batch_idx, num_segments=n)
    multiset_sums = jax.ops.segment_sum(x, batch_idx, num_segments=n)
    counts = jax.ops.segment_sum(jnp.ones_like(batch_idx), batch_idx, num_segments=n)
    num_elements = jnp.repeat(counts[:, None].astype(x.dtype), d, axis=1)
    coords = jnp.concatenate([num_elements, min_values, max_values, relu_sum, multiset_sums], axis=-1)
    out = coords.reshape(n, -1, d).transpose(0, 2, 1)  # [n, d, 5]
    out = out @ W.T  # Linear(5 -> 1), no bias
    return out[..., 0] + (jnp.asarray(max_index) - n).astype(x.dtype)

if __name__ == "__main__":
    import jax
    _d = setup_inputs()
    print(jax.jit(kernel)(*tuple(_d.values())))

</pallas_src>

<mosaic_0001>
#map = affine_map<(d0, d1) -> (0, 0)>
#map1 = affine_map<(d0, d1) -> (0)>
module attributes {stable_mosaic.version = 14 : i64} {
  func.func @_body(%arg0: i32, %arg1: i32, %arg2: memref<320000x128xf32, #tpu.memory_space<hbm>>, %arg3: memref<10264xi32, #tpu.memory_space<hbm>>, %arg4: memref<128xf32, #tpu.memory_space<hbm>>, %arg5: memref<16xf32, #tpu.memory_space<hbm>>, %arg6: memref<10240x128xf32, #tpu.memory_space<hbm>>, %arg7: memref<344xi32, #tpu.memory_space<vmem>>, %arg8: memref<72x128xf32, #tpu.memory_space<vmem>>, %arg9: memref<320x128xf32, #tpu.memory_space<vmem>>, %arg10: memref<128xf32, #tpu.memory_space<vmem>>, %arg11: memref<16xf32, #tpu.memory_space<vmem>>) attributes {dimension_semantics = [#tpu.dimension_semantics<core_parallel>, #tpu.dimension_semantics<subcore_parallel>], iteration_bounds = array<i64: 2, 16>, scalar_prefetch = 0 : i64, scratch_operands = 5 : i64, tpu.core_type = #tpu.core_type<sc_vector_subcore>, window_params = [{transform_indices = #map}, {transform_indices = #map1}, {transform_indices = #map1}, {transform_indices = #map1}, {transform_indices = #map}]} {
    %mul3A = arith.constant 2 : i32
    %mul3A_0 = arith.muli %arg1, %mul3A : i32
    %add3A = arith.addi %mul3A_0, %arg0 : i32
    %mul3A_1 = arith.constant 320 : i32
    %mul3A_2 = arith.muli %add3A, %mul3A_1 : i32
    "tpu.region"() ({
      %run_scoped3A = tpu.sem_alloc : memref<!tpu.dma_semaphore, #tpu.memory_space<semaphore_mem>>
      %dma_start3A = tpu.memref_slice %arg3[%mul3A_2] : memref<10264xi32, #tpu.memory_space<hbm>> -> memref<344xi32, #tpu.memory_space<hbm>>
      %dma_start3A_90 = tpu.memref_slice %arg3[%mul3A_2] : memref<10264xi32, #tpu.memory_space<hbm>> -> memref<344xi32, #tpu.memory_space<hbm>>
      tpu.enqueue_dma source(%dma_start3A_90 : memref<344xi32, #tpu.memory_space<hbm>>) target(%arg7 : memref<344xi32, #tpu.memory_space<vmem>>) target_semaphore(%run_scoped3A : memref<!tpu.dma_semaphore, #tpu.memory_space<semaphore_mem>>)
      %dma_wait3A = tpu.memref_slice %arg3[%mul3A_2] : memref<10264xi32, #tpu.memory_space<hbm>> -> memref<344xi32, #tpu.memory_space<hbm>>
      %dma_wait3A_91 = tpu.memref_slice %arg3[%mul3A_2] : memref<10264xi32, #tpu.memory_space<hbm>> -> memref<344xi32, #tpu.memory_space<hbm>>
      tpu.wait_dma2 semaphore(%run_scoped3A : memref<!tpu.dma_semaphore, #tpu.memory_space<semaphore_mem>>) src(%dma_wait3A_91 : memref<344xi32, #tpu.memory_space<hbm>>) dst(%arg7 : memref<344xi32, #tpu.memory_space<vmem>>)
      tpu.yield
    }) : () -> ()
    "tpu.region"() ({
      %run_scoped3A = tpu.sem_alloc : memref<!tpu.dma_semaphore, #tpu.memory_space<semaphore_mem>>
      tpu.enqueue_dma source(%arg4 : memref<128xf32, #tpu.memory_space<hbm>>) target(%arg10 : memref<128xf32, #tpu.memory_space<vmem>>) target_semaphore(%run_scoped3A : memref<!tpu.dma_semaphore, #tpu.memory_space<semaphore_mem>>)
      tpu.wait_dma2 semaphore(%run_scoped3A : memref<!tpu.dma_semaphore, #tpu.memory_space<semaphore_mem>>) src(%arg4 : memref<128xf32, #tpu.memory_space<hbm>>) dst(%arg10 : memref<128xf32, #tpu.memory_space<vmem>>)
      tpu.yield
    }) : () -> ()
    "tpu.region"() ({
      %run_scoped3A = tpu.sem_alloc : memref<!tpu.dma_semaphore, #tpu.memory_space<semaphore_mem>>
      tpu.enqueue_dma source(%arg5 : memref<16xf32, #tpu.memory_space<hbm>>) target(%arg11 : memref<16xf32, #tpu.memory_space<vmem>>) target_semaphore(%run_scoped3A : memref<!tpu.dma_semaphore, #tpu.memory_space<semaphore_mem>>)
      tpu.wait_dma2 semaphore(%run_scoped3A : memref<!tpu.dma_semaphore, #tpu.memory_space<semaphore_mem>>) src(%arg5 : memref<16xf32, #tpu.memory_space<hbm>>) dst(%arg11 : memref<16xf32, #tpu.memory_space<vmem>>)
      tpu.yield
    }) : () -> ()
    %get3A = arith.constant 0 : index
    %get3A_3 = tpu.vector_load %arg11[%get3A] {strides = array<i32>} : memref<16xf32, #tpu.memory_space<vmem>>, vector<16xf32>,
    %get3A_4 = vector.shape_cast %get3A_3 : vector<16xf32> to vector<16xf32>
    %slice3A = vector.extract_strided_slice %get3A_4 {offsets = [0], sizes = [1], strides = [1]} : vector<16xf32> to vector<1xf32>
    %squeeze3A = vector.extract %slice3A[0] : f32 from vector<1xf32>
    %slice3A_5 = vector.extract_strided_slice %get3A_4 {offsets = [1], sizes = [1], strides = [1]} : vector<16xf32> to vector<1xf32>
    %squeeze3A_6 = vector.extract %slice3A_5[0] : f32 from vector<1xf32>
    %slice3A_7 = vector.extract_strided_slice %get3A_4 {offsets = [2], sizes = [1], strides = [1]} : vector<16xf32> to vector<1xf32>
    %squeeze3A_8 = vector.extract %slice3A_7[0] : f32 from vector<1xf32>
    %slice3A_9 = vector.extract_strided_slice %get3A_4 {offsets = [3], sizes = [1], strides = [1]} : vector<16xf32> to vector<1xf32>
    %squeeze3A_10 = vector.extract %slice3A_9[0] : f32 from vector<1xf32>
    %slice3A_11 = vector.extract_strided_slice %get3A_4 {offsets = [4], sizes = [1], strides = [1]} : vector<16xf32> to vector<1xf32>
    %squeeze3A_12 = vector.extract %slice3A_11[0] : f32 from vector<1xf32>
    %slice3A_13 = vector.extract_strided_slice %get3A_4 {offsets = [5], sizes = [1], strides = [1]} : vector<16xf32> to vector<1xf32>
    %squeeze3A_14 = vector.extract %slice3A_13[0] : f32 from vector<1xf32>
    %get3A_15 = arith.constant 0 : index
    %get3A_16 = tpu.vector_load %arg10[%get3A_15] {strides = array<i32>} : memref<128xf32, #tpu.memory_space<vmem>>, vector<16xf32>,
    %get3A_17 = vector.shape_cast %get3A_16 : vector<16xf32> to vector<16xf32>
    %jit3A = arith.constant 0.000000e+00 : f32
    %jit3A_18 = arith.constant 1.000000e+00 : f32
    %max3A = vector.broadcast %jit3A : f32 to vector<16xf32>
    %max3A_19 = arith.maximumf %max3A, %get3A_17 : vector<16xf32>
    %min3A = vector.broadcast %jit3A_18 : f32 to vector<16xf32>
    %min3A_20 = arith.minimumf %min3A, %max3A_19 : vector<16xf32>
    %get3A_21 = arith.constant 16 : index
    %get3A_22 = tpu.vector_load %arg10[%get3A_21] {strides = array<i32>} : memref<128xf32, #tpu.memory_space<vmem>>, vector<16xf32>,
    %get3A_23 = vector.shape_cast %get3A_22 : vector<16xf32> to vector<16xf32>
    %jit3A_24 = arith.constant 0.000000e+00 : f32
    %jit3A_25 = arith.constant 1.000000e+00 : f32
    %max3A_26 = vector.broadcast %jit3A_24 : f32 to vector<16xf32>
    %max3A_27 = arith.maximumf %max3A_26, %get3A_23 : vector<16xf32>
    %min3A_28 = vector.broadcast %jit3A_25 : f32 to vector<16xf32>
    %min3A_29 = arith.minimumf %min3A_28, %max3A_27 : vector<16xf32>
    %get3A_30 = arith.constant 32 : index
    %get3A_31 = tpu.vector_load %arg10[%get3A_30] {strides = array<i32>} : memref<128xf32, #tpu.memory_space<vmem>>, vector<16xf32>,
    %get3A_32 = vector.shape_cast %get3A_31 : vector<16xf32> to vector<16xf32>
    %jit3A_33 = arith.constant 0.000000e+00 : f32
    %jit3A_34 = arith.constant 1.000000e+00 : f32
    %max3A_35 = vector.broadcast %jit3A_33 : f32 to vector<16xf32>
    %max3A_36 = arith.maximumf %max3A_35, %get3A_32 : vector<16xf32>
    %min3A_37 = vector.broadcast %jit3A_34 : f32 to vector<16xf32>
    %min3A_38 = arith.minimumf %min3A_37, %max3A_36 : vector<16xf32>
    %get3A_39 = arith.constant 48 : index
    %get3A_40 = tpu.vector_load %arg10[%get3A_39] {strides = array<i32>} : memref<128xf32, #tpu.memory_space<vmem>>, vector<16xf32>,
    %get3A_41 = vector.shape_cast %get3A_40 : vector<16xf32> to vector<16xf32>
    %jit3A_42 = arith.constant 0.000000e+00 : f32
    %jit3A_43 = arith.constant 1.000000e+00 : f32
    %max3A_44 = vector.broadcast %jit3A_42 : f32 to vector<16xf32>
    %max3A_45 = arith.maximumf %max3A_44, %get3A_41 : vector<16xf32>
    %min3A_46 = vector.broadcast %jit3A_43 : f32 to vector<16xf32>
    %min3A_47 = arith.minimumf %min3A_46, %max3A_45 : vector<16xf32>
    %get3A_48 = arith.constant 64 : index
    %get3A_49 = tpu.vector_load %arg10[%get3A_48] {strides = array<i32>} : memref<128xf32, #tpu.memory_space<vmem>>, vector<16xf32>,
    %get3A_50 = vector.shape_cast %get3A_49 : vector<16xf32> to vector<16xf32>
    %jit3A_51 = arith.constant 0.000000e+00 : f32
    %jit3A_52 = arith.constant 1.000000e+00 : f32
    %max3A_53 = vector.broadcast %jit3A_51 : f32 to vector<16xf32>
    %max3A_54 = arith.maximumf %max3A_53, %get3A_50 : vector<16xf32>
    %min3A_55 = vector.broadcast %jit3A_52 : f32 to vector<16xf32>
    %min3A_56 = arith.minimumf %min3A_55, %max3A_54 : vector<16xf32>
    %get3A_57 = arith.constant 80 : index
    %get3A_58 = tpu.vector_load %arg10[%get3A_57] {strides = array<i32>} : memref<128xf32, #tpu.memory_space<vmem>>, vector<16xf32>,
    %get3A_59 = vector.shape_cast %get3A_58 : vector<16xf32> to vector<16xf32>
    %jit3A_60 = arith.constant 0.000000e+00 : f32
    %jit3A_61 = arith.constant 1.000000e+00 : f32
    %max3A_62 = vector.broadcast %jit3A_60 : f32 to vector<16xf32>
    %max3A_63 = arith.maximumf %max3A_62, %get3A_59 : vector<16xf32>
    %min3A_64 = vector.broadcast %jit3A_61 : f32 to vector<16xf32>
    %min3A_65 = arith.minimumf %min3A_64, %max3A_63 : vector<16xf32>
    %get3A_66 = arith.constant 96 : index
    %get3A_67 = tpu.vector_load %arg10[%get3A_66] {strides = array<i32>} : memref<128xf32, #tpu.memory_space<vmem>>, vector<16xf32>,
    %get3A_68 = vector.shape_cast %get3A_67 : vector<16xf32> to vector<16xf32>
    %jit3A_69 = arith.constant 0.000000e+00 : f32
    %jit3A_70 = arith.constant 1.000000e+00 : f32
    %max3A_71 = vector.broadcast %jit3A_69 : f32 to vector<16xf32>
    %max3A_72 = arith.maximumf %max3A_71, %get3A_68 : vector<16xf32>
    %min3A_73 = vector.broadcast %jit3A_70 : f32 to vector<16xf32>
    %min3A_74 = arith.minimumf %min3A_73, %max3A_72 : vector<16xf32>
    %get3A_75 = arith.constant 112 : index
    %get3A_76 = tpu.vector_load %arg10[%get3A_75] {strides = array<i32>} : memref<128xf32, #tpu.memory_space<vmem>>, vector<16xf32>,
    %get3A_77 = vector.shape_cast %get3A_76 : vector<16xf32> to vector<16xf32>
    %jit3A_78 = arith.constant 0.000000e+00 : f32
    %jit3A_79 = arith.constant 1.000000e+00 : f32
    %max3A_80 = vector.broadcast %jit3A_78 : f32 to vector<16xf32>
    %max3A_81 = arith.maximumf %max3A_80, %get3A_77 : vector<16xf32>
    %min3A_82 = vector.broadcast %jit3A_79 : f32 to vector<16xf32>
    %min3A_83 = arith.minimumf %min3A_82, %max3A_81 : vector<16xf32>
    %scan3A = arith.constant 0 : i32
    %scan3A_84 = arith.constant 0x7F800000 : f32
    %scan3A_85 = arith.constant 0 : i32
    %scan3A_86 = arith.constant 320 : i32
    %scan3A_87 = arith.addi %scan3A_85, %scan3A_86 : i32
    %scan3A_88 = arith.constant 1 : i32
    scf.for %scan3A_90 = %scan3A_85 to %scan3A_87 step %scan3A_88  : i32 {
      %get3A_91 = arith.index_cast %scan3A_90 : i32 to index
      %get3A_92 = tpu.vector_load %arg7[%get3A_91] {strides = array<i32>} : memref<344xi32, #tpu.memory_space<vmem>>, vector<16xi32>,
      %get3A_93 = vector.shape_cast %get3A_92 : vector<16xi32> to vector<16xi32>
      %slice3A_94 = vector.extract_strided_slice %get3A_93 {offsets = [0], sizes = [1], strides = [1]} : vector<16xi32> to vector<1xi32>
      %squeeze3A_95 = vector.extract %slice3A_94[0] : i32 from vector<1xi32>
      %slice3A_96 = vector.extract_strided_slice %get3A_93 {offsets = [1], sizes = [1], strides = [1]} : vector<16xi32> to vector<1xi32>
      %squeeze3A_97 = vector.extract %slice3A_96[0] : i32 from vector<1xi32>
      %sub3A = arith.subi %squeeze3A_97, %squeeze3A_95 : i32
      %add3A_98 = arith.constant 63 : i32
      %add3A_99 = arith.addi %sub3A, %add3A_98 : i32
      %jit3A_100 = arith.constant 64 : i32
      %div3A = arith.divsi %add3A_99, %jit3A_100 : i32
      %sign3A = arith.constant 0 : i32
      %sign3A_101 = arith.cmpi sgt, %add3A_99, %sign3A : i32
      %sign3A_102 = arith.extui %sign3A_101 : i1 to i32
      %sign3A_103 = arith.constant 0 : i32
      %sign3A_104 = arith.cmpi slt, %add3A_99, %sign3A_103 : i32
      %sign3A_105 = arith.extui %sign3A_104 : i1 to i32
      %sign3A_106 = arith.subi %sign3A_102, %sign3A_105 : i32
      %sign3A_107 = arith.constant 0 : i32
      %sign3A_108 = arith.cmpi sgt, %jit3A_100, %sign3A_107 : i32
      %sign3A_109 = arith.extui %sign3A_108 : i1 to i32
      %sign3A_110 = arith.constant 0 : i32
      %sign3A_111 = arith.cmpi slt, %jit3A_100, %sign3A_110 : i32
      %sign3A_112 = arith.extui %sign3A_111 : i1 to i32
      %sign3A_113 = arith.subi %sign3A_109, %sign3A_112 : i32
      %ne3A = arith.cmpi ne, %sign3A_106, %sign3A_113 : i32
      %rem3A = arith.remsi %add3A_99, %jit3A_100 : i32
      %ne3A_114 = arith.constant 0 : i32
      %ne3A_115 = arith.cmpi ne, %rem3A, %ne3A_114 : i32
      %and3A = arith.andi %ne3A, %ne3A_115 : i1
      %sub3A_116 = arith.constant 1 : i32
      %sub3A_117 = arith.subi %div3A, %sub3A_116 : i32
      %select_n3A = arith.select %and3A, %sub3A_117, %div3A : i32
      %broadcast_in_dim3A = vector.broadcast %scan3A_84 : f32 to vector<16xf32>
      %broadcast_in_dim3A_118 = vector.broadcast %scan3A_84 : f32 to vector<16xf32>
      %broadcast_in_dim3A_119 = vector.broadcast %scan3A_84 : f32 to vector<16xf32>
      %broadcast_in_dim3A_120 = vector.broadcast %scan3A_84 : f32 to vector<16xf32>
      %broadcast_in_dim3A_121 = vector.broadcast %scan3A_84 : f32 to vector<16xf32>
      %broadcast_in_dim3A_122 = vector.broadcast %scan3A_84 : f32 to vector<16xf32>
      %broadcast_in_dim3A_123 = vector.broadcast %scan3A_84 : f32 to vector<16xf32>
      %broadcast_in_dim3A_124 = vector.broadcast %scan3A_84 : f32 to vector<16xf32>
      %neg3A = arith.constant 0.000000e+00 : f32
      %neg3A_125 = arith.subf %neg3A, %scan3A_84 : f32
      %broadcast_in_dim3A_126 = vector.broadcast %neg3A_125 : f32 to vector<16xf32>
      %neg3A_127 = arith.constant 0.000000e+00 : f32
      %neg3A_128 = arith.subf %neg3A_127, %scan3A_84 : f32
      %broadcast_in_dim3A_129 = vector.broadcast %neg3A_128 : f32 to vector<16xf32>
      %neg3A_130 = arith.constant 0.000000e+00 : f32
      %neg3A_131 = arith.subf %neg3A_130, %scan3A_84 : f32
      %broadcast_in_dim3A_132 = vector.broadcast %neg3A_131 : f32 to vector<16xf32>
      %neg3A_133 = arith.constant 0.000000e+00 : f32
      %neg3A_134 = arith.subf %neg3A_133, %scan3A_84 : f32
      %broadcast_in_dim3A_135 = vector.broadcast %neg3A_134 : f32 to vector<16xf32>
      %neg3A_136 = arith.constant 0.000000e+00 : f32
      %neg3A_137 = arith.subf %neg3A_136, %scan3A_84 : f32
      %broadcast_in_dim3A_138 = vector.broadcast %neg3A_137 : f32 to vector<16xf32>
      %neg3A_139 = arith.constant 0.000000e+00 : f32
      %neg3A_140 = arith.subf %neg3A_139, %scan3A_84 : f32
      %broadcast_in_dim3A_141 = vector.broadcast %neg3A_140 : f32 to vector<16xf32>
      %neg3A_142 = arith.constant 0.000000e+00 : f32
      %neg3A_143 = arith.subf %neg3A_142, %scan3A_84 : f32
      %broadcast_in_dim3A_144 = vector.broadcast %neg3A_143 : f32 to vector<16xf32>
      %neg3A_145 = arith.constant 0.000000e+00 : f32
      %neg3A_146 = arith.subf %neg3A_145, %scan3A_84 : f32
      %broadcast_in_dim3A_147 = vector.broadcast %neg3A_146 : f32 to vector<16xf32>
      %broadcast_in_dim3A_148 = arith.constant 0.000000e+00 : f32
      %broadcast_in_dim3A_149 = vector.broadcast %broadcast_in_dim3A_148 : f32 to vector<16xf32>
      %broadcast_in_dim3A_150 = arith.constant 0.000000e+00 : f32
      %broadcast_in_dim3A_151 = vector.broadcast %broadcast_in_dim3A_150 : f32 to vector<16xf32>
      %broadcast_in_dim3A_152 = arith.constant 0.000000e+00 : f32
      %broadcast_in_dim3A_153 = vector.broadcast %broadcast_in_dim3A_152 : f32 to vector<16xf32>
      %broadcast_in_dim3A_154 = arith.constant 0.000000e+00 : f32
      %broadcast_in_dim3A_155 = vector.broadcast %broadcast_in_dim3A_154 : f32 to vector<16xf32>
      %broadcast_in_dim3A_156 = arith.constant 0.000000e+00 : f32
      %broadcast_in_dim3A_157 = vector.broadcast %broadcast_in_dim3A_156 : f32 to vector<16xf32>
      %broadcast_in_dim3A_158 = arith.constant 0.000000e+00 : f32
      %broadcast_in_dim3A_159 = vector.broadcast %broadcast_in_dim3A_158 : f32 to vector<16xf32>
      %broadcast_in_dim3A_160 = arith.constant 0.000000e+00 : f32
      %broadcast_in_dim3A_161 = vector.broadcast %broadcast_in_dim3A_160 : f32 to vector<16xf32>
      %broadcast_in_dim3A_162 = arith.constant 0.000000e+00 : f32
      %broadcast_in_dim3A_163 = vector.broadcast %broadcast_in_dim3A_162 : f32 to vector<16xf32>
      %while3A = arith.constant 0 : i32
      %while3A_164 = arith.subi %select_n3A, %while3A : i32
      %while3A_165 = arith.addi %while3A, %while3A_164 : i32
      %while3A_166 = arith.constant 1 : i32
      %while3A_167 = arith.divsi %while3A_164, %while3A_166 : i32
      %while3A_168 = arith.muli %while3A_167, %while3A_166 : i32
      %while3A_169 = arith.addi %while3A, %while3A_168 : i32
      %while3A_170 = arith.constant 1 : i32
      %while3A_171:24 = scf.for %while3A_416 = %while3A to %while3A_169 step %while3A_170 iter_args(%while3A_417 = %broadcast_in_dim3A, %while3A_418 = %broadcast_in_dim3A_118, %while3A_419 = %broadcast_in_dim3A_119, %while3A_420 = %broadcast_in_dim3A_120, %while3A_421 = %broadcast_in_dim3A_121, %while3A_422 = %broadcast_in_dim3A_122, %while3A_423 = %broadcast_in_dim3A_123, %while3A_424 = %broadcast_in_dim3A_124, %while3A_425 = %broadcast_in_dim3A_126, %while3A_426 = %broadcast_in_dim3A_129, %while3A_427 = %broadcast_in_dim3A_132, %while3A_428 = %broadcast_in_dim3A_135, %while3A_429 = %broadcast_in_dim3A_138, %while3A_430 = %broadcast_in_dim3A_141, %while3A_431 = %broadcast_in_dim3A_144, %while3A_432 = %broadcast_in_dim3A_147, %while3A_433 = %broadcast_in_dim3A_149, %while3A_434 = %broadcast_in_dim3A_151, %while3A_435 = %broadcast_in_dim3A_153, %while3A_436 = %broadcast_in_dim3A_155, %while3A_437 = %broadcast_in_dim3A_157, %while3A_438 = %broadcast_in_dim3A_159, %while3A_439 = %broadcast_in_dim3A_161, %while3A_440 = %broadcast_in_dim3A_163) -> (vector<16xf32>, vector<16xf32>, vector<16xf32>, vector<16xf32>, vector<16xf32>, vector<16xf32>, vector<16xf32>, vector<16xf32>, vector<16xf32>, vector<16xf32>, vector<16xf32>, vector<16xf32>, vector<16xf32>, vector<16xf32>, vector<16xf32>, vector<16xf32>, vector<16xf32>, vector<16xf32>, vector<16xf32>, vector<16xf32>, vector<16xf32>, vector<16xf32>, vector<16xf32>, vector<16xf32>)  : i32 {
        %mul3A_441 = arith.constant 64 : i32
        %mul3A_442 = arith.muli %while3A_416, %mul3A_441 : i32
        %add3A_443 = arith.addi %squeeze3A_95, %mul3A_442 : i32
        %jit3A_444 = arith.constant 8 : i32
        %div3A_445 = arith.divsi %add3A_443, %jit3A_444 : i32
        %sign3A_446 = arith.constant 0 : i32
        %sign3A_447 = arith.cmpi sgt, %add3A_443, %sign3A_446 : i32
        %sign3A_448 = arith.extui %sign3A_447 : i1 to i32
        %sign3A_449 = arith.constant 0 : i32
        %sign3A_450 = arith.cmpi slt, %add3A_443, %sign3A_449 : i32
        %sign3A_451 = arith.extui %sign3A_450 : i1 to i32
        %sign3A_452 = arith.subi %sign3A_448, %sign3A_451 : i32
        %sign3A_453 = arith.constant 0 : i32
        %sign3A_454 = arith.cmpi sgt, %jit3A_444, %sign3A_453 : i32
        %sign3A_455 = arith.extui %sign3A_454 : i1 to i32
        %sign3A_456 = arith.constant 0 : i32
        %sign3A_457 = arith.cmpi slt, %jit3A_444, %sign3A_456 : i32
        %sign3A_458 = arith.extui %sign3A_457 : i1 to i32
        %sign3A_459 = arith.subi %sign3A_455, %sign3A_458 : i32
        %ne3A_460 = arith.cmpi ne, %sign3A_452, %sign3A_459 : i32
        %rem3A_461 = arith.remsi %add3A_443, %jit3A_444 : i32
        %ne3A_462 = arith.constant 0 : i32
        %ne3A_463 = arith.cmpi ne, %rem3A_461, %ne3A_462 : i32
        %and3A_464 = arith.andi %ne3A_460, %ne3A_463 : i1
        %sub3A_465 = arith.constant 1 : i32
        %sub3A_466 = arith.subi %div3A_445, %sub3A_465 : i32
        %select_n3A_467 = arith.select %and3A_464, %sub3A_466, %div3A_445 : i32
        %mul3A_468 = arith.constant 8 : i32
        %mul3A_469 = arith.muli %select_n3A_467, %mul3A_468 : i32
        %min3A_470 = arith.constant 319928 : i32
        %min3A_471 = arith.minsi %mul3A_469, %min3A_470 : i32
        "tpu.region"() ({
          %run_scoped3A = tpu.sem_alloc : memref<!tpu.dma_semaphore, #tpu.memory_space<semaphore_mem>>
          %dma_start3A = arith.constant 0 : i32
          %dma_start3A_523 = tpu.memref_slice %arg2[%min3A_471, %dma_start3A] : memref<320000x128xf32, #tpu.memory_space<hbm>> -> memref<72x128xf32, #tpu.memory_space<hbm>>
          %dma_start3A_524 = arith.constant 0 : i32
          %dma_start3A_525 = tpu.memref_slice %arg2[%min3A_471, %dma_start3A_524] : memref<320000x128xf32, #tpu.memory_space<hbm>> -> memref<72x128xf32, #tpu.memory_space<hbm>>
          tpu.enqueue_dma source(%dma_start3A_525 : memref<72x128xf32, #tpu.memory_space<hbm>>) target(%arg8 : memref<72x128xf32, #tpu.memory_space<vmem>>) target_semaphore(%run_scoped3A : memref<!tpu.dma_semaphore, #tpu.memory_space<semaphore_mem>>)
          %dma_wait3A = arith.constant 0 : i32
          %dma_wait3A_526 = tpu.memref_slice %arg2[%min3A_471, %dma_wait3A] : memref<320000x128xf32, #tpu.memory_space<hbm>> -> memref<72x128xf32, #tpu.memory_space<hbm>>
          %dma_wait3A_527 = arith.constant 0 : i32
          %dma_wait3A_528 = tpu.memref_slice %arg2[%min3A_471, %dma_wait3A_527] : memref<320000x128xf32, #tpu.memory_space<hbm>> -> memref<72x128xf32, #tpu.memory_space<hbm>>
          tpu.wait_dma2 semaphore(%run_scoped3A : memref<!tpu.dma_semaphore, #tpu.memory_space<semaphore_mem>>) src(%dma_wait3A_528 : memref<72x128xf32, #tpu.memory_space<hbm>>) dst(%arg8 : memref<72x128xf32, #tpu.memory_space<vmem>>)
          tpu.yield
        }) : () -> ()
        %sub3A_472 = arith.subi %squeeze3A_97, %add3A_443 : i32
        %min3A_473 = arith.constant 64 : i32
        %min3A_474 = arith.minsi %sub3A_472, %min3A_473 : i32
        %sub3A_475 = arith.subi %add3A_443, %min3A_471 : i32
        %jit3A_476 = arith.constant 4 : i32
        %div3A_477 = arith.divsi %min3A_474, %jit3A_476 : i32
        %sign3A_478 = arith.constant 0 : i32
        %sign3A_479 = arith.cmpi sgt, %min3A_474, %sign3A_478 : i32
        %sign3A_480 = arith.extui %sign3A_479 : i1 to i32
        %sign3A_481 = arith.constant 0 : i32
        %sign3A_482 = arith.cmpi slt, %min3A_474, %sign3A_481 : i32
        %sign3A_483 = arith.extui %sign3A_482 : i1 to i32
        %sign3A_484 = arith.subi %sign3A_480, %sign3A_483 : i32
        %sign3A_485 = arith.constant 0 : i32
        %sign3A_486 = arith.cmpi sgt, %jit3A_476, %sign3A_485 : i32
        %sign3A_487 = arith.extui %sign3A_486 : i1 to i32
        %sign3A_488 = arith.constant 0 : i32
        %sign3A_489 = arith.cmpi slt, %jit3A_476, %sign3A_488 : i32
        %sign3A_490 = arith.extui %sign3A_489 : i1 to i32
        %sign3A_491 = arith.subi %sign3A_487, %sign3A_490 : i32
        %ne3A_492 = arith.cmpi ne, %sign3A_484, %sign3A_491 : i32
        %rem3A_493 = arith.remsi %min3A_474, %jit3A_476 : i32
        %ne3A_494 = arith.constant 0 : i32
        %ne3A_495 = arith.cmpi ne, %rem3A_493, %ne3A_494 : i32
        %and3A_496 = arith.andi %ne3A_492, %ne3A_495 : i1
        %sub3A_497 = arith.constant 1 : i32
        %sub3A_498 = arith.subi %div3A_477, %sub3A_497 : i32
        %select_n3A_499 = arith.select %and3A_496, %sub3A_498, %div3A_477 : i32
        %while3A_500 = arith.constant 0 : i32
        %while3A_501 = arith.subi %select_n3A_499, %while3A_500 : i32
        %while3A_502 = arith.addi %while3A_500, %while3A_501 : i32
        %while3A_503 = arith.constant 1 : i32
        %while3A_504 = arith.divsi %while3A_501, %while3A_503 : i32
        %while3A_505 = arith.muli %while3A_504, %while3A_503 : i32
        %while3A_506 = arith.addi %while3A_500, %while3A_505 : i32
        %while3A_507 = arith.constant 1 : i32
        %while3A_508:24 = scf.for %while3A_523 = %while3A_500 to %while3A_506 step %while3A_507 iter_args(%while3A_524 = %while3A_417, %while3A_525 = %while3A_418, %while3A_526 = %while3A_419, %while3A_527 = %while3A_420, %while3A_528 = %while3A_421, %while3A_529 = %while3A_422, %while3A_530 = %while3A_423, %while3A_531 = %while3A_424, %while3A_532 = %while3A_425, %while3A_533 = %while3A_426, %while3A_534 = %while3A_427, %while3A_535 = %while3A_428, %while3A_536 = %while3A_429, %while3A_537 = %while3A_430, %while3A_538 = %while3A_431, %while3A_539 = %while3A_432, %while3A_540 = %while3A_433, %while3A_541 = %while3A_434, %while3A_542 = %while3A_435, %while3A_543 = %while3A_436, %while3A_544 = %while3A_437, %while3A_545 = %while3A_438, %while3A_546 = %while3A_439, %while3A_547 = %while3A_440) -> (vector<16xf32>, vector<16xf32>, vector<16xf32>, vector<16xf32>, vector<16xf32>, vector<16xf32>, vector<16xf32>, vector<16xf32>, vector<16xf32>, vector<16xf32>, vector<16xf32>, vector<16xf32>, vector<16xf32>, vector<16xf32>, vector<16xf32>, vector<16xf32>, vector<16xf32>, vector<16xf32>, vector<16xf32>, vector<16xf32>, vector<16xf32>, vector<16xf32>, vector<16xf32>, vector<16xf32>)  : i32 {
          %mul3A_548 = arith.constant 4 : i32
          %mul3A_549 = arith.muli %while3A_523, %mul3A_548 : i32
          %add3A_550 = arith.addi %sub3A_475, %mul3A_549 : i32
          %add3A_551 = arith.constant 0 : i32
          %add3A_552 = arith.addi %add3A_550, %add3A_551 : i32
          %get3A_553 = arith.index_cast %add3A_552 : i32 to index
          %get3A_554 = arith.constant 0 : index
          %get3A_555 = tpu.vector_load %arg8[%get3A_553, %get3A_554] {strides = array<i32>} : memref<72x128xf32, #tpu.memory_space<vmem>>, vector<1x16xf32>,
          %get3A_556 = vector.shape_cast %get3A_555 : vector<1x16xf32> to vector<16xf32>
          %get3A_557 = arith.index_cast %add3A_552 : i32 to index
          %get3A_558 = arith.constant 16 : index
          %get3A_559 = tpu.vector_load %arg8[%get3A_557, %get3A_558] {strides = array<i32>} : memref<72x128xf32, #tpu.memory_space<vmem>>, vector<1x16xf32>,
          %get3A_560 = vector.shape_cast %get3A_559 : vector<1x16xf32> to vector<16xf32>
          %get3A_561 = arith.index_cast %add3A_552 : i32 to index
          %get3A_562 = arith.constant 32 : index
          %get3A_563 = tpu.vector_load %arg8[%get3A_561, %get3A_562] {strides = array<i32>} : memref<72x128xf32, #tpu.memory_space<vmem>>, vector<1x16xf32>,
          %get3A_564 = vector.shape_cast %get3A_563 : vector<1x16xf32> to vector<16xf32>
          %get3A_565 = arith.index_cast %add3A_552 : i32 to index
          %get3A_566 = arith.constant 48 : index
          %get3A_567 = tpu.vector_load %arg8[%get3A_565, %get3A_566] {strides = array<i32>} : memref<72x128xf32, #tpu.memory_space<vmem>>, vector<1x16xf32>,
          %get3A_568 = vector.shape_cast %get3A_567 : vector<1x16xf32> to vector<16xf32>
          %get3A_569 = arith.index_cast %add3A_552 : i32 to index
          %get3A_570 = arith.constant 64 : index
          %get3A_571 = tpu.vector_load %arg8[%get3A_569, %get3A_570] {strides = array<i32>} : memref<72x128xf32, #tpu.memory_space<vmem>>, vector<1x16xf32>,
          %get3A_572 = vector.shape_cast %get3A_571 : vector<1x16xf32> to vector<16xf32>
          %get3A_573 = arith.index_cast %add3A_552 : i32 to index
          %get3A_574 = arith.constant 80 : index
          %get3A_575 = tpu.vector_load %arg8[%get3A_573, %get3A_574] {strides = array<i32>} : memref<72x128xf32, #tpu.memory_space<vmem>>, vector<1x16xf32>,
          %get3A_576 = vector.shape_cast %get3A_575 : vector<1x16xf32> to vector<16xf32>
          %get3A_577 = arith.index_cast %add3A_552 : i32 to index
          %get3A_578 = arith.constant 96 : index
          %get3A_579 = tpu.vector_load %arg8[%get3A_577, %get3A_578] {strides = array<i32>} : memref<72x128xf32, #tpu.memory_space<vmem>>, vector<1x16xf32>,
          %get3A_580 = vector.shape_cast %get3A_579 : vector<1x16xf32> to vector<16xf32>
          %get3A_581 = arith.index_cast %add3A_552 : i32 to index
          %get3A_582 = arith.constant 112 : index
          %get3A_583 = tpu.vector_load %arg8[%get3A_581, %get3A_582] {strides = array<i32>} : memref<72x128xf32, #tpu.memory_space<vmem>>, vector<1x16xf32>,
          %get3A_584 = vector.shape_cast %get3A_583 : vector<1x16xf32> to vector<16xf32>
          %min3A_585 = arith.minimumf %while3A_524, %get3A_556 : vector<16xf32>
          %min3A_586 = arith.minimumf %while3A_525, %get3A_560 : vector<16xf32>
          %min3A_587 = arith.minimumf %while3A_526, %get3A_564 : vector<16xf32>
          %min3A_588 = arith.minimumf %while3A_527, %get3A_568 : vector<16xf32>
          %min3A_589 = arith.minimumf %while3A_528, %get3A_572 : vector<16xf32>
          %min3A_590 = arith.minimumf %while3A_529, %get3A_576 : vector<16xf32>
          %min3A_591 = arith.minimumf %while3A_530, %get3A_580 : vector<16xf32>
          %min3A_592 = arith.minimumf %while3A_531, %get3A_584 : vector<16xf32>
          %max3A_593 = arith.maximumf %while3A_532, %get3A_556 : vector<16xf32>
          %max3A_594 = arith.maximumf %while3A_533, %get3A_560 : vector<16xf32>
          %max3A_595 = arith.maximumf %while3A_534, %get3A_564 : vector<16xf32>
          %max3A_596 = arith.maximumf %while3A_535, %get3A_568 : vector<16xf32>
          %max3A_597 = arith.maximumf %while3A_536, %get3A_572 : vector<16xf32>
          %max3A_598 = arith.maximumf %while3A_537, %get3A_576 : vector<16xf32>
          %max3A_599 = arith.maximumf %while3A_538, %get3A_580 : vector<16xf32>
          %max3A_600 = arith.maximumf %while3A_539, %get3A_584 : vector<16xf32>
          %add3A_601 = arith.addf %while3A_540, %get3A_556 : vector<16xf32>
          %add3A_602 = arith.addf %while3A_541, %get3A_560 : vector<16xf32>
          %add3A_603 = arith.addf %while3A_542, %get3A_564 : vector<16xf32>
          %add3A_604 = arith.addf %while3A_543, %get3A_568 : vector<16xf32>
          %add3A_605 = arith.addf %while3A_544, %get3A_572 : vector<16xf32>
          %add3A_606 = arith.addf %while3A_545, %get3A_576 : vector<16xf32>
          %add3A_607 = arith.addf %while3A_546, %get3A_580 : vector<16xf32>
          %add3A_608 = arith.addf %while3A_547, %get3A_584 : vector<16xf32>
          %add3A_609 = arith.constant 1 : i32
          %add3A_610 = arith.addi %add3A_550, %add3A_609 : i32
          %get3A_611 = arith.index_cast %add3A_610 : i32 to index
          %get3A_612 = arith.constant 0 : index
          %get3A_613 = tpu.vector_load %arg8[%get3A_611, %get3A_612] {strides = array<i32>} : memref<72x128xf32, #tpu.memory_space<vmem>>, vector<1x16xf32>,
          %get3A_614 = vector.shape_cast %get3A_613 : vector<1x16xf32> to vector<16xf32>
          %get3A_615 = arith.index_cast %add3A_610 : i32 to index
          %get3A_616 = arith.constant 16 : index
          %get3A_617 = tpu.vector_load %arg8[%get3A_615, %get3A_616] {strides = array<i32>} : memref<72x128xf32, #tpu.memory_space<vmem>>, vector<1x16xf32>,
          %get3A_618 = vector.shape_cast %get3A_617 : vector<1x16xf32> to vector<16xf32>
          %get3A_619 = arith.index_cast %add3A_610 : i32 to index
          %get3A_620 = arith.constant 32 : index
          %get3A_621 = tpu.vector_load %arg8[%get3A_619, %get3A_620] {strides = array<i32>} : memref<72x128xf32, #tpu.memory_space<vmem>>, vector<1x16xf32>,
          %get3A_622 = vector.shape_cast %get3A_621 : vector<1x16xf32> to vector<16xf32>
          %get3A_623 = arith.index_cast %add3A_610 : i32 to index
          %get3A_624 = arith.constant 48 : index
          %get3A_625 = tpu.vector_load %arg8[%get3A_623, %get3A_624] {strides = array<i32>} : memref<72x128xf32, #tpu.memory_space<vmem>>, vector<1x16xf32>,
          %get3A_626 = vector.shape_cast %get3A_625 : vector<1x16xf32> to vector<16xf32>
          %get3A_627 = arith.index_cast %add3A_610 : i32 to index
          %get3A_628 = arith.constant 64 : index
          %get3A_629 = tpu.vector_load %arg8[%get3A_627, %get3A_628] {strides = array<i32>} : memref<72x128xf32, #tpu.memory_space<vmem>>, vector<1x16xf32>,
          %get3A_630 = vector.shape_cast %get3A_629 : vector<1x16xf32> to vector<16xf32>
          %get3A_631 = arith.index_cast %add3A_610 : i32 to index
          %get3A_632 = arith.constant 80 : index
          %get3A_633 = tpu.vector_load %arg8[%get3A_631, %get3A_632] {strides = array<i32>} : memref<72x128xf32, #tpu.memory_space<vmem>>, vector<1x16xf32>,
          %get3A_634 = vector.shape_cast %get3A_633 : vector<1x16xf32> to vector<16xf32>
          %get3A_635 = arith.index_cast %add3A_610 : i32 to index
          %get3A_636 = arith.constant 96 : index
          %get3A_637 = tpu.vector_load %arg8[%get3A_635, %get3A_636] {strides = array<i32>} : memref<72x128xf32, #tpu.memory_space<vmem>>, vector<1x16xf32>,
          %get3A_638 = vector.shape_cast %get3A_637 : vector<1x16xf32> to vector<16xf32>
          %get3A_639 = arith.index_cast %add3A_610 : i32 to index
          %get3A_640 = arith.constant 112 : index
          %get3A_641 = tpu.vector_load %arg8[%get3A_639, %get3A_640] {strides = array<i32>} : memref<72x128xf32, #tpu.memory_space<vmem>>, vector<1x16xf32>,
          %get3A_642 = vector.shape_cast %get3A_641 : vector<1x16xf32> to vector<16xf32>
          %min3A_643 = arith.minimumf %min3A_585, %get3A_614 : vector<16xf32>
          %min3A_644 = arith.minimumf %min3A_586, %get3A_618 : vector<16xf32>
          %min3A_645 = arith.minimumf %min3A_587, %get3A_622 : vector<16xf32>
          %min3A_646 = arith.minimumf %min3A_588, %get3A_626 : vector<16xf32>
          %min3A_647 = arith.minimumf %min3A_589, %get3A_630 : vector<16xf32>
          %min3A_648 = arith.minimumf %min3A_590, %get3A_634 : vector<16xf32>
          %min3A_649 = arith.minimumf %min3A_591, %get3A_638 : vector<16xf32>
          %min3A_650 = arith.minimumf %min3A_592, %get3A_642 : vector<16xf32>
          %max3A_651 = arith.maximumf %max3A_593, %get3A_614 : vector<16xf32>
          %max3A_652 = arith.maximumf %max3A_594, %get3A_618 : vector<16xf32>
          %max3A_653 = arith.maximumf %max3A_595, %get3A_622 : vector<16xf32>
          %max3A_654 = arith.maximumf %max3A_596, %get3A_626 : vector<16xf32>
          %max3A_655 = arith.maximumf %max3A_597, %get3A_630 : vector<16xf32>
          %max3A_656 = arith.maximumf %max3A_598, %get3A_634 : vector<16xf32>
          %max3A_657 = arith.maximumf %max3A_599, %get3A_638 : vector<16xf32>
          %max3A_658 = arith.maximumf %max3A_600, %get3A_642 : vector<16xf32>
          %add3A_659 = arith.addf %add3A_601, %get3A_614 : vector<16xf32>
          %add3A_660 = arith.addf %add3A_602, %get3A_618 : vector<16xf32>
          %add3A_661 = arith.addf %add3A_603, %get3A_622 : vector<16xf32>
          %add3A_662 = arith.addf %add3A_604, %get3A_626 : vector<16xf32>
          %add3A_663 = arith.addf %add3A_605, %get3A_630 : vector<16xf32>
          %add3A_664 = arith.addf %add3A_606, %get3A_634 : vector<16xf32>
          %add3A_665 = arith.addf %add3A_607, %get3A_638 : vector<16xf32>
          %add3A_666 = arith.addf %add3A_608, %get3A_642 : vector<16xf32>
          %add3A_667 = arith.constant 2 : i32
          %add3A_668 = arith.addi %add3A_550, %add3A_667 : i32
          %get3A_669 = arith.index_cast %add3A_668 : i32 to index
          %get3A_670 = arith.constant 0 : index
          %get3A_671 = tpu.vector_load %arg8[%get3A_669, %get3A_670] {strides = array<i32>} : memref<72x128xf32, #tpu.memory_space<vmem>>, vector<1x16xf32>,
          %get3A_672 = vector.shape_cast %get3A_671 : vector<1x16xf32> to vector<16xf32>
          %get3A_673 = arith.index_cast %add3A_668 : i32 to index
          %get3A_674 = arith.constant 16 : index
          %get3A_675 = tpu.vector_load %arg8[%get3A_673, %get3A_674] {strides = array<i32>} : memref<72x128xf32, #tpu.memory_space<vmem>>, vector<1x16xf32>,
          %get3A_676 = vector.shape_cast %get3A_675 : vector<1x16xf32> to vector<16xf32>
          %get3A_677 = arith.index_cast %add3A_668 : i32 to index
          %get3A_678 = arith.constant 32 : index
          %get3A_679 = tpu.vector_load %arg8[%get3A_677, %get3A_678] {strides = array<i32>} : memref<72x128xf32, #tpu.memory_space<vmem>>, vector<1x16xf32>,
          %get3A_680 = vector.shape_cast %get3A_679 : vector<1x16xf32> to vector<16xf32>
          %get3A_681 = arith.index_cast %add3A_668 : i32 to index
          %get3A_682 = arith.constant 48 : index
          %get3A_683 = tpu.vector_load %arg8[%get3A_681, %get3A_682] {strides = array<i32>} : memref<72x128xf32, #tpu.memory_space<vmem>>, vector<1x16xf32>,
          %get3A_684 = vector.shape_cast %get3A_683 : vector<1x16xf32> to vector<16xf32>
          %get3A_685 = arith.index_cast %add3A_668 : i32 to index
          %get3A_686 = arith.constant 64 : index
          %get3A_687 = tpu.vector_load %arg8[%get3A_685, %get3A_686] {strides = array<i32>} : memref<72x128xf32, #tpu.memory_space<vmem>>, vector<1x16xf32>,
          %get3A_688 = vector.shape_cast %get3A_687 : vector<1x16xf32> to vector<16xf32>
          %get3A_689 = arith.index_cast %add3A_668 : i32 to index
          %get3A_690 = arith.constant 80 : index
          %get3A_691 = tpu.vector_load %arg8[%get3A_689, %get3A_690] {strides = array<i32>} : memref<72x128xf32, #tpu.memory_space<vmem>>, vector<1x16xf32>,
          %get3A_692 = vector.shape_cast %get3A_691 : vector<1x16xf32> to vector<16xf32>
          %get3A_693 = arith.index_cast %add3A_668 : i32 to index
          %get3A_694 = arith.constant 96 : index
          %get3A_695 = tpu.vector_load %arg8[%get3A_693, %get3A_694] {strides = array<i32>} : memref<72x128xf32, #tpu.memory_space<vmem>>, vector<1x16xf32>,
          %get3A_696 = vector.shape_cast %get3A_695 : vector<1x16xf32> to vector<16xf32>
          %get3A_697 = arith.index_cast %add3A_668 : i32 to index
          %get3A_698 = arith.constant 112 : index
          %get3A_699 = tpu.vector_load %arg8[%get3A_697, %get3A_698] {strides = array<i32>} : memref<72x128xf32, #tpu.memory_space<vmem>>, vector<1x16xf32>,
          %get3A_700 = vector.shape_cast %get3A_699 : vector<1x16xf32> to vector<16xf32>
          %min3A_701 = arith.minimumf %min3A_643, %get3A_672 : vector<16xf32>
          %min3A_702 = arith.minimumf %min3A_644, %get3A_676 : vector<16xf32>
          %min3A_703 = arith.minimumf %min3A_645, %get3A_680 : vector<16xf32>
          %min3A_704 = arith.minimumf %min3A_646, %get3A_684 : vector<16xf32>
          %min3A_705 = arith.minimumf %min3A_647, %get3A_688 : vector<16xf32>
          %min3A_706 = arith.minimumf %min3A_648, %get3A_692 : vector<16xf32>
          %min3A_707 = arith.minimumf %min3A_649, %get3A_696 : vector<16xf32>
          %min3A_708 = arith.minimumf %min3A_650, %get3A_700 : vector<16xf32>
          %max3A_709 = arith.maximumf %max3A_651, %get3A_672 : vector<16xf32>
          %max3A_710 = arith.maximumf %max3A_652, %get3A_676 : vector<16xf32>
          %max3A_711 = arith.maximumf %max3A_653, %get3A_680 : vector<16xf32>
          %max3A_712 = arith.maximumf %max3A_654, %get3A_684 : vector<16xf32>
          %max3A_713 = arith.maximumf %max3A_655, %get3A_688 : vector<16xf32>
          %max3A_714 = arith.maximumf %max3A_656, %get3A_692 : vector<16xf32>
          %max3A_715 = arith.maximumf %max3A_657, %get3A_696 : vector<16xf32>
          %max3A_716 = arith.maximumf %max3A_658, %get3A_700 : vector<16xf32>
          %add3A_717 = arith.addf %add3A_659, %get3A_672 : vector<16xf32>
          %add3A_718 = arith.addf %add3A_660, %get3A_676 : vector<16xf32>
          %add3A_719 = arith.addf %add3A_661, %get3A_680 : vector<16xf32>
          %add3A_720 = arith.addf %add3A_662, %get3A_684 : vector<16xf32>
          %add3A_721 = arith.addf %add3A_663, %get3A_688 : vector<16xf32>
          %add3A_722 = arith.addf %add3A_664, %get3A_692 : vector<16xf32>
          %add3A_723 = arith.addf %add3A_665, %get3A_696 : vector<16xf32>
          %add3A_724 = arith.addf %add3A_666, %get3A_700 : vector<16xf32>
          %add3A_725 = arith.constant 3 : i32
          %add3A_726 = arith.addi %add3A_550, %add3A_725 : i32
          %get3A_727 = arith.index_cast %add3A_726 : i32 to index
          %get3A_728 = arith.constant 0 : index
          %get3A_729 = tpu.vector_load %arg8[%get3A_727, %get3A_728] {strides = array<i32>} : memref<72x128xf32, #tpu.memory_space<vmem>>, vector<1x16xf32>,
          %get3A_730 = vector.shape_cast %get3A_729 : vector<1x16xf32> to vector<16xf32>
          %get3A_731 = arith.index_cast %add3A_726 : i32 to index
          %get3A_732 = arith.constant 16 : index
          %get3A_733 = tpu.vector_load %arg8[%get3A_731, %get3A_732] {strides = array<i32>} : memref<72x128xf32, #tpu.memory_space<vmem>>, vector<1x16xf32>,
          %get3A_734 = vector.shape_cast %get3A_733 : vector<1x16xf32> to vector<16xf32>
          %get3A_735 = arith.index_cast %add3A_726 : i32 to index
          %get3A_736 = arith.constant 32 : index
          %get3A_737 = tpu.vector_load %arg8[%get3A_735, %get3A_736] {strides = array<i32>} : memref<72x128xf32, #tpu.memory_space<vmem>>, vector<1x16xf32>,
          %get3A_738 = vector.shape_cast %get3A_737 : vector<1x16xf32> to vector<16xf32>
          %get3A_739 = arith.index_cast %add3A_726 : i32 to index
          %get3A_740 = arith.constant 48 : index
          %get3A_741 = tpu.vector_load %arg8[%get3A_739, %get3A_740] {strides = array<i32>} : memref<72x128xf32, #tpu.memory_space<vmem>>, vector<1x16xf32>,
          %get3A_742 = vector.shape_cast %get3A_741 : vector<1x16xf32> to vector<16xf32>
          %get3A_743 = arith.index_cast %add3A_726 : i32 to index
          %get3A_744 = arith.constant 64 : index
          %get3A_745 = tpu.vector_load %arg8[%get3A_743, %get3A_744] {strides = array<i32>} : memref<72x128xf32, #tpu.memory_space<vmem>>, vector<1x16xf32>,
          %get3A_746 = vector.shape_cast %get3A_745 : vector<1x16xf32> to vector<16xf32>
          %get3A_747 = arith.index_cast %add3A_726 : i32 to index
          %get3A_748 = arith.constant 80 : index
          %get3A_749 = tpu.vector_load %arg8[%get3A_747, %get3A_748] {strides = array<i32>} : memref<72x128xf32, #tpu.memory_space<vmem>>, vector<1x16xf32>,
          %get3A_750 = vector.shape_cast %get3A_749 : vector<1x16xf32> to vector<16xf32>
          %get3A_751 = arith.index_cast %add3A_726 : i32 to index
          %get3A_752 = arith.constant 96 : index
          %get3A_753 = tpu.vector_load %arg8[%get3A_751, %get3A_752] {strides = array<i32>} : memref<72x128xf32, #tpu.memory_space<vmem>>, vector<1x16xf32>,
          %get3A_754 = vector.shape_cast %get3A_753 : vector<1x16xf32> to vector<16xf32>
          %get3A_755 = arith.index_cast %add3A_726 : i32 to index
          %get3A_756 = arith.constant 112 : index
          %get3A_757 = tpu.vector_load %arg8[%get3A_755, %get3A_756] {strides = array<i32>} : memref<72x128xf32, #tpu.memory_space<vmem>>, vector<1x16xf32>,
          %get3A_758 = vector.shape_cast %get3A_757 : vector<1x16xf32> to vector<16xf32>
          %min3A_759 = arith.minimumf %min3A_701, %get3A_730 : vector<16xf32>
          %min3A_760 = arith.minimumf %min3A_702, %get3A_734 : vector<16xf32>
          %min3A_761 = arith.minimumf %min3A_703, %get3A_738 : vector<16xf32>
          %min3A_762 = arith.minimumf %min3A_704, %get3A_742 : vector<16xf32>
          %min3A_763 = arith.minimumf %min3A_705, %get3A_746 : vector<16xf32>
          %min3A_764 = arith.minimumf %min3A_706, %get3A_750 : vector<16xf32>
          %min3A_765 = arith.minimumf %min3A_707, %get3A_754 : vector<16xf32>
          %min3A_766 = arith.minimumf %min3A_708, %get3A_758 : vector<16xf32>
          %max3A_767 = arith.maximumf %max3A_709, %get3A_730 : vector<16xf32>
          %max3A_768 = arith.maximumf %max3A_710, %get3A_734 : vector<16xf32>
          %max3A_769 = arith.maximumf %max3A_711, %get3A_738 : vector<16xf32>
          %max3A_770 = arith.maximumf %max3A_712, %get3A_742 : vector<16xf32>
          %max3A_771 = arith.maximumf %max3A_713, %get3A_746 : vector<16xf32>
          %max3A_772 = arith.maximumf %max3A_714, %get3A_750 : vector<16xf32>
          %max3A_773 = arith.maximumf %max3A_715, %get3A_754 : vector<16xf32>
          %max3A_774 = arith.maximumf %max3A_716, %get3A_758 : vector<16xf32>
          %add3A_775 = arith.addf %add3A_717, %get3A_730 : vector<16xf32>
          %add3A_776 = arith.addf %add3A_718, %get3A_734 : vector<16xf32>
          %add3A_777 = arith.addf %add3A_719, %get3A_738 : vector<16xf32>
          %add3A_778 = arith.addf %add3A_720, %get3A_742 : vector<16xf32>
          %add3A_779 = arith.addf %add3A_721, %get3A_746 : vector<16xf32>
          %add3A_780 = arith.addf %add3A_722, %get3A_750 : vector<16xf32>
          %add3A_781 = arith.addf %add3A_723, %get3A_754 : vector<16xf32>
          %add3A_782 = arith.addf %add3A_724, %get3A_758 : vector<16xf32>
          scf.yield %min3A_759, %min3A_760, %min3A_761, %min3A_762, %min3A_763, %min3A_764, %min3A_765, %min3A_766, %max3A_767, %max3A_768, %max3A_769, %max3A_770, %max3A_771, %max3A_772, %max3A_773, %max3A_774, %add3A_775, %add3A_776, %add3A_777, %add3A_778, %add3A_779, %add3A_780, %add3A_781, %add3A_782 : vector<16xf32>, vector<16xf32>, vector<16xf32>, vector<16xf32>, vector<16xf32>, vector<16xf32>, vector<16xf32>, vector<16xf32>, vector<16xf32>, vector<16xf32>, vector<16xf32>, vector<16xf32>, vector<16xf32>, vector<16xf32>, vector<16xf32>, vector<16xf32>, vector<16xf32>, vector<16xf32>, vector<16xf32>, vector<16xf32>, vector<16xf32>, vector<16xf32>, vector<16xf32>, vector<16xf32>
        }
        %while3A_509 = arith.constant 1 : i32
        %while3A_510:24 = scf.for %while3A_523 = %while3A_506 to %while3A_502 step %while3A_509 iter_args(%while3A_524 = %while3A_508#0, %while3A_525 = %while3A_508#1, %while3A_526 = %while3A_508#2, %while3A_527 = %while3A_508#3, %while3A_528 = %while3A_508#4, %while3A_529 = %while3A_508#5, %while3A_530 = %while3A_508#6, %while3A_531 = %while3A_508#7, %while3A_532 = %while3A_508#8, %while3A_533 = %while3A_508#9, %while3A_534 = %while3A_508#10, %while3A_535 = %while3A_508#11, %while3A_536 = %while3A_508#12, %while3A_537 = %while3A_508#13, %while3A_538 = %while3A_508#14, %while3A_539 = %while3A_508#15, %while3A_540 = %while3A_508#16, %while3A_541 = %while3A_508#17, %while3A_542 = %while3A_508#18, %while3A_543 = %while3A_508#19, %while3A_544 = %while3A_508#20, %while3A_545 = %while3A_508#21, %while3A_546 = %while3A_508#22, %while3A_547 = %while3A_508#23) -> (vector<16xf32>, vector<16xf32>, vector<16xf32>, vector<16xf32>, vector<16xf32>, vector<16xf32>, vector<16xf32>, vector<16xf32>, vector<16xf32>, vector<16xf32>, vector<16xf32>, vector<16xf32>, vector<16xf32>, vector<16xf32>, vector<16xf32>, vector<16xf32>, vector<16xf32>, vector<16xf32>, vector<16xf32>, vector<16xf32>, vector<16xf32>, vector<16xf32>, vector<16xf32>, vector<16xf32>)  : i32 {
          %mul3A_548 = arith.constant 4 : i32
          %mul3A_549 = arith.muli %while3A_523, %mul3A_548 : i32
          %add3A_550 = arith.addi %sub3A_475, %mul3A_549 : i32
          %add3A_551 = arith.constant 0 : i32
          %add3A_552 = arith.addi %add3A_550, %add3A_551 : i32
          %get3A_553 = arith.index_cast %add3A_552 : i32 to index
          %get3A_554 = arith.constant 0 : index
          %get3A_555 = tpu.vector_load %arg8[%get3A_553, %get3A_554] {strides = array<i32>} : memref<72x128xf32, #tpu.memory_space<vmem>>, vector<1x16xf32>,
          %get3A_556 = vector.shape_cast %get3A_555 : vector<1x16xf32> to vector<16xf32>
          %get3A_557 = arith.index_cast %add3A_552 : i32 to index
          %get3A_558 = arith.constant 16 : index
          %get3A_559 = tpu.vector_load %arg8[%get3A_557, %get3A_558] {strides = array<i32>} : memref<72x128xf32, #tpu.memory_space<vmem>>, vector<1x16xf32>,
          %get3A_560 = vector.shape_cast %get3A_559 : vector<1x16xf32> to vector<16xf32>
          %get3A_561 = arith.index_cast %add3A_552 : i32 to index
          %get3A_562 = arith.constant 32 : index
          %get3A_563 = tpu.vector_load %arg8[%get3A_561, %get3A_562] {strides = array<i32>} : memref<72x128xf32, #tpu.memory_space<vmem>>, vector<1x16xf32>,
          %get3A_564 = vector.shape_cast %get3A_563 : vector<1x16xf32> to vector<16xf32>
          %get3A_565 = arith.index_cast %add3A_552 : i32 to index
          %get3A_566 = arith.constant 48 : index
          %get3A_567 = tpu.vector_load %arg8[%get3A_565, %get3A_566] {strides = array<i32>} : memref<72x128xf32, #tpu.memory_space<vmem>>, vector<1x16xf32>,
          %get3A_568 = vector.shape_cast %get3A_567 : vector<1x16xf32> to vector<16xf32>
          %get3A_569 = arith.index_cast %add3A_552 : i32 to index
          %get3A_570 = arith.constant 64 : index
          %get3A_571 = tpu.vector_load %arg8[%get3A_569, %get3A_570] {strides = array<i32>} : memref<72x128xf32, #tpu.memory_space<vmem>>, vector<1x16xf32>,
          %get3A_572 = vector.shape_cast %get3A_571 : vector<1x16xf32> to vector<16xf32>
          %get3A_573 = arith.index_cast %add3A_552 : i32 to index
          %get3A_574 = arith.constant 80 : index
          %get3A_575 = tpu.vector_load %arg8[%get3A_573, %get3A_574] {strides = array<i32>} : memref<72x128xf32, #tpu.memory_space<vmem>>, vector<1x16xf32>,
          %get3A_576 = vector.shape_cast %get3A_575 : vector<1x16xf32> to vector<16xf32>
          %get3A_577 = arith.index_cast %add3A_552 : i32 to index
          %get3A_578 = arith.constant 96 : index
          %get3A_579 = tpu.vector_load %arg8[%get3A_577, %get3A_578] {strides = array<i32>} : memref<72x128xf32, #tpu.memory_space<vmem>>, vector<1x16xf32>,
          %get3A_580 = vector.shape_cast %get3A_579 : vector<1x16xf32> to vector<16xf32>
          %get3A_581 = arith.index_cast %add3A_552 : i32 to index
          %get3A_582 = arith.constant 112 : index
          %get3A_583 = tpu.vector_load %arg8[%get3A_581, %get3A_582] {strides = array<i32>} : memref<72x128xf32, #tpu.memory_space<vmem>>, vector<1x16xf32>,
          %get3A_584 = vector.shape_cast %get3A_583 : vector<1x16xf32> to vector<16xf32>
          %min3A_585 = arith.minimumf %while3A_524, %get3A_556 : vector<16xf32>
          %min3A_586 = arith.minimumf %while3A_525, %get3A_560 : vector<16xf32>
          %min3A_587 = arith.minimumf %while3A_526, %get3A_564 : vector<16xf32>
          %min3A_588 = arith.minimumf %while3A_527, %get3A_568 : vector<16xf32>
          %min3A_589 = arith.minimumf %while3A_528, %get3A_572 : vector<16xf32>
          %min3A_590 = arith.minimumf %while3A_529, %get3A_576 : vector<16xf32>
          %min3A_591 = arith.minimumf %while3A_530, %get3A_580 : vector<16xf32>
          %min3A_592 = arith.minimumf %while3A_531, %get3A_584 : vector<16xf32>
          %max3A_593 = arith.maximumf %while3A_532, %get3A_556 : vector<16xf32>
          %max3A_594 = arith.maximumf %while3A_533, %get3A_560 : vector<16xf32>
          %max3A_595 = arith.maximumf %while3A_534, %get3A_564 : vector<16xf32>
          %max3A_596 = arith.maximumf %while3A_535, %get3A_568 : vector<16xf32>
          %max3A_597 = arith.maximumf %while3A_536, %get3A_572 : vector<16xf32>
          %max3A_598 = arith.maximumf %while3A_537, %get3A_576 : vector<16xf32>
          %max3A_599 = arith.maximumf %while3A_538, %get3A_580 : vector<16xf32>
          %max3A_600 = arith.maximumf %while3A_539, %get3A_584 : vector<16xf32>
          %add3A_601 = arith.addf %while3A_540, %get3A_556 : vector<16xf32>
          %add3A_602 = arith.addf %while3A_541, %get3A_560 : vector<16xf32>
          %add3A_603 = arith.addf %while3A_542, %get3A_564 : vector<16xf32>
          %add3A_604 = arith.addf %while3A_543, %get3A_568 : vector<16xf32>
          %add3A_605 = arith.addf %while3A_544, %get3A_572 : vector<16xf32>
          %add3A_606 = arith.addf %while3A_545, %get3A_576 : vector<16xf32>
          %add3A_607 = arith.addf %while3A_546, %get3A_580 : vector<16xf32>
          %add3A_608 = arith.addf %while3A_547, %get3A_584 : vector<16xf32>
          %add3A_609 = arith.constant 1 : i32
          %add3A_610 = arith.addi %add3A_550, %add3A_609 : i32
          %get3A_611 = arith.index_cast %add3A_610 : i32 to index
          %get3A_612 = arith.constant 0 : index
          %get3A_613 = tpu.vector_load %arg8[%get3A_611, %get3A_612] {strides = array<i32>} : memref<72x128xf32, #tpu.memory_space<vmem>>, vector<1x16xf32>,
          %get3A_614 = vector.shape_cast %get3A_613 : vector<1x16xf32> to vector<16xf32>
          %get3A_615 = arith.index_cast %add3A_610 : i32 to index
          %get3A_616 = arith.constant 16 : index
          %get3A_617 = tpu.vector_load %arg8[%get3A_615, %get3A_616] {strides = array<i32>} : memref<72x128xf32, #tpu.memory_space<vmem>>, vector<1x16xf32>,
          %get3A_618 = vector.shape_cast %get3A_617 : vector<1x16xf32> to vector<16xf32>
          %get3A_619 = arith.index_cast %add3A_610 : i32 to index
          %get3A_620 = arith.constant 32 : index
          %get3A_621 = tpu.vector_load %arg8[%get3A_619, %get3A_620] {strides = array<i32>} : memref<72x128xf32, #tpu.memory_space<vmem>>, vector<1x16xf32>,
          %get3A_622 = vector.shape_cast %get3A_621 : vector<1x16xf32> to vector<16xf32>
          %get3A_623 = arith.index_cast %add3A_610 : i32 to index
          %get3A_624 = arith.constant 48 : index
          %get3A_625 = tpu.vector_load %arg8[%get3A_623, %get3A_624] {strides = array<i32>} : memref<72x128xf32, #tpu.memory_space<vmem>>, vector<1x16xf32>,
          %get3A_626 = vector.shape_cast %get3A_625 : vector<1x16xf32> to vector<16xf32>
          %get3A_627 = arith.index_cast %add3A_610 : i32 to index
          %get3A_628 = arith.constant 64 : index
          %get3A_629 = tpu.vector_load %arg8[%get3A_627, %get3A_628] {strides = array<i32>} : memref<72x128xf32, #tpu.memory_space<vmem>>, vector<1x16xf32>,
          %get3A_630 = vector.shape_cast %get3A_629 : vector<1x16xf32> to vector<16xf32>
          %get3A_631 = arith.index_cast %add3A_610 : i32 to index
          %get3A_632 = arith.constant 80 : index
          %get3A_633 = tpu.vector_load %arg8[%get3A_631, %get3A_632] {strides = array<i32>} : memref<72x128xf32, #tpu.memory_space<vmem>>, vector<1x16xf32>,
          %get3A_634 = vector.shape_cast %get3A_633 : vector<1x16xf32> to vector<16xf32>
          %get3A_635 = arith.index_cast %add3A_610 : i32 to index
          %get3A_636 = arith.constant 96 : index
          %get3A_637 = tpu.vector_load %arg8[%get3A_635, %get3A_636] {strides = array<i32>} : memref<72x128xf32, #tpu.memory_space<vmem>>, vector<1x16xf32>,
          %get3A_638 = vector.shape_cast %get3A_637 : vector<1x16xf32> to vector<16xf32>
          %get3A_639 = arith.index_cast %add3A_610 : i32 to index
          %get3A_640 = arith.constant 112 : index
          %get3A_641 = tpu.vector_load %arg8[%get3A_639, %get3A_640] {strides = array<i32>} : memref<72x128xf32, #tpu.memory_space<vmem>>, vector<1x16xf32>,
          %get3A_642 = vector.shape_cast %get3A_641 : vector<1x16xf32> to vector<16xf32>
          %min3A_643 = arith.minimumf %min3A_585, %get3A_614 : vector<16xf32>
          %min3A_644 = arith.minimumf %min3A_586, %get3A_618 : vector<16xf32>
          %min3A_645 = arith.minimumf %min3A_587, %get3A_622 : vector<16xf32>
          %min3A_646 = arith.minimumf %min3A_588, %get3A_626 : vector<16xf32>
          %min3A_647 = arith.minimumf %min3A_589, %get3A_630 : vector<16xf32>
          %min3A_648 = arith.minimumf %min3A_590, %get3A_634 : vector<16xf32>
          %min3A_649 = arith.minimumf %min3A_591, %get3A_638 : vector<16xf32>
          %min3A_650 = arith.minimumf %min3A_592, %get3A_642 : vector<16xf32>
          %max3A_651 = arith.maximumf %max3A_593, %get3A_614 : vector<16xf32>
          %max3A_652 = arith.maximumf %max3A_594, %get3A_618 : vector<16xf32>
          %max3A_653 = arith.maximumf %max3A_595, %get3A_622 : vector<16xf32>
          %max3A_654 = arith.maximumf %max3A_596, %get3A_626 : vector<16xf32>
          %max3A_655 = arith.maximumf %max3A_597, %get3A_630 : vector<16xf32>
          %max3A_656 = arith.maximumf %max3A_598, %get3A_634 : vector<16xf32>
          %max3A_657 = arith.maximumf %max3A_599, %get3A_638 : vector<16xf32>
          %max3A_658 = arith.maximumf %max3A_600, %get3A_642 : vector<16xf32>
          %add3A_659 = arith.addf %add3A_601, %get3A_614 : vector<16xf32>
          %add3A_660 = arith.addf %add3A_602, %get3A_618 : vector<16xf32>
          %add3A_661 = arith.addf %add3A_603, %get3A_622 : vector<16xf32>
          %add3A_662 = arith.addf %add3A_604, %get3A_626 : vector<16xf32>
          %add3A_663 = arith.addf %add3A_605, %get3A_630 : vector<16xf32>
          %add3A_664 = arith.addf %add3A_606, %get3A_634 : vector<16xf32>
          %add3A_665 = arith.addf %add3A_607, %get3A_638 : vector<16xf32>
          %add3A_666 = arith.addf %add3A_608, %get3A_642 : vector<16xf32>
          %add3A_667 = arith.constant 2 : i32
          %add3A_668 = arith.addi %add3A_550, %add3A_667 : i32
          %get3A_669 = arith.index_cast %add3A_668 : i32 to index
          %get3A_670 = arith.constant 0 : index
          %get3A_671 = tpu.vector_load %arg8[%get3A_669, %get3A_670] {strides = array<i32>} : memref<72x128xf32, #tpu.memory_space<vmem>>, vector<1x16xf32>,
          %get3A_672 = vector.shape_cast %get3A_671 : vector<1x16xf32> to vector<16xf32>
          %get3A_673 = arith.index_cast %add3A_668 : i32 to index
          %get3A_674 = arith.constant 16 : index
          %get3A_675 = tpu.vector_load %arg8[%get3A_673, %get3A_674] {strides = array<i32>} : memref<72x128xf32, #tpu.memory_space<vmem>>, vector<1x16xf32>,
          %get3A_676 = vector.shape_cast %get3A_675 : vector<1x16xf32> to vector<16xf32>
          %get3A_677 = arith.index_cast %add3A_668 : i32 to index
          %get3A_678 = arith.constant 32 : index
          %get3A_679 = tpu.vector_load %arg8[%get3A_677, %get3A_678] {strides = array<i32>} : memref<72x128xf32, #tpu.memory_space<vmem>>, vector<1x16xf32>,
          %get3A_680 = vector.shape_cast %get3A_679 : vector<1x16xf32> to vector<16xf32>
          %get3A_681 = arith.index_cast %add3A_668 : i32 to index
          %get3A_682 = arith.constant 48 : index
          %get3A_683 = tpu.vector_load %arg8[%get3A_681, %get3A_682] {strides = array<i32>} : memref<72x128xf32, #tpu.memory_space<vmem>>, vector<1x16xf32>,
          %get3A_684 = vector.shape_cast %get3A_683 : vector<1x16xf32> to vector<16xf32>
          %get3A_685 = arith.index_cast %add3A_668 : i32 to index
          %get3A_686 = arith.constant 64 : index
          %get3A_687 = tpu.vector_load %arg8[%get3A_685, %get3A_686] {strides = array<i32>} : memref<72x128xf32, #tpu.memory_space<vmem>>, vector<1x16xf32>,
          %get3A_688 = vector.shape_cast %get3A_687 : vector<1x16xf32> to vector<16xf32>
          %get3A_689 = arith.index_cast %add3A_668 : i32 to index
          %get3A_690 = arith.constant 80 : index
          %get3A_691 = tpu.vector_load %arg8[%get3A_689, %get3A_690] {strides = array<i32>} : memref<72x128xf32, #tpu.memory_space<vmem>>, vector<1x16xf32>,
          %get3A_692 = vector.shape_cast %get3A_691 : vector<1x16xf32> to vector<16xf32>
          %get3A_693 = arith.index_cast %add3A_668 : i32 to index
          %get3A_694 = arith.constant 96 : index
          %get3A_695 = tpu.vector_load %arg8[%get3A_693, %get3A_694] {strides = array<i32>} : memref<72x128xf32, #tpu.memory_space<vmem>>, vector<1x16xf32>,
          %get3A_696 = vector.shape_cast %get3A_695 : vector<1x16xf32> to vector<16xf32>
          %get3A_697 = arith.index_cast %add3A_668 : i32 to index
          %get3A_698 = arith.constant 112 : index
          %get3A_699 = tpu.vector_load %arg8[%get3A_697, %get3A_698] {strides = array<i32>} : memref<72x128xf32, #tpu.memory_space<vmem>>, vector<1x16xf32>,
          %get3A_700 = vector.shape_cast %get3A_699 : vector<1x16xf32> to vector<16xf32>
          %min3A_701 = arith.minimumf %min3A_643, %get3A_672 : vector<16xf32>
          %min3A_702 = arith.minimumf %min3A_644, %get3A_676 : vector<16xf32>
          %min3A_703 = arith.minimumf %min3A_645, %get3A_680 : vector<16xf32>
          %min3A_704 = arith.minimumf %min3A_646, %get3A_684 : vector<16xf32>
          %min3A_705 = arith.minimumf %min3A_647, %get3A_688 : vector<16xf32>
          %min3A_706 = arith.minimumf %min3A_648, %get3A_692 : vector<16xf32>
          %min3A_707 = arith.minimumf %min3A_649, %get3A_696 : vector<16xf32>
          %min3A_708 = arith.minimumf %min3A_650, %get3A_700 : vector<16xf32>
          %max3A_709 = arith.maximumf %max3A_651, %get3A_672 : vector<16xf32>
          %max3A_710 = arith.maximumf %max3A_652, %get3A_676 : vector<16xf32>
          %max3A_711 = arith.maximumf %max3A_653, %get3A_680 : vector<16xf32>
          %max3A_712 = arith.maximumf %max3A_654, %get3A_684 : vector<16xf32>
          %max3A_713 = arith.maximumf %max3A_655, %get3A_688 : vector<16xf32>
          %max3A_714 = arith.maximumf %max3A_656, %get3A_692 : vector<16xf32>
          %max3A_715 = arith.maximumf %max3A_657, %get3A_696 : vector<16xf32>
          %max3A_716 = arith.maximumf %max3A_658, %get3A_700 : vector<16xf32>
          %add3A_717 = arith.addf %add3A_659, %get3A_672 : vector<16xf32>
          %add3A_718 = arith.addf %add3A_660, %get3A_676 : vector<16xf32>
          %add3A_719 = arith.addf %add3A_661, %get3A_680 : vector<16xf32>
          %add3A_720 = arith.addf %add3A_662, %get3A_684 : vector<16xf32>
          %add3A_721 = arith.addf %add3A_663, %get3A_688 : vector<16xf32>
          %add3A_722 = arith.addf %add3A_664, %get3A_692 : vector<16xf32>
          %add3A_723 = arith.addf %add3A_665, %get3A_696 : vector<16xf32>
          %add3A_724 = arith.addf %add3A_666, %get3A_700 : vector<16xf32>
          %add3A_725 = arith.constant 3 : i32
          %add3A_726 = arith.addi %add3A_550, %add3A_725 : i32
          %get3A_727 = arith.index_cast %add3A_726 : i32 to index
          %get3A_728 = arith.constant 0 : index
          %get3A_729 = tpu.vector_load %arg8[%get3A_727, %get3A_728] {strides = array<i32>} : memref<72x128xf32, #tpu.memory_space<vmem>>, vector<1x16xf32>,
          %get3A_730 = vector.shape_cast %get3A_729 : vector<1x16xf32> to vector<16xf32>
          %get3A_731 = arith.index_cast %add3A_726 : i32 to index
          %get3A_732 = arith.constant 16 : index
          %get3A_733 = tpu.vector_load %arg8[%get3A_731, %get3A_732] {strides = array<i32>} : memref<72x128xf32, #tpu.memory_space<vmem>>, vector<1x16xf32>,
          %get3A_734 = vector.shape_cast %get3A_733 : vector<1x16xf32> to vector<16xf32>
          %get3A_735 = arith.index_cast %add3A_726 : i32 to index
          %get3A_736 = arith.constant 32 : index
          %get3A_737 = tpu.vector_load %arg8[%get3A_735, %get3A_736] {strides = array<i32>} : memref<72x128xf32, #tpu.memory_space<vmem>>, vector<1x16xf32>,
          %get3A_738 = vector.shape_cast %get3A_737 : vector<1x16xf32> to vector<16xf32>
          %get3A_739 = arith.index_cast %add3A_726 : i32 to index
          %get3A_740 = arith.constant 48 : index
          %get3A_741 = tpu.vector_load %arg8[%get3A_739, %get3A_740] {strides = array<i32>} : memref<72x128xf32, #tpu.memory_space<vmem>>, vector<1x16xf32>,
          %get3A_742 = vector.shape_cast %get3A_741 : vector<1x16xf32> to vector<16xf32>
          %get3A_743 = arith.index_cast %add3A_726 : i32 to index
          %get3A_744 = arith.constant 64 : index
          %get3A_745 = tpu.vector_load %arg8[%get3A_743, %get3A_744] {strides = array<i32>} : memref<72x128xf32, #tpu.memory_space<vmem>>, vector<1x16xf32>,
          %get3A_746 = vector.shape_cast %get3A_745 : vector<1x16xf32> to vector<16xf32>
          %get3A_747 = arith.index_cast %add3A_726 : i32 to index
          %get3A_748 = arith.constant 80 : index
          %get3A_749 = tpu.vector_load %arg8[%get3A_747, %get3A_748] {strides = array<i32>} : memref<72x128xf32, #tpu.memory_space<vmem>>, vector<1x16xf32>,
          %get3A_750 = vector.shape_cast %get3A_749 : vector<1x16xf32> to vector<16xf32>
          %get3A_751 = arith.index_cast %add3A_726 : i32 to index
          %get3A_752 = arith.constant 96 : index
          %get3A_753 = tpu.vector_load %arg8[%get3A_751, %get3A_752] {strides = array<i32>} : memref<72x128xf32, #tpu.memory_space<vmem>>, vector<1x16xf32>,
          %get3A_754 = vector.shape_cast %get3A_753 : vector<1x16xf32> to vector<16xf32>
          %get3A_755 = arith.index_cast %add3A_726 : i32 to index
          %get3A_756 = arith.constant 112 : index
          %get3A_757 = tpu.vector_load %arg8[%get3A_755, %get3A_756] {strides = array<i32>} : memref<72x128xf32, #tpu.memory_space<vmem>>, vector<1x16xf32>,
          %get3A_758 = vector.shape_cast %get3A_757 : vector<1x16xf32> to vector<16xf32>
          %min3A_759 = arith.minimumf %min3A_701, %get3A_730 : vector<16xf32>
          %min3A_760 = arith.minimumf %min3A_702, %get3A_734 : vector<16xf32>
          %min3A_761 = arith.minimumf %min3A_703, %get3A_738 : vector<16xf32>
          %min3A_762 = arith.minimumf %min3A_704, %get3A_742 : vector<16xf32>
          %min3A_763 = arith.minimumf %min3A_705, %get3A_746 : vector<16xf32>
          %min3A_764 = arith.minimumf %min3A_706, %get3A_750 : vector<16xf32>
          %min3A_765 = arith.minimumf %min3A_707, %get3A_754 : vector<16xf32>
          %min3A_766 = arith.minimumf %min3A_708, %get3A_758 : vector<16xf32>
          %max3A_767 = arith.maximumf %max3A_709, %get3A_730 : vector<16xf32>
          %max3A_768 = arith.maximumf %max3A_710, %get3A_734 : vector<16xf32>
          %max3A_769 = arith.maximumf %max3A_711, %get3A_738 : vector<16xf32>
          %max3A_770 = arith.maximumf %max3A_712, %get3A_742 : vector<16xf32>
          %max3A_771 = arith.maximumf %max3A_713, %get3A_746 : vector<16xf32>
          %max3A_772 = arith.maximumf %max3A_714, %get3A_750 : vector<16xf32>
          %max3A_773 = arith.maximumf %max3A_715, %get3A_754 : vector<16xf32>
          %max3A_774 = arith.maximumf %max3A_716, %get3A_758 : vector<16xf32>
          %add3A_775 = arith.addf %add3A_717, %get3A_730 : vector<16xf32>
          %add3A_776 = arith.addf %add3A_718, %get3A_734 : vector<16xf32>
          %add3A_777 = arith.addf %add3A_719, %get3A_738 : vector<16xf32>
          %add3A_778 = arith.addf %add3A_720, %get3A_742 : vector<16xf32>
          %add3A_779 = arith.addf %add3A_721, %get3A_746 : vector<16xf32>
          %add3A_780 = arith.addf %add3A_722, %get3A_750 : vector<16xf32>
          %add3A_781 = arith.addf %add3A_723, %get3A_754 : vector<16xf32>
          %add3A_782 = arith.addf %add3A_724, %get3A_758 : vector<16xf32>
          scf.yield %min3A_759, %min3A_760, %min3A_761, %min3A_762, %min3A_763, %min3A_764, %min3A_765, %min3A_766, %max3A_767, %max3A_768, %max3A_769, %max3A_770, %max3A_771, %max3A_772, %max3A_773, %max3A_774, %add3A_775, %add3A_776, %add3A_777, %add3A_778, %add3A_779, %add3A_780, %add3A_781, %add3A_782 : vector<16xf32>, vector<16xf32>, vector<16xf32>, vector<16xf32>, vector<16xf32>, vector<16xf32>, vector<16xf32>, vector<16xf32>, vector<16xf32>, vector<16xf32>, vector<16xf32>, vector<16xf32>, vector<16xf32>, vector<16xf32>, vector<16xf32>, vector<16xf32>, vector<16xf32>, vector<16xf32>, vector<16xf32>, vector<16xf32>, vector<16xf32>, vector<16xf32>, vector<16xf32>, vector<16xf32>
        }
        %mul3A_511 = arith.constant 4 : i32
        %mul3A_512 = arith.muli %select_n3A_499, %mul3A_511 : i32
        %while3A_513 = arith.subi %min3A_474, %mul3A_512 : i32
        %while3A_514 = arith.addi %mul3A_512, %while3A_513 : i32
        %while3A_515 = arith.constant 1 : i32
        %while3A_516 = arith.divsi %while3A_513, %while3A_515 : i32
        %while3A_517 = arith.muli %while3A_516, %while3A_515 : i32
        %while3A_518 = arith.addi %mul3A_512, %while3A_517 : i32
        %while3A_519 = arith.constant 1 : i32
        %while3A_520:24 = scf.for %while3A_523 = %mul3A_512 to %while3A_518 step %while3A_519 iter_args(%while3A_524 = %while3A_510#0, %while3A_525 = %while3A_510#1, %while3A_526 = %while3A_510#2, %while3A_527 = %while3A_510#3, %while3A_528 = %while3A_510#4, %while3A_529 = %while3A_510#5, %while3A_530 = %while3A_510#6, %while3A_531 = %while3A_510#7, %while3A_532 = %while3A_510#8, %while3A_533 = %while3A_510#9, %while3A_534 = %while3A_510#10, %while3A_535 = %while3A_510#11, %while3A_536 = %while3A_510#12, %while3A_537 = %while3A_510#13, %while3A_538 = %while3A_510#14, %while3A_539 = %while3A_510#15, %while3A_540 = %while3A_510#16, %while3A_541 = %while3A_510#17, %while3A_542 = %while3A_510#18, %while3A_543 = %while3A_510#19, %while3A_544 = %while3A_510#20, %while3A_545 = %while3A_510#21, %while3A_546 = %while3A_510#22, %while3A_547 = %while3A_510#23) -> (vector<16xf32>, vector<16xf32>, vector<16xf32>, vector<16xf32>, vector<16xf32>, vector<16xf32>, vector<16xf32>, vector<16xf32>, vector<16xf32>, vector<16xf32>, vector<16xf32>, vector<16xf32>, vector<16xf32>, vector<16xf32>, vector<16xf32>, vector<16xf32>, vector<16xf32>, vector<16xf32>, vector<16xf32>, vector<16xf32>, vector<16xf32>, vector<16xf32>, vector<16xf32>, vector<16xf32>)  : i32 {
          %add3A_548 = arith.addi %sub3A_475, %while3A_523 : i32
          %get3A_549 = arith.index_cast %add3A_548 : i32 to index
          %get3A_550 = arith.constant 0 : index
          %get3A_551 = tpu.vector_load %arg8[%get3A_549, %get3A_550] {strides = array<i32>} : memref<72x128xf32, #tpu.memory_space<vmem>>, vector<1x16xf32>,
          %get3A_552 = vector.shape_cast %get3A_551 : vector<1x16xf32> to vector<16xf32>
          %get3A_553 = arith.index_cast %add3A_548 : i32 to index
          %get3A_554 = arith.constant 16 : index
          %get3A_555 = tpu.vector_load %arg8[%get3A_553, %get3A_554] {strides = array<i32>} : memref<72x128xf32, #tpu.memory_space<vmem>>, vector<1x16xf32>,
          %get3A_556 = vector.shape_cast %get3A_555 : vector<1x16xf32> to vector<16xf32>
          %get3A_557 = arith.index_cast %add3A_548 : i32 to index
          %get3A_558 = arith.constant 32 : index
          %get3A_559 = tpu.vector_load %arg8[%get3A_557, %get3A_558] {strides = array<i32>} : memref<72x128xf32, #tpu.memory_space<vmem>>, vector<1x16xf32>,
          %get3A_560 = vector.shape_cast %get3A_559 : vector<1x16xf32> to vector<16xf32>
          %get3A_561 = arith.index_cast %add3A_548 : i32 to index
          %get3A_562 = arith.constant 48 : index
          %get3A_563 = tpu.vector_load %arg8[%get3A_561, %get3A_562] {strides = array<i32>} : memref<72x128xf32, #tpu.memory_space<vmem>>, vector<1x16xf32>,
          %get3A_564 = vector.shape_cast %get3A_563 : vector<1x16xf32> to vector<16xf32>
          %get3A_565 = arith.index_cast %add3A_548 : i32 to index
          %get3A_566 = arith.constant 64 : index
          %get3A_567 = tpu.vector_load %arg8[%get3A_565, %get3A_566] {strides = array<i32>} : memref<72x128xf32, #tpu.memory_space<vmem>>, vector<1x16xf32>,
          %get3A_568 = vector.shape_cast %get3A_567 : vector<1x16xf32> to vector<16xf32>
          %get3A_569 = arith.index_cast %add3A_548 : i32 to index
          %get3A_570 = arith.constant 80 : index
          %get3A_571 = tpu.vector_load %arg8[%get3A_569, %get3A_570] {strides = array<i32>} : memref<72x128xf32, #tpu.memory_space<vmem>>, vector<1x16xf32>,
          %get3A_572 = vector.shape_cast %get3A_571 : vector<1x16xf32> to vector<16xf32>
          %get3A_573 = arith.index_cast %add3A_548 : i32 to index
          %get3A_574 = arith.constant 96 : index
          %get3A_575 = tpu.vector_load %arg8[%get3A_573, %get3A_574] {strides = array<i32>} : memref<72x128xf32, #tpu.memory_space<vmem>>, vector<1x16xf32>,
          %get3A_576 = vector.shape_cast %get3A_575 : vector<1x16xf32> to vector<16xf32>
          %get3A_577 = arith.index_cast %add3A_548 : i32 to index
          %get3A_578 = arith.constant 112 : index
          %get3A_579 = tpu.vector_load %arg8[%get3A_577, %get3A_578] {strides = array<i32>} : memref<72x128xf32, #tpu.memory_space<vmem>>, vector<1x16xf32>,
          %get3A_580 = vector.shape_cast %get3A_579 : vector<1x16xf32> to vector<16xf32>
          %min3A_581 = arith.minimumf %while3A_524, %get3A_552 : vector<16xf32>
          %min3A_582 = arith.minimumf %while3A_525, %get3A_556 : vector<16xf32>
          %min3A_583 = arith.minimumf %while3A_526, %get3A_560 : vector<16xf32>
          %min3A_584 = arith.minimumf %while3A_527, %get3A_564 : vector<16xf32>
          %min3A_585 = arith.minimumf %while3A_528, %get3A_568 : vector<16xf32>
          %min3A_586 = arith.minimumf %while3A_529, %get3A_572 : vector<16xf32>
          %min3A_587 = arith.minimumf %while3A_530, %get3A_576 : vector<16xf32>
          %min3A_588 = arith.minimumf %while3A_531, %get3A_580 : vector<16xf32>
          %max3A_589 = arith.maximumf %while3A_532, %get3A_552 : vector<16xf32>
          %max3A_590 = arith.maximumf %while3A_533, %get3A_556 : vector<16xf32>
          %max3A_591 = arith.maximumf %while3A_534, %get3A_560 : vector<16xf32>
          %max3A_592 = arith.maximumf %while3A_535, %get3A_564 : vector<16xf32>
          %max3A_593 = arith.maximumf %while3A_536, %get3A_568 : vector<16xf32>
          %max3A_594 = arith.maximumf %while3A_537, %get3A_572 : vector<16xf32>
          %max3A_595 = arith.maximumf %while3A_538, %get3A_576 : vector<16xf32>
          %max3A_596 = arith.maximumf %while3A_539, %get3A_580 : vector<16xf32>
          %add3A_597 = arith.addf %while3A_540, %get3A_552 : vector<16xf32>
          %add3A_598 = arith.addf %while3A_541, %get3A_556 : vector<16xf32>
          %add3A_599 = arith.addf %while3A_542, %get3A_560 : vector<16xf32>
          %add3A_600 = arith.addf %while3A_543, %get3A_564 : vector<16xf32>
          %add3A_601 = arith.addf %while3A_544, %get3A_568 : vector<16xf32>
          %add3A_602 = arith.addf %while3A_545, %get3A_572 : vector<16xf32>
          %add3A_603 = arith.addf %while3A_546, %get3A_576 : vector<16xf32>
          %add3A_604 = arith.addf %while3A_547, %get3A_580 : vector<16xf32>
          scf.yield %min3A_581, %min3A_582, %min3A_583, %min3A_584, %min3A_585, %min3A_586, %min3A_587, %min3A_588, %max3A_589, %max3A_590, %max3A_591, %max3A_592, %max3A_593, %max3A_594, %max3A_595, %max3A_596, %add3A_597, %add3A_598, %add3A_599, %add3A_600, %add3A_601, %add3A_602, %add3A_603, %add3A_604 : vector<16xf32>, vector<16xf32>, vector<16xf32>, vector<16xf32>, vector<16xf32>, vector<16xf32>, vector<16xf32>, vector<16xf32>, vector<16xf32>, vector<16xf32>, vector<16xf32>, vector<16xf32>, vector<16xf32>, vector<16xf32>, vector<16xf32>, vector<16xf32>, vector<16xf32>, vector<16xf32>, vector<16xf32>, vector<16xf32>, vector<16xf32>, vector<16xf32>, vector<16xf32>, vector<16xf32>
        }
        %while3A_521 = arith.constant 1 : i32
        %while3A_522:24 = scf.for %while3A_523 = %while3A_518 to %while3A_514 step %while3A_521 iter_args(%while3A_524 = %while3A_520#0, %while3A_525 = %while3A_520#1, %while3A_526 = %while3A_520#2, %while3A_527 = %while3A_520#3, %while3A_528 = %while3A_520#4, %while3A_529 = %while3A_520#5, %while3A_530 = %while3A_520#6, %while3A_531 = %while3A_520#7, %while3A_532 = %while3A_520#8, %while3A_533 = %while3A_520#9, %while3A_534 = %while3A_520#10, %while3A_535 = %while3A_520#11, %while3A_536 = %while3A_520#12, %while3A_537 = %while3A_520#13, %while3A_538 = %while3A_520#14, %while3A_539 = %while3A_520#15, %while3A_540 = %while3A_520#16, %while3A_541 = %while3A_520#17, %while3A_542 = %while3A_520#18, %while3A_543 = %while3A_520#19, %while3A_544 = %while3A_520#20, %while3A_545 = %while3A_520#21, %while3A_546 = %while3A_520#22, %while3A_547 = %while3A_520#23) -> (vector<16xf32>, vector<16xf32>, vector<16xf32>, vector<16xf32>, vector<16xf32>, vector<16xf32>, vector<16xf32>, vector<16xf32>, vector<16xf32>, vector<16xf32>, vector<16xf32>, vector<16xf32>, vector<16xf32>, vector<16xf32>, vector<16xf32>, vector<16xf32>, vector<16xf32>, vector<16xf32>, vector<16xf32>, vector<16xf32>, vector<16xf32>, vector<16xf32>, vector<16xf32>, vector<16xf32>)  : i32 {
          %add3A_548 = arith.addi %sub3A_475, %while3A_523 : i32
          %get3A_549 = arith.index_cast %add3A_548 : i32 to index
          %get3A_550 = arith.constant 0 : index
          %get3A_551 = tpu.vector_load %arg8[%get3A_549, %get3A_550] {strides = array<i32>} : memref<72x128xf32, #tpu.memory_space<vmem>>, vector<1x16xf32>,
          %get3A_552 = vector.shape_cast %get3A_551 : vector<1x16xf32> to vector<16xf32>
          %get3A_553 = arith.index_cast %add3A_548 : i32 to index
          %get3A_554 = arith.constant 16 : index
          %get3A_555 = tpu.vector_load %arg8[%get3A_553, %get3A_554] {strides = array<i32>} : memref<72x128xf32, #tpu.memory_space<vmem>>, vector<1x16xf32>,
          %get3A_556 = vector.shape_cast %get3A_555 : vector<1x16xf32> to vector<16xf32>
          %get3A_557 = arith.index_cast %add3A_548 : i32 to index
          %get3A_558 = arith.constant 32 : index
          %get3A_559 = tpu.vector_load %arg8[%get3A_557, %get3A_558] {strides = array<i32>} : memref<72x128xf32, #tpu.memory_space<vmem>>, vector<1x16xf32>,
          %get3A_560 = vector.shape_cast %get3A_559 : vector<1x16xf32> to vector<16xf32>
          %get3A_561 = arith.index_cast %add3A_548 : i32 to index
          %get3A_562 = arith.constant 48 : index
          %get3A_563 = tpu.vector_load %arg8[%get3A_561, %get3A_562] {strides = array<i32>} : memref<72x128xf32, #tpu.memory_space<vmem>>, vector<1x16xf32>,
          %get3A_564 = vector.shape_cast %get3A_563 : vector<1x16xf32> to vector<16xf32>
          %get3A_565 = arith.index_cast %add3A_548 : i32 to index
          %get3A_566 = arith.constant 64 : index
          %get3A_567 = tpu.vector_load %arg8[%get3A_565, %get3A_566] {strides = array<i32>} : memref<72x128xf32, #tpu.memory_space<vmem>>, vector<1x16xf32>,
          %get3A_568 = vector.shape_cast %get3A_567 : vector<1x16xf32> to vector<16xf32>
          %get3A_569 = arith.index_cast %add3A_548 : i32 to index
          %get3A_570 = arith.constant 80 : index
          %get3A_571 = tpu.vector_load %arg8[%get3A_569, %get3A_570] {strides = array<i32>} : memref<72x128xf32, #tpu.memory_space<vmem>>, vector<1x16xf32>,
          %get3A_572 = vector.shape_cast %get3A_571 : vector<1x16xf32> to vector<16xf32>
          %get3A_573 = arith.index_cast %add3A_548 : i32 to index
          %get3A_574 = arith.constant 96 : index
          %get3A_575 = tpu.vector_load %arg8[%get3A_573, %get3A_574] {strides = array<i32>} : memref<72x128xf32, #tpu.memory_space<vmem>>, vector<1x16xf32>,
          %get3A_576 = vector.shape_cast %get3A_575 : vector<1x16xf32> to vector<16xf32>
          %get3A_577 = arith.index_cast %add3A_548 : i32 to index
          %get3A_578 = arith.constant 112 : index
          %get3A_579 = tpu.vector_load %arg8[%get3A_577, %get3A_578] {strides = array<i32>} : memref<72x128xf32, #tpu.memory_space<vmem>>, vector<1x16xf32>,
          %get3A_580 = vector.shape_cast %get3A_579 : vector<1x16xf32> to vector<16xf32>
          %min3A_581 = arith.minimumf %while3A_524, %get3A_552 : vector<16xf32>
          %min3A_582 = arith.minimumf %while3A_525, %get3A_556 : vector<16xf32>
          %min3A_583 = arith.minimumf %while3A_526, %get3A_560 : vector<16xf32>
          %min3A_584 = arith.minimumf %while3A_527, %get3A_564 : vector<16xf32>
          %min3A_585 = arith.minimumf %while3A_528, %get3A_568 : vector<16xf32>
          %min3A_586 = arith.minimumf %while3A_529, %get3A_572 : vector<16xf32>
          %min3A_587 = arith.minimumf %while3A_530, %get3A_576 : vector<16xf32>
          %min3A_588 = arith.minimumf %while3A_531, %get3A_580 : vector<16xf32>
          %max3A_589 = arith.maximumf %while3A_532, %get3A_552 : vector<16xf32>
          %max3A_590 = arith.maximumf %while3A_533, %get3A_556 : vector<16xf32>
          %max3A_591 = arith.maximumf %while3A_534, %get3A_560 : vector<16xf32>
          %max3A_592 = arith.maximumf %while3A_535, %get3A_564 : vector<16xf32>
          %max3A_593 = arith.maximumf %while3A_536, %get3A_568 : vector<16xf32>
          %max3A_594 = arith.maximumf %while3A_537, %get3A_572 : vector<16xf32>
          %max3A_595 = arith.maximumf %while3A_538, %get3A_576 : vector<16xf32>
          %max3A_596 = arith.maximumf %while3A_539, %get3A_580 : vector<16xf32>
          %add3A_597 = arith.addf %while3A_540, %get3A_552 : vector<16xf32>
          %add3A_598 = arith.addf %while3A_541, %get3A_556 : vector<16xf32>
          %add3A_599 = arith.addf %while3A_542, %get3A_560 : vector<16xf32>
          %add3A_600 = arith.addf %while3A_543, %get3A_564 : vector<16xf32>
          %add3A_601 = arith.addf %while3A_544, %get3A_568 : vector<16xf32>
          %add3A_602 = arith.addf %while3A_545, %get3A_572 : vector<16xf32>
          %add3A_603 = arith.addf %while3A_546, %get3A_576 : vector<16xf32>
          %add3A_604 = arith.addf %while3A_547, %get3A_580 : vector<16xf32>
          scf.yield %min3A_581, %min3A_582, %min3A_583, %min3A_584, %min3A_585, %min3A_586, %min3A_587, %min3A_588, %max3A_589, %max3A_590, %max3A_591, %max3A_592, %max3A_593, %max3A_594, %max3A_595, %max3A_596, %add3A_597, %add3A_598, %add3A_599, %add3A_600, %add3A_601, %add3A_602, %add3A_603, %add3A_604 : vector<16xf32>, vector<16xf32>, vector<16xf32>, vector<16xf32>, vector<16xf32>, vector<16xf32>, vector<16xf32>, vector<16xf32>, vector<16xf32>, vector<16xf32>, vector<16xf32>, vector<16xf32>, vector<16xf32>, vector<16xf32>, vector<16xf32>, vector<16xf32>, vector<16xf32>, vector<16xf32>, vector<16xf32>, vector<16xf32>, vector<16xf32>, vector<16xf32>, vector<16xf32>, vector<16xf32>
        }
        scf.yield %while3A_522#0, %while3A_522#1, %while3A_522#2, %while3A_522#3, %while3A_522#4, %while3A_522#5, %while3A_522#6, %while3A_522#7, %while3A_522#8, %while3A_522#9, %while3A_522#10, %while3A_522#11, %while3A_522#12, %while3A_522#13, %while3A_522#14, %while3A_522#15, %while3A_522#16, %while3A_522#17, %while3A_522#18, %while3A_522#19, %while3A_522#20, %while3A_522#21, %while3A_522#22, %while3A_522#23 : vector<16xf32>, vector<16xf32>, vector<16xf32>, vector<16xf32>, vector<16xf32>, vector<16xf32>, vector<16xf32>, vector<16xf32>, vector<16xf32>, vector<16xf32>, vector<16xf32>, vector<16xf32>, vector<16xf32>, vector<16xf32>, vector<16xf32>, vector<16xf32>, vector<16xf32>, vector<16xf32>, vector<16xf32>, vector<16xf32>, vector<16xf32>, vector<16xf32>, vector<16xf32>, vector<16xf32>
      }
      %while3A_172 = arith.constant 1 : i32
      %while3A_173:24 = scf.for %while3A_416 = %while3A_169 to %while3A_165 step %while3A_172 iter_args(%while3A_417 = %while3A_171#0, %while3A_418 = %while3A_171#1, %while3A_419 = %while3A_171#2, %while3A_420 = %while3A_171#3, %while3A_421 = %while3A_171#4, %while3A_422 = %while3A_171#5, %while3A_423 = %while3A_171#6, %while3A_424 = %while3A_171#7, %while3A_425 = %while3A_171#8, %while3A_426 = %while3A_171#9, %while3A_427 = %while3A_171#10, %while3A_428 = %while3A_171#11, %while3A_429 = %while3A_171#12, %while3A_430 = %while3A_171#13, %while3A_431 = %while3A_171#14, %while3A_432 = %while3A_171#15, %while3A_433 = %while3A_171#16, %while3A_434 = %while3A_171#17, %while3A_435 = %while3A_171#18, %while3A_436 = %while3A_171#19, %while3A_437 = %while3A_171#20, %while3A_438 = %while3A_171#21, %while3A_439 = %while3A_171#22, %while3A_440 = %while3A_171#23) -> (vector<16xf32>, vector<16xf32>, vector<16xf32>, vector<16xf32>, vector<16xf32>, vector<16xf32>, vector<16xf32>, vector<16xf32>, vector<16xf32>, vector<16xf32>, vector<16xf32>, vector<16xf32>, vector<16xf32>, vector<16xf32>, vector<16xf32>, vector<16xf32>, vector<16xf32>, vector<16xf32>, vector<16xf32>, vector<16xf32>, vector<16xf32>, vector<16xf32>, vector<16xf32>, vector<16xf32>)  : i32 {
        %mul3A_441 = arith.constant 64 : i32
        %mul3A_442 = arith.muli %while3A_416, %mul3A_441 : i32
        %add3A_443 = arith.addi %squeeze3A_95, %mul3A_442 : i32
        %jit3A_444 = arith.constant 8 : i32
        %div3A_445 = arith.divsi %add3A_443, %jit3A_444 : i32
        %sign3A_446 = arith.constant 0 : i32
        %sign3A_447 = arith.cmpi sgt, %add3A_443, %sign3A_446 : i32
        %sign3A_448 = arith.extui %sign3A_447 : i1 to i32
        %sign3A_449 = arith.constant 0 : i32
        %sign3A_450 = arith.cmpi slt, %add3A_443, %sign3A_449 : i32
        %sign3A_451 = arith.extui %sign3A_450 : i1 to i32
        %sign3A_452 = arith.subi %sign3A_448, %sign3A_451 : i32
        %sign3A_453 = arith.constant 0 : i32
        %sign3A_454 = arith.cmpi sgt, %jit3A_444, %sign3A_453 : i32
        %sign3A_455 = arith.extui %sign3A_454 : i1 to i32
        %sign3A_456 = arith.constant 0 : i32
        %sign3A_457 = arith.cmpi slt, %jit3A_444, %sign3A_456 : i32
        %sign3A_458 = arith.extui %sign3A_457 : i1 to i32
        %sign3A_459 = arith.subi %sign3A_455, %sign3A_458 : i32
        %ne3A_460 = arith.cmpi ne, %sign3A_452, %sign3A_459 : i32
        %rem3A_461 = arith.remsi %add3A_443, %jit3A_444 : i32
        %ne3A_462 = arith.constant 0 : i32
        %ne3A_463 = arith.cmpi ne, %rem3A_461, %ne3A_462 : i32
        %and3A_464 = arith.andi %ne3A_460, %ne3A_463 : i1
        %sub3A_465 = arith.constant 1 : i32
        %sub3A_466 = arith.subi %div3A_445, %sub3A_465 : i32
        %select_n3A_467 = arith.select %and3A_464, %sub3A_466, %div3A_445 : i32
        %mul3A_468 = arith.constant 8 : i32
        %mul3A_469 = arith.muli %select_n3A_467, %mul3A_468 : i32
        %min3A_470 = arith.constant 319928 : i32
        %min3A_471 = arith.minsi %mul3A_469, %min3A_470 : i32
        "tpu.region"() ({
          %run_scoped3A = tpu.sem_alloc : memref<!tpu.dma_semaphore, #tpu.memory_space<semaphore_mem>>
          %dma_start3A = arith.constant 0 : i32
          %dma_start3A_523 = tpu.memref_slice %arg2[%min3A_471, %dma_start3A] : memref<320000x128xf32, #tpu.memory_space<hbm>> -> memref<72x128xf32, #tpu.memory_space<hbm>>
          %dma_start3A_524 = arith.constant 0 : i32
          %dma_start3A_525 = tpu.memref_slice %arg2[%min3A_471, %dma_start3A_524] : memref<320000x128xf32, #tpu.memory_space<hbm>> -> memref<72x128xf32, #tpu.memory_space<hbm>>
          tpu.enqueue_dma source(%dma_start3A_525 : memref<72x128xf32, #tpu.memory_space<hbm>>) target(%arg8 : memref<72x128xf32, #tpu.memory_space<vmem>>) target_semaphore(%run_scoped3A : memref<!tpu.dma_semaphore, #tpu.memory_space<semaphore_mem>>)
          %dma_wait3A = arith.constant 0 : i32
          %dma_wait3A_526 = tpu.memref_slice %arg2[%min3A_471, %dma_wait3A] : memref<320000x128xf32, #tpu.memory_space<hbm>> -> memref<72x128xf32, #tpu.memory_space<hbm>>
          %dma_wait3A_527 = arith.constant 0 : i32
          %dma_wait3A_528 = tpu.memref_slice %arg2[%min3A_471, %dma_wait3A_527] : memref<320000x128xf32, #tpu.memory_space<hbm>> -> memref<72x128xf32, #tpu.memory_space<hbm>>
          tpu.wait_dma2 semaphore(%run_scoped3A : memref<!tpu.dma_semaphore, #tpu.memory_space<semaphore_mem>>) src(%dma_wait3A_528 : memref<72x128xf32, #tpu.memory_space<hbm>>) dst(%arg8 : memref<72x128xf32, #tpu.memory_space<vmem>>)
          tpu.yield
        }) : () -> ()
        %sub3A_472 = arith.subi %squeeze3A_97, %add3A_443 : i32
        %min3A_473 = arith.constant 64 : i32
        %min3A_474 = arith.minsi %sub3A_472, %min3A_473 : i32
        %sub3A_475 = arith.subi %add3A_443, %min3A_471 : i32
        %jit3A_476 = arith.constant 4 : i32
        %div3A_477 = arith.divsi %min3A_474, %jit3A_476 : i32
        %sign3A_478 = arith.constant 0 : i32
        %sign3A_479 = arith.cmpi sgt, %min3A_474, %sign3A_478 : i32
        %sign3A_480 = arith.extui %sign3A_479 : i1 to i32
        %sign3A_481 = arith.constant 0 : i32
        %sign3A_482 = arith.cmpi slt, %min3A_474, %sign3A_481 : i32
        %sign3A_483 = arith.extui %sign3A_482 : i1 to i32
        %sign3A_484 = arith.subi %sign3A_480, %sign3A_483 : i32
        %sign3A_485 = arith.constant 0 : i32
        %sign3A_486 = arith.cmpi sgt, %jit3A_476, %sign3A_485 : i32
        %sign3A_487 = arith.extui %sign3A_486 : i1 to i32
        %sign3A_488 = arith.constant 0 : i32
        %sign3A_489 = arith.cmpi slt, %jit3A_476, %sign3A_488 : i32
        %sign3A_490 = arith.extui %sign3A_489 : i1 to i32
        %sign3A_491 = arith.subi %sign3A_487, %sign3A_490 : i32
        %ne3A_492 = arith.cmpi ne, %sign3A_484, %sign3A_491 : i32
        %rem3A_493 = arith.remsi %min3A_474, %jit3A_476 : i32
        %ne3A_494 = arith.constant 0 : i32
        %ne3A_495 = arith.cmpi ne, %rem3A_493, %ne3A_494 : i32
        %and3A_496 = arith.andi %ne3A_492, %ne3A_495 : i1
        %sub3A_497 = arith.constant 1 : i32
        %sub3A_498 = arith.subi %div3A_477, %sub3A_497 : i32
        %select_n3A_499 = arith.select %and3A_496, %sub3A_498, %div3A_477 : i32
        %while3A_500 = arith.constant 0 : i32
        %while3A_501 = arith.subi %select_n3A_499, %while3A_500 : i32
        %while3A_502 = arith.addi %while3A_500, %while3A_501 : i32
        %while3A_503 = arith.constant 1 : i32
        %while3A_504 = arith.divsi %while3A_501, %while3A_503 : i32
        %while3A_505 = arith.muli %while3A_504, %while3A_503 : i32
        %while3A_506 = arith.addi %while3A_500, %while3A_505 : i32
        %while3A_507 = arith.constant 1 : i32
        %while3A_508:24 = scf.for %while3A_523 = %while3A_500 to %while3A_506 step %while3A_507 iter_args(%while3A_524 = %while3A_417, %while3A_525 = %while3A_418, %while3A_526 = %while3A_419, %while3A_527 = %while3A_420, %while3A_528 = %while3A_421, %while3A_529 = %while3A_422, %while3A_530 = %while3A_423, %while3A_531 = %while3A_424, %while3A_532 = %while3A_425, %while3A_533 = %while3A_426, %while3A_534 = %while3A_427, %while3A_535 = %while3A_428, %while3A_536 = %while3A_429, %while3A_537 = %while3A_430, %while3A_538 = %while3A_431, %while3A_539 = %while3A_432, %while3A_540 = %while3A_433, %while3A_541 = %while3A_434, %while3A_542 = %while3A_435, %while3A_543 = %while3A_436, %while3A_544 = %while3A_437, %while3A_545 = %while3A_438, %while3A_546 = %while3A_439, %while3A_547 = %while3A_440) -> (vector<16xf32>, vector<16xf32>, vector<16xf32>, vector<16xf32>, vector<16xf32>, vector<16xf32>, vector<16xf32>, vector<16xf32>, vector<16xf32>, vector<16xf32>, vector<16xf32>, vector<16xf32>, vector<16xf32>, vector<16xf32>, vector<16xf32>, vector<16xf32>, vector<16xf32>, vector<16xf32>, vector<16xf32>, vector<16xf32>, vector<16xf32>, vector<16xf32>, vector<16xf32>, vector<16xf32>)  : i32 {
          %mul3A_548 = arith.constant 4 : i32
          %mul3A_549 = arith.muli %while3A_523, %mul3A_548 : i32
          %add3A_550 = arith.addi %sub3A_475, %mul3A_549 : i32
          %add3A_551 = arith.constant 0 : i32
          %add3A_552 = arith.addi %add3A_550, %add3A_551 : i32
          %get3A_553 = arith.index_cast %add3A_552 : i32 to index
          %get3A_554 = arith.constant 0 : index
          %get3A_555 = tpu.vector_load %arg8[%get3A_553, %get3A_554] {strides = array<i32>} : memref<72x128xf32, #tpu.memory_space<vmem>>, vector<1x16xf32>,
          %get3A_556 = vector.shape_cast %get3A_555 : vector<1x16xf32> to vector<16xf32>
          %get3A_557 = arith.index_cast %add3A_552 : i32 to index
          %get3A_558 = arith.constant 16 : index
          %get3A_559 = tpu.vector_load %arg8[%get3A_557, %get3A_558] {strides = array<i32>} : memref<72x128xf32, #tpu.memory_space<vmem>>, vector<1x16xf32>,
          %get3A_560 = vector.shape_cast %get3A_559 : vector<1x16xf32> to vector<16xf32>
          %get3A_561 = arith.index_cast %add3A_552 : i32 to index
          %get3A_562 = arith.constant 32 : index
          %get3A_563 = tpu.vector_load %arg8[%get3A_561, %get3A_562] {strides = array<i32>} : memref<72x128xf32, #tpu.memory_space<vmem>>, vector<1x16xf32>,
          %get3A_564 = vector.shape_cast %get3A_563 : vector<1x16xf32> to vector<16xf32>
          %get3A_565 = arith.index_cast %add3A_552 : i32 to index
          %get3A_566 = arith.constant 48 : index
          %get3A_567 = tpu.vector_load %arg8[%get3A_565, %get3A_566] {strides = array<i32>} : memref<72x128xf32, #tpu.memory_space<vmem>>, vector<1x16xf32>,
          %get3A_568 = vector.shape_cast %get3A_567 : vector<1x16xf32> to vector<16xf32>
          %get3A_569 = arith.index_cast %add3A_552 : i32 to index
          %get3A_570 = arith.constant 64 : index
          %get3A_571 = tpu.vector_load %arg8[%get3A_569, %get3A_570] {strides = array<i32>} : memref<72x128xf32, #tpu.memory_space<vmem>>, vector<1x16xf32>,
          %get3A_572 = vector.shape_cast %get3A_571 : vector<1x16xf32> to vector<16xf32>
          %get3A_573 = arith.index_cast %add3A_552 : i32 to index
          %get3A_574 = arith.constant 80 : index
          %get3A_575 = tpu.vector_load %arg8[%get3A_573, %get3A_574] {strides = array<i32>} : memref<72x128xf32, #tpu.memory_space<vmem>>, vector<1x16xf32>,
          %get3A_576 = vector.shape_cast %get3A_575 : vector<1x16xf32> to vector<16xf32>
          %get3A_577 = arith.index_cast %add3A_552 : i32 to index
          %get3A_578 = arith.constant 96 : index
          %get3A_579 = tpu.vector_load %arg8[%get3A_577, %get3A_578] {strides = array<i32>} : memref<72x128xf32, #tpu.memory_space<vmem>>, vector<1x16xf32>,
          %get3A_580 = vector.shape_cast %get3A_579 : vector<1x16xf32> to vector<16xf32>
          %get3A_581 = arith.index_cast %add3A_552 : i32 to index
          %get3A_582 = arith.constant 112 : index
          %get3A_583 = tpu.vector_load %arg8[%get3A_581, %get3A_582] {strides = array<i32>} : memref<72x128xf32, #tpu.memory_space<vmem>>, vector<1x16xf32>,
          %get3A_584 = vector.shape_cast %get3A_583 : vector<1x16xf32> to vector<16xf32>
          %min3A_585 = arith.minimumf %while3A_524, %get3A_556 : vector<16xf32>
          %min3A_586 = arith.minimumf %while3A_525, %get3A_560 : vector<16xf32>
          %min3A_587 = arith.minimumf %while3A_526, %get3A_564 : vector<16xf32>
          %min3A_588 = arith.minimumf %while3A_527, %get3A_568 : vector<16xf32>
          %min3A_589 = arith.minimumf %while3A_528, %get3A_572 : vector<16xf32>
          %min3A_590 = arith.minimumf %while3A_529, %get3A_576 : vector<16xf32>
          %min3A_591 = arith.minimumf %while3A_530, %get3A_580 : vector<16xf32>
          %min3A_592 = arith.minimumf %while3A_531, %get3A_584 : vector<16xf32>
          %max3A_593 = arith.maximumf %while3A_532, %get3A_556 : vector<16xf32>
          %max3A_594 = arith.maximumf %while3A_533, %get3A_560 : vector<16xf32>
          %max3A_595 = arith.maximumf %while3A_534, %get3A_564 : vector<16xf32>
          %max3A_596 = arith.maximumf %while3A_535, %get3A_568 : vector<16xf32>
          %max3A_597 = arith.maximumf %while3A_536, %get3A_572 : vector<16xf32>
          %max3A_598 = arith.maximumf %while3A_537, %get3A_576 : vector<16xf32>
          %max3A_599 = arith.maximumf %while3A_538, %get3A_580 : vector<16xf32>
          %max3A_600 = arith.maximumf %while3A_539, %get3A_584 : vector<16xf32>
          %add3A_601 = arith.addf %while3A_540, %get3A_556 : vector<16xf32>
          %add3A_602 = arith.addf %while3A_541, %get3A_560 : vector<16xf32>
          %add3A_603 = arith.addf %while3A_542, %get3A_564 : vector<16xf32>
          %add3A_604 = arith.addf %while3A_543, %get3A_568 : vector<16xf32>
          %add3A_605 = arith.addf %while3A_544, %get3A_572 : vector<16xf32>
          %add3A_606 = arith.addf %while3A_545, %get3A_576 : vector<16xf32>
          %add3A_607 = arith.addf %while3A_546, %get3A_580 : vector<16xf32>
          %add3A_608 = arith.addf %while3A_547, %get3A_584 : vector<16xf32>
          %add3A_609 = arith.constant 1 : i32
          %add3A_610 = arith.addi %add3A_550, %add3A_609 : i32
          %get3A_611 = arith.index_cast %add3A_610 : i32 to index
          %get3A_612 = arith.constant 0 : index
          %get3A_613 = tpu.vector_load %arg8[%get3A_611, %get3A_612] {strides = array<i32>} : memref<72x128xf32, #tpu.memory_space<vmem>>, vector<1x16xf32>,
          %get3A_614 = vector.shape_cast %get3A_613 : vector<1x16xf32> to vector<16xf32>
          %get3A_615 = arith.index_cast %add3A_610 : i32 to index
          %get3A_616 = arith.constant 16 : index
          %get3A_617 = tpu.vector_load %arg8[%get3A_615, %get3A_616] {strides = array<i32>} : memref<72x128xf32, #tpu.memory_space<vmem>>, vector<1x16xf32>,
          %get3A_618 = vector.shape_cast %get3A_617 : vector<1x16xf32> to vector<16xf32>
          %get3A_619 = arith.index_cast %add3A_610 : i32 to index
          %get3A_620 = arith.constant 32 : index
          %get3A_621 = tpu.vector_load %arg8[%get3A_619, %get3A_620] {strides = array<i32>} : memref<72x128xf32, #tpu.memory_space<vmem>>, vector<1x16xf32>,
          %get3A_622 = vector.shape_cast %get3A_621 : vector<1x16xf32> to vector<16xf32>
          %get3A_623 = arith.index_cast %add3A_610 : i32 to index
          %get3A_624 = arith.constant 48 : index
          %get3A_625 = tpu.vector_load %arg8[%get3A_623, %get3A_624] {strides = array<i32>} : memref<72x128xf32, #tpu.memory_space<vmem>>, vector<1x16xf32>,
          %get3A_626 = vector.shape_cast %get3A_625 : vector<1x16xf32> to vector<16xf32>
          %get3A_627 = arith.index_cast %add3A_610 : i32 to index
          %get3A_628 = arith.constant 64 : index
          %get3A_629 = tpu.vector_load %arg8[%get3A_627, %get3A_628] {strides = array<i32>} : memref<72x128xf32, #tpu.memory_space<vmem>>, vector<1x16xf32>,
          %get3A_630 = vector.shape_cast %get3A_629 : vector<1x16xf32> to vector<16xf32>
          %get3A_631 = arith.index_cast %add3A_610 : i32 to index
          %get3A_632 = arith.constant 80 : index
          %get3A_633 = tpu.vector_load %arg8[%get3A_631, %get3A_632] {strides = array<i32>} : memref<72x128xf32, #tpu.memory_space<vmem>>, vector<1x16xf32>,
          %get3A_634 = vector.shape_cast %get3A_633 : vector<1x16xf32> to vector<16xf32>
          %get3A_635 = arith.index_cast %add3A_610 : i32 to index
          %get3A_636 = arith.constant 96 : index
          %get3A_637 = tpu.vector_load %arg8[%get3A_635, %get3A_636] {strides = array<i32>} : memref<72x128xf32, #tpu.memory_space<vmem>>, vector<1x16xf32>,
          %get3A_638 = vector.shape_cast %get3A_637 : vector<1x16xf32> to vector<16xf32>
          %get3A_639 = arith.index_cast %add3A_610 : i32 to index
          %get3A_640 = arith.constant 112 : index
          %get3A_641 = tpu.vector_load %arg8[%get3A_639, %get3A_640] {strides = array<i32>} : memref<72x128xf32, #tpu.memory_space<vmem>>, vector<1x16xf32>,
          %get3A_642 = vector.shape_cast %get3A_641 : vector<1x16xf32> to vector<16xf32>
          %min3A_643 = arith.minimumf %min3A_585, %get3A_614 : vector<16xf32>
          %min3A_644 = arith.minimumf %min3A_586, %get3A_618 : vector<16xf32>
          %min3A_645 = arith.minimumf %min3A_587, %get3A_622 : vector<16xf32>
          %min3A_646 = arith.minimumf %min3A_588, %get3A_626 : vector<16xf32>
          %min3A_647 = arith.minimumf %min3A_589, %get3A_630 : vector<16xf32>
          %min3A_648 = arith.minimumf %min3A_590, %get3A_634 : vector<16xf32>
          %min3A_649 = arith.minimumf %min3A_591, %get3A_638 : vector<16xf32>
          %min3A_650 = arith.minimumf %min3A_592, %get3A_642 : vector<16xf32>
          %max3A_651 = arith.maximumf %max3A_593, %get3A_614 : vector<16xf32>
          %max3A_652 = arith.maximumf %max3A_594, %get3A_618 : vector<16xf32>
          %max3A_653 = arith.maximumf %max3A_595, %get3A_622 : vector<16xf32>
          %max3A_654 = arith.maximumf %max3A_596, %get3A_626 : vector<16xf32>
          %max3A_655 = arith.maximumf %max3A_597, %get3A_630 : vector<16xf32>
          %max3A_656 = arith.maximumf %max3A_598, %get3A_634 : vector<16xf32>
          %max3A_657 = arith.maximumf %max3A_599, %get3A_638 : vector<16xf32>
          %max3A_658 = arith.maximumf %max3A_600, %get3A_642 : vector<16xf32>
          %add3A_659 = arith.addf %add3A_601, %get3A_614 : vector<16xf32>
          %add3A_660 = arith.addf %add3A_602, %get3A_618 : vector<16xf32>
          %add3A_661 = arith.addf %add3A_603, %get3A_622 : vector<16xf32>
          %add3A_662 = arith.addf %add3A_604, %get3A_626 : vector<16xf32>
          %add3A_663 = arith.addf %add3A_605, %get3A_630 : vector<16xf32>
          %add3A_664 = arith.addf %add3A_606, %get3A_634 : vector<16xf32>
          %add3A_665 = arith.addf %add3A_607, %get3A_638 : vector<16xf32>
          %add3A_666 = arith.addf %add3A_608, %get3A_642 : vector<16xf32>
          %add3A_667 = arith.constant 2 : i32
          %add3A_668 = arith.addi %add3A_550, %add3A_667 : i32
          %get3A_669 = arith.index_cast %add3A_668 : i32 to index
          %get3A_670 = arith.constant 0 : index
          %get3A_671 = tpu.vector_load %arg8[%get3A_669, %get3A_670] {strides = array<i32>} : memref<72x128xf32, #tpu.memory_space<vmem>>, vector<1x16xf32>,
          %get3A_672 = vector.shape_cast %get3A_671 : vector<1x16xf32> to vector<16xf32>
          %get3A_673 = arith.index_cast %add3A_668 : i32 to index
          %get3A_674 = arith.constant 16 : index
          %get3A_675 = tpu.vector_load %arg8[%get3A_673, %get3A_674] {strides = array<i32>} : memref<72x128xf32, #tpu.memory_space<vmem>>, vector<1x16xf32>,
          %get3A_676 = vector.shape_cast %get3A_675 : vector<1x16xf32> to vector<16xf32>
          %get3A_677 = arith.index_cast %add3A_668 : i32 to index
          %get3A_678 = arith.constant 32 : index
          %get3A_679 = tpu.vector_load %arg8[%get3A_677, %get3A_678] {strides = array<i32>} : memref<72x128xf32, #tpu.memory_space<vmem>>, vector<1x16xf32>,
          %get3A_680 = vector.shape_cast %get3A_679 : vector<1x16xf32> to vector<16xf32>
          %get3A_681 = arith.index_cast %add3A_668 : i32 to index
          %get3A_682 = arith.constant 48 : index
          %get3A_683 = tpu.vector_load %arg8[%get3A_681, %get3A_682] {strides = array<i32>} : memref<72x128xf32, #tpu.memory_space<vmem>>, vector<1x16xf32>,
          %get3A_684 = vector.shape_cast %get3A_683 : vector<1x16xf32> to vector<16xf32>
          %get3A_685 = arith.index_cast %add3A_668 : i32 to index
          %get3A_686 = arith.constant 64 : index
          %get3A_687 = tpu.vector_load %arg8[%get3A_685, %get3A_686] {strides = array<i32>} : memref<72x128xf32, #tpu.memory_space<vmem>>, vector<1x16xf32>,
          %get3A_688 = vector.shape_cast %get3A_687 : vector<1x16xf32> to vector<16xf32>
          %get3A_689 = arith.index_cast %add3A_668 : i32 to index
          %get3A_690 = arith.constant 80 : index
          %get3A_691 = tpu.vector_load %arg8[%get3A_689, %get3A_690] {strides = array<i32>} : memref<72x128xf32, #tpu.memory_space<vmem>>, vector<1x16xf32>,
          %get3A_692 = vector.shape_cast %get3A_691 : vector<1x16xf32> to vector<16xf32>
          %get3A_693 = arith.index_cast %add3A_668 : i32 to index
          %get3A_694 = arith.constant 96 : index
          %get3A_695 = tpu.vector_load %arg8[%get3A_693, %get3A_694] {strides = array<i32>} : memref<72x128xf32, #tpu.memory_space<vmem>>, vector<1x16xf32>,
          %get3A_696 = vector.shape_cast %get3A_695 : vector<1x16xf32> to vector<16xf32>
          %get3A_697 = arith.index_cast %add3A_668 : i32 to index
          %get3A_698 = arith.constant 112 : index
          %get3A_699 = tpu.vector_load %arg8[%get3A_697, %get3A_698] {strides = array<i32>} : memref<72x128xf32, #tpu.memory_space<vmem>>, vector<1x16xf32>,
          %get3A_700 = vector.shape_cast %get3A_699 : vector<1x16xf32> to vector<16xf32>
          %min3A_701 = arith.minimumf %min3A_643, %get3A_672 : vector<16xf32>
          %min3A_702 = arith.minimumf %min3A_644, %get3A_676 : vector<16xf32>
          %min3A_703 = arith.minimumf %min3A_645, %get3A_680 : vector<16xf32>
          %min3A_704 = arith.minimumf %min3A_646, %get3A_684 : vector<16xf32>
          %min3A_705 = arith.minimumf %min3A_647, %get3A_688 : vector<16xf32>
          %min3A_706 = arith.minimumf %min3A_648, %get3A_692 : vector<16xf32>
          %min3A_707 = arith.minimumf %min3A_649, %get3A_696 : vector<16xf32>
          %min3A_708 = arith.minimumf %min3A_650, %get3A_700 : vector<16xf32>
          %max3A_709 = arith.maximumf %max3A_651, %get3A_672 : vector<16xf32>
          %max3A_710 = arith.maximumf %max3A_652, %get3A_676 : vector<16xf32>
          %max3A_711 = arith.maximumf %max3A_653, %get3A_680 : vector<16xf32>
          %max3A_712 = arith.maximumf %max3A_654, %get3A_684 : vector<16xf32>
          %max3A_713 = arith.maximumf %max3A_655, %get3A_688 : vector<16xf32>
          %max3A_714 = arith.maximumf %max3A_656, %get3A_692 : vector<16xf32>
          %max3A_715 = arith.maximumf %max3A_657, %get3A_696 : vector<16xf32>
          %max3A_716 = arith.maximumf %max3A_658, %get3A_700 : vector<16xf32>
          %add3A_717 = arith.addf %add3A_659, %get3A_672 : vector<16xf32>
          %add3A_718 = arith.addf %add3A_660, %get3A_676 : vector<16xf32>
          %add3A_719 = arith.addf %add3A_661, %get3A_680 : vector<16xf32>
          %add3A_720 = arith.addf %add3A_662, %get3A_684 : vector<16xf32>
          %add3A_721 = arith.addf %add3A_663, %get3A_688 : vector<16xf32>
          %add3A_722 = arith.addf %add3A_664, %get3A_692 : vector<16xf32>
          %add3A_723 = arith.addf %add3A_665, %get3A_696 : vector<16xf32>
          %add3A_724 = arith.addf %add3A_666, %get3A_700 : vector<16xf32>
          %add3A_725 = arith.constant 3 : i32
          %add3A_726 = arith.addi %add3A_550, %add3A_725 : i32
          %get3A_727 = arith.index_cast %add3A_726 : i32 to index
          %get3A_728 = arith.constant 0 : index
          %get3A_729 = tpu.vector_load %arg8[%get3A_727, %get3A_728] {strides = array<i32>} : memref<72x128xf32, #tpu.memory_space<vmem>>, vector<1x16xf32>,
          %get3A_730 = vector.shape_cast %get3A_729 : vector<1x16xf32> to vector<16xf32>
          %get3A_731 = arith.index_cast %add3A_726 : i32 to index
          %get3A_732 = arith.constant 16 : index
          %get3A_733 = tpu.vector_load %arg8[%get3A_731, %get3A_732] {strides = array<i32>} : memref<72x128xf32, #tpu.memory_space<vmem>>, vector<1x16xf32>,
          %get3A_734 = vector.shape_cast %get3A_733 : vector<1x16xf32> to vector<16xf32>
          %get3A_735 = arith.index_cast %add3A_726 : i32 to index
          %get3A_736 = arith.constant 32 : index
          %get3A_737 = tpu.vector_load %arg8[%get3A_735, %get3A_736] {strides = array<i32>} : memref<72x128xf32, #tpu.memory_space<vmem>>, vector<1x16xf32>,
          %get3A_738 = vector.shape_cast %get3A_737 : vector<1x16xf32> to vector<16xf32>
          %get3A_739 = arith.index_cast %add3A_726 : i32 to index
          %get3A_740 = arith.constant 48 : index
          %get3A_741 = tpu.vector_load %arg8[%get3A_739, %get3A_740] {strides = array<i32>} : memref<72x128xf32, #tpu.memory_space<vmem>>, vector<1x16xf32>,
          %get3A_742 = vector.shape_cast %get3A_741 : vector<1x16xf32> to vector<16xf32>
          %get3A_743 = arith.index_cast %add3A_726 : i32 to index
          %get3A_744 = arith.constant 64 : index
          %get3A_745 = tpu.vector_load %arg8[%get3A_743, %get3A_744] {strides = array<i32>} : memref<72x128xf32, #tpu.memory_space<vmem>>, vector<1x16xf32>,
          %get3A_746 = vector.shape_cast %get3A_745 : vector<1x16xf32> to vector<16xf32>
          %get3A_747 = arith.index_cast %add3A_726 : i32 to index
          %get3A_748 = arith.constant 80 : index
          %get3A_749 = tpu.vector_load %arg8[%get3A_747, %get3A_748] {strides = array<i32>} : memref<72x128xf32, #tpu.memory_space<vmem>>, vector<1x16xf32>,
          %get3A_750 = vector.shape_cast %get3A_749 : vector<1x16xf32> to vector<16xf32>
          %get3A_751 = arith.index_cast %add3A_726 : i32 to index
          %get3A_752 = arith.constant 96 : index
          %get3A_753 = tpu.vector_load %arg8[%get3A_751, %get3A_752] {strides = array<i32>} : memref<72x128xf32, #tpu.memory_space<vmem>>, vector<1x16xf32>,
          %get3A_754 = vector.shape_cast %get3A_753 : vector<1x16xf32> to vector<16xf32>
          %get3A_755 = arith.index_cast %add3A_726 : i32 to index
          %get3A_756 = arith.constant 112 : index
          %get3A_757 = tpu.vector_load %arg8[%get3A_755, %get3A_756] {strides = array<i32>} : memref<72x128xf32, #tpu.memory_space<vmem>>, vector<1x16xf32>,
          %get3A_758 = vector.shape_cast %get3A_757 : vector<1x16xf32> to vector<16xf32>
          %min3A_759 = arith.minimumf %min3A_701, %get3A_730 : vector<16xf32>
          %min3A_760 = arith.minimumf %min3A_702, %get3A_734 : vector<16xf32>
          %min3A_761 = arith.minimumf %min3A_703, %get3A_738 : vector<16xf32>
          %min3A_762 = arith.minimumf %min3A_704, %get3A_742 : vector<16xf32>
          %min3A_763 = arith.minimumf %min3A_705, %get3A_746 : vector<16xf32>
          %min3A_764 = arith.minimumf %min3A_706, %get3A_750 : vector<16xf32>
          %min3A_765 = arith.minimumf %min3A_707, %get3A_754 : vector<16xf32>
          %min3A_766 = arith.minimumf %min3A_708, %get3A_758 : vector<16xf32>
          %max3A_767 = arith.maximumf %max3A_709, %get3A_730 : vector<16xf32>
          %max3A_768 = arith.maximumf %max3A_710, %get3A_734 : vector<16xf32>
          %max3A_769 = arith.maximumf %max3A_711, %get3A_738 : vector<16xf32>
          %max3A_770 = arith.maximumf %max3A_712, %get3A_742 : vector<16xf32>
          %max3A_771 = arith.maximumf %max3A_713, %get3A_746 : vector<16xf32>
          %max3A_772 = arith.maximumf %max3A_714, %get3A_750 : vector<16xf32>
          %max3A_773 = arith.maximumf %max3A_715, %get3A_754 : vector<16xf32>
          %max3A_774 = arith.maximumf %max3A_716, %get3A_758 : vector<16xf32>
          %add3A_775 = arith.addf %add3A_717, %get3A_730 : vector<16xf32>
          %add3A_776 = arith.addf %add3A_718, %get3A_734 : vector<16xf32>
          %add3A_777 = arith.addf %add3A_719, %get3A_738 : vector<16xf32>
          %add3A_778 = arith.addf %add3A_720, %get3A_742 : vector<16xf32>
          %add3A_779 = arith.addf %add3A_721, %get3A_746 : vector<16xf32>
          %add3A_780 = arith.addf %add3A_722, %get3A_750 : vector<16xf32>
          %add3A_781 = arith.addf %add3A_723, %get3A_754 : vector<16xf32>
          %add3A_782 = arith.addf %add3A_724, %get3A_758 : vector<16xf32>
          scf.yield %min3A_759, %min3A_760, %min3A_761, %min3A_762, %min3A_763, %min3A_764, %min3A_765, %min3A_766, %max3A_767, %max3A_768, %max3A_769, %max3A_770, %max3A_771, %max3A_772, %max3A_773, %max3A_774, %add3A_775, %add3A_776, %add3A_777, %add3A_778, %add3A_779, %add3A_780, %add3A_781, %add3A_782 : vector<16xf32>, vector<16xf32>, vector<16xf32>, vector<16xf32>, vector<16xf32>, vector<16xf32>, vector<16xf32>, vector<16xf32>, vector<16xf32>, vector<16xf32>, vector<16xf32>, vector<16xf32>, vector<16xf32>, vector<16xf32>, vector<16xf32>, vector<16xf32>, vector<16xf32>, vector<16xf32>, vector<16xf32>, vector<16xf32>, vector<16xf32>, vector<16xf32>, vector<16xf32>, vector<16xf32>
        }
        %while3A_509 = arith.constant 1 : i32
        %while3A_510:24 = scf.for %while3A_523 = %while3A_506 to %while3A_502 step %while3A_509 iter_args(%while3A_524 = %while3A_508#0, %while3A_525 = %while3A_508#1, %while3A_526 = %while3A_508#2, %while3A_527 = %while3A_508#3, %while3A_528 = %while3A_508#4, %while3A_529 = %while3A_508#5, %while3A_530 = %while3A_508#6, %while3A_531 = %while3A_508#7, %while3A_532 = %while3A_508#8, %while3A_533 = %while3A_508#9, %while3A_534 = %while3A_508#10, %while3A_535 = %while3A_508#11, %while3A_536 = %while3A_508#12, %while3A_537 = %while3A_508#13, %while3A_538 = %while3A_508#14, %while3A_539 = %while3A_508#15, %while3A_540 = %while3A_508#16, %while3A_541 = %while3A_508#17, %while3A_542 = %while3A_508#18, %while3A_543 = %while3A_508#19, %while3A_544 = %while3A_508#20, %while3A_545 = %while3A_508#21, %while3A_546 = %while3A_508#22, %while3A_547 = %while3A_508#23) -> (vector<16xf32>, vector<16xf32>, vector<16xf32>, vector<16xf32>, vector<16xf32>, vector<16xf32>, vector<16xf32>, vector<16xf32>, vector<16xf32>, vector<16xf32>, vector<16xf32>, vector<16xf32>, vector<16xf32>, vector<16xf32>, vector<16xf32>, vector<16xf32>, vector<16xf32>, vector<16xf32>, vector<16xf32>, vector<16xf32>, vector<16xf32>, vector<16xf32>, vector<16xf32>, vector<16xf32>)  : i32 {
          %mul3A_548 = arith.constant 4 : i32
          %mul3A_549 = arith.muli %while3A_523, %mul3A_548 : i32
          %add3A_550 = arith.addi %sub3A_475, %mul3A_549 : i32
          %add3A_551 = arith.constant 0 : i32
          %add3A_552 = arith.addi %add3A_550, %add3A_551 : i32
          %get3A_553 = arith.index_cast %add3A_552 : i32 to index
          %get3A_554 = arith.constant 0 : index
          %get3A_555 = tpu.vector_load %arg8[%get3A_553, %get3A_554] {strides = array<i32>} : memref<72x128xf32, #tpu.memory_space<vmem>>, vector<1x16xf32>,
          %get3A_556 = vector.shape_cast %get3A_555 : vector<1x16xf32> to vector<16xf32>
          %get3A_557 = arith.index_cast %add3A_552 : i32 to index
          %get3A_558 = arith.constant 16 : index
          %get3A_559 = tpu.vector_load %arg8[%get3A_557, %get3A_558] {strides = array<i32>} : memref<72x128xf32, #tpu.memory_space<vmem>>, vector<1x16xf32>,
          %get3A_560 = vector.shape_cast %get3A_559 : vector<1x16xf32> to vector<16xf32>
          %get3A_561 = arith.index_cast %add3A_552 : i32 to index
          %get3A_562 = arith.constant 32 : index
          %get3A_563 = tpu.vector_load %arg8[%get3A_561, %get3A_562] {strides = array<i32>} : memref<72x128xf32, #tpu.memory_space<vmem>>, vector<1x16xf32>,
          %get3A_564 = vector.shape_cast %get3A_563 : vector<1x16xf32> to vector<16xf32>
          %get3A_565 = arith.index_cast %add3A_552 : i32 to index
          %get3A_566 = arith.constant 48 : index
          %get3A_567 = tpu.vector_load %arg8[%get3A_565, %get3A_566] {strides = array<i32>} : memref<72x128xf32, #tpu.memory_space<vmem>>, vector<1x16xf32>,
          %get3A_568 = vector.shape_cast %get3A_567 : vector<1x16xf32> to vector<16xf32>
          %get3A_569 = arith.index_cast %add3A_552 : i32 to index
          %get3A_570 = arith.constant 64 : index
          %get3A_571 = tpu.vector_load %arg8[%get3A_569, %get3A_570] {strides = array<i32>} : memref<72x128xf32, #tpu.memory_space<vmem>>, vector<1x16xf32>,
          %get3A_572 = vector.shape_cast %get3A_571 : vector<1x16xf32> to vector<16xf32>
          %get3A_573 = arith.index_cast %add3A_552 : i32 to index
          %get3A_574 = arith.constant 80 : index
          %get3A_575 = tpu.vector_load %arg8[%get3A_573, %get3A_574] {strides = array<i32>} : memref<72x128xf32, #tpu.memory_space<vmem>>, vector<1x16xf32>,
          %get3A_576 = vector.shape_cast %get3A_575 : vector<1x16xf32> to vector<16xf32>
          %get3A_577 = arith.index_cast %add3A_552 : i32 to index
          %get3A_578 = arith.constant 96 : index
          %get3A_579 = tpu.vector_load %arg8[%get3A_577, %get3A_578] {strides = array<i32>} : memref<72x128xf32, #tpu.memory_space<vmem>>, vector<1x16xf32>,
          %get3A_580 = vector.shape_cast %get3A_579 : vector<1x16xf32> to vector<16xf32>
          %get3A_581 = arith.index_cast %add3A_552 : i32 to index
          %get3A_582 = arith.constant 112 : index
          %get3A_583 = tpu.vector_load %arg8[%get3A_581, %get3A_582] {strides = array<i32>} : memref<72x128xf32, #tpu.memory_space<vmem>>, vector<1x16xf32>,
          %get3A_584 = vector.shape_cast %get3A_583 : vector<1x16xf32> to vector<16xf32>
          %min3A_585 = arith.minimumf %while3A_524, %get3A_556 : vector<16xf32>
          %min3A_586 = arith.minimumf %while3A_525, %get3A_560 : vector<16xf32>
          %min3A_587 = arith.minimumf %while3A_526, %get3A_564 : vector<16xf32>
          %min3A_588 = arith.minimumf %while3A_527, %get3A_568 : vector<16xf32>
          %min3A_589 = arith.minimumf %while3A_528, %get3A_572 : vector<16xf32>
          %min3A_590 = arith.minimumf %while3A_529, %get3A_576 : vector<16xf32>
          %min3A_591 = arith.minimumf %while3A_530, %get3A_580 : vector<16xf32>
          %min3A_592 = arith.minimumf %while3A_531, %get3A_584 : vector<16xf32>
          %max3A_593 = arith.maximumf %while3A_532, %get3A_556 : vector<16xf32>
          %max3A_594 = arith.maximumf %while3A_533, %get3A_560 : vector<16xf32>
          %max3A_595 = arith.maximumf %while3A_534, %get3A_564 : vector<16xf32>
          %max3A_596 = arith.maximumf %while3A_535, %get3A_568 : vector<16xf32>
          %max3A_597 = arith.maximumf %while3A_536, %get3A_572 : vector<16xf32>
          %max3A_598 = arith.maximumf %while3A_537, %get3A_576 : vector<16xf32>
          %max3A_599 = arith.maximumf %while3A_538, %get3A_580 : vector<16xf32>
          %max3A_600 = arith.maximumf %while3A_539, %get3A_584 : vector<16xf32>
          %add3A_601 = arith.addf %while3A_540, %get3A_556 : vector<16xf32>
          %add3A_602 = arith.addf %while3A_541, %get3A_560 : vector<16xf32>
          %add3A_603 = arith.addf %while3A_542, %get3A_564 : vector<16xf32>
          %add3A_604 = arith.addf %while3A_543, %get3A_568 : vector<16xf32>
          %add3A_605 = arith.addf %while3A_544, %get3A_572 : vector<16xf32>
          %add3A_606 = arith.addf %while3A_545, %get3A_576 : vector<16xf32>
          %add3A_607 = arith.addf %while3A_546, %get3A_580 : vector<16xf32>
          %add3A_608 = arith.addf %while3A_547, %get3A_584 : vector<16xf32>
          %add3A_609 = arith.constant 1 : i32
          %add3A_610 = arith.addi %add3A_550, %add3A_609 : i32
          %get3A_611 = arith.index_cast %add3A_610 : i32 to index
          %get3A_612 = arith.constant 0 : index
          %get3A_613 = tpu.vector_load %arg8[%get3A_611, %get3A_612] {strides = array<i32>} : memref<72x128xf32, #tpu.memory_space<vmem>>, vector<1x16xf32>,
          %get3A_614 = vector.shape_cast %get3A_613 : vector<1x16xf32> to vector<16xf32>
          %get3A_615 = arith.index_cast %add3A_610 : i32 to index
          %get3A_616 = arith.constant 16 : index
          %get3A_617 = tpu.vector_load %arg8[%get3A_615, %get3A_616] {strides = array<i32>} : memref<72x128xf32, #tpu.memory_space<vmem>>, vector<1x16xf32>,
          %get3A_618 = vector.shape_cast %get3A_617 : vector<1x16xf32> to vector<16xf32>
          %get3A_619 = arith.index_cast %add3A_610 : i32 to index
          %get3A_620 = arith.constant 32 : index
          %get3A_621 = tpu.vector_load %arg8[%get3A_619, %get3A_620] {strides = array<i32>} : memref<72x128xf32, #tpu.memory_space<vmem>>, vector<1x16xf32>,
          %get3A_622 = vector.shape_cast %get3A_621 : vector<1x16xf32> to vector<16xf32>
          %get3A_623 = arith.index_cast %add3A_610 : i32 to index
          %get3A_624 = arith.constant 48 : index
          %get3A_625 = tpu.vector_load %arg8[%get3A_623, %get3A_624] {strides = array<i32>} : memref<72x128xf32, #tpu.memory_space<vmem>>, vector<1x16xf32>,
          %get3A_626 = vector.shape_cast %get3A_625 : vector<1x16xf32> to vector<16xf32>
          %get3A_627 = arith.index_cast %add3A_610 : i32 to index
          %get3A_628 = arith.constant 64 : index
          %get3A_629 = tpu.vector_load %arg8[%get3A_627, %get3A_628] {strides = array<i32>} : memref<72x128xf32, #tpu.memory_space<vmem>>, vector<1x16xf32>,
          %get3A_630 = vector.shape_cast %get3A_629 : vector<1x16xf32> to vector<16xf32>
          %get3A_631 = arith.index_cast %add3A_610 : i32 to index
          %get3A_632 = arith.constant 80 : index
          %get3A_633 = tpu.vector_load %arg8[%get3A_631, %get3A_632] {strides = array<i32>} : memref<72x128xf32, #tpu.memory_space<vmem>>, vector<1x16xf32>,
          %get3A_634 = vector.shape_cast %get3A_633 : vector<1x16xf32> to vector<16xf32>
          %get3A_635 = arith.index_cast %add3A_610 : i32 to index
          %get3A_636 = arith.constant 96 : index
          %get3A_637 = tpu.vector_load %arg8[%get3A_635, %get3A_636] {strides = array<i32>} : memref<72x128xf32, #tpu.memory_space<vmem>>, vector<1x16xf32>,
          %get3A_638 = vector.shape_cast %get3A_637 : vector<1x16xf32> to vector<16xf32>
          %get3A_639 = arith.index_cast %add3A_610 : i32 to index
          %get3A_640 = arith.constant 112 : index
          %get3A_641 = tpu.vector_load %arg8[%get3A_639, %get3A_640] {strides = array<i32>} : memref<72x128xf32, #tpu.memory_space<vmem>>, vector<1x16xf32>,
          %get3A_642 = vector.shape_cast %get3A_641 : vector<1x16xf32> to vector<16xf32>
          %min3A_643 = arith.minimumf %min3A_585, %get3A_614 : vector<16xf32>
          %min3A_644 = arith.minimumf %min3A_586, %get3A_618 : vector<16xf32>
          %min3A_645 = arith.minimumf %min3A_587, %get3A_622 : vector<16xf32>
          %min3A_646 = arith.minimumf %min3A_588, %get3A_626 : vector<16xf32>
          %min3A_647 = arith.minimumf %min3A_589, %get3A_630 : vector<16xf32>
          %min3A_648 = arith.minimumf %min3A_590, %get3A_634 : vector<16xf32>
          %min3A_649 = arith.minimumf %min3A_591, %get3A_638 : vector<16xf32>
          %min3A_650 = arith.minimumf %min3A_592, %get3A_642 : vector<16xf32>
          %max3A_651 = arith.maximumf %max3A_593, %get3A_614 : vector<16xf32>
          %max3A_652 = arith.maximumf %max3A_594, %get3A_618 : vector<16xf32>
          %max3A_653 = arith.maximumf %max3A_595, %get3A_622 : vector<16xf32>
          %max3A_654 = arith.maximumf %max3A_596, %get3A_626 : vector<16xf32>
          %max3A_655 = arith.maximumf %max3A_597, %get3A_630 : vector<16xf32>
          %max3A_656 = arith.maximumf %max3A_598, %get3A_634 : vector<16xf32>
          %max3A_657 = arith.maximumf %max3A_599, %get3A_638 : vector<16xf32>
          %max3A_658 = arith.maximumf %max3A_600, %get3A_642 : vector<16xf32>
          %add3A_659 = arith.addf %add3A_601, %get3A_614 : vector<16xf32>
          %add3A_660 = arith.addf %add3A_602, %get3A_618 : vector<16xf32>
          %add3A_661 = arith.addf %add3A_603, %get3A_622 : vector<16xf32>
          %add3A_662 = arith.addf %add3A_604, %get3A_626 : vector<16xf32>
          %add3A_663 = arith.addf %add3A_605, %get3A_630 : vector<16xf32>
          %add3A_664 = arith.addf %add3A_606, %get3A_634 : vector<16xf32>
          %add3A_665 = arith.addf %add3A_607, %get3A_638 : vector<16xf32>
          %add3A_666 = arith.addf %add3A_608, %get3A_642 : vector<16xf32>
          %add3A_667 = arith.constant 2 : i32
          %add3A_668 = arith.addi %add3A_550, %add3A_667 : i32
          %get3A_669 = arith.index_cast %add3A_668 : i32 to index
          %get3A_670 = arith.constant 0 : index
          %get3A_671 = tpu.vector_load %arg8[%get3A_669, %get3A_670] {strides = array<i32>} : memref<72x128xf32, #tpu.memory_space<vmem>>, vector<1x16xf32>,
          %get3A_672 = vector.shape_cast %get3A_671 : vector<1x16xf32> to vector<16xf32>
          %get3A_673 = arith.index_cast %add3A_668 : i32 to index
          %get3A_674 = arith.constant 16 : index
          %get3A_675 = tpu.vector_load %arg8[%get3A_673, %get3A_674] {strides = array<i32>} : memref<72x128xf32, #tpu.memory_space<vmem>>, vector<1x16xf32>,
          %get3A_676 = vector.shape_cast %get3A_675 : vector<1x16xf32> to vector<16xf32>
          %get3A_677 = arith.index_cast %add3A_668 : i32 to index
          %get3A_678 = arith.constant 32 : index
          %get3A_679 = tpu.vector_load %arg8[%get3A_677, %get3A_678] {strides = array<i32>} : memref<72x128xf32, #tpu.memory_space<vmem>>, vector<1x16xf32>,
          %get3A_680 = vector.shape_cast %get3A_679 : vector<1x16xf32> to vector<16xf32>
          %get3A_681 = arith.index_cast %add3A_668 : i32 to index
          %get3A_682 = arith.constant 48 : index
          %get3A_683 = tpu.vector_load %arg8[%get3A_681, %get3A_682] {strides = array<i32>} : memref<72x128xf32, #tpu.memory_space<vmem>>, vector<1x16xf32>,
          %get3A_684 = vector.shape_cast %get3A_683 : vector<1x16xf32> to vector<16xf32>
          %get3A_685 = arith.index_cast %add3A_668 : i32 to index
          %get3A_686 = arith.constant 64 : index
          %get3A_687 = tpu.vector_load %arg8[%get3A_685, %get3A_686] {strides = array<i32>} : memref<72x128xf32, #tpu.memory_space<vmem>>, vector<1x16xf32>,
          %get3A_688 = vector.shape_cast %get3A_687 : vector<1x16xf32> to vector<16xf32>
          %get3A_689 = arith.index_cast %add3A_668 : i32 to index
          %get3A_690 = arith.constant 80 : index
          %get3A_691 = tpu.vector_load %arg8[%get3A_689, %get3A_690] {strides = array<i32>} : memref<72x128xf32, #tpu.memory_space<vmem>>, vector<1x16xf32>,
          %get3A_692 = vector.shape_cast %get3A_691 : vector<1x16xf32> to vector<16xf32>
          %get3A_693 = arith.index_cast %add3A_668 : i32 to index
          %get3A_694 = arith.constant 96 : index
          %get3A_695 = tpu.vector_load %arg8[%get3A_693, %get3A_694] {strides = array<i32>} : memref<72x128xf32, #tpu.memory_space<vmem>>, vector<1x16xf32>,
          %get3A_696 = vector.shape_cast %get3A_695 : vector<1x16xf32> to vector<16xf32>
          %get3A_697 = arith.index_cast %add3A_668 : i32 to index
          %get3A_698 = arith.constant 112 : index
          %get3A_699 = tpu.vector_load %arg8[%get3A_697, %get3A_698] {strides = array<i32>} : memref<72x128xf32, #tpu.memory_space<vmem>>, vector<1x16xf32>,
          %get3A_700 = vector.shape_cast %get3A_699 : vector<1x16xf32> to vector<16xf32>
          %min3A_701 = arith.minimumf %min3A_643, %get3A_672 : vector<16xf32>
          %min3A_702 = arith.minimumf %min3A_644, %get3A_676 : vector<16xf32>
          %min3A_703 = arith.minimumf %min3A_645, %get3A_680 : vector<16xf32>
          %min3A_704 = arith.minimumf %min3A_646, %get3A_684 : vector<16xf32>
          %min3A_705 = arith.minimumf %min3A_647, %get3A_688 : vector<16xf32>
          %min3A_706 = arith.minimumf %min3A_648, %get3A_692 : vector<16xf32>
          %min3A_707 = arith.minimumf %min3A_649, %get3A_696 : vector<16xf32>
          %min3A_708 = arith.minimumf %min3A_650, %get3A_700 : vector<16xf32>
          %max3A_709 = arith.maximumf %max3A_651, %get3A_672 : vector<16xf32>
          %max3A_710 = arith.maximumf %max3A_652, %get3A_676 : vector<16xf32>
          %max3A_711 = arith.maximumf %max3A_653, %get3A_680 : vector<16xf32>
          %max3A_712 = arith.maximumf %max3A_654, %get3A_684 : vector<16xf32>
          %max3A_713 = arith.maximumf %max3A_655, %get3A_688 : vector<16xf32>
          %max3A_714 = arith.maximumf %max3A_656, %get3A_692 : vector<16xf32>
          %max3A_715 = arith.maximumf %max3A_657, %get3A_696 : vector<16xf32>
          %max3A_716 = arith.maximumf %max3A_658, %get3A_700 : vector<16xf32>
          %add3A_717 = arith.addf %add3A_659, %get3A_672 : vector<16xf32>
          %add3A_718 = arith.addf %add3A_660, %get3A_676 : vector<16xf32>
          %add3A_719 = arith.addf %add3A_661, %get3A_680 : vector<16xf32>
          %add3A_720 = arith.addf %add3A_662, %get3A_684 : vector<16xf32>
          %add3A_721 = arith.addf %add3A_663, %get3A_688 : vector<16xf32>
          %add3A_722 = arith.addf %add3A_664, %get3A_692 : vector<16xf32>
          %add3A_723 = arith.addf %add3A_665, %get3A_696 : vector<16xf32>
          %add3A_724 = arith.addf %add3A_666, %get3A_700 : vector<16xf32>
          %add3A_725 = arith.constant 3 : i32
          %add3A_726 = arith.addi %add3A_550, %add3A_725 : i32
          %get3A_727 = arith.index_cast %add3A_726 : i32 to index
          %get3A_728 = arith.constant 0 : index
          %get3A_729 = tpu.vector_load %arg8[%get3A_727, %get3A_728] {strides = array<i32>} : memref<72x128xf32, #tpu.memory_space<vmem>>, vector<1x16xf32>,
          %get3A_730 = vector.shape_cast %get3A_729 : vector<1x16xf32> to vector<16xf32>
          %get3A_731 = arith.index_cast %add3A_726 : i32 to index
          %get3A_732 = arith.constant 16 : index
          %get3A_733 = tpu.vector_load %arg8[%get3A_731, %get3A_732] {strides = array<i32>} : memref<72x128xf32, #tpu.memory_space<vmem>>, vector<1x16xf32>,
          %get3A_734 = vector.shape_cast %get3A_733 : vector<1x16xf32> to vector<16xf32>
          %get3A_735 = arith.index_cast %add3A_726 : i32 to index
          %get3A_736 = arith.constant 32 : index
          %get3A_737 = tpu.vector_load %arg8[%get3A_735, %get3A_736] {strides = array<i32>} : memref<72x128xf32, #tpu.memory_space<vmem>>, vector<1x16xf32>,
          %get3A_738 = vector.shape_cast %get3A_737 : vector<1x16xf32> to vector<16xf32>
          %get3A_739 = arith.index_cast %add3A_726 : i32 to index
          %get3A_740 = arith.constant 48 : index
          %get3A_741 = tpu.vector_load %arg8[%get3A_739, %get3A_740] {strides = array<i32>} : memref<72x128xf32, #tpu.memory_space<vmem>>, vector<1x16xf32>,
          %get3A_742 = vector.shape_cast %get3A_741 : vector<1x16xf32> to vector<16xf32>
          %get3A_743 = arith.index_cast %add3A_726 : i32 to index
          %get3A_744 = arith.constant 64 : index
          %get3A_745 = tpu.vector_load %arg8[%get3A_743, %get3A_744] {strides = array<i32>} : memref<72x128xf32, #tpu.memory_space<vmem>>, vector<1x16xf32>,
          %get3A_746 = vector.shape_cast %get3A_745 : vector<1x16xf32> to vector<16xf32>
          %get3A_747 = arith.index_cast %add3A_726 : i32 to index
          %get3A_748 = arith.constant 80 : index
          %get3A_749 = tpu.vector_load %arg8[%get3A_747, %get3A_748] {strides = array<i32>} : memref<72x128xf32, #tpu.memory_space<vmem>>, vector<1x16xf32>,
          %get3A_750 = vector.shape_cast %get3A_749 : vector<1x16xf32> to vector<16xf32>
          %get3A_751 = arith.index_cast %add3A_726 : i32 to index
          %get3A_752 = arith.constant 96 : index
          %get3A_753 = tpu.vector_load %arg8[%get3A_751, %get3A_752] {strides = array<i32>} : memref<72x128xf32, #tpu.memory_space<vmem>>, vector<1x16xf32>,
          %get3A_754 = vector.shape_cast %get3A_753 : vector<1x16xf32> to vector<16xf32>
          %get3A_755 = arith.index_cast %add3A_726 : i32 to index
          %get3A_756 = arith.constant 112 : index
          %get3A_757 = tpu.vector_load %arg8[%get3A_755, %get3A_756] {strides = array<i32>} : memref<72x128xf32, #tpu.memory_space<vmem>>, vector<1x16xf32>,
          %get3A_758 = vector.shape_cast %get3A_757 : vector<1x16xf32> to vector<16xf32>
          %min3A_759 = arith.minimumf %min3A_701, %get3A_730 : vector<16xf32>
          %min3A_760 = arith.minimumf %min3A_702, %get3A_734 : vector<16xf32>
          %min3A_761 = arith.minimumf %min3A_703, %get3A_738 : vector<16xf32>
          %min3A_762 = arith.minimumf %min3A_704, %get3A_742 : vector<16xf32>
          %min3A_763 = arith.minimumf %min3A_705, %get3A_746 : vector<16xf32>
          %min3A_764 = arith.minimumf %min3A_706, %get3A_750 : vector<16xf32>
          %min3A_765 = arith.minimumf %min3A_707, %get3A_754 : vector<16xf32>
          %min3A_766 = arith.minimumf %min3A_708, %get3A_758 : vector<16xf32>
          %max3A_767 = arith.maximumf %max3A_709, %get3A_730 : vector<16xf32>
          %max3A_768 = arith.maximumf %max3A_710, %get3A_734 : vector<16xf32>
          %max3A_769 = arith.maximumf %max3A_711, %get3A_738 : vector<16xf32>
          %max3A_770 = arith.maximumf %max3A_712, %get3A_742 : vector<16xf32>
          %max3A_771 = arith.maximumf %max3A_713, %get3A_746 : vector<16xf32>
          %max3A_772 = arith.maximumf %max3A_714, %get3A_750 : vector<16xf32>
          %max3A_773 = arith.maximumf %max3A_715, %get3A_754 : vector<16xf32>
          %max3A_774 = arith.maximumf %max3A_716, %get3A_758 : vector<16xf32>
          %add3A_775 = arith.addf %add3A_717, %get3A_730 : vector<16xf32>
          %add3A_776 = arith.addf %add3A_718, %get3A_734 : vector<16xf32>
          %add3A_777 = arith.addf %add3A_719, %get3A_738 : vector<16xf32>
          %add3A_778 = arith.addf %add3A_720, %get3A_742 : vector<16xf32>
          %add3A_779 = arith.addf %add3A_721, %get3A_746 : vector<16xf32>
          %add3A_780 = arith.addf %add3A_722, %get3A_750 : vector<16xf32>
          %add3A_781 = arith.addf %add3A_723, %get3A_754 : vector<16xf32>
          %add3A_782 = arith.addf %add3A_724, %get3A_758 : vector<16xf32>
          scf.yield %min3A_759, %min3A_760, %min3A_761, %min3A_762, %min3A_763, %min3A_764, %min3A_765, %min3A_766, %max3A_767, %max3A_768, %max3A_769, %max3A_770, %max3A_771, %max3A_772, %max3A_773, %max3A_774, %add3A_775, %add3A_776, %add3A_777, %add3A_778, %add3A_779, %add3A_780, %add3A_781, %add3A_782 : vector<16xf32>, vector<16xf32>, vector<16xf32>, vector<16xf32>, vector<16xf32>, vector<16xf32>, vector<16xf32>, vector<16xf32>, vector<16xf32>, vector<16xf32>, vector<16xf32>, vector<16xf32>, vector<16xf32>, vector<16xf32>, vector<16xf32>, vector<16xf32>, vector<16xf32>, vector<16xf32>, vector<16xf32>, vector<16xf32>, vector<16xf32>, vector<16xf32>, vector<16xf32>, vector<16xf32>
        }
        %mul3A_511 = arith.constant 4 : i32
        %mul3A_512 = arith.muli %select_n3A_499, %mul3A_511 : i32
        %while3A_513 = arith.subi %min3A_474, %mul3A_512 : i32
        %while3A_514 = arith.addi %mul3A_512, %while3A_513 : i32
        %while3A_515 = arith.constant 1 : i32
        %while3A_516 = arith.divsi %while3A_513, %while3A_515 : i32
        %while3A_517 = arith.muli %while3A_516, %while3A_515 : i32
        %while3A_518 = arith.addi %mul3A_512, %while3A_517 : i32
        %while3A_519 = arith.constant 1 : i32
        %while3A_520:24 = scf.for %while3A_523 = %mul3A_512 to %while3A_518 step %while3A_519 iter_args(%while3A_524 = %while3A_510#0, %while3A_525 = %while3A_510#1, %while3A_526 = %while3A_510#2, %while3A_527 = %while3A_510#3, %while3A_528 = %while3A_510#4, %while3A_529 = %while3A_510#5, %while3A_530 = %while3A_510#6, %while3A_531 = %while3A_510#7, %while3A_532 = %while3A_510#8, %while3A_533 = %while3A_510#9, %while3A_534 = %while3A_510#10, %while3A_535 = %while3A_510#11, %while3A_536 = %while3A_510#12, %while3A_537 = %while3A_510#13, %while3A_538 = %while3A_510#14, %while3A_539 = %while3A_510#15, %while3A_540 = %while3A_510#16, %while3A_541 = %while3A_510#17, %while3A_542 = %while3A_510#18, %while3A_543 = %while3A_510#19, %while3A_544 = %while3A_510#20, %while3A_545 = %while3A_510#21, %while3A_546 = %while3A_510#22, %while3A_547 = %while3A_510#23) -> (vector<16xf32>, vector<16xf32>, vector<16xf32>, vector<16xf32>, vector<16xf32>, vector<16xf32>, vector<16xf32>, vector<16xf32>, vector<16xf32>, vector<16xf32>, vector<16xf32>, vector<16xf32>, vector<16xf32>, vector<16xf32>, vector<16xf32>, vector<16xf32>, vector<16xf32>, vector<16xf32>, vector<16xf32>, vector<16xf32>, vector<16xf32>, vector<16xf32>, vector<16xf32>, vector<16xf32>)  : i32 {
          %add3A_548 = arith.addi %sub3A_475, %while3A_523 : i32
          %get3A_549 = arith.index_cast %add3A_548 : i32 to index
          %get3A_550 = arith.constant 0 : index
          %get3A_551 = tpu.vector_load %arg8[%get3A_549, %get3A_550] {strides = array<i32>} : memref<72x128xf32, #tpu.memory_space<vmem>>, vector<1x16xf32>,
          %get3A_552 = vector.shape_cast %get3A_551 : vector<1x16xf32> to vector<16xf32>
          %get3A_553 = arith.index_cast %add3A_548 : i32 to index
          %get3A_554 = arith.constant 16 : index
          %get3A_555 = tpu.vector_load %arg8[%get3A_553, %get3A_554] {strides = array<i32>} : memref<72x128xf32, #tpu.memory_space<vmem>>, vector<1x16xf32>,
          %get3A_556 = vector.shape_cast %get3A_555 : vector<1x16xf32> to vector<16xf32>
          %get3A_557 = arith.index_cast %add3A_548 : i32 to index
          %get3A_558 = arith.constant 32 : index
          %get3A_559 = tpu.vector_load %arg8[%get3A_557, %get3A_558] {strides = array<i32>} : memref<72x128xf32, #tpu.memory_space<vmem>>, vector<1x16xf32>,
          %get3A_560 = vector.shape_cast %get3A_559 : vector<1x16xf32> to vector<16xf32>
          %get3A_561 = arith.index_cast %add3A_548 : i32 to index
          %get3A_562 = arith.constant 48 : index
          %get3A_563 = tpu.vector_load %arg8[%get3A_561, %get3A_562] {strides = array<i32>} : memref<72x128xf32, #tpu.memory_space<vmem>>, vector<1x16xf32>,
          %get3A_564 = vector.shape_cast %get3A_563 : vector<1x16xf32> to vector<16xf32>
          %get3A_565 = arith.index_cast %add3A_548 : i32 to index
          %get3A_566 = arith.constant 64 : index
          %get3A_567 = tpu.vector_load %arg8[%get3A_565, %get3A_566] {strides = array<i32>} : memref<72x128xf32, #tpu.memory_space<vmem>>, vector<1x16xf32>,
          %get3A_568 = vector.shape_cast %get3A_567 : vector<1x16xf32> to vector<16xf32>
          %get3A_569 = arith.index_cast %add3A_548 : i32 to index
          %get3A_570 = arith.constant 80 : index
          %get3A_571 = tpu.vector_load %arg8[%get3A_569, %get3A_570] {strides = array<i32>} : memref<72x128xf32, #tpu.memory_space<vmem>>, vector<1x16xf32>,
          %get3A_572 = vector.shape_cast %get3A_571 : vector<1x16xf32> to vector<16xf32>
          %get3A_573 = arith.index_cast %add3A_548 : i32 to index
          %get3A_574 = arith.constant 96 : index
          %get3A_575 = tpu.vector_load %arg8[%get3A_573, %get3A_574] {strides = array<i32>} : memref<72x128xf32, #tpu.memory_space<vmem>>, vector<1x16xf32>,
          %get3A_576 = vector.shape_cast %get3A_575 : vector<1x16xf32> to vector<16xf32>
          %get3A_577 = arith.index_cast %add3A_548 : i32 to index
          %get3A_578 = arith.constant 112 : index
          %get3A_579 = tpu.vector_load %arg8[%get3A_577, %get3A_578] {strides = array<i32>} : memref<72x128xf32, #tpu.memory_space<vmem>>, vector<1x16xf32>,
          %get3A_580 = vector.shape_cast %get3A_579 : vector<1x16xf32> to vector<16xf32>
          %min3A_581 = arith.minimumf %while3A_524, %get3A_552 : vector<16xf32>
          %min3A_582 = arith.minimumf %while3A_525, %get3A_556 : vector<16xf32>
          %min3A_583 = arith.minimumf %while3A_526, %get3A_560 : vector<16xf32>
          %min3A_584 = arith.minimumf %while3A_527, %get3A_564 : vector<16xf32>
          %min3A_585 = arith.minimumf %while3A_528, %get3A_568 : vector<16xf32>
          %min3A_586 = arith.minimumf %while3A_529, %get3A_572 : vector<16xf32>
          %min3A_587 = arith.minimumf %while3A_530, %get3A_576 : vector<16xf32>
          %min3A_588 = arith.minimumf %while3A_531, %get3A_580 : vector<16xf32>
          %max3A_589 = arith.maximumf %while3A_532, %get3A_552 : vector<16xf32>
          %max3A_590 = arith.maximumf %while3A_533, %get3A_556 : vector<16xf32>
          %max3A_591 = arith.maximumf %while3A_534, %get3A_560 : vector<16xf32>
          %max3A_592 = arith.maximumf %while3A_535, %get3A_564 : vector<16xf32>
          %max3A_593 = arith.maximumf %while3A_536, %get3A_568 : vector<16xf32>
          %max3A_594 = arith.maximumf %while3A_537, %get3A_572 : vector<16xf32>
          %max3A_595 = arith.maximumf %while3A_538, %get3A_576 : vector<16xf32>
          %max3A_596 = arith.maximumf %while3A_539, %get3A_580 : vector<16xf32>
          %add3A_597 = arith.addf %while3A_540, %get3A_552 : vector<16xf32>
          %add3A_598 = arith.addf %while3A_541, %get3A_556 : vector<16xf32>
          %add3A_599 = arith.addf %while3A_542, %get3A_560 : vector<16xf32>
          %add3A_600 = arith.addf %while3A_543, %get3A_564 : vector<16xf32>
          %add3A_601 = arith.addf %while3A_544, %get3A_568 : vector<16xf32>
          %add3A_602 = arith.addf %while3A_545, %get3A_572 : vector<16xf32>
          %add3A_603 = arith.addf %while3A_546, %get3A_576 : vector<16xf32>
          %add3A_604 = arith.addf %while3A_547, %get3A_580 : vector<16xf32>
          scf.yield %min3A_581, %min3A_582, %min3A_583, %min3A_584, %min3A_585, %min3A_586, %min3A_587, %min3A_588, %max3A_589, %max3A_590, %max3A_591, %max3A_592, %max3A_593, %max3A_594, %max3A_595, %max3A_596, %add3A_597, %add3A_598, %add3A_599, %add3A_600, %add3A_601, %add3A_602, %add3A_603, %add3A_604 : vector<16xf32>, vector<16xf32>, vector<16xf32>, vector<16xf32>, vector<16xf32>, vector<16xf32>, vector<16xf32>, vector<16xf32>, vector<16xf32>, vector<16xf32>, vector<16xf32>, vector<16xf32>, vector<16xf32>, vector<16xf32>, vector<16xf32>, vector<16xf32>, vector<16xf32>, vector<16xf32>, vector<16xf32>, vector<16xf32>, vector<16xf32>, vector<16xf32>, vector<16xf32>, vector<16xf32>
        }
        %while3A_521 = arith.constant 1 : i32
        %while3A_522:24 = scf.for %while3A_523 = %while3A_518 to %while3A_514 step %while3A_521 iter_args(%while3A_524 = %while3A_520#0, %while3A_525 = %while3A_520#1, %while3A_526 = %while3A_520#2, %while3A_527 = %while3A_520#3, %while3A_528 = %while3A_520#4, %while3A_529 = %while3A_520#5, %while3A_530 = %while3A_520#6, %while3A_531 = %while3A_520#7, %while3A_532 = %while3A_520#8, %while3A_533 = %while3A_520#9, %while3A_534 = %while3A_520#10, %while3A_535 = %while3A_520#11, %while3A_536 = %while3A_520#12, %while3A_537 = %while3A_520#13, %while3A_538 = %while3A_520#14, %while3A_539 = %while3A_520#15, %while3A_540 = %while3A_520#16, %while3A_541 = %while3A_520#17, %while3A_542 = %while3A_520#18, %while3A_543 = %while3A_520#19, %while3A_544 = %while3A_520#20, %while3A_545 = %while3A_520#21, %while3A_546 = %while3A_520#22, %while3A_547 = %while3A_520#23) -> (vector<16xf32>, vector<16xf32>, vector<16xf32>, vector<16xf32>, vector<16xf32>, vector<16xf32>, vector<16xf32>, vector<16xf32>, vector<16xf32>, vector<16xf32>, vector<16xf32>, vector<16xf32>, vector<16xf32>, vector<16xf32>, vector<16xf32>, vector<16xf32>, vector<16xf32>, vector<16xf32>, vector<16xf32>, vector<16xf32>, vector<16xf32>, vector<16xf32>, vector<16xf32>, vector<16xf32>)  : i32 {
          %add3A_548 = arith.addi %sub3A_475, %while3A_523 : i32
          %get3A_549 = arith.index_cast %add3A_548 : i32 to index
          %get3A_550 = arith.constant 0 : index
          %get3A_551 = tpu.vector_load %arg8[%get3A_549, %get3A_550] {strides = array<i32>} : memref<72x128xf32, #tpu.memory_space<vmem>>, vector<1x16xf32>,
          %get3A_552 = vector.shape_cast %get3A_551 : vector<1x16xf32> to vector<16xf32>
          %get3A_553 = arith.index_cast %add3A_548 : i32 to index
          %get3A_554 = arith.constant 16 : index
          %get3A_555 = tpu.vector_load %arg8[%get3A_553, %get3A_554] {strides = array<i32>} : memref<72x128xf32, #tpu.memory_space<vmem>>, vector<1x16xf32>,
          %get3A_556 = vector.shape_cast %get3A_555 : vector<1x16xf32> to vector<16xf32>
          %get3A_557 = arith.index_cast %add3A_548 : i32 to index
          %get3A_558 = arith.constant 32 : index
          %get3A_559 = tpu.vector_load %arg8[%get3A_557, %get3A_558] {strides = array<i32>} : memref<72x128xf32, #tpu.memory_space<vmem>>, vector<1x16xf32>,
          %get3A_560 = vector.shape_cast %get3A_559 : vector<1x16xf32> to vector<16xf32>
          %get3A_561 = arith.index_cast %add3A_548 : i32 to index
          %get3A_562 = arith.constant 48 : index
          %get3A_563 = tpu.vector_load %arg8[%get3A_561, %get3A_562] {strides = array<i32>} : memref<72x128xf32, #tpu.memory_space<vmem>>, vector<1x16xf32>,
          %get3A_564 = vector.shape_cast %get3A_563 : vector<1x16xf32> to vector<16xf32>
          %get3A_565 = arith.index_cast %add3A_548 : i32 to index
          %get3A_566 = arith.constant 64 : index
          %get3A_567 = tpu.vector_load %arg8[%get3A_565, %get3A_566] {strides = array<i32>} : memref<72x128xf32, #tpu.memory_space<vmem>>, vector<1x16xf32>,
          %get3A_568 = vector.shape_cast %get3A_567 : vector<1x16xf32> to vector<16xf32>
          %get3A_569 = arith.index_cast %add3A_548 : i32 to index
          %get3A_570 = arith.constant 80 : index
          %get3A_571 = tpu.vector_load %arg8[%get3A_569, %get3A_570] {strides = array<i32>} : memref<72x128xf32, #tpu.memory_space<vmem>>, vector<1x16xf32>,
          %get3A_572 = vector.shape_cast %get3A_571 : vector<1x16xf32> to vector<16xf32>
          %get3A_573 = arith.index_cast %add3A_548 : i32 to index
          %get3A_574 = arith.constant 96 : index
          %get3A_575 = tpu.vector_load %arg8[%get3A_573, %get3A_574] {strides = array<i32>} : memref<72x128xf32, #tpu.memory_space<vmem>>, vector<1x16xf32>,
          %get3A_576 = vector.shape_cast %get3A_575 : vector<1x16xf32> to vector<16xf32>
          %get3A_577 = arith.index_cast %add3A_548 : i32 to index
          %get3A_578 = arith.constant 112 : index
          %get3A_579 = tpu.vector_load %arg8[%get3A_577, %get3A_578] {strides = array<i32>} : memref<72x128xf32, #tpu.memory_space<vmem>>, vector<1x16xf32>,
          %get3A_580 = vector.shape_cast %get3A_579 : vector<1x16xf32> to vector<16xf32>
          %min3A_581 = arith.minimumf %while3A_524, %get3A_552 : vector<16xf32>
          %min3A_582 = arith.minimumf %while3A_525, %get3A_556 : vector<16xf32>
          %min3A_583 = arith.minimumf %while3A_526, %get3A_560 : vector<16xf32>
          %min3A_584 = arith.minimumf %while3A_527, %get3A_564 : vector<16xf32>
          %min3A_585 = arith.minimumf %while3A_528, %get3A_568 : vector<16xf32>
          %min3A_586 = arith.minimumf %while3A_529, %get3A_572 : vector<16xf32>
          %min3A_587 = arith.minimumf %while3A_530, %get3A_576 : vector<16xf32>
          %min3A_588 = arith.minimumf %while3A_531, %get3A_580 : vector<16xf32>
          %max3A_589 = arith.maximumf %while3A_532, %get3A_552 : vector<16xf32>
          %max3A_590 = arith.maximumf %while3A_533, %get3A_556 : vector<16xf32>
          %max3A_591 = arith.maximumf %while3A_534, %get3A_560 : vector<16xf32>
          %max3A_592 = arith.maximumf %while3A_535, %get3A_564 : vector<16xf32>
          %max3A_593 = arith.maximumf %while3A_536, %get3A_568 : vector<16xf32>
          %max3A_594 = arith.maximumf %while3A_537, %get3A_572 : vector<16xf32>
          %max3A_595 = arith.maximumf %while3A_538, %get3A_576 : vector<16xf32>
          %max3A_596 = arith.maximumf %while3A_539, %get3A_580 : vector<16xf32>
          %add3A_597 = arith.addf %while3A_540, %get3A_552 : vector<16xf32>
          %add3A_598 = arith.addf %while3A_541, %get3A_556 : vector<16xf32>
          %add3A_599 = arith.addf %while3A_542, %get3A_560 : vector<16xf32>
          %add3A_600 = arith.addf %while3A_543, %get3A_564 : vector<16xf32>
          %add3A_601 = arith.addf %while3A_544, %get3A_568 : vector<16xf32>
          %add3A_602 = arith.addf %while3A_545, %get3A_572 : vector<16xf32>
          %add3A_603 = arith.addf %while3A_546, %get3A_576 : vector<16xf32>
          %add3A_604 = arith.addf %while3A_547, %get3A_580 : vector<16xf32>
          scf.yield %min3A_581, %min3A_582, %min3A_583, %min3A_584, %min3A_585, %min3A_586, %min3A_587, %min3A_588, %max3A_589, %max3A_590, %max3A_591, %max3A_592, %max3A_593, %max3A_594, %max3A_595, %max3A_596, %add3A_597, %add3A_598, %add3A_599, %add3A_600, %add3A_601, %add3A_602, %add3A_603, %add3A_604 : vector<16xf32>, vector<16xf32>, vector<16xf32>, vector<16xf32>, vector<16xf32>, vector<16xf32>, vector<16xf32>, vector<16xf32>, vector<16xf32>, vector<16xf32>, vector<16xf32>, vector<16xf32>, vector<16xf32>, vector<16xf32>, vector<16xf32>, vector<16xf32>, vector<16xf32>, vector<16xf32>, vector<16xf32>, vector<16xf32>, vector<16xf32>, vector<16xf32>, vector<16xf32>, vector<16xf32>
        }
        scf.yield %while3A_522#0, %while3A_522#1, %while3A_522#2, %while3A_522#3, %while3A_522#4, %while3A_522#5, %while3A_522#6, %while3A_522#7, %while3A_522#8, %while3A_522#9, %while3A_522#10, %while3A_522#11, %while3A_522#12, %while3A_522#13, %while3A_522#14, %while3A_522#15, %while3A_522#16, %while3A_522#17, %while3A_522#18, %while3A_522#19, %while3A_522#20, %while3A_522#21, %while3A_522#22, %while3A_522#23 : vector<16xf32>, vector<16xf32>, vector<16xf32>, vector<16xf32>, vector<16xf32>, vector<16xf32>, vector<16xf32>, vector<16xf32>, vector<16xf32>, vector<16xf32>, vector<16xf32>, vector<16xf32>, vector<16xf32>, vector<16xf32>, vector<16xf32>, vector<16xf32>, vector<16xf32>, vector<16xf32>, vector<16xf32>, vector<16xf32>, vector<16xf32>, vector<16xf32>, vector<16xf32>, vector<16xf32>
      }
      %mul3A_174 = arith.mulf %min3A_20, %while3A_173#8 : vector<16xf32>
      %sub3A_175 = arith.constant 1.000000e+00 : f32
      %sub3A_176 = vector.broadcast %sub3A_175 : f32 to vector<16xf32>
      %sub3A_177 = arith.subf %sub3A_176, %min3A_20 : vector<16xf32>
      %mul3A_178 = arith.mulf %sub3A_177, %while3A_173#0 : vector<16xf32>
      %add3A_179 = arith.addf %mul3A_174, %mul3A_178 : vector<16xf32>
      %mul3A_180 = arith.mulf %min3A_29, %while3A_173#9 : vector<16xf32>
      %sub3A_181 = arith.constant 1.000000e+00 : f32
      %sub3A_182 = vector.broadcast %sub3A_181 : f32 to vector<16xf32>
      %sub3A_183 = arith.subf %sub3A_182, %min3A_29 : vector<16xf32>
      %mul3A_184 = arith.mulf %sub3A_183, %while3A_173#1 : vector<16xf32>
      %add3A_185 = arith.addf %mul3A_180, %mul3A_184 : vector<16xf32>
      %mul3A_186 = arith.mulf %min3A_38, %while3A_173#10 : vector<16xf32>
      %sub3A_187 = arith.constant 1.000000e+00 : f32
      %sub3A_188 = vector.broadcast %sub3A_187 : f32 to vector<16xf32>
      %sub3A_189 = arith.subf %sub3A_188, %min3A_38 : vector<16xf32>
      %mul3A_190 = arith.mulf %sub3A_189, %while3A_173#2 : vector<16xf32>
      %add3A_191 = arith.addf %mul3A_186, %mul3A_190 : vector<16xf32>
      %mul3A_192 = arith.mulf %min3A_47, %while3A_173#11 : vector<16xf32>
      %sub3A_193 = arith.constant 1.000000e+00 : f32
      %sub3A_194 = vector.broadcast %sub3A_193 : f32 to vector<16xf32>
      %sub3A_195 = arith.subf %sub3A_194, %min3A_47 : vector<16xf32>
      %mul3A_196 = arith.mulf %sub3A_195, %while3A_173#3 : vector<16xf32>
      %add3A_197 = arith.addf %mul3A_192, %mul3A_196 : vector<16xf32>
      %mul3A_198 = arith.mulf %min3A_56, %while3A_173#12 : vector<16xf32>
      %sub3A_199 = arith.constant 1.000000e+00 : f32
      %sub3A_200 = vector.broadcast %sub3A_199 : f32 to vector<16xf32>
      %sub3A_201 = arith.subf %sub3A_200, %min3A_56 : vector<16xf32>
      %mul3A_202 = arith.mulf %sub3A_201, %while3A_173#4 : vector<16xf32>
      %add3A_203 = arith.addf %mul3A_198, %mul3A_202 : vector<16xf32>
      %mul3A_204 = arith.mulf %min3A_65, %while3A_173#13 : vector<16xf32>
      %sub3A_205 = arith.constant 1.000000e+00 : f32
      %sub3A_206 = vector.broadcast %sub3A_205 : f32 to vector<16xf32>
      %sub3A_207 = arith.subf %sub3A_206, %min3A_65 : vector<16xf32>
      %mul3A_208 = arith.mulf %sub3A_207, %while3A_173#5 : vector<16xf32>
      %add3A_209 = arith.addf %mul3A_204, %mul3A_208 : vector<16xf32>
      %mul3A_210 = arith.mulf %min3A_74, %while3A_173#14 : vector<16xf32>
      %sub3A_211 = arith.constant 1.000000e+00 : f32
      %sub3A_212 = vector.broadcast %sub3A_211 : f32 to vector<16xf32>
      %sub3A_213 = arith.subf %sub3A_212, %min3A_74 : vector<16xf32>
      %mul3A_214 = arith.mulf %sub3A_213, %while3A_173#6 : vector<16xf32>
      %add3A_215 = arith.addf %mul3A_210, %mul3A_214 : vector<16xf32>
      %mul3A_216 = arith.mulf %min3A_83, %while3A_173#15 : vector<16xf32>
      %sub3A_217 = arith.constant 1.000000e+00 : f32
      %sub3A_218 = vector.broadcast %sub3A_217 : f32 to vector<16xf32>
      %sub3A_219 = arith.subf %sub3A_218, %min3A_83 : vector<16xf32>
      %mul3A_220 = arith.mulf %sub3A_219, %while3A_173#7 : vector<16xf32>
      %add3A_221 = arith.addf %mul3A_216, %mul3A_220 : vector<16xf32>
      %broadcast_in_dim3A_222 = arith.constant 0.000000e+00 : f32
      %broadcast_in_dim3A_223 = vector.broadcast %broadcast_in_dim3A_222 : f32 to vector<16xf32>
      %broadcast_in_dim3A_224 = arith.constant 0.000000e+00 : f32
      %broadcast_in_dim3A_225 = vector.broadcast %broadcast_in_dim3A_224 : f32 to vector<16xf32>
      %broadcast_in_dim3A_226 = arith.constant 0.000000e+00 : f32
      %broadcast_in_dim3A_227 = vector.broadcast %broadcast_in_dim3A_226 : f32 to vector<16xf32>
      %broadcast_in_dim3A_228 = arith.constant 0.000000e+00 : f32
      %broadcast_in_dim3A_229 = vector.broadcast %broadcast_in_dim3A_228 : f32 to vector<16xf32>
      %broadcast_in_dim3A_230 = arith.constant 0.000000e+00 : f32
      %broadcast_in_dim3A_231 = vector.broadcast %broadcast_in_dim3A_230 : f32 to vector<16xf32>
      %broadcast_in_dim3A_232 = arith.constant 0.000000e+00 : f32
      %broadcast_in_dim3A_233 = vector.broadcast %broadcast_in_dim3A_232 : f32 to vector<16xf32>
      %broadcast_in_dim3A_234 = arith.constant 0.000000e+00 : f32
      %broadcast_in_dim3A_235 = vector.broadcast %broadcast_in_dim3A_234 : f32 to vector<16xf32>
      %broadcast_in_dim3A_236 = arith.constant 0.000000e+00 : f32
      %broadcast_in_dim3A_237 = vector.broadcast %broadcast_in_dim3A_236 : f32 to vector<16xf32>
      %while3A_238 = arith.constant 0 : i32
      %while3A_239 = arith.subi %select_n3A, %while3A_238 : i32
      %while3A_240 = arith.addi %while3A_238, %while3A_239 : i32
      %while3A_241 = arith.constant 1 : i32
      %while3A_242 = arith.divsi %while3A_239, %while3A_241 : i32
      %while3A_243 = arith.muli %while3A_242, %while3A_241 : i32
      %while3A_244 = arith.addi %while3A_238, %while3A_243 : i32
      %while3A_245 = arith.constant 1 : i32
      %while3A_246:8 = scf.for %while3A_416 = %while3A_238 to %while3A_244 step %while3A_245 iter_args(%while3A_417 = %broadcast_in_dim3A_223, %while3A_418 = %broadcast_in_dim3A_225, %while3A_419 = %broadcast_in_dim3A_227, %while3A_420 = %broadcast_in_dim3A_229, %while3A_421 = %broadcast_in_dim3A_231, %while3A_422 = %broadcast_in_dim3A_233, %while3A_423 = %broadcast_in_dim3A_235, %while3A_424 = %broadcast_in_dim3A_237) -> (vector<16xf32>, vector<16xf32>, vector<16xf32>, vector<16xf32>, vector<16xf32>, vector<16xf32>, vector<16xf32>, vector<16xf32>)  : i32 {
        %mul3A_425 = arith.constant 64 : i32
        %mul3A_426 = arith.muli %while3A_416, %mul3A_425 : i32
        %add3A_427 = arith.addi %squeeze3A_95, %mul3A_426 : i32
        %jit3A_428 = arith.constant 8 : i32
        %div3A_429 = arith.divsi %add3A_427, %jit3A_428 : i32
        %sign3A_430 = arith.constant 0 : i32
        %sign3A_431 = arith.cmpi sgt, %add3A_427, %sign3A_430 : i32
        %sign3A_432 = arith.extui %sign3A_431 : i1 to i32
        %sign3A_433 = arith.constant 0 : i32
        %sign3A_434 = arith.cmpi slt, %add3A_427, %sign3A_433 : i32
        %sign3A_435 = arith.extui %sign3A_434 : i1 to i32
        %sign3A_436 = arith.subi %sign3A_432, %sign3A_435 : i32
        %sign3A_437 = arith.constant 0 : i32
        %sign3A_438 = arith.cmpi sgt, %jit3A_428, %sign3A_437 : i32
        %sign3A_439 = arith.extui %sign3A_438 : i1 to i32
        %sign3A_440 = arith.constant 0 : i32
        %sign3A_441 = arith.cmpi slt, %jit3A_428, %sign3A_440 : i32
        %sign3A_442 = arith.extui %sign3A_441 : i1 to i32
        %sign3A_443 = arith.subi %sign3A_439, %sign3A_442 : i32
        %ne3A_444 = arith.cmpi ne, %sign3A_436, %sign3A_443 : i32
        %rem3A_445 = arith.remsi %add3A_427, %jit3A_428 : i32
        %ne3A_446 = arith.constant 0 : i32
        %ne3A_447 = arith.cmpi ne, %rem3A_445, %ne3A_446 : i32
        %and3A_448 = arith.andi %ne3A_444, %ne3A_447 : i1
        %sub3A_449 = arith.constant 1 : i32
        %sub3A_450 = arith.subi %div3A_429, %sub3A_449 : i32
        %select_n3A_451 = arith.select %and3A_448, %sub3A_450, %div3A_429 : i32
        %mul3A_452 = arith.constant 8 : i32
        %mul3A_453 = arith.muli %select_n3A_451, %mul3A_452 : i32
        %min3A_454 = arith.constant 319928 : i32
        %min3A_455 = arith.minsi %mul3A_453, %min3A_454 : i32
        %gt3A = arith.constant 1 : i32
        %gt3A_456 = arith.cmpi sgt, %select_n3A, %gt3A : i32
        %convert_element_type3A_457 = arith.extui %gt3A_456 : i1 to i32
        %cond3A = arith.constant 0 : i32
        %cond3A_458 = arith.cmpi ne, %convert_element_type3A_457, %cond3A : i32
        scf.if %cond3A_458 {
          "tpu.region"() ({
            %run_scoped3A = tpu.sem_alloc : memref<!tpu.dma_semaphore, #tpu.memory_space<semaphore_mem>>
            %dma_start3A = arith.constant 0 : i32
            %dma_start3A_510 = tpu.memref_slice %arg2[%min3A_455, %dma_start3A] : memref<320000x128xf32, #tpu.memory_space<hbm>> -> memref<72x128xf32, #tpu.memory_space<hbm>>
            %dma_start3A_511 = arith.constant 0 : i32
            %dma_start3A_512 = tpu.memref_slice %arg2[%min3A_455, %dma_start3A_511] : memref<320000x128xf32, #tpu.memory_space<hbm>> -> memref<72x128xf32, #tpu.memory_space<hbm>>
            tpu.enqueue_dma source(%dma_start3A_512 : memref<72x128xf32, #tpu.memory_space<hbm>>) target(%arg8 : memref<72x128xf32, #tpu.memory_space<vmem>>) target_semaphore(%run_scoped3A : memref<!tpu.dma_semaphore, #tpu.memory_space<semaphore_mem>>)
            %dma_wait3A = arith.constant 0 : i32
            %dma_wait3A_513 = tpu.memref_slice %arg2[%min3A_455, %dma_wait3A] : memref<320000x128xf32, #tpu.memory_space<hbm>> -> memref<72x128xf32, #tpu.memory_space<hbm>>
            %dma_wait3A_514 = arith.constant 0 : i32
            %dma_wait3A_515 = tpu.memref_slice %arg2[%min3A_455, %dma_wait3A_514] : memref<320000x128xf32, #tpu.memory_space<hbm>> -> memref<72x128xf32, #tpu.memory_space<hbm>>
            tpu.wait_dma2 semaphore(%run_scoped3A : memref<!tpu.dma_semaphore, #tpu.memory_space<semaphore_mem>>) src(%dma_wait3A_515 : memref<72x128xf32, #tpu.memory_space<hbm>>) dst(%arg8 : memref<72x128xf32, #tpu.memory_space<vmem>>)
            tpu.yield
          }) : () -> ()
        } else {
        }
        %sub3A_459 = arith.subi %squeeze3A_97, %add3A_427 : i32
        %min3A_460 = arith.constant 64 : i32
        %min3A_461 = arith.minsi %sub3A_459, %min3A_460 : i32
        %sub3A_462 = arith.subi %add3A_427, %min3A_455 : i32
        %jit3A_463 = arith.constant 4 : i32
        %div3A_464 = arith.divsi %min3A_461, %jit3A_463 : i32
        %sign3A_465 = arith.constant 0 : i32
        %sign3A_466 = arith.cmpi sgt, %min3A_461, %sign3A_465 : i32
        %sign3A_467 = arith.extui %sign3A_466 : i1 to i32
        %sign3A_468 = arith.constant 0 : i32
        %sign3A_469 = arith.cmpi slt, %min3A_461, %sign3A_468 : i32
        %sign3A_470 = arith.extui %sign3A_469 : i1 to i32
        %sign3A_471 = arith.subi %sign3A_467, %sign3A_470 : i32
        %sign3A_472 = arith.constant 0 : i32
        %sign3A_473 = arith.cmpi sgt, %jit3A_463, %sign3A_472 : i32
        %sign3A_474 = arith.extui %sign3A_473 : i1 to i32
        %sign3A_475 = arith.constant 0 : i32
        %sign3A_476 = arith.cmpi slt, %jit3A_463, %sign3A_475 : i32
        %sign3A_477 = arith.extui %sign3A_476 : i1 to i32
        %sign3A_478 = arith.subi %sign3A_474, %sign3A_477 : i32
        %ne3A_479 = arith.cmpi ne, %sign3A_471, %sign3A_478 : i32
        %rem3A_480 = arith.remsi %min3A_461, %jit3A_463 : i32
        %ne3A_481 = arith.constant 0 : i32
        %ne3A_482 = arith.cmpi ne, %rem3A_480, %ne3A_481 : i32
        %and3A_483 = arith.andi %ne3A_479, %ne3A_482 : i1
        %sub3A_484 = arith.constant 1 : i32
        %sub3A_485 = arith.subi %div3A_464, %sub3A_484 : i32
        %select_n3A_486 = arith.select %and3A_483, %sub3A_485, %div3A_464 : i32
        %while3A_487 = arith.constant 0 : i32
        %while3A_488 = arith.subi %select_n3A_486, %while3A_487 : i32
        %while3A_489 = arith.addi %while3A_487, %while3A_488 : i32
        %while3A_490 = arith.constant 1 : i32
        %while3A_491 = arith.divsi %while3A_488, %while3A_490 : i32
        %while3A_492 = arith.muli %while3A_491, %while3A_490 : i32
        %while3A_493 = arith.addi %while3A_487, %while3A_492 : i32
        %while3A_494 = arith.constant 1 : i32
        %while3A_495:8 = scf.for %while3A_510 = %while3A_487 to %while3A_493 step %while3A_494 iter_args(%while3A_511 = %while3A_417, %while3A_512 = %while3A_418, %while3A_513 = %while3A_419, %while3A_514 = %while3A_420, %while3A_515 = %while3A_421, %while3A_516 = %while3A_422, %while3A_517 = %while3A_423, %while3A_518 = %while3A_424) -> (vector<16xf32>, vector<16xf32>, vector<16xf32>, vector<16xf32>, vector<16xf32>, vector<16xf32>, vector<16xf32>, vector<16xf32>)  : i32 {
          %mul3A_519 = arith.constant 4 : i32
          %mul3A_520 = arith.muli %while3A_510, %mul3A_519 : i32
          %add3A_521 = arith.addi %sub3A_462, %mul3A_520 : i32
          %add3A_522 = arith.constant 0 : i32
          %add3A_523 = arith.addi %add3A_521, %add3A_522 : i32
          %get3A_524 = arith.index_cast %add3A_523 : i32 to index
          %get3A_525 = arith.constant 0 : index
          %get3A_526 = tpu.vector_load %arg8[%get3A_524, %get3A_525] {strides = array<i32>} : memref<72x128xf32, #tpu.memory_space<vmem>>, vector<1x16xf32>,
          %get3A_527 = vector.shape_cast %get3A_526 : vector<1x16xf32> to vector<16xf32>
          %get3A_528 = arith.index_cast %add3A_523 : i32 to index
          %get3A_529 = arith.constant 16 : index
          %get3A_530 = tpu.vector_load %arg8[%get3A_528, %get3A_529] {strides = array<i32>} : memref<72x128xf32, #tpu.memory_space<vmem>>, vector<1x16xf32>,
          %get3A_531 = vector.shape_cast %get3A_530 : vector<1x16xf32> to vector<16xf32>
          %get3A_532 = arith.index_cast %add3A_523 : i32 to index
          %get3A_533 = arith.constant 32 : index
          %get3A_534 = tpu.vector_load %arg8[%get3A_532, %get3A_533] {strides = array<i32>} : memref<72x128xf32, #tpu.memory_space<vmem>>, vector<1x16xf32>,
          %get3A_535 = vector.shape_cast %get3A_534 : vector<1x16xf32> to vector<16xf32>
          %get3A_536 = arith.index_cast %add3A_523 : i32 to index
          %get3A_537 = arith.constant 48 : index
          %get3A_538 = tpu.vector_load %arg8[%get3A_536, %get3A_537] {strides = array<i32>} : memref<72x128xf32, #tpu.memory_space<vmem>>, vector<1x16xf32>,
          %get3A_539 = vector.shape_cast %get3A_538 : vector<1x16xf32> to vector<16xf32>
          %get3A_540 = arith.index_cast %add3A_523 : i32 to index
          %get3A_541 = arith.constant 64 : index
          %get3A_542 = tpu.vector_load %arg8[%get3A_540, %get3A_541] {strides = array<i32>} : memref<72x128xf32, #tpu.memory_space<vmem>>, vector<1x16xf32>,
          %get3A_543 = vector.shape_cast %get3A_542 : vector<1x16xf32> to vector<16xf32>
          %get3A_544 = arith.index_cast %add3A_523 : i32 to index
          %get3A_545 = arith.constant 80 : index
          %get3A_546 = tpu.vector_load %arg8[%get3A_544, %get3A_545] {strides = array<i32>} : memref<72x128xf32, #tpu.memory_space<vmem>>, vector<1x16xf32>,
          %get3A_547 = vector.shape_cast %get3A_546 : vector<1x16xf32> to vector<16xf32>
          %get3A_548 = arith.index_cast %add3A_523 : i32 to index
          %get3A_549 = arith.constant 96 : index
          %get3A_550 = tpu.vector_load %arg8[%get3A_548, %get3A_549] {strides = array<i32>} : memref<72x128xf32, #tpu.memory_space<vmem>>, vector<1x16xf32>,
          %get3A_551 = vector.shape_cast %get3A_550 : vector<1x16xf32> to vector<16xf32>
          %get3A_552 = arith.index_cast %add3A_523 : i32 to index
          %get3A_553 = arith.constant 112 : index
          %get3A_554 = tpu.vector_load %arg8[%get3A_552, %get3A_553] {strides = array<i32>} : memref<72x128xf32, #tpu.memory_space<vmem>>, vector<1x16xf32>,
          %get3A_555 = vector.shape_cast %get3A_554 : vector<1x16xf32> to vector<16xf32>
          %sub3A_556 = arith.subf %get3A_527, %add3A_179 : vector<16xf32>
          %max3A_557 = arith.constant 0.000000e+00 : f32
          %max3A_558 = vector.broadcast %max3A_557 : f32 to vector<16xf32>
          %max3A_559 = arith.maximumf %sub3A_556, %max3A_558 : vector<16xf32>
          %add3A_560 = arith.addf %while3A_511, %max3A_559 : vector<16xf32>
          %sub3A_561 = arith.subf %get3A_531, %add3A_185 : vector<16xf32>
          %max3A_562 = arith.constant 0.000000e+00 : f32
          %max3A_563 = vector.broadcast %max3A_562 : f32 to vector<16xf32>
          %max3A_564 = arith.maximumf %sub3A_561, %max3A_563 : vector<16xf32>
          %add3A_565 = arith.addf %while3A_512, %max3A_564 : vector<16xf32>
          %sub3A_566 = arith.subf %get3A_535, %add3A_191 : vector<16xf32>
          %max3A_567 = arith.constant 0.000000e+00 : f32
          %max3A_568 = vector.broadcast %max3A_567 : f32 to vector<16xf32>
          %max3A_569 = arith.maximumf %sub3A_566, %max3A_568 : vector<16xf32>
          %add3A_570 = arith.addf %while3A_513, %max3A_569 : vector<16xf32>
          %sub3A_571 = arith.subf %get3A_539, %add3A_197 : vector<16xf32>
          %max3A_572 = arith.constant 0.000000e+00 : f32
          %max3A_573 = vector.broadcast %max3A_572 : f32 to vector<16xf32>
          %max3A_574 = arith.maximumf %sub3A_571, %max3A_573 : vector<16xf32>
          %add3A_575 = arith.addf %while3A_514, %max3A_574 : vector<16xf32>
          %sub3A_576 = arith.subf %get3A_543, %add3A_203 : vector<16xf32>
          %max3A_577 = arith.constant 0.000000e+00 : f32
          %max3A_578 = vector.broadcast %max3A_577 : f32 to vector<16xf32>
          %max3A_579 = arith.maximumf %sub3A_576, %max3A_578 : vector<16xf32>
          %add3A_580 = arith.addf %while3A_515, %max3A_579 : vector<16xf32>
          %sub3A_581 = arith.subf %get3A_547, %add3A_209 : vector<16xf32>
          %max3A_582 = arith.constant 0.000000e+00 : f32
          %max3A_583 = vector.broadcast %max3A_582 : f32 to vector<16xf32>
          %max3A_584 = arith.maximumf %sub3A_581, %max3A_583 : vector<16xf32>
          %add3A_585 = arith.addf %while3A_516, %max3A_584 : vector<16xf32>
          %sub3A_586 = arith.subf %get3A_551, %add3A_215 : vector<16xf32>
          %max3A_587 = arith.constant 0.000000e+00 : f32
          %max3A_588 = vector.broadcast %max3A_587 : f32 to vector<16xf32>
          %max3A_589 = arith.maximumf %sub3A_586, %max3A_588 : vector<16xf32>
          %add3A_590 = arith.addf %while3A_517, %max3A_589 : vector<16xf32>
          %sub3A_591 = arith.subf %get3A_555, %add3A_221 : vector<16xf32>
          %max3A_592 = arith.constant 0.000000e+00 : f32
          %max3A_593 = vector.broadcast %max3A_592 : f32 to vector<16xf32>
          %max3A_594 = arith.maximumf %sub3A_591, %max3A_593 : vector<16xf32>
          %add3A_595 = arith.addf %while3A_518, %max3A_594 : vector<16xf32>
          %add3A_596 = arith.constant 1 : i32
          %add3A_597 = arith.addi %add3A_521, %add3A_596 : i32
          %get3A_598 = arith.index_cast %add3A_597 : i32 to index
          %get3A_599 = arith.constant 0 : index
          %get3A_600 = tpu.vector_load %arg8[%get3A_598, %get3A_599] {strides = array<i32>} : memref<72x128xf32, #tpu.memory_space<vmem>>, vector<1x16xf32>,
          %get3A_601 = vector.shape_cast %get3A_600 : vector<1x16xf32> to vector<16xf32>
          %get3A_602 = arith.index_cast %add3A_597 : i32 to index
          %get3A_603 = arith.constant 16 : index
          %get3A_604 = tpu.vector_load %arg8[%get3A_602, %get3A_603] {strides = array<i32>} : memref<72x128xf32, #tpu.memory_space<vmem>>, vector<1x16xf32>,
          %get3A_605 = vector.shape_cast %get3A_604 : vector<1x16xf32> to vector<16xf32>
          %get3A_606 = arith.index_cast %add3A_597 : i32 to index
          %get3A_607 = arith.constant 32 : index
          %get3A_608 = tpu.vector_load %arg8[%get3A_606, %get3A_607] {strides = array<i32>} : memref<72x128xf32, #tpu.memory_space<vmem>>, vector<1x16xf32>,
          %get3A_609 = vector.shape_cast %get3A_608 : vector<1x16xf32> to vector<16xf32>
          %get3A_610 = arith.index_cast %add3A_597 : i32 to index
          %get3A_611 = arith.constant 48 : index
          %get3A_612 = tpu.vector_load %arg8[%get3A_610, %get3A_611] {strides = array<i32>} : memref<72x128xf32, #tpu.memory_space<vmem>>, vector<1x16xf32>,
          %get3A_613 = vector.shape_cast %get3A_612 : vector<1x16xf32> to vector<16xf32>
          %get3A_614 = arith.index_cast %add3A_597 : i32 to index
          %get3A_615 = arith.constant 64 : index
          %get3A_616 = tpu.vector_load %arg8[%get3A_614, %get3A_615] {strides = array<i32>} : memref<72x128xf32, #tpu.memory_space<vmem>>, vector<1x16xf32>,
          %get3A_617 = vector.shape_cast %get3A_616 : vector<1x16xf32> to vector<16xf32>
          %get3A_618 = arith.index_cast %add3A_597 : i32 to index
          %get3A_619 = arith.constant 80 : index
          %get3A_620 = tpu.vector_load %arg8[%get3A_618, %get3A_619] {strides = array<i32>} : memref<72x128xf32, #tpu.memory_space<vmem>>, vector<1x16xf32>,
          %get3A_621 = vector.shape_cast %get3A_620 : vector<1x16xf32> to vector<16xf32>
          %get3A_622 = arith.index_cast %add3A_597 : i32 to index
          %get3A_623 = arith.constant 96 : index
          %get3A_624 = tpu.vector_load %arg8[%get3A_622, %get3A_623] {strides = array<i32>} : memref<72x128xf32, #tpu.memory_space<vmem>>, vector<1x16xf32>,
          %get3A_625 = vector.shape_cast %get3A_624 : vector<1x16xf32> to vector<16xf32>
          %get3A_626 = arith.index_cast %add3A_597 : i32 to index
          %get3A_627 = arith.constant 112 : index
          %get3A_628 = tpu.vector_load %arg8[%get3A_626, %get3A_627] {strides = array<i32>} : memref<72x128xf32, #tpu.memory_space<vmem>>, vector<1x16xf32>,
          %get3A_629 = vector.shape_cast %get3A_628 : vector<1x16xf32> to vector<16xf32>
          %sub3A_630 = arith.subf %get3A_601, %add3A_179 : vector<16xf32>
          %max3A_631 = arith.constant 0.000000e+00 : f32
          %max3A_632 = vector.broadcast %max3A_631 : f32 to vector<16xf32>
          %max3A_633 = arith.maximumf %sub3A_630, %max3A_632 : vector<16xf32>
          %add3A_634 = arith.addf %add3A_560, %max3A_633 : vector<16xf32>
          %sub3A_635 = arith.subf %get3A_605, %add3A_185 : vector<16xf32>
          %max3A_636 = arith.constant 0.000000e+00 : f32
          %max3A_637 = vector.broadcast %max3A_636 : f32 to vector<16xf32>
          %max3A_638 = arith.maximumf %sub3A_635, %max3A_637 : vector<16xf32>
          %add3A_639 = arith.addf %add3A_565, %max3A_638 : vector<16xf32>
          %sub3A_640 = arith.subf %get3A_609, %add3A_191 : vector<16xf32>
          %max3A_641 = arith.constant 0.000000e+00 : f32
          %max3A_642 = vector.broadcast %max3A_641 : f32 to vector<16xf32>
          %max3A_643 = arith.maximumf %sub3A_640, %max3A_642 : vector<16xf32>
          %add3A_644 = arith.addf %add3A_570, %max3A_643 : vector<16xf32>
          %sub3A_645 = arith.subf %get3A_613, %add3A_197 : vector<16xf32>
          %max3A_646 = arith.constant 0.000000e+00 : f32
          %max3A_647 = vector.broadcast %max3A_646 : f32 to vector<16xf32>
          %max3A_648 = arith.maximumf %sub3A_645, %max3A_647 : vector<16xf32>
          %add3A_649 = arith.addf %add3A_575, %max3A_648 : vector<16xf32>
          %sub3A_650 = arith.subf %get3A_617, %add3A_203 : vector<16xf32>
          %max3A_651 = arith.constant 0.000000e+00 : f32
          %max3A_652 = vector.broadcast %max3A_651 : f32 to vector<16xf32>
          %max3A_653 = arith.maximumf %sub3A_650, %max3A_652 : vector<16xf32>
          %add3A_654 = arith.addf %add3A_580, %max3A_653 : vector<16xf32>
          %sub3A_655 = arith.subf %get3A_621, %add3A_209 : vector<16xf32>
          %max3A_656 = arith.constant 0.000000e+00 : f32
          %max3A_657 = vector.broadcast %max3A_656 : f32 to vector<16xf32>
          %max3A_658 = arith.maximumf %sub3A_655, %max3A_657 : vector<16xf32>
          %add3A_659 = arith.addf %add3A_585, %max3A_658 : vector<16xf32>
          %sub3A_660 = arith.subf %get3A_625, %add3A_215 : vector<16xf32>
          %max3A_661 = arith.constant 0.000000e+00 : f32
          %max3A_662 = vector.broadcast %max3A_661 : f32 to vector<16xf32>
          %max3A_663 = arith.maximumf %sub3A_660, %max3A_662 : vector<16xf32>
          %add3A_664 = arith.addf %add3A_590, %max3A_663 : vector<16xf32>
          %sub3A_665 = arith.subf %get3A_629, %add3A_221 : vector<16xf32>
          %max3A_666 = arith.constant 0.000000e+00 : f32
          %max3A_667 = vector.broadcast %max3A_666 : f32 to vector<16xf32>
          %max3A_668 = arith.maximumf %sub3A_665, %max3A_667 : vector<16xf32>
          %add3A_669 = arith.addf %add3A_595, %max3A_668 : vector<16xf32>
          %add3A_670 = arith.constant 2 : i32
          %add3A_671 = arith.addi %add3A_521, %add3A_670 : i32
          %get3A_672 = arith.index_cast %add3A_671 : i32 to index
          %get3A_673 = arith.constant 0 : index
          %get3A_674 = tpu.vector_load %arg8[%get3A_672, %get3A_673] {strides = array<i32>} : memref<72x128xf32, #tpu.memory_space<vmem>>, vector<1x16xf32>,
          %get3A_675 = vector.shape_cast %get3A_674 : vector<1x16xf32> to vector<16xf32>
          %get3A_676 = arith.index_cast %add3A_671 : i32 to index
          %get3A_677 = arith.constant 16 : index
          %get3A_678 = tpu.vector_load %arg8[%get3A_676, %get3A_677] {strides = array<i32>} : memref<72x128xf32, #tpu.memory_space<vmem>>, vector<1x16xf32>,
          %get3A_679 = vector.shape_cast %get3A_678 : vector<1x16xf32> to vector<16xf32>
          %get3A_680 = arith.index_cast %add3A_671 : i32 to index
          %get3A_681 = arith.constant 32 : index
          %get3A_682 = tpu.vector_load %arg8[%get3A_680, %get3A_681] {strides = array<i32>} : memref<72x128xf32, #tpu.memory_space<vmem>>, vector<1x16xf32>,
          %get3A_683 = vector.shape_cast %get3A_682 : vector<1x16xf32> to vector<16xf32>
          %get3A_684 = arith.index_cast %add3A_671 : i32 to index
          %get3A_685 = arith.constant 48 : index
          %get3A_686 = tpu.vector_load %arg8[%get3A_684, %get3A_685] {strides = array<i32>} : memref<72x128xf32, #tpu.memory_space<vmem>>, vector<1x16xf32>,
          %get3A_687 = vector.shape_cast %get3A_686 : vector<1x16xf32> to vector<16xf32>
          %get3A_688 = arith.index_cast %add3A_671 : i32 to index
          %get3A_689 = arith.constant 64 : index
          %get3A_690 = tpu.vector_load %arg8[%get3A_688, %get3A_689] {strides = array<i32>} : memref<72x128xf32, #tpu.memory_space<vmem>>, vector<1x16xf32>,
          %get3A_691 = vector.shape_cast %get3A_690 : vector<1x16xf32> to vector<16xf32>
          %get3A_692 = arith.index_cast %add3A_671 : i32 to index
          %get3A_693 = arith.constant 80 : index
          %get3A_694 = tpu.vector_load %arg8[%get3A_692, %get3A_693] {strides = array<i32>} : memref<72x128xf32, #tpu.memory_space<vmem>>, vector<1x16xf32>,
          %get3A_695 = vector.shape_cast %get3A_694 : vector<1x16xf32> to vector<16xf32>
          %get3A_696 = arith.index_cast %add3A_671 : i32 to index
          %get3A_697 = arith.constant 96 : index
          %get3A_698 = tpu.vector_load %arg8[%get3A_696, %get3A_697] {strides = array<i32>} : memref<72x128xf32, #tpu.memory_space<vmem>>, vector<1x16xf32>,
          %get3A_699 = vector.shape_cast %get3A_698 : vector<1x16xf32> to vector<16xf32>
          %get3A_700 = arith.index_cast %add3A_671 : i32 to index
          %get3A_701 = arith.constant 112 : index
          %get3A_702 = tpu.vector_load %arg8[%get3A_700, %get3A_701] {strides = array<i32>} : memref<72x128xf32, #tpu.memory_space<vmem>>, vector<1x16xf32>,
          %get3A_703 = vector.shape_cast %get3A_702 : vector<1x16xf32> to vector<16xf32>
          %sub3A_704 = arith.subf %get3A_675, %add3A_179 : vector<16xf32>
          %max3A_705 = arith.constant 0.000000e+00 : f32
          %max3A_706 = vector.broadcast %max3A_705 : f32 to vector<16xf32>
          %max3A_707 = arith.maximumf %sub3A_704, %max3A_706 : vector<16xf32>
          %add3A_708 = arith.addf %add3A_634, %max3A_707 : vector<16xf32>
          %sub3A_709 = arith.subf %get3A_679, %add3A_185 : vector<16xf32>
          %max3A_710 = arith.constant 0.000000e+00 : f32
          %max3A_711 = vector.broadcast %max3A_710 : f32 to vector<16xf32>
          %max3A_712 = arith.maximumf %sub3A_709, %max3A_711 : vector<16xf32>
          %add3A_713 = arith.addf %add3A_639, %max3A_712 : vector<16xf32>
          %sub3A_714 = arith.subf %get3A_683, %add3A_191 : vector<16xf32>
          %max3A_715 = arith.constant 0.000000e+00 : f32
          %max3A_716 = vector.broadcast %max3A_715 : f32 to vector<16xf32>
          %max3A_717 = arith.maximumf %sub3A_714, %max3A_716 : vector<16xf32>
          %add3A_718 = arith.addf %add3A_644, %max3A_717 : vector<16xf32>
          %sub3A_719 = arith.subf %get3A_687, %add3A_197 : vector<16xf32>
          %max3A_720 = arith.constant 0.000000e+00 : f32
          %max3A_721 = vector.broadcast %max3A_720 : f32 to vector<16xf32>
          %max3A_722 = arith.maximumf %sub3A_719, %max3A_721 : vector<16xf32>
          %add3A_723 = arith.addf %add3A_649, %max3A_722 : vector<16xf32>
          %sub3A_724 = arith.subf %get3A_691, %add3A_203 : vector<16xf32>
          %max3A_725 = arith.constant 0.000000e+00 : f32
          %max3A_726 = vector.broadcast %max3A_725 : f32 to vector<16xf32>
          %max3A_727 = arith.maximumf %sub3A_724, %max3A_726 : vector<16xf32>
          %add3A_728 = arith.addf %add3A_654, %max3A_727 : vector<16xf32>
          %sub3A_729 = arith.subf %get3A_695, %add3A_209 : vector<16xf32>
          %max3A_730 = arith.constant 0.000000e+00 : f32
          %max3A_731 = vector.broadcast %max3A_730 : f32 to vector<16xf32>
          %max3A_732 = arith.maximumf %sub3A_729, %max3A_731 : vector<16xf32>
          %add3A_733 = arith.addf %add3A_659, %max3A_732 : vector<16xf32>
          %sub3A_734 = arith.subf %get3A_699, %add3A_215 : vector<16xf32>
          %max3A_735 = arith.constant 0.000000e+00 : f32
          %max3A_736 = vector.broadcast %max3A_735 : f32 to vector<16xf32>
          %max3A_737 = arith.maximumf %sub3A_734, %max3A_736 : vector<16xf32>
          %add3A_738 = arith.addf %add3A_664, %max3A_737 : vector<16xf32>
          %sub3A_739 = arith.subf %get3A_703, %add3A_221 : vector<16xf32>
          %max3A_740 = arith.constant 0.000000e+00 : f32
          %max3A_741 = vector.broadcast %max3A_740 : f32 to vector<16xf32>
          %max3A_742 = arith.maximumf %sub3A_739, %max3A_741 : vector<16xf32>
          %add3A_743 = arith.addf %add3A_669, %max3A_742 : vector<16xf32>
          %add3A_744 = arith.constant 3 : i32
          %add3A_745 = arith.addi %add3A_521, %add3A_744 : i32
          %get3A_746 = arith.index_cast %add3A_745 : i32 to index
          %get3A_747 = arith.constant 0 : index
          %get3A_748 = tpu.vector_load %arg8[%get3A_746, %get3A_747] {strides = array<i32>} : memref<72x128xf32, #tpu.memory_space<vmem>>, vector<1x16xf32>,
          %get3A_749 = vector.shape_cast %get3A_748 : vector<1x16xf32> to vector<16xf32>
          %get3A_750 = arith.index_cast %add3A_745 : i32 to index
          %get3A_751 = arith.constant 16 : index
          %get3A_752 = tpu.vector_load %arg8[%get3A_750, %get3A_751] {strides = array<i32>} : memref<72x128xf32, #tpu.memory_space<vmem>>, vector<1x16xf32>,
          %get3A_753 = vector.shape_cast %get3A_752 : vector<1x16xf32> to vector<16xf32>
          %get3A_754 = arith.index_cast %add3A_745 : i32 to index
          %get3A_755 = arith.constant 32 : index
          %get3A_756 = tpu.vector_load %arg8[%get3A_754, %get3A_755] {strides = array<i32>} : memref<72x128xf32, #tpu.memory_space<vmem>>, vector<1x16xf32>,
          %get3A_757 = vector.shape_cast %get3A_756 : vector<1x16xf32> to vector<16xf32>
          %get3A_758 = arith.index_cast %add3A_745 : i32 to index
          %get3A_759 = arith.constant 48 : index
          %get3A_760 = tpu.vector_load %arg8[%get3A_758, %get3A_759] {strides = array<i32>} : memref<72x128xf32, #tpu.memory_space<vmem>>, vector<1x16xf32>,
          %get3A_761 = vector.shape_cast %get3A_760 : vector<1x16xf32> to vector<16xf32>
          %get3A_762 = arith.index_cast %add3A_745 : i32 to index
          %get3A_763 = arith.constant 64 : index
          %get3A_764 = tpu.vector_load %arg8[%get3A_762, %get3A_763] {strides = array<i32>} : memref<72x128xf32, #tpu.memory_space<vmem>>, vector<1x16xf32>,
          %get3A_765 = vector.shape_cast %get3A_764 : vector<1x16xf32> to vector<16xf32>
          %get3A_766 = arith.index_cast %add3A_745 : i32 to index
          %get3A_767 = arith.constant 80 : index
          %get3A_768 = tpu.vector_load %arg8[%get3A_766, %get3A_767] {strides = array<i32>} : memref<72x128xf32, #tpu.memory_space<vmem>>, vector<1x16xf32>,
          %get3A_769 = vector.shape_cast %get3A_768 : vector<1x16xf32> to vector<16xf32>
          %get3A_770 = arith.index_cast %add3A_745 : i32 to index
          %get3A_771 = arith.constant 96 : index
          %get3A_772 = tpu.vector_load %arg8[%get3A_770, %get3A_771] {strides = array<i32>} : memref<72x128xf32, #tpu.memory_space<vmem>>, vector<1x16xf32>,
          %get3A_773 = vector.shape_cast %get3A_772 : vector<1x16xf32> to vector<16xf32>
          %get3A_774 = arith.index_cast %add3A_745 : i32 to index
          %get3A_775 = arith.constant 112 : index
          %get3A_776 = tpu.vector_load %arg8[%get3A_774, %get3A_775] {strides = array<i32>} : memref<72x128xf32, #tpu.memory_space<vmem>>, vector<1x16xf32>,
          %get3A_777 = vector.shape_cast %get3A_776 : vector<1x16xf32> to vector<16xf32>
          %sub3A_778 = arith.subf %get3A_749, %add3A_179 : vector<16xf32>
          %max3A_779 = arith.constant 0.000000e+00 : f32
          %max3A_780 = vector.broadcast %max3A_779 : f32 to vector<16xf32>
          %max3A_781 = arith.maximumf %sub3A_778, %max3A_780 : vector<16xf32>
          %add3A_782 = arith.addf %add3A_708, %max3A_781 : vector<16xf32>
          %sub3A_783 = arith.subf %get3A_753, %add3A_185 : vector<16xf32>
          %max3A_784 = arith.constant 0.000000e+00 : f32
          %max3A_785 = vector.broadcast %max3A_784 : f32 to vector<16xf32>
          %max3A_786 = arith.maximumf %sub3A_783, %max3A_785 : vector<16xf32>
          %add3A_787 = arith.addf %add3A_713, %max3A_786 : vector<16xf32>
          %sub3A_788 = arith.subf %get3A_757, %add3A_191 : vector<16xf32>
          %max3A_789 = arith.constant 0.000000e+00 : f32
          %max3A_790 = vector.broadcast %max3A_789 : f32 to vector<16xf32>
          %max3A_791 = arith.maximumf %sub3A_788, %max3A_790 : vector<16xf32>
          %add3A_792 = arith.addf %add3A_718, %max3A_791 : vector<16xf32>
          %sub3A_793 = arith.subf %get3A_761, %add3A_197 : vector<16xf32>
          %max3A_794 = arith.constant 0.000000e+00 : f32
          %max3A_795 = vector.broadcast %max3A_794 : f32 to vector<16xf32>
          %max3A_796 = arith.maximumf %sub3A_793, %max3A_795 : vector<16xf32>
          %add3A_797 = arith.addf %add3A_723, %max3A_796 : vector<16xf32>
          %sub3A_798 = arith.subf %get3A_765, %add3A_203 : vector<16xf32>
          %max3A_799 = arith.constant 0.000000e+00 : f32
          %max3A_800 = vector.broadcast %max3A_799 : f32 to vector<16xf32>
          %max3A_801 = arith.maximumf %sub3A_798, %max3A_800 : vector<16xf32>
          %add3A_802 = arith.addf %add3A_728, %max3A_801 : vector<16xf32>
          %sub3A_803 = arith.subf %get3A_769, %add3A_209 : vector<16xf32>
          %max3A_804 = arith.constant 0.000000e+00 : f32
          %max3A_805 = vector.broadcast %max3A_804 : f32 to vector<16xf32>
          %max3A_806 = arith.maximumf %sub3A_803, %max3A_805 : vector<16xf32>
          %add3A_807 = arith.addf %add3A_733, %max3A_806 : vector<16xf32>
          %sub3A_808 = arith.subf %get3A_773, %add3A_215 : vector<16xf32>
          %max3A_809 = arith.constant 0.000000e+00 : f32
          %max3A_810 = vector.broadcast %max3A_809 : f32 to vector<16xf32>
          %max3A_811 = arith.maximumf %sub3A_808, %max3A_810 : vector<16xf32>
          %add3A_812 = arith.addf %add3A_738, %max3A_811 : vector<16xf32>
          %sub3A_813 = arith.subf %get3A_777, %add3A_221 : vector<16xf32>
          %max3A_814 = arith.constant 0.000000e+00 : f32
          %max3A_815 = vector.broadcast %max3A_814 : f32 to vector<16xf32>
          %max3A_816 = arith.maximumf %sub3A_813, %max3A_815 : vector<16xf32>
          %add3A_817 = arith.addf %add3A_743, %max3A_816 : vector<16xf32>
          scf.yield %add3A_782, %add3A_787, %add3A_792, %add3A_797, %add3A_802, %add3A_807, %add3A_812, %add3A_817 : vector<16xf32>, vector<16xf32>, vector<16xf32>, vector<16xf32>, vector<16xf32>, vector<16xf32>, vector<16xf32>, vector<16xf32>
        }
        %while3A_496 = arith.constant 1 : i32
        %while3A_497:8 = scf.for %while3A_510 = %while3A_493 to %while3A_489 step %while3A_496 iter_args(%while3A_511 = %while3A_495#0, %while3A_512 = %while3A_495#1, %while3A_513 = %while3A_495#2, %while3A_514 = %while3A_495#3, %while3A_515 = %while3A_495#4, %while3A_516 = %while3A_495#5, %while3A_517 = %while3A_495#6, %while3A_518 = %while3A_495#7) -> (vector<16xf32>, vector<16xf32>, vector<16xf32>, vector<16xf32>, vector<16xf32>, vector<16xf32>, vector<16xf32>, vector<16xf32>)  : i32 {
          %mul3A_519 = arith.constant 4 : i32
          %mul3A_520 = arith.muli %while3A_510, %mul3A_519 : i32
          %add3A_521 = arith.addi %sub3A_462, %mul3A_520 : i32
          %add3A_522 = arith.constant 0 : i32
          %add3A_523 = arith.addi %add3A_521, %add3A_522 : i32
          %get3A_524 = arith.index_cast %add3A_523 : i32 to index
          %get3A_525 = arith.constant 0 : index
          %get3A_526 = tpu.vector_load %arg8[%get3A_524, %get3A_525] {strides = array<i32>} : memref<72x128xf32, #tpu.memory_space<vmem>>, vector<1x16xf32>,
          %get3A_527 = vector.shape_cast %get3A_526 : vector<1x16xf32> to vector<16xf32>
          %get3A_528 = arith.index_cast %add3A_523 : i32 to index
          %get3A_529 = arith.constant 16 : index
          %get3A_530 = tpu.vector_load %arg8[%get3A_528, %get3A_529] {strides = array<i32>} : memref<72x128xf32, #tpu.memory_space<vmem>>, vector<1x16xf32>,
          %get3A_531 = vector.shape_cast %get3A_530 : vector<1x16xf32> to vector<16xf32>
          %get3A_532 = arith.index_cast %add3A_523 : i32 to index
          %get3A_533 = arith.constant 32 : index
          %get3A_534 = tpu.vector_load %arg8[%get3A_532, %get3A_533] {strides = array<i32>} : memref<72x128xf32, #tpu.memory_space<vmem>>, vector<1x16xf32>,
          %get3A_535 = vector.shape_cast %get3A_534 : vector<1x16xf32> to vector<16xf32>
          %get3A_536 = arith.index_cast %add3A_523 : i32 to index
          %get3A_537 = arith.constant 48 : index
          %get3A_538 = tpu.vector_load %arg8[%get3A_536, %get3A_537] {strides = array<i32>} : memref<72x128xf32, #tpu.memory_space<vmem>>, vector<1x16xf32>,
          %get3A_539 = vector.shape_cast %get3A_538 : vector<1x16xf32> to vector<16xf32>
          %get3A_540 = arith.index_cast %add3A_523 : i32 to index
          %get3A_541 = arith.constant 64 : index
          %get3A_542 = tpu.vector_load %arg8[%get3A_540, %get3A_541] {strides = array<i32>} : memref<72x128xf32, #tpu.memory_space<vmem>>, vector<1x16xf32>,
          %get3A_543 = vector.shape_cast %get3A_542 : vector<1x16xf32> to vector<16xf32>
          %get3A_544 = arith.index_cast %add3A_523 : i32 to index
          %get3A_545 = arith.constant 80 : index
          %get3A_546 = tpu.vector_load %arg8[%get3A_544, %get3A_545] {strides = array<i32>} : memref<72x128xf32, #tpu.memory_space<vmem>>, vector<1x16xf32>,
          %get3A_547 = vector.shape_cast %get3A_546 : vector<1x16xf32> to vector<16xf32>
          %get3A_548 = arith.index_cast %add3A_523 : i32 to index
          %get3A_549 = arith.constant 96 : index
          %get3A_550 = tpu.vector_load %arg8[%get3A_548, %get3A_549] {strides = array<i32>} : memref<72x128xf32, #tpu.memory_space<vmem>>, vector<1x16xf32>,
          %get3A_551 = vector.shape_cast %get3A_550 : vector<1x16xf32> to vector<16xf32>
          %get3A_552 = arith.index_cast %add3A_523 : i32 to index
          %get3A_553 = arith.constant 112 : index
          %get3A_554 = tpu.vector_load %arg8[%get3A_552, %get3A_553] {strides = array<i32>} : memref<72x128xf32, #tpu.memory_space<vmem>>, vector<1x16xf32>,
          %get3A_555 = vector.shape_cast %get3A_554 : vector<1x16xf32> to vector<16xf32>
          %sub3A_556 = arith.subf %get3A_527, %add3A_179 : vector<16xf32>
          %max3A_557 = arith.constant 0.000000e+00 : f32
          %max3A_558 = vector.broadcast %max3A_557 : f32 to vector<16xf32>
          %max3A_559 = arith.maximumf %sub3A_556, %max3A_558 : vector<16xf32>
          %add3A_560 = arith.addf %while3A_511, %max3A_559 : vector<16xf32>
          %sub3A_561 = arith.subf %get3A_531, %add3A_185 : vector<16xf32>
          %max3A_562 = arith.constant 0.000000e+00 : f32
          %max3A_563 = vector.broadcast %max3A_562 : f32 to vector<16xf32>
          %max3A_564 = arith.maximumf %sub3A_561, %max3A_563 : vector<16xf32>
          %add3A_565 = arith.addf %while3A_512, %max3A_564 : vector<16xf32>
          %sub3A_566 = arith.subf %get3A_535, %add3A_191 : vector<16xf32>
          %max3A_567 = arith.constant 0.000000e+00 : f32
          %max3A_568 = vector.broadcast %max3A_567 : f32 to vector<16xf32>
          %max3A_569 = arith.maximumf %sub3A_566, %max3A_568 : vector<16xf32>
          %add3A_570 = arith.addf %while3A_513, %max3A_569 : vector<16xf32>
          %sub3A_571 = arith.subf %get3A_539, %add3A_197 : vector<16xf32>
          %max3A_572 = arith.constant 0.000000e+00 : f32
          %max3A_573 = vector.broadcast %max3A_572 : f32 to vector<16xf32>
          %max3A_574 = arith.maximumf %sub3A_571, %max3A_573 : vector<16xf32>
          %add3A_575 = arith.addf %while3A_514, %max3A_574 : vector<16xf32>
          %sub3A_576 = arith.subf %get3A_543, %add3A_203 : vector<16xf32>
          %max3A_577 = arith.constant 0.000000e+00 : f32
          %max3A_578 = vector.broadcast %max3A_577 : f32 to vector<16xf32>
          %max3A_579 = arith.maximumf %sub3A_576, %max3A_578 : vector<16xf32>
          %add3A_580 = arith.addf %while3A_515, %max3A_579 : vector<16xf32>
          %sub3A_581 = arith.subf %get3A_547, %add3A_209 : vector<16xf32>
          %max3A_582 = arith.constant 0.000000e+00 : f32
          %max3A_583 = vector.broadcast %max3A_582 : f32 to vector<16xf32>
          %max3A_584 = arith.maximumf %sub3A_581, %max3A_583 : vector<16xf32>
          %add3A_585 = arith.addf %while3A_516, %max3A_584 : vector<16xf32>
          %sub3A_586 = arith.subf %get3A_551, %add3A_215 : vector<16xf32>
          %max3A_587 = arith.constant 0.000000e+00 : f32
          %max3A_588 = vector.broadcast %max3A_587 : f32 to vector<16xf32>
          %max3A_589 = arith.maximumf %sub3A_586, %max3A_588 : vector<16xf32>
          %add3A_590 = arith.addf %while3A_517, %max3A_589 : vector<16xf32>
          %sub3A_591 = arith.subf %get3A_555, %add3A_221 : vector<16xf32>
          %max3A_592 = arith.constant 0.000000e+00 : f32
          %max3A_593 = vector.broadcast %max3A_592 : f32 to vector<16xf32>
          %max3A_594 = arith.maximumf %sub3A_591, %max3A_593 : vector<16xf32>
          %add3A_595 = arith.addf %while3A_518, %max3A_594 : vector<16xf32>
          %add3A_596 = arith.constant 1 : i32
          %add3A_597 = arith.addi %add3A_521, %add3A_596 : i32
          %get3A_598 = arith.index_cast %add3A_597 : i32 to index
          %get3A_599 = arith.constant 0 : index
          %get3A_600 = tpu.vector_load %arg8[%get3A_598, %get3A_599] {strides = array<i32>} : memref<72x128xf32, #tpu.memory_space<vmem>>, vector<1x16xf32>,
          %get3A_601 = vector.shape_cast %get3A_600 : vector<1x16xf32> to vector<16xf32>
          %get3A_602 = arith.index_cast %add3A_597 : i32 to index
          %get3A_603 = arith.constant 16 : index
          %get3A_604 = tpu.vector_load %arg8[%get3A_602, %get3A_603] {strides = array<i32>} : memref<72x128xf32, #tpu.memory_space<vmem>>, vector<1x16xf32>,
          %get3A_605 = vector.shape_cast %get3A_604 : vector<1x16xf32> to vector<16xf32>
          %get3A_606 = arith.index_cast %add3A_597 : i32 to index
          %get3A_607 = arith.constant 32 : index
          %get3A_608 = tpu.vector_load %arg8[%get3A_606, %get3A_607] {strides = array<i32>} : memref<72x128xf32, #tpu.memory_space<vmem>>, vector<1x16xf32>,
          %get3A_609 = vector.shape_cast %get3A_608 : vector<1x16xf32> to vector<16xf32>
          %get3A_610 = arith.index_cast %add3A_597 : i32 to index
          %get3A_611 = arith.constant 48 : index
          %get3A_612 = tpu.vector_load %arg8[%get3A_610, %get3A_611] {strides = array<i32>} : memref<72x128xf32, #tpu.memory_space<vmem>>, vector<1x16xf32>,
          %get3A_613 = vector.shape_cast %get3A_612 : vector<1x16xf32> to vector<16xf32>
          %get3A_614 = arith.index_cast %add3A_597 : i32 to index
          %get3A_615 = arith.constant 64 : index
          %get3A_616 = tpu.vector_load %arg8[%get3A_614, %get3A_615] {strides = array<i32>} : memref<72x128xf32, #tpu.memory_space<vmem>>, vector<1x16xf32>,
          %get3A_617 = vector.shape_cast %get3A_616 : vector<1x16xf32> to vector<16xf32>
          %get3A_618 = arith.index_cast %add3A_597 : i32 to index
          %get3A_619 = arith.constant 80 : index
          %get3A_620 = tpu.vector_load %arg8[%get3A_618, %get3A_619] {strides = array<i32>} : memref<72x128xf32, #tpu.memory_space<vmem>>, vector<1x16xf32>,
          %get3A_621 = vector.shape_cast %get3A_620 : vector<1x16xf32> to vector<16xf32>
          %get3A_622 = arith.index_cast %add3A_597 : i32 to index
          %get3A_623 = arith.constant 96 : index
          %get3A_624 = tpu.vector_load %arg8[%get3A_622, %get3A_623] {strides = array<i32>} : memref<72x128xf32, #tpu.memory_space<vmem>>, vector<1x16xf32>,
          %get3A_625 = vector.shape_cast %get3A_624 : vector<1x16xf32> to vector<16xf32>
          %get3A_626 = arith.index_cast %add3A_597 : i32 to index
          %get3A_627 = arith.constant 112 : index
          %get3A_628 = tpu.vector_load %arg8[%get3A_626, %get3A_627] {strides = array<i32>} : memref<72x128xf32, #tpu.memory_space<vmem>>, vector<1x16xf32>,
          %get3A_629 = vector.shape_cast %get3A_628 : vector<1x16xf32> to vector<16xf32>
          %sub3A_630 = arith.subf %get3A_601, %add3A_179 : vector<16xf32>
          %max3A_631 = arith.constant 0.000000e+00 : f32
          %max3A_632 = vector.broadcast %max3A_631 : f32 to vector<16xf32>
          %max3A_633 = arith.maximumf %sub3A_630, %max3A_632 : vector<16xf32>
          %add3A_634 = arith.addf %add3A_560, %max3A_633 : vector<16xf32>
          %sub3A_635 = arith.subf %get3A_605, %add3A_185 : vector<16xf32>
          %max3A_636 = arith.constant 0.000000e+00 : f32
          %max3A_637 = vector.broadcast %max3A_636 : f32 to vector<16xf32>
          %max3A_638 = arith.maximumf %sub3A_635, %max3A_637 : vector<16xf32>
          %add3A_639 = arith.addf %add3A_565, %max3A_638 : vector<16xf32>
          %sub3A_640 = arith.subf %get3A_609, %add3A_191 : vector<16xf32>
          %max3A_641 = arith.constant 0.000000e+00 : f32
          %max3A_642 = vector.broadcast %max3A_641 : f32 to vector<16xf32>
          %max3A_643 = arith.maximumf %sub3A_640, %max3A_642 : vector<16xf32>
          %add3A_644 = arith.addf %add3A_570, %max3A_643 : vector<16xf32>
          %sub3A_645 = arith.subf %get3A_613, %add3A_197 : vector<16xf32>
          %max3A_646 = arith.constant 0.000000e+00 : f32
          %max3A_647 = vector.broadcast %max3A_646 : f32 to vector<16xf32>
          %max3A_648 = arith.maximumf %sub3A_645, %max3A_647 : vector<16xf32>
          %add3A_649 = arith.addf %add3A_575, %max3A_648 : vector<16xf32>
          %sub3A_650 = arith.subf %get3A_617, %add3A_203 : vector<16xf32>
          %max3A_651 = arith.constant 0.000000e+00 : f32
          %max3A_652 = vector.broadcast %max3A_651 : f32 to vector<16xf32>
          %max3A_653 = arith.maximumf %sub3A_650, %max3A_652 : vector<16xf32>
          %add3A_654 = arith.addf %add3A_580, %max3A_653 : vector<16xf32>
          %sub3A_655 = arith.subf %get3A_621, %add3A_209 : vector<16xf32>
          %max3A_656 = arith.constant 0.000000e+00 : f32
          %max3A_657 = vector.broadcast %max3A_656 : f32 to vector<16xf32>
          %max3A_658 = arith.maximumf %sub3A_655, %max3A_657 : vector<16xf32>
          %add3A_659 = arith.addf %add3A_585, %max3A_658 : vector<16xf32>
          %sub3A_660 = arith.subf %get3A_625, %add3A_215 : vector<16xf32>
          %max3A_661 = arith.constant 0.000000e+00 : f32
          %max3A_662 = vector.broadcast %max3A_661 : f32 to vector<16xf32>
          %max3A_663 = arith.maximumf %sub3A_660, %max3A_662 : vector<16xf32>
          %add3A_664 = arith.addf %add3A_590, %max3A_663 : vector<16xf32>
          %sub3A_665 = arith.subf %get3A_629, %add3A_221 : vector<16xf32>
          %max3A_666 = arith.constant 0.000000e+00 : f32
          %max3A_667 = vector.broadcast %max3A_666 : f32 to vector<16xf32>
          %max3A_668 = arith.maximumf %sub3A_665, %max3A_667 : vector<16xf32>
          %add3A_669 = arith.addf %add3A_595, %max3A_668 : vector<16xf32>
          %add3A_670 = arith.constant 2 : i32
          %add3A_671 = arith.addi %add3A_521, %add3A_670 : i32
          %get3A_672 = arith.index_cast %add3A_671 : i32 to index
          %get3A_673 = arith.constant 0 : index
          %get3A_674 = tpu.vector_load %arg8[%get3A_672, %get3A_673] {strides = array<i32>} : memref<72x128xf32, #tpu.memory_space<vmem>>, vector<1x16xf32>,
          %get3A_675 = vector.shape_cast %get3A_674 : vector<1x16xf32> to vector<16xf32>
          %get3A_676 = arith.index_cast %add3A_671 : i32 to index
          %get3A_677 = arith.constant 16 : index
          %get3A_678 = tpu.vector_load %arg8[%get3A_676, %get3A_677] {strides = array<i32>} : memref<72x128xf32, #tpu.memory_space<vmem>>, vector<1x16xf32>,
          %get3A_679 = vector.shape_cast %get3A_678 : vector<1x16xf32> to vector<16xf32>
          %get3A_680 = arith.index_cast %add3A_671 : i32 to index
          %get3A_681 = arith.constant 32 : index
          %get3A_682 = tpu.vector_load %arg8[%get3A_680, %get3A_681] {strides = array<i32>} : memref<72x128xf32, #tpu.memory_space<vmem>>, vector<1x16xf32>,
          %get3A_683 = vector.shape_cast %get3A_682 : vector<1x16xf32> to vector<16xf32>
          %get3A_684 = arith.index_cast %add3A_671 : i32 to index
          %get3A_685 = arith.constant 48 : index
          %get3A_686 = tpu.vector_load %arg8[%get3A_684, %get3A_685] {strides = array<i32>} : memref<72x128xf32, #tpu.memory_space<vmem>>, vector<1x16xf32>,
          %get3A_687 = vector.shape_cast %get3A_686 : vector<1x16xf32> to vector<16xf32>
          %get3A_688 = arith.index_cast %add3A_671 : i32 to index
          %get3A_689 = arith.constant 64 : index
          %get3A_690 = tpu.vector_load %arg8[%get3A_688, %get3A_689] {strides = array<i32>} : memref<72x128xf32, #tpu.memory_space<vmem>>, vector<1x16xf32>,
          %get3A_691 = vector.shape_cast %get3A_690 : vector<1x16xf32> to vector<16xf32>
          %get3A_692 = arith.index_cast %add3A_671 : i32 to index
          %get3A_693 = arith.constant 80 : index
          %get3A_694 = tpu.vector_load %arg8[%get3A_692, %get3A_693] {strides = array<i32>} : memref<72x128xf32, #tpu.memory_space<vmem>>, vector<1x16xf32>,
          %get3A_695 = vector.shape_cast %get3A_694 : vector<1x16xf32> to vector<16xf32>
          %get3A_696 = arith.index_cast %add3A_671 : i32 to index
          %get3A_697 = arith.constant 96 : index
          %get3A_698 = tpu.vector_load %arg8[%get3A_696, %get3A_697] {strides = array<i32>} : memref<72x128xf32, #tpu.memory_space<vmem>>, vector<1x16xf32>,
          %get3A_699 = vector.shape_cast %get3A_698 : vector<1x16xf32> to vector<16xf32>
          %get3A_700 = arith.index_cast %add3A_671 : i32 to index
          %get3A_701 = arith.constant 112 : index
          %get3A_702 = tpu.vector_load %arg8[%get3A_700, %get3A_701] {strides = array<i32>} : memref<72x128xf32, #tpu.memory_space<vmem>>, vector<1x16xf32>,
          %get3A_703 = vector.shape_cast %get3A_702 : vector<1x16xf32> to vector<16xf32>
          %sub3A_704 = arith.subf %get3A_675, %add3A_179 : vector<16xf32>
          %max3A_705 = arith.constant 0.000000e+00 : f32
          %max3A_706 = vector.broadcast %max3A_705 : f32 to vector<16xf32>
          %max3A_707 = arith.maximumf %sub3A_704, %max3A_706 : vector<16xf32>
          %add3A_708 = arith.addf %add3A_634, %max3A_707 : vector<16xf32>
          %sub3A_709 = arith.subf %get3A_679, %add3A_185 : vector<16xf32>
          %max3A_710 = arith.constant 0.000000e+00 : f32
          %max3A_711 = vector.broadcast %max3A_710 : f32 to vector<16xf32>
          %max3A_712 = arith.maximumf %sub3A_709, %max3A_711 : vector<16xf32>
          %add3A_713 = arith.addf %add3A_639, %max3A_712 : vector<16xf32>
          %sub3A_714 = arith.subf %get3A_683, %add3A_191 : vector<16xf32>
          %max3A_715 = arith.constant 0.000000e+00 : f32
          %max3A_716 = vector.broadcast %max3A_715 : f32 to vector<16xf32>
          %max3A_717 = arith.maximumf %sub3A_714, %max3A_716 : vector<16xf32>
          %add3A_718 = arith.addf %add3A_644, %max3A_717 : vector<16xf32>
          %sub3A_719 = arith.subf %get3A_687, %add3A_197 : vector<16xf32>
          %max3A_720 = arith.constant 0.000000e+00 : f32
          %max3A_721 = vector.broadcast %max3A_720 : f32 to vector<16xf32>
          %max3A_722 = arith.maximumf %sub3A_719, %max3A_721 : vector<16xf32>
          %add3A_723 = arith.addf %add3A_649, %max3A_722 : vector<16xf32>
          %sub3A_724 = arith.subf %get3A_691, %add3A_203 : vector<16xf32>
          %max3A_725 = arith.constant 0.000000e+00 : f32
          %max3A_726 = vector.broadcast %max3A_725 : f32 to vector<16xf32>
          %max3A_727 = arith.maximumf %sub3A_724, %max3A_726 : vector<16xf32>
          %add3A_728 = arith.addf %add3A_654, %max3A_727 : vector<16xf32>
          %sub3A_729 = arith.subf %get3A_695, %add3A_209 : vector<16xf32>
          %max3A_730 = arith.constant 0.000000e+00 : f32
          %max3A_731 = vector.broadcast %max3A_730 : f32 to vector<16xf32>
          %max3A_732 = arith.maximumf %sub3A_729, %max3A_731 : vector<16xf32>
          %add3A_733 = arith.addf %add3A_659, %max3A_732 : vector<16xf32>
          %sub3A_734 = arith.subf %get3A_699, %add3A_215 : vector<16xf32>
          %max3A_735 = arith.constant 0.000000e+00 : f32
          %max3A_736 = vector.broadcast %max3A_735 : f32 to vector<16xf32>
          %max3A_737 = arith.maximumf %sub3A_734, %max3A_736 : vector<16xf32>
          %add3A_738 = arith.addf %add3A_664, %max3A_737 : vector<16xf32>
          %sub3A_739 = arith.subf %get3A_703, %add3A_221 : vector<16xf32>
          %max3A_740 = arith.constant 0.000000e+00 : f32
          %max3A_741 = vector.broadcast %max3A_740 : f32 to vector<16xf32>
          %max3A_742 = arith.maximumf %sub3A_739, %max3A_741 : vector<16xf32>
          %add3A_743 = arith.addf %add3A_669, %max3A_742 : vector<16xf32>
          %add3A_744 = arith.constant 3 : i32
          %add3A_745 = arith.addi %add3A_521, %add3A_744 : i32
          %get3A_746 = arith.index_cast %add3A_745 : i32 to index
          %get3A_747 = arith.constant 0 : index
          %get3A_748 = tpu.vector_load %arg8[%get3A_746, %get3A_747] {strides = array<i32>} : memref<72x128xf32, #tpu.memory_space<vmem>>, vector<1x16xf32>,
          %get3A_749 = vector.shape_cast %get3A_748 : vector<1x16xf32> to vector<16xf32>
          %get3A_750 = arith.index_cast %add3A_745 : i32 to index
          %get3A_751 = arith.constant 16 : index
          %get3A_752 = tpu.vector_load %arg8[%get3A_750, %get3A_751] {strides = array<i32>} : memref<72x128xf32, #tpu.memory_space<vmem>>, vector<1x16xf32>,
          %get3A_753 = vector.shape_cast %get3A_752 : vector<1x16xf32> to vector<16xf32>
          %get3A_754 = arith.index_cast %add3A_745 : i32 to index
          %get3A_755 = arith.constant 32 : index
          %get3A_756 = tpu.vector_load %arg8[%get3A_754, %get3A_755] {strides = array<i32>} : memref<72x128xf32, #tpu.memory_space<vmem>>, vector<1x16xf32>,
          %get3A_757 = vector.shape_cast %get3A_756 : vector<1x16xf32> to vector<16xf32>
          %get3A_758 = arith.index_cast %add3A_745 : i32 to index
          %get3A_759 = arith.constant 48 : index
          %get3A_760 = tpu.vector_load %arg8[%get3A_758, %get3A_759] {strides = array<i32>} : memref<72x128xf32, #tpu.memory_space<vmem>>, vector<1x16xf32>,
          %get3A_761 = vector.shape_cast %get3A_760 : vector<1x16xf32> to vector<16xf32>
          %get3A_762 = arith.index_cast %add3A_745 : i32 to index
          %get3A_763 = arith.constant 64 : index
          %get3A_764 = tpu.vector_load %arg8[%get3A_762, %get3A_763] {strides = array<i32>} : memref<72x128xf32, #tpu.memory_space<vmem>>, vector<1x16xf32>,
          %get3A_765 = vector.shape_cast %get3A_764 : vector<1x16xf32> to vector<16xf32>
          %get3A_766 = arith.index_cast %add3A_745 : i32 to index
          %get3A_767 = arith.constant 80 : index
          %get3A_768 = tpu.vector_load %arg8[%get3A_766, %get3A_767] {strides = array<i32>} : memref<72x128xf32, #tpu.memory_space<vmem>>, vector<1x16xf32>,
          %get3A_769 = vector.shape_cast %get3A_768 : vector<1x16xf32> to vector<16xf32>
          %get3A_770 = arith.index_cast %add3A_745 : i32 to index
          %get3A_771 = arith.constant 96 : index
          %get3A_772 = tpu.vector_load %arg8[%get3A_770, %get3A_771] {strides = array<i32>} : memref<72x128xf32, #tpu.memory_space<vmem>>, vector<1x16xf32>,
          %get3A_773 = vector.shape_cast %get3A_772 : vector<1x16xf32> to vector<16xf32>
          %get3A_774 = arith.index_cast %add3A_745 : i32 to index
          %get3A_775 = arith.constant 112 : index
          %get3A_776 = tpu.vector_load %arg8[%get3A_774, %get3A_775] {strides = array<i32>} : memref<72x128xf32, #tpu.memory_space<vmem>>, vector<1x16xf32>,
          %get3A_777 = vector.shape_cast %get3A_776 : vector<1x16xf32> to vector<16xf32>
          %sub3A_778 = arith.subf %get3A_749, %add3A_179 : vector<16xf32>
          %max3A_779 = arith.constant 0.000000e+00 : f32
          %max3A_780 = vector.broadcast %max3A_779 : f32 to vector<16xf32>
          %max3A_781 = arith.maximumf %sub3A_778, %max3A_780 : vector<16xf32>
          %add3A_782 = arith.addf %add3A_708, %max3A_781 : vector<16xf32>
          %sub3A_783 = arith.subf %get3A_753, %add3A_185 : vector<16xf32>
          %max3A_784 = arith.constant 0.000000e+00 : f32
          %max3A_785 = vector.broadcast %max3A_784 : f32 to vector<16xf32>
          %max3A_786 = arith.maximumf %sub3A_783, %max3A_785 : vector<16xf32>
          %add3A_787 = arith.addf %add3A_713, %max3A_786 : vector<16xf32>
          %sub3A_788 = arith.subf %get3A_757, %add3A_191 : vector<16xf32>
          %max3A_789 = arith.constant 0.000000e+00 : f32
          %max3A_790 = vector.broadcast %max3A_789 : f32 to vector<16xf32>
          %max3A_791 = arith.maximumf %sub3A_788, %max3A_790 : vector<16xf32>
          %add3A_792 = arith.addf %add3A_718, %max3A_791 : vector<16xf32>
          %sub3A_793 = arith.subf %get3A_761, %add3A_197 : vector<16xf32>
          %max3A_794 = arith.constant 0.000000e+00 : f32
          %max3A_795 = vector.broadcast %max3A_794 : f32 to vector<16xf32>
          %max3A_796 = arith.maximumf %sub3A_793, %max3A_795 : vector<16xf32>
          %add3A_797 = arith.addf %add3A_723, %max3A_796 : vector<16xf32>
          %sub3A_798 = arith.subf %get3A_765, %add3A_203 : vector<16xf32>
          %max3A_799 = arith.constant 0.000000e+00 : f32
          %max3A_800 = vector.broadcast %max3A_799 : f32 to vector<16xf32>
          %max3A_801 = arith.maximumf %sub3A_798, %max3A_800 : vector<16xf32>
          %add3A_802 = arith.addf %add3A_728, %max3A_801 : vector<16xf32>
          %sub3A_803 = arith.subf %get3A_769, %add3A_209 : vector<16xf32>
          %max3A_804 = arith.constant 0.000000e+00 : f32
          %max3A_805 = vector.broadcast %max3A_804 : f32 to vector<16xf32>
          %max3A_806 = arith.maximumf %sub3A_803, %max3A_805 : vector<16xf32>
          %add3A_807 = arith.addf %add3A_733, %max3A_806 : vector<16xf32>
          %sub3A_808 = arith.subf %get3A_773, %add3A_215 : vector<16xf32>
          %max3A_809 = arith.constant 0.000000e+00 : f32
          %max3A_810 = vector.broadcast %max3A_809 : f32 to vector<16xf32>
          %max3A_811 = arith.maximumf %sub3A_808, %max3A_810 : vector<16xf32>
          %add3A_812 = arith.addf %add3A_738, %max3A_811 : vector<16xf32>
          %sub3A_813 = arith.subf %get3A_777, %add3A_221 : vector<16xf32>
          %max3A_814 = arith.constant 0.000000e+00 : f32
          %max3A_815 = vector.broadcast %max3A_814 : f32 to vector<16xf32>
          %max3A_816 = arith.maximumf %sub3A_813, %max3A_815 : vector<16xf32>
          %add3A_817 = arith.addf %add3A_743, %max3A_816 : vector<16xf32>
          scf.yield %add3A_782, %add3A_787, %add3A_792, %add3A_797, %add3A_802, %add3A_807, %add3A_812, %add3A_817 : vector<16xf32>, vector<16xf32>, vector<16xf32>, vector<16xf32>, vector<16xf32>, vector<16xf32>, vector<16xf32>, vector<16xf32>
        }
        %mul3A_498 = arith.constant 4 : i32
        %mul3A_499 = arith.muli %select_n3A_486, %mul3A_498 : i32
        %while3A_500 = arith.subi %min3A_461, %mul3A_499 : i32
        %while3A_501 = arith.addi %mul3A_499, %while3A_500 : i32
        %while3A_502 = arith.constant 1 : i32
        %while3A_503 = arith.divsi %while3A_500, %while3A_502 : i32
        %while3A_504 = arith.muli %while3A_503, %while3A_502 : i32
        %while3A_505 = arith.addi %mul3A_499, %while3A_504 : i32
        %while3A_506 = arith.constant 1 : i32
        %while3A_507:8 = scf.for %while3A_510 = %mul3A_499 to %while3A_505 step %while3A_506 iter_args(%while3A_511 = %while3A_497#0, %while3A_512 = %while3A_497#1, %while3A_513 = %while3A_497#2, %while3A_514 = %while3A_497#3, %while3A_515 = %while3A_497#4, %while3A_516 = %while3A_497#5, %while3A_517 = %while3A_497#6, %while3A_518 = %while3A_497#7) -> (vector<16xf32>, vector<16xf32>, vector<16xf32>, vector<16xf32>, vector<16xf32>, vector<16xf32>, vector<16xf32>, vector<16xf32>)  : i32 {
          %add3A_519 = arith.addi %sub3A_462, %while3A_510 : i32
          %get3A_520 = arith.index_cast %add3A_519 : i32 to index
          %get3A_521 = arith.constant 0 : index
          %get3A_522 = tpu.vector_load %arg8[%get3A_520, %get3A_521] {strides = array<i32>} : memref<72x128xf32, #tpu.memory_space<vmem>>, vector<1x16xf32>,
          %get3A_523 = vector.shape_cast %get3A_522 : vector<1x16xf32> to vector<16xf32>
          %get3A_524 = arith.index_cast %add3A_519 : i32 to index
          %get3A_525 = arith.constant 16 : index
          %get3A_526 = tpu.vector_load %arg8[%get3A_524, %get3A_525] {strides = array<i32>} : memref<72x128xf32, #tpu.memory_space<vmem>>, vector<1x16xf32>,
          %get3A_527 = vector.shape_cast %get3A_526 : vector<1x16xf32> to vector<16xf32>
          %get3A_528 = arith.index_cast %add3A_519 : i32 to index
          %get3A_529 = arith.constant 32 : index
          %get3A_530 = tpu.vector_load %arg8[%get3A_528, %get3A_529] {strides = array<i32>} : memref<72x128xf32, #tpu.memory_space<vmem>>, vector<1x16xf32>,
          %get3A_531 = vector.shape_cast %get3A_530 : vector<1x16xf32> to vector<16xf32>
          %get3A_532 = arith.index_cast %add3A_519 : i32 to index
          %get3A_533 = arith.constant 48 : index
          %get3A_534 = tpu.vector_load %arg8[%get3A_532, %get3A_533] {strides = array<i32>} : memref<72x128xf32, #tpu.memory_space<vmem>>, vector<1x16xf32>,
          %get3A_535 = vector.shape_cast %get3A_534 : vector<1x16xf32> to vector<16xf32>
          %get3A_536 = arith.index_cast %add3A_519 : i32 to index
          %get3A_537 = arith.constant 64 : index
          %get3A_538 = tpu.vector_load %arg8[%get3A_536, %get3A_537] {strides = array<i32>} : memref<72x128xf32, #tpu.memory_space<vmem>>, vector<1x16xf32>,
          %get3A_539 = vector.shape_cast %get3A_538 : vector<1x16xf32> to vector<16xf32>
          %get3A_540 = arith.index_cast %add3A_519 : i32 to index
          %get3A_541 = arith.constant 80 : index
          %get3A_542 = tpu.vector_load %arg8[%get3A_540, %get3A_541] {strides = array<i32>} : memref<72x128xf32, #tpu.memory_space<vmem>>, vector<1x16xf32>,
          %get3A_543 = vector.shape_cast %get3A_542 : vector<1x16xf32> to vector<16xf32>
          %get3A_544 = arith.index_cast %add3A_519 : i32 to index
          %get3A_545 = arith.constant 96 : index
          %get3A_546 = tpu.vector_load %arg8[%get3A_544, %get3A_545] {strides = array<i32>} : memref<72x128xf32, #tpu.memory_space<vmem>>, vector<1x16xf32>,
          %get3A_547 = vector.shape_cast %get3A_546 : vector<1x16xf32> to vector<16xf32>
          %get3A_548 = arith.index_cast %add3A_519 : i32 to index
          %get3A_549 = arith.constant 112 : index
          %get3A_550 = tpu.vector_load %arg8[%get3A_548, %get3A_549] {strides = array<i32>} : memref<72x128xf32, #tpu.memory_space<vmem>>, vector<1x16xf32>,
          %get3A_551 = vector.shape_cast %get3A_550 : vector<1x16xf32> to vector<16xf32>
          %sub3A_552 = arith.subf %get3A_523, %add3A_179 : vector<16xf32>
          %max3A_553 = arith.constant 0.000000e+00 : f32
          %max3A_554 = vector.broadcast %max3A_553 : f32 to vector<16xf32>
          %max3A_555 = arith.maximumf %sub3A_552, %max3A_554 : vector<16xf32>
          %add3A_556 = arith.addf %while3A_511, %max3A_555 : vector<16xf32>
          %sub3A_557 = arith.subf %get3A_527, %add3A_185 : vector<16xf32>
          %max3A_558 = arith.constant 0.000000e+00 : f32
          %max3A_559 = vector.broadcast %max3A_558 : f32 to vector<16xf32>
          %max3A_560 = arith.maximumf %sub3A_557, %max3A_559 : vector<16xf32>
          %add3A_561 = arith.addf %while3A_512, %max3A_560 : vector<16xf32>
          %sub3A_562 = arith.subf %get3A_531, %add3A_191 : vector<16xf32>
          %max3A_563 = arith.constant 0.000000e+00 : f32
          %max3A_564 = vector.broadcast %max3A_563 : f32 to vector<16xf32>
          %max3A_565 = arith.maximumf %sub3A_562, %max3A_564 : vector<16xf32>
          %add3A_566 = arith.addf %while3A_513, %max3A_565 : vector<16xf32>
          %sub3A_567 = arith.subf %get3A_535, %add3A_197 : vector<16xf32>
          %max3A_568 = arith.constant 0.000000e+00 : f32
          %max3A_569 = vector.broadcast %max3A_568 : f32 to vector<16xf32>
          %max3A_570 = arith.maximumf %sub3A_567, %max3A_569 : vector<16xf32>
          %add3A_571 = arith.addf %while3A_514, %max3A_570 : vector<16xf32>
          %sub3A_572 = arith.subf %get3A_539, %add3A_203 : vector<16xf32>
          %max3A_573 = arith.constant 0.000000e+00 : f32
          %max3A_574 = vector.broadcast %max3A_573 : f32 to vector<16xf32>
          %max3A_575 = arith.maximumf %sub3A_572, %max3A_574 : vector<16xf32>
          %add3A_576 = arith.addf %while3A_515, %max3A_575 : vector<16xf32>
          %sub3A_577 = arith.subf %get3A_543, %add3A_209 : vector<16xf32>
          %max3A_578 = arith.constant 0.000000e+00 : f32
          %max3A_579 = vector.broadcast %max3A_578 : f32 to vector<16xf32>
          %max3A_580 = arith.maximumf %sub3A_577, %max3A_579 : vector<16xf32>
          %add3A_581 = arith.addf %while3A_516, %max3A_580 : vector<16xf32>
          %sub3A_582 = arith.subf %get3A_547, %add3A_215 : vector<16xf32>
          %max3A_583 = arith.constant 0.000000e+00 : f32
          %max3A_584 = vector.broadcast %max3A_583 : f32 to vector<16xf32>
          %max3A_585 = arith.maximumf %sub3A_582, %max3A_584 : vector<16xf32>
          %add3A_586 = arith.addf %while3A_517, %max3A_585 : vector<16xf32>
          %sub3A_587 = arith.subf %get3A_551, %add3A_221 : vector<16xf32>
          %max3A_588 = arith.constant 0.000000e+00 : f32
          %max3A_589 = vector.broadcast %max3A_588 : f32 to vector<16xf32>
          %max3A_590 = arith.maximumf %sub3A_587, %max3A_589 : vector<16xf32>
          %add3A_591 = arith.addf %while3A_518, %max3A_590 : vector<16xf32>
          scf.yield %add3A_556, %add3A_561, %add3A_566, %add3A_571, %add3A_576, %add3A_581, %add3A_586, %add3A_591 : vector<16xf32>, vector<16xf32>, vector<16xf32>, vector<16xf32>, vector<16xf32>, vector<16xf32>, vector<16xf32>, vector<16xf32>
        }
        %while3A_508 = arith.constant 1 : i32
        %while3A_509:8 = scf.for %while3A_510 = %while3A_505 to %while3A_501 step %while3A_508 iter_args(%while3A_511 = %while3A_507#0, %while3A_512 = %while3A_507#1, %while3A_513 = %while3A_507#2, %while3A_514 = %while3A_507#3, %while3A_515 = %while3A_507#4, %while3A_516 = %while3A_507#5, %while3A_517 = %while3A_507#6, %while3A_518 = %while3A_507#7) -> (vector<16xf32>, vector<16xf32>, vector<16xf32>, vector<16xf32>, vector<16xf32>, vector<16xf32>, vector<16xf32>, vector<16xf32>)  : i32 {
          %add3A_519 = arith.addi %sub3A_462, %while3A_510 : i32
          %get3A_520 = arith.index_cast %add3A_519 : i32 to index
          %get3A_521 = arith.constant 0 : index
          %get3A_522 = tpu.vector_load %arg8[%get3A_520, %get3A_521] {strides = array<i32>} : memref<72x128xf32, #tpu.memory_space<vmem>>, vector<1x16xf32>,
          %get3A_523 = vector.shape_cast %get3A_522 : vector<1x16xf32> to vector<16xf32>
          %get3A_524 = arith.index_cast %add3A_519 : i32 to index
          %get3A_525 = arith.constant 16 : index
          %get3A_526 = tpu.vector_load %arg8[%get3A_524, %get3A_525] {strides = array<i32>} : memref<72x128xf32, #tpu.memory_space<vmem>>, vector<1x16xf32>,
          %get3A_527 = vector.shape_cast %get3A_526 : vector<1x16xf32> to vector<16xf32>
          %get3A_528 = arith.index_cast %add3A_519 : i32 to index
          %get3A_529 = arith.constant 32 : index
          %get3A_530 = tpu.vector_load %arg8[%get3A_528, %get3A_529] {strides = array<i32>} : memref<72x128xf32, #tpu.memory_space<vmem>>, vector<1x16xf32>,
          %get3A_531 = vector.shape_cast %get3A_530 : vector<1x16xf32> to vector<16xf32>
          %get3A_532 = arith.index_cast %add3A_519 : i32 to index
          %get3A_533 = arith.constant 48 : index
          %get3A_534 = tpu.vector_load %arg8[%get3A_532, %get3A_533] {strides = array<i32>} : memref<72x128xf32, #tpu.memory_space<vmem>>, vector<1x16xf32>,
          %get3A_535 = vector.shape_cast %get3A_534 : vector<1x16xf32> to vector<16xf32>
          %get3A_536 = arith.index_cast %add3A_519 : i32 to index
          %get3A_537 = arith.constant 64 : index
          %get3A_538 = tpu.vector_load %arg8[%get3A_536, %get3A_537] {strides = array<i32>} : memref<72x128xf32, #tpu.memory_space<vmem>>, vector<1x16xf32>,
          %get3A_539 = vector.shape_cast %get3A_538 : vector<1x16xf32> to vector<16xf32>
          %get3A_540 = arith.index_cast %add3A_519 : i32 to index
          %get3A_541 = arith.constant 80 : index
          %get3A_542 = tpu.vector_load %arg8[%get3A_540, %get3A_541] {strides = array<i32>} : memref<72x128xf32, #tpu.memory_space<vmem>>, vector<1x16xf32>,
          %get3A_543 = vector.shape_cast %get3A_542 : vector<1x16xf32> to vector<16xf32>
          %get3A_544 = arith.index_cast %add3A_519 : i32 to index
          %get3A_545 = arith.constant 96 : index
          %get3A_546 = tpu.vector_load %arg8[%get3A_544, %get3A_545] {strides = array<i32>} : memref<72x128xf32, #tpu.memory_space<vmem>>, vector<1x16xf32>,
          %get3A_547 = vector.shape_cast %get3A_546 : vector<1x16xf32> to vector<16xf32>
          %get3A_548 = arith.index_cast %add3A_519 : i32 to index
          %get3A_549 = arith.constant 112 : index
          %get3A_550 = tpu.vector_load %arg8[%get3A_548, %get3A_549] {strides = array<i32>} : memref<72x128xf32, #tpu.memory_space<vmem>>, vector<1x16xf32>,
          %get3A_551 = vector.shape_cast %get3A_550 : vector<1x16xf32> to vector<16xf32>
          %sub3A_552 = arith.subf %get3A_523, %add3A_179 : vector<16xf32>
          %max3A_553 = arith.constant 0.000000e+00 : f32
          %max3A_554 = vector.broadcast %max3A_553 : f32 to vector<16xf32>
          %max3A_555 = arith.maximumf %sub3A_552, %max3A_554 : vector<16xf32>
          %add3A_556 = arith.addf %while3A_511, %max3A_555 : vector<16xf32>
          %sub3A_557 = arith.subf %get3A_527, %add3A_185 : vector<16xf32>
          %max3A_558 = arith.constant 0.000000e+00 : f32
          %max3A_559 = vector.broadcast %max3A_558 : f32 to vector<16xf32>
          %max3A_560 = arith.maximumf %sub3A_557, %max3A_559 : vector<16xf32>
          %add3A_561 = arith.addf %while3A_512, %max3A_560 : vector<16xf32>
          %sub3A_562 = arith.subf %get3A_531, %add3A_191 : vector<16xf32>
          %max3A_563 = arith.constant 0.000000e+00 : f32
          %max3A_564 = vector.broadcast %max3A_563 : f32 to vector<16xf32>
          %max3A_565 = arith.maximumf %sub3A_562, %max3A_564 : vector<16xf32>
          %add3A_566 = arith.addf %while3A_513, %max3A_565 : vector<16xf32>
          %sub3A_567 = arith.subf %get3A_535, %add3A_197 : vector<16xf32>
          %max3A_568 = arith.constant 0.000000e+00 : f32
          %max3A_569 = vector.broadcast %max3A_568 : f32 to vector<16xf32>
          %max3A_570 = arith.maximumf %sub3A_567, %max3A_569 : vector<16xf32>
          %add3A_571 = arith.addf %while3A_514, %max3A_570 : vector<16xf32>
          %sub3A_572 = arith.subf %get3A_539, %add3A_203 : vector<16xf32>
          %max3A_573 = arith.constant 0.000000e+00 : f32
          %max3A_574 = vector.broadcast %max3A_573 : f32 to vector<16xf32>
          %max3A_575 = arith.maximumf %sub3A_572, %max3A_574 : vector<16xf32>
          %add3A_576 = arith.addf %while3A_515, %max3A_575 : vector<16xf32>
          %sub3A_577 = arith.subf %get3A_543, %add3A_209 : vector<16xf32>
          %max3A_578 = arith.constant 0.000000e+00 : f32
          %max3A_579 = vector.broadcast %max3A_578 : f32 to vector<16xf32>
          %max3A_580 = arith.maximumf %sub3A_577, %max3A_579 : vector<16xf32>
          %add3A_581 = arith.addf %while3A_516, %max3A_580 : vector<16xf32>
          %sub3A_582 = arith.subf %get3A_547, %add3A_215 : vector<16xf32>
          %max3A_583 = arith.constant 0.000000e+00 : f32
          %max3A_584 = vector.broadcast %max3A_583 : f32 to vector<16xf32>
          %max3A_585 = arith.maximumf %sub3A_582, %max3A_584 : vector<16xf32>
          %add3A_586 = arith.addf %while3A_517, %max3A_585 : vector<16xf32>
          %sub3A_587 = arith.subf %get3A_551, %add3A_221 : vector<16xf32>
          %max3A_588 = arith.constant 0.000000e+00 : f32
          %max3A_589 = vector.broadcast %max3A_588 : f32 to vector<16xf32>
          %max3A_590 = arith.maximumf %sub3A_587, %max3A_589 : vector<16xf32>
          %add3A_591 = arith.addf %while3A_518, %max3A_590 : vector<16xf32>
          scf.yield %add3A_556, %add3A_561, %add3A_566, %add3A_571, %add3A_576, %add3A_581, %add3A_586, %add3A_591 : vector<16xf32>, vector<16xf32>, vector<16xf32>, vector<16xf32>, vector<16xf32>, vector<16xf32>, vector<16xf32>, vector<16xf32>
        }
        scf.yield %while3A_509#0, %while3A_509#1, %while3A_509#2, %while3A_509#3, %while3A_509#4, %while3A_509#5, %while3A_509#6, %while3A_509#7 : vector<16xf32>, vector<16xf32>, vector<16xf32>, vector<16xf32>, vector<16xf32>, vector<16xf32>, vector<16xf32>, vector<16xf32>
      }
      %while3A_247 = arith.constant 1 : i32
      %while3A_248:8 = scf.for %while3A_416 = %while3A_244 to %while3A_240 step %while3A_247 iter_args(%while3A_417 = %while3A_246#0, %while3A_418 = %while3A_246#1, %while3A_419 = %while3A_246#2, %while3A_420 = %while3A_246#3, %while3A_421 = %while3A_246#4, %while3A_422 = %while3A_246#5, %while3A_423 = %while3A_246#6, %while3A_424 = %while3A_246#7) -> (vector<16xf32>, vector<16xf32>, vector<16xf32>, vector<16xf32>, vector<16xf32>, vector<16xf32>, vector<16xf32>, vector<16xf32>)  : i32 {
        %mul3A_425 = arith.constant 64 : i32
        %mul3A_426 = arith.muli %while3A_416, %mul3A_425 : i32
        %add3A_427 = arith.addi %squeeze3A_95, %mul3A_426 : i32
        %jit3A_428 = arith.constant 8 : i32
        %div3A_429 = arith.divsi %add3A_427, %jit3A_428 : i32
        %sign3A_430 = arith.constant 0 : i32
        %sign3A_431 = arith.cmpi sgt, %add3A_427, %sign3A_430 : i32
        %sign3A_432 = arith.extui %sign3A_431 : i1 to i32
        %sign3A_433 = arith.constant 0 : i32
        %sign3A_434 = arith.cmpi slt, %add3A_427, %sign3A_433 : i32
        %sign3A_435 = arith.extui %sign3A_434 : i1 to i32
        %sign3A_436 = arith.subi %sign3A_432, %sign3A_435 : i32
        %sign3A_437 = arith.constant 0 : i32
        %sign3A_438 = arith.cmpi sgt, %jit3A_428, %sign3A_437 : i32
        %sign3A_439 = arith.extui %sign3A_438 : i1 to i32
        %sign3A_440 = arith.constant 0 : i32
        %sign3A_441 = arith.cmpi slt, %jit3A_428, %sign3A_440 : i32
        %sign3A_442 = arith.extui %sign3A_441 : i1 to i32
        %sign3A_443 = arith.subi %sign3A_439, %sign3A_442 : i32
        %ne3A_444 = arith.cmpi ne, %sign3A_436, %sign3A_443 : i32
        %rem3A_445 = arith.remsi %add3A_427, %jit3A_428 : i32
        %ne3A_446 = arith.constant 0 : i32
        %ne3A_447 = arith.cmpi ne, %rem3A_445, %ne3A_446 : i32
        %and3A_448 = arith.andi %ne3A_444, %ne3A_447 : i1
        %sub3A_449 = arith.constant 1 : i32
        %sub3A_450 = arith.subi %div3A_429, %sub3A_449 : i32
        %select_n3A_451 = arith.select %and3A_448, %sub3A_450, %div3A_429 : i32
        %mul3A_452 = arith.constant 8 : i32
        %mul3A_453 = arith.muli %select_n3A_451, %mul3A_452 : i32
        %min3A_454 = arith.constant 319928 : i32
        %min3A_455 = arith.minsi %mul3A_453, %min3A_454 : i32
        %gt3A = arith.constant 1 : i32
        %gt3A_456 = arith.cmpi sgt, %select_n3A, %gt3A : i32
        %convert_element_type3A_457 = arith.extui %gt3A_456 : i1 to i32
        %cond3A = arith.constant 0 : i32
        %cond3A_458 = arith.cmpi ne, %convert_element_type3A_457, %cond3A : i32
        scf.if %cond3A_458 {
          "tpu.region"() ({
            %run_scoped3A = tpu.sem_alloc : memref<!tpu.dma_semaphore, #tpu.memory_space<semaphore_mem>>
            %dma_start3A = arith.constant 0 : i32
            %dma_start3A_510 = tpu.memref_slice %arg2[%min3A_455, %dma_start3A] : memref<320000x128xf32, #tpu.memory_space<hbm>> -> memref<72x128xf32, #tpu.memory_space<hbm>>
            %dma_start3A_511 = arith.constant 0 : i32
            %dma_start3A_512 = tpu.memref_slice %arg2[%min3A_455, %dma_start3A_511] : memref<320000x128xf32, #tpu.memory_space<hbm>> -> memref<72x128xf32, #tpu.memory_space<hbm>>
            tpu.enqueue_dma source(%dma_start3A_512 : memref<72x128xf32, #tpu.memory_space<hbm>>) target(%arg8 : memref<72x128xf32, #tpu.memory_space<vmem>>) target_semaphore(%run_scoped3A : memref<!tpu.dma_semaphore, #tpu.memory_space<semaphore_mem>>)
            %dma_wait3A = arith.constant 0 : i32
            %dma_wait3A_513 = tpu.memref_slice %arg2[%min3A_455, %dma_wait3A] : memref<320000x128xf32, #tpu.memory_space<hbm>> -> memref<72x128xf32, #tpu.memory_space<hbm>>
            %dma_wait3A_514 = arith.constant 0 : i32
            %dma_wait3A_515 = tpu.memref_slice %arg2[%min3A_455, %dma_wait3A_514] : memref<320000x128xf32, #tpu.memory_space<hbm>> -> memref<72x128xf32, #tpu.memory_space<hbm>>
            tpu.wait_dma2 semaphore(%run_scoped3A : memref<!tpu.dma_semaphore, #tpu.memory_space<semaphore_mem>>) src(%dma_wait3A_515 : memref<72x128xf32, #tpu.memory_space<hbm>>) dst(%arg8 : memref<72x128xf32, #tpu.memory_space<vmem>>)
            tpu.yield
          }) : () -> ()
        } else {
        }
        %sub3A_459 = arith.subi %squeeze3A_97, %add3A_427 : i32
        %min3A_460 = arith.constant 64 : i32
        %min3A_461 = arith.minsi %sub3A_459, %min3A_460 : i32
        %sub3A_462 = arith.subi %add3A_427, %min3A_455 : i32
        %jit3A_463 = arith.constant 4 : i32
        %div3A_464 = arith.divsi %min3A_461, %jit3A_463 : i32
        %sign3A_465 = arith.constant 0 : i32
        %sign3A_466 = arith.cmpi sgt, %min3A_461, %sign3A_465 : i32
        %sign3A_467 = arith.extui %sign3A_466 : i1 to i32
        %sign3A_468 = arith.constant 0 : i32
        %sign3A_469 = arith.cmpi slt, %min3A_461, %sign3A_468 : i32
        %sign3A_470 = arith.extui %sign3A_469 : i1 to i32
        %sign3A_471 = arith.subi %sign3A_467, %sign3A_470 : i32
        %sign3A_472 = arith.constant 0 : i32
        %sign3A_473 = arith.cmpi sgt, %jit3A_463, %sign3A_472 : i32
        %sign3A_474 = arith.extui %sign3A_473 : i1 to i32
        %sign3A_475 = arith.constant 0 : i32
        %sign3A_476 = arith.cmpi slt, %jit3A_463, %sign3A_475 : i32
        %sign3A_477 = arith.extui %sign3A_476 : i1 to i32
        %sign3A_478 = arith.subi %sign3A_474, %sign3A_477 : i32
        %ne3A_479 = arith.cmpi ne, %sign3A_471, %sign3A_478 : i32
        %rem3A_480 = arith.remsi %min3A_461, %jit3A_463 : i32
        %ne3A_481 = arith.constant 0 : i32
        %ne3A_482 = arith.cmpi ne, %rem3A_480, %ne3A_481 : i32
        %and3A_483 = arith.andi %ne3A_479, %ne3A_482 : i1
        %sub3A_484 = arith.constant 1 : i32
        %sub3A_485 = arith.subi %div3A_464, %sub3A_484 : i32
        %select_n3A_486 = arith.select %and3A_483, %sub3A_485, %div3A_464 : i32
        %while3A_487 = arith.constant 0 : i32
        %while3A_488 = arith.subi %select_n3A_486, %while3A_487 : i32
        %while3A_489 = arith.addi %while3A_487, %while3A_488 : i32
        %while3A_490 = arith.constant 1 : i32
        %while3A_491 = arith.divsi %while3A_488, %while3A_490 : i32
        %while3A_492 = arith.muli %while3A_491, %while3A_490 : i32
        %while3A_493 = arith.addi %while3A_487, %while3A_492 : i32
        %while3A_494 = arith.constant 1 : i32
        %while3A_495:8 = scf.for %while3A_510 = %while3A_487 to %while3A_493 step %while3A_494 iter_args(%while3A_511 = %while3A_417, %while3A_512 = %while3A_418, %while3A_513 = %while3A_419, %while3A_514 = %while3A_420, %while3A_515 = %while3A_421, %while3A_516 = %while3A_422, %while3A_517 = %while3A_423, %while3A_518 = %while3A_424) -> (vector<16xf32>, vector<16xf32>, vector<16xf32>, vector<16xf32>, vector<16xf32>, vector<16xf32>, vector<16xf32>, vector<16xf32>)  : i32 {
          %mul3A_519 = arith.constant 4 : i32
          %mul3A_520 = arith.muli %while3A_510, %mul3A_519 : i32
          %add3A_521 = arith.addi %sub3A_462, %mul3A_520 : i32
          %add3A_522 = arith.constant 0 : i32
          %add3A_523 = arith.addi %add3A_521, %add3A_522 : i32
          %get3A_524 = arith.index_cast %add3A_523 : i32 to index
          %get3A_525 = arith.constant 0 : index
          %get3A_526 = tpu.vector_load %arg8[%get3A_524, %get3A_525] {strides = array<i32>} : memref<72x128xf32, #tpu.memory_space<vmem>>, vector<1x16xf32>,
          %get3A_527 = vector.shape_cast %get3A_526 : vector<1x16xf32> to vector<16xf32>
          %get3A_528 = arith.index_cast %add3A_523 : i32 to index
          %get3A_529 = arith.constant 16 : index
          %get3A_530 = tpu.vector_load %arg8[%get3A_528, %get3A_529] {strides = array<i32>} : memref<72x128xf32, #tpu.memory_space<vmem>>, vector<1x16xf32>,
          %get3A_531 = vector.shape_cast %get3A_530 : vector<1x16xf32> to vector<16xf32>
          %get3A_532 = arith.index_cast %add3A_523 : i32 to index
          %get3A_533 = arith.constant 32 : index
          %get3A_534 = tpu.vector_load %arg8[%get3A_532, %get3A_533] {strides = array<i32>} : memref<72x128xf32, #tpu.memory_space<vmem>>, vector<1x16xf32>,
          %get3A_535 = vector.shape_cast %get3A_534 : vector<1x16xf32> to vector<16xf32>
          %get3A_536 = arith.index_cast %add3A_523 : i32 to index
          %get3A_537 = arith.constant 48 : index
          %get3A_538 = tpu.vector_load %arg8[%get3A_536, %get3A_537] {strides = array<i32>} : memref<72x128xf32, #tpu.memory_space<vmem>>, vector<1x16xf32>,
          %get3A_539 = vector.shape_cast %get3A_538 : vector<1x16xf32> to vector<16xf32>
          %get3A_540 = arith.index_cast %add3A_523 : i32 to index
          %get3A_541 = arith.constant 64 : index
          %get3A_542 = tpu.vector_load %arg8[%get3A_540, %get3A_541] {strides = array<i32>} : memref<72x128xf32, #tpu.memory_space<vmem>>, vector<1x16xf32>,
          %get3A_543 = vector.shape_cast %get3A_542 : vector<1x16xf32> to vector<16xf32>
          %get3A_544 = arith.index_cast %add3A_523 : i32 to index
          %get3A_545 = arith.constant 80 : index
          %get3A_546 = tpu.vector_load %arg8[%get3A_544, %get3A_545] {strides = array<i32>} : memref<72x128xf32, #tpu.memory_space<vmem>>, vector<1x16xf32>,
          %get3A_547 = vector.shape_cast %get3A_546 : vector<1x16xf32> to vector<16xf32>
          %get3A_548 = arith.index_cast %add3A_523 : i32 to index
          %get3A_549 = arith.constant 96 : index
          %get3A_550 = tpu.vector_load %arg8[%get3A_548, %get3A_549] {strides = array<i32>} : memref<72x128xf32, #tpu.memory_space<vmem>>, vector<1x16xf32>,
          %get3A_551 = vector.shape_cast %get3A_550 : vector<1x16xf32> to vector<16xf32>
          %get3A_552 = arith.index_cast %add3A_523 : i32 to index
          %get3A_553 = arith.constant 112 : index
          %get3A_554 = tpu.vector_load %arg8[%get3A_552, %get3A_553] {strides = array<i32>} : memref<72x128xf32, #tpu.memory_space<vmem>>, vector<1x16xf32>,
          %get3A_555 = vector.shape_cast %get3A_554 : vector<1x16xf32> to vector<16xf32>
          %sub3A_556 = arith.subf %get3A_527, %add3A_179 : vector<16xf32>
          %max3A_557 = arith.constant 0.000000e+00 : f32
          %max3A_558 = vector.broadcast %max3A_557 : f32 to vector<16xf32>
          %max3A_559 = arith.maximumf %sub3A_556, %max3A_558 : vector<16xf32>
          %add3A_560 = arith.addf %while3A_511, %max3A_559 : vector<16xf32>
          %sub3A_561 = arith.subf %get3A_531, %add3A_185 : vector<16xf32>
          %max3A_562 = arith.constant 0.000000e+00 : f32
          %max3A_563 = vector.broadcast %max3A_562 : f32 to vector<16xf32>
          %max3A_564 = arith.maximumf %sub3A_561, %max3A_563 : vector<16xf32>
          %add3A_565 = arith.addf %while3A_512, %max3A_564 : vector<16xf32>
          %sub3A_566 = arith.subf %get3A_535, %add3A_191 : vector<16xf32>
          %max3A_567 = arith.constant 0.000000e+00 : f32
          %max3A_568 = vector.broadcast %max3A_567 : f32 to vector<16xf32>
          %max3A_569 = arith.maximumf %sub3A_566, %max3A_568 : vector<16xf32>
          %add3A_570 = arith.addf %while3A_513, %max3A_569 : vector<16xf32>
          %sub3A_571 = arith.subf %get3A_539, %add3A_197 : vector<16xf32>
          %max3A_572 = arith.constant 0.000000e+00 : f32
          %max3A_573 = vector.broadcast %max3A_572 : f32 to vector<16xf32>
          %max3A_574 = arith.maximumf %sub3A_571, %max3A_573 : vector<16xf32>
          %add3A_575 = arith.addf %while3A_514, %max3A_574 : vector<16xf32>
          %sub3A_576 = arith.subf %get3A_543, %add3A_203 : vector<16xf32>
          %max3A_577 = arith.constant 0.000000e+00 : f32
          %max3A_578 = vector.broadcast %max3A_577 : f32 to vector<16xf32>
          %max3A_579 = arith.maximumf %sub3A_576, %max3A_578 : vector<16xf32>
          %add3A_580 = arith.addf %while3A_515, %max3A_579 : vector<16xf32>
          %sub3A_581 = arith.subf %get3A_547, %add3A_209 : vector<16xf32>
          %max3A_582 = arith.constant 0.000000e+00 : f32
          %max3A_583 = vector.broadcast %max3A_582 : f32 to vector<16xf32>
          %max3A_584 = arith.maximumf %sub3A_581, %max3A_583 : vector<16xf32>
          %add3A_585 = arith.addf %while3A_516, %max3A_584 : vector<16xf32>
          %sub3A_586 = arith.subf %get3A_551, %add3A_215 : vector<16xf32>
          %max3A_587 = arith.constant 0.000000e+00 : f32
          %max3A_588 = vector.broadcast %max3A_587 : f32 to vector<16xf32>
          %max3A_589 = arith.maximumf %sub3A_586, %max3A_588 : vector<16xf32>
          %add3A_590 = arith.addf %while3A_517, %max3A_589 : vector<16xf32>
          %sub3A_591 = arith.subf %get3A_555, %add3A_221 : vector<16xf32>
          %max3A_592 = arith.constant 0.000000e+00 : f32
          %max3A_593 = vector.broadcast %max3A_592 : f32 to vector<16xf32>
          %max3A_594 = arith.maximumf %sub3A_591, %max3A_593 : vector<16xf32>
          %add3A_595 = arith.addf %while3A_518, %max3A_594 : vector<16xf32>
          %add3A_596 = arith.constant 1 : i32
          %add3A_597 = arith.addi %add3A_521, %add3A_596 : i32
          %get3A_598 = arith.index_cast %add3A_597 : i32 to index
          %get3A_599 = arith.constant 0 : index
          %get3A_600 = tpu.vector_load %arg8[%get3A_598, %get3A_599] {strides = array<i32>} : memref<72x128xf32, #tpu.memory_space<vmem>>, vector<1x16xf32>,
          %get3A_601 = vector.shape_cast %get3A_600 : vector<1x16xf32> to vector<16xf32>
          %get3A_602 = arith.index_cast %add3A_597 : i32 to index
          %get3A_603 = arith.constant 16 : index
          %get3A_604 = tpu.vector_load %arg8[%get3A_602, %get3A_603] {strides = array<i32>} : memref<72x128xf32, #tpu.memory_space<vmem>>, vector<1x16xf32>,
          %get3A_605 = vector.shape_cast %get3A_604 : vector<1x16xf32> to vector<16xf32>
          %get3A_606 = arith.index_cast %add3A_597 : i32 to index
          %get3A_607 = arith.constant 32 : index
          %get3A_608 = tpu.vector_load %arg8[%get3A_606, %get3A_607] {strides = array<i32>} : memref<72x128xf32, #tpu.memory_space<vmem>>, vector<1x16xf32>,
          %get3A_609 = vector.shape_cast %get3A_608 : vector<1x16xf32> to vector<16xf32>
          %get3A_610 = arith.index_cast %add3A_597 : i32 to index
          %get3A_611 = arith.constant 48 : index
          %get3A_612 = tpu.vector_load %arg8[%get3A_610, %get3A_611] {strides = array<i32>} : memref<72x128xf32, #tpu.memory_space<vmem>>, vector<1x16xf32>,
          %get3A_613 = vector.shape_cast %get3A_612 : vector<1x16xf32> to vector<16xf32>
          %get3A_614 = arith.index_cast %add3A_597 : i32 to index
          %get3A_615 = arith.constant 64 : index
          %get3A_616 = tpu.vector_load %arg8[%get3A_614, %get3A_615] {strides = array<i32>} : memref<72x128xf32, #tpu.memory_space<vmem>>, vector<1x16xf32>,
          %get3A_617 = vector.shape_cast %get3A_616 : vector<1x16xf32> to vector<16xf32>
          %get3A_618 = arith.index_cast %add3A_597 : i32 to index
          %get3A_619 = arith.constant 80 : index
          %get3A_620 = tpu.vector_load %arg8[%get3A_618, %get3A_619] {strides = array<i32>} : memref<72x128xf32, #tpu.memory_space<vmem>>, vector<1x16xf32>,
          %get3A_621 = vector.shape_cast %get3A_620 : vector<1x16xf32> to vector<16xf32>
          %get3A_622 = arith.index_cast %add3A_597 : i32 to index
          %get3A_623 = arith.constant 96 : index
          %get3A_624 = tpu.vector_load %arg8[%get3A_622, %get3A_623] {strides = array<i32>} : memref<72x128xf32, #tpu.memory_space<vmem>>, vector<1x16xf32>,
          %get3A_625 = vector.shape_cast %get3A_624 : vector<1x16xf32> to vector<16xf32>
          %get3A_626 = arith.index_cast %add3A_597 : i32 to index
          %get3A_627 = arith.constant 112 : index
          %get3A_628 = tpu.vector_load %arg8[%get3A_626, %get3A_627] {strides = array<i32>} : memref<72x128xf32, #tpu.memory_space<vmem>>, vector<1x16xf32>,
          %get3A_629 = vector.shape_cast %get3A_628 : vector<1x16xf32> to vector<16xf32>
          %sub3A_630 = arith.subf %get3A_601, %add3A_179 : vector<16xf32>
          %max3A_631 = arith.constant 0.000000e+00 : f32
          %max3A_632 = vector.broadcast %max3A_631 : f32 to vector<16xf32>
          %max3A_633 = arith.maximumf %sub3A_630, %max3A_632 : vector<16xf32>
          %add3A_634 = arith.addf %add3A_560, %max3A_633 : vector<16xf32>
          %sub3A_635 = arith.subf %get3A_605, %add3A_185 : vector<16xf32>
          %max3A_636 = arith.constant 0.000000e+00 : f32
          %max3A_637 = vector.broadcast %max3A_636 : f32 to vector<16xf32>
          %max3A_638 = arith.maximumf %sub3A_635, %max3A_637 : vector<16xf32>
          %add3A_639 = arith.addf %add3A_565, %max3A_638 : vector<16xf32>
          %sub3A_640 = arith.subf %get3A_609, %add3A_191 : vector<16xf32>
          %max3A_641 = arith.constant 0.000000e+00 : f32
          %max3A_642 = vector.broadcast %max3A_641 : f32 to vector<16xf32>
          %max3A_643 = arith.maximumf %sub3A_640, %max3A_642 : vector<16xf32>
          %add3A_644 = arith.addf %add3A_570, %max3A_643 : vector<16xf32>
          %sub3A_645 = arith.subf %get3A_613, %add3A_197 : vector<16xf32>
          %max3A_646 = arith.constant 0.000000e+00 : f32
          %max3A_647 = vector.broadcast %max3A_646 : f32 to vector<16xf32>
          %max3A_648 = arith.maximumf %sub3A_645, %max3A_647 : vector<16xf32>
          %add3A_649 = arith.addf %add3A_575, %max3A_648 : vector<16xf32>
          %sub3A_650 = arith.subf %get3A_617, %add3A_203 : vector<16xf32>
          %max3A_651 = arith.constant 0.000000e+00 : f32
          %max3A_652 = vector.broadcast %max3A_651 : f32 to vector<16xf32>
          %max3A_653 = arith.maximumf %sub3A_650, %max3A_652 : vector<16xf32>
          %add3A_654 = arith.addf %add3A_580, %max3A_653 : vector<16xf32>
          %sub3A_655 = arith.subf %get3A_621, %add3A_209 : vector<16xf32>
          %max3A_656 = arith.constant 0.000000e+00 : f32
          %max3A_657 = vector.broadcast %max3A_656 : f32 to vector<16xf32>
          %max3A_658 = arith.maximumf %sub3A_655, %max3A_657 : vector<16xf32>
          %add3A_659 = arith.addf %add3A_585, %max3A_658 : vector<16xf32>
          %sub3A_660 = arith.subf %get3A_625, %add3A_215 : vector<16xf32>
          %max3A_661 = arith.constant 0.000000e+00 : f32
          %max3A_662 = vector.broadcast %max3A_661 : f32 to vector<16xf32>
          %max3A_663 = arith.maximumf %sub3A_660, %max3A_662 : vector<16xf32>
          %add3A_664 = arith.addf %add3A_590, %max3A_663 : vector<16xf32>
          %sub3A_665 = arith.subf %get3A_629, %add3A_221 : vector<16xf32>
          %max3A_666 = arith.constant 0.000000e+00 : f32
          %max3A_667 = vector.broadcast %max3A_666 : f32 to vector<16xf32>
          %max3A_668 = arith.maximumf %sub3A_665, %max3A_667 : vector<16xf32>
          %add3A_669 = arith.addf %add3A_595, %max3A_668 : vector<16xf32>
          %add3A_670 = arith.constant 2 : i32
          %add3A_671 = arith.addi %add3A_521, %add3A_670 : i32
          %get3A_672 = arith.index_cast %add3A_671 : i32 to index
          %get3A_673 = arith.constant 0 : index
          %get3A_674 = tpu.vector_load %arg8[%get3A_672, %get3A_673] {strides = array<i32>} : memref<72x128xf32, #tpu.memory_space<vmem>>, vector<1x16xf32>,
          %get3A_675 = vector.shape_cast %get3A_674 : vector<1x16xf32> to vector<16xf32>
          %get3A_676 = arith.index_cast %add3A_671 : i32 to index
          %get3A_677 = arith.constant 16 : index
          %get3A_678 = tpu.vector_load %arg8[%get3A_676, %get3A_677] {strides = array<i32>} : memref<72x128xf32, #tpu.memory_space<vmem>>, vector<1x16xf32>,
          %get3A_679 = vector.shape_cast %get3A_678 : vector<1x16xf32> to vector<16xf32>
          %get3A_680 = arith.index_cast %add3A_671 : i32 to index
          %get3A_681 = arith.constant 32 : index
          %get3A_682 = tpu.vector_load %arg8[%get3A_680, %get3A_681] {strides = array<i32>} : memref<72x128xf32, #tpu.memory_space<vmem>>, vector<1x16xf32>,
          %get3A_683 = vector.shape_cast %get3A_682 : vector<1x16xf32> to vector<16xf32>
          %get3A_684 = arith.index_cast %add3A_671 : i32 to index
          %get3A_685 = arith.constant 48 : index
          %get3A_686 = tpu.vector_load %arg8[%get3A_684, %get3A_685] {strides = array<i32>} : memref<72x128xf32, #tpu.memory_space<vmem>>, vector<1x16xf32>,
          %get3A_687 = vector.shape_cast %get3A_686 : vector<1x16xf32> to vector<16xf32>
          %get3A_688 = arith.index_cast %add3A_671 : i32 to index
          %get3A_689 = arith.constant 64 : index
          %get3A_690 = tpu.vector_load %arg8[%get3A_688, %get3A_689] {strides = array<i32>} : memref<72x128xf32, #tpu.memory_space<vmem>>, vector<1x16xf32>,
          %get3A_691 = vector.shape_cast %get3A_690 : vector<1x16xf32> to vector<16xf32>
          %get3A_692 = arith.index_cast %add3A_671 : i32 to index
          %get3A_693 = arith.constant 80 : index
          %get3A_694 = tpu.vector_load %arg8[%get3A_692, %get3A_693] {strides = array<i32>} : memref<72x128xf32, #tpu.memory_space<vmem>>, vector<1x16xf32>,
          %get3A_695 = vector.shape_cast %get3A_694 : vector<1x16xf32> to vector<16xf32>
          %get3A_696 = arith.index_cast %add3A_671 : i32 to index
          %get3A_697 = arith.constant 96 : index
          %get3A_698 = tpu.vector_load %arg8[%get3A_696, %get3A_697] {strides = array<i32>} : memref<72x128xf32, #tpu.memory_space<vmem>>, vector<1x16xf32>,
          %get3A_699 = vector.shape_cast %get3A_698 : vector<1x16xf32> to vector<16xf32>
          %get3A_700 = arith.index_cast %add3A_671 : i32 to index
          %get3A_701 = arith.constant 112 : index
          %get3A_702 = tpu.vector_load %arg8[%get3A_700, %get3A_701] {strides = array<i32>} : memref<72x128xf32, #tpu.memory_space<vmem>>, vector<1x16xf32>,
          %get3A_703 = vector.shape_cast %get3A_702 : vector<1x16xf32> to vector<16xf32>
          %sub3A_704 = arith.subf %get3A_675, %add3A_179 : vector<16xf32>
          %max3A_705 = arith.constant 0.000000e+00 : f32
          %max3A_706 = vector.broadcast %max3A_705 : f32 to vector<16xf32>
          %max3A_707 = arith.maximumf %sub3A_704, %max3A_706 : vector<16xf32>
          %add3A_708 = arith.addf %add3A_634, %max3A_707 : vector<16xf32>
          %sub3A_709 = arith.subf %get3A_679, %add3A_185 : vector<16xf32>
          %max3A_710 = arith.constant 0.000000e+00 : f32
          %max3A_711 = vector.broadcast %max3A_710 : f32 to vector<16xf32>
          %max3A_712 = arith.maximumf %sub3A_709, %max3A_711 : vector<16xf32>
          %add3A_713 = arith.addf %add3A_639, %max3A_712 : vector<16xf32>
          %sub3A_714 = arith.subf %get3A_683, %add3A_191 : vector<16xf32>
          %max3A_715 = arith.constant 0.000000e+00 : f32
          %max3A_716 = vector.broadcast %max3A_715 : f32 to vector<16xf32>
          %max3A_717 = arith.maximumf %sub3A_714, %max3A_716 : vector<16xf32>
          %add3A_718 = arith.addf %add3A_644, %max3A_717 : vector<16xf32>
          %sub3A_719 = arith.subf %get3A_687, %add3A_197 : vector<16xf32>
          %max3A_720 = arith.constant 0.000000e+00 : f32
          %max3A_721 = vector.broadcast %max3A_720 : f32 to vector<16xf32>
          %max3A_722 = arith.maximumf %sub3A_719, %max3A_721 : vector<16xf32>
          %add3A_723 = arith.addf %add3A_649, %max3A_722 : vector<16xf32>
          %sub3A_724 = arith.subf %get3A_691, %add3A_203 : vector<16xf32>
          %max3A_725 = arith.constant 0.000000e+00 : f32
          %max3A_726 = vector.broadcast %max3A_725 : f32 to vector<16xf32>
          %max3A_727 = arith.maximumf %sub3A_724, %max3A_726 : vector<16xf32>
          %add3A_728 = arith.addf %add3A_654, %max3A_727 : vector<16xf32>
          %sub3A_729 = arith.subf %get3A_695, %add3A_209 : vector<16xf32>
          %max3A_730 = arith.constant 0.000000e+00 : f32
          %max3A_731 = vector.broadcast %max3A_730 : f32 to vector<16xf32>
          %max3A_732 = arith.maximumf %sub3A_729, %max3A_731 : vector<16xf32>
          %add3A_733 = arith.addf %add3A_659, %max3A_732 : vector<16xf32>
          %sub3A_734 = arith.subf %get3A_699, %add3A_215 : vector<16xf32>
          %max3A_735 = arith.constant 0.000000e+00 : f32
          %max3A_736 = vector.broadcast %max3A_735 : f32 to vector<16xf32>
          %max3A_737 = arith.maximumf %sub3A_734, %max3A_736 : vector<16xf32>
          %add3A_738 = arith.addf %add3A_664, %max3A_737 : vector<16xf32>
          %sub3A_739 = arith.subf %get3A_703, %add3A_221 : vector<16xf32>
          %max3A_740 = arith.constant 0.000000e+00 : f32
          %max3A_741 = vector.broadcast %max3A_740 : f32 to vector<16xf32>
          %max3A_742 = arith.maximumf %sub3A_739, %max3A_741 : vector<16xf32>
          %add3A_743 = arith.addf %add3A_669, %max3A_742 : vector<16xf32>
          %add3A_744 = arith.constant 3 : i32
          %add3A_745 = arith.addi %add3A_521, %add3A_744 : i32
          %get3A_746 = arith.index_cast %add3A_745 : i32 to index
          %get3A_747 = arith.constant 0 : index
          %get3A_748 = tpu.vector_load %arg8[%get3A_746, %get3A_747] {strides = array<i32>} : memref<72x128xf32, #tpu.memory_space<vmem>>, vector<1x16xf32>,
          %get3A_749 = vector.shape_cast %get3A_748 : vector<1x16xf32> to vector<16xf32>
          %get3A_750 = arith.index_cast %add3A_745 : i32 to index
          %get3A_751 = arith.constant 16 : index
          %get3A_752 = tpu.vector_load %arg8[%get3A_750, %get3A_751] {strides = array<i32>} : memref<72x128xf32, #tpu.memory_space<vmem>>, vector<1x16xf32>,
          %get3A_753 = vector.shape_cast %get3A_752 : vector<1x16xf32> to vector<16xf32>
          %get3A_754 = arith.index_cast %add3A_745 : i32 to index
          %get3A_755 = arith.constant 32 : index
          %get3A_756 = tpu.vector_load %arg8[%get3A_754, %get3A_755] {strides = array<i32>} : memref<72x128xf32, #tpu.memory_space<vmem>>, vector<1x16xf32>,
          %get3A_757 = vector.shape_cast %get3A_756 : vector<1x16xf32> to vector<16xf32>
          %get3A_758 = arith.index_cast %add3A_745 : i32 to index
          %get3A_759 = arith.constant 48 : index
          %get3A_760 = tpu.vector_load %arg8[%get3A_758, %get3A_759] {strides = array<i32>} : memref<72x128xf32, #tpu.memory_space<vmem>>, vector<1x16xf32>,
          %get3A_761 = vector.shape_cast %get3A_760 : vector<1x16xf32> to vector<16xf32>
          %get3A_762 = arith.index_cast %add3A_745 : i32 to index
          %get3A_763 = arith.constant 64 : index
          %get3A_764 = tpu.vector_load %arg8[%get3A_762, %get3A_763] {strides = array<i32>} : memref<72x128xf32, #tpu.memory_space<vmem>>, vector<1x16xf32>,
          %get3A_765 = vector.shape_cast %get3A_764 : vector<1x16xf32> to vector<16xf32>
          %get3A_766 = arith.index_cast %add3A_745 : i32 to index
          %get3A_767 = arith.constant 80 : index
          %get3A_768 = tpu.vector_load %arg8[%get3A_766, %get3A_767] {strides = array<i32>} : memref<72x128xf32, #tpu.memory_space<vmem>>, vector<1x16xf32>,
          %get3A_769 = vector.shape_cast %get3A_768 : vector<1x16xf32> to vector<16xf32>
          %get3A_770 = arith.index_cast %add3A_745 : i32 to index
          %get3A_771 = arith.constant 96 : index
          %get3A_772 = tpu.vector_load %arg8[%get3A_770, %get3A_771] {strides = array<i32>} : memref<72x128xf32, #tpu.memory_space<vmem>>, vector<1x16xf32>,
          %get3A_773 = vector.shape_cast %get3A_772 : vector<1x16xf32> to vector<16xf32>
          %get3A_774 = arith.index_cast %add3A_745 : i32 to index
          %get3A_775 = arith.constant 112 : index
          %get3A_776 = tpu.vector_load %arg8[%get3A_774, %get3A_775] {strides = array<i32>} : memref<72x128xf32, #tpu.memory_space<vmem>>, vector<1x16xf32>,
          %get3A_777 = vector.shape_cast %get3A_776 : vector<1x16xf32> to vector<16xf32>
          %sub3A_778 = arith.subf %get3A_749, %add3A_179 : vector<16xf32>
          %max3A_779 = arith.constant 0.000000e+00 : f32
          %max3A_780 = vector.broadcast %max3A_779 : f32 to vector<16xf32>
          %max3A_781 = arith.maximumf %sub3A_778, %max3A_780 : vector<16xf32>
          %add3A_782 = arith.addf %add3A_708, %max3A_781 : vector<16xf32>
          %sub3A_783 = arith.subf %get3A_753, %add3A_185 : vector<16xf32>
          %max3A_784 = arith.constant 0.000000e+00 : f32
          %max3A_785 = vector.broadcast %max3A_784 : f32 to vector<16xf32>
          %max3A_786 = arith.maximumf %sub3A_783, %max3A_785 : vector<16xf32>
          %add3A_787 = arith.addf %add3A_713, %max3A_786 : vector<16xf32>
          %sub3A_788 = arith.subf %get3A_757, %add3A_191 : vector<16xf32>
          %max3A_789 = arith.constant 0.000000e+00 : f32
          %max3A_790 = vector.broadcast %max3A_789 : f32 to vector<16xf32>
          %max3A_791 = arith.maximumf %sub3A_788, %max3A_790 : vector<16xf32>
          %add3A_792 = arith.addf %add3A_718, %max3A_791 : vector<16xf32>
          %sub3A_793 = arith.subf %get3A_761, %add3A_197 : vector<16xf32>
          %max3A_794 = arith.constant 0.000000e+00 : f32
          %max3A_795 = vector.broadcast %max3A_794 : f32 to vector<16xf32>
          %max3A_796 = arith.maximumf %sub3A_793, %max3A_795 : vector<16xf32>
          %add3A_797 = arith.addf %add3A_723, %max3A_796 : vector<16xf32>
          %sub3A_798 = arith.subf %get3A_765, %add3A_203 : vector<16xf32>
          %max3A_799 = arith.constant 0.000000e+00 : f32
          %max3A_800 = vector.broadcast %max3A_799 : f32 to vector<16xf32>
          %max3A_801 = arith.maximumf %sub3A_798, %max3A_800 : vector<16xf32>
          %add3A_802 = arith.addf %add3A_728, %max3A_801 : vector<16xf32>
          %sub3A_803 = arith.subf %get3A_769, %add3A_209 : vector<16xf32>
          %max3A_804 = arith.constant 0.000000e+00 : f32
          %max3A_805 = vector.broadcast %max3A_804 : f32 to vector<16xf32>
          %max3A_806 = arith.maximumf %sub3A_803, %max3A_805 : vector<16xf32>
          %add3A_807 = arith.addf %add3A_733, %max3A_806 : vector<16xf32>
          %sub3A_808 = arith.subf %get3A_773, %add3A_215 : vector<16xf32>
          %max3A_809 = arith.constant 0.000000e+00 : f32
          %max3A_810 = vector.broadcast %max3A_809 : f32 to vector<16xf32>
          %max3A_811 = arith.maximumf %sub3A_808, %max3A_810 : vector<16xf32>
          %add3A_812 = arith.addf %add3A_738, %max3A_811 : vector<16xf32>
          %sub3A_813 = arith.subf %get3A_777, %add3A_221 : vector<16xf32>
          %max3A_814 = arith.constant 0.000000e+00 : f32
          %max3A_815 = vector.broadcast %max3A_814 : f32 to vector<16xf32>
          %max3A_816 = arith.maximumf %sub3A_813, %max3A_815 : vector<16xf32>
          %add3A_817 = arith.addf %add3A_743, %max3A_816 : vector<16xf32>
          scf.yield %add3A_782, %add3A_787, %add3A_792, %add3A_797, %add3A_802, %add3A_807, %add3A_812, %add3A_817 : vector<16xf32>, vector<16xf32>, vector<16xf32>, vector<16xf32>, vector<16xf32>, vector<16xf32>, vector<16xf32>, vector<16xf32>
        }
        %while3A_496 = arith.constant 1 : i32
        %while3A_497:8 = scf.for %while3A_510 = %while3A_493 to %while3A_489 step %while3A_496 iter_args(%while3A_511 = %while3A_495#0, %while3A_512 = %while3A_495#1, %while3A_513 = %while3A_495#2, %while3A_514 = %while3A_495#3, %while3A_515 = %while3A_495#4, %while3A_516 = %while3A_495#5, %while3A_517 = %while3A_495#6, %while3A_518 = %while3A_495#7) -> (vector<16xf32>, vector<16xf32>, vector<16xf32>, vector<16xf32>, vector<16xf32>, vector<16xf32>, vector<16xf32>, vector<16xf32>)  : i32 {
          %mul3A_519 = arith.constant 4 : i32
          %mul3A_520 = arith.muli %while3A_510, %mul3A_519 : i32
          %add3A_521 = arith.addi %sub3A_462, %mul3A_520 : i32
          %add3A_522 = arith.constant 0 : i32
          %add3A_523 = arith.addi %add3A_521, %add3A_522 : i32
          %get3A_524 = arith.index_cast %add3A_523 : i32 to index
          %get3A_525 = arith.constant 0 : index
          %get3A_526 = tpu.vector_load %arg8[%get3A_524, %get3A_525] {strides = array<i32>} : memref<72x128xf32, #tpu.memory_space<vmem>>, vector<1x16xf32>,
          %get3A_527 = vector.shape_cast %get3A_526 : vector<1x16xf32> to vector<16xf32>
          %get3A_528 = arith.index_cast %add3A_523 : i32 to index
          %get3A_529 = arith.constant 16 : index
          %get3A_530 = tpu.vector_load %arg8[%get3A_528, %get3A_529] {strides = array<i32>} : memref<72x128xf32, #tpu.memory_space<vmem>>, vector<1x16xf32>,
          %get3A_531 = vector.shape_cast %get3A_530 : vector<1x16xf32> to vector<16xf32>
          %get3A_532 = arith.index_cast %add3A_523 : i32 to index
          %get3A_533 = arith.constant 32 : index
          %get3A_534 = tpu.vector_load %arg8[%get3A_532, %get3A_533] {strides = array<i32>} : memref<72x128xf32, #tpu.memory_space<vmem>>, vector<1x16xf32>,
          %get3A_535 = vector.shape_cast %get3A_534 : vector<1x16xf32> to vector<16xf32>
          %get3A_536 = arith.index_cast %add3A_523 : i32 to index
          %get3A_537 = arith.constant 48 : index
          %get3A_538 = tpu.vector_load %arg8[%get3A_536, %get3A_537] {strides = array<i32>} : memref<72x128xf32, #tpu.memory_space<vmem>>, vector<1x16xf32>,
          %get3A_539 = vector.shape_cast %get3A_538 : vector<1x16xf32> to vector<16xf32>
          %get3A_540 = arith.index_cast %add3A_523 : i32 to index
          %get3A_541 = arith.constant 64 : index
          %get3A_542 = tpu.vector_load %arg8[%get3A_540, %get3A_541] {strides = array<i32>} : memref<72x128xf32, #tpu.memory_space<vmem>>, vector<1x16xf32>,
          %get3A_543 = vector.shape_cast %get3A_542 : vector<1x16xf32> to vector<16xf32>
          %get3A_544 = arith.index_cast %add3A_523 : i32 to index
          %get3A_545 = arith.constant 80 : index
          %get3A_546 = tpu.vector_load %arg8[%get3A_544, %get3A_545] {strides = array<i32>} : memref<72x128xf32, #tpu.memory_space<vmem>>, vector<1x16xf32>,
          %get3A_547 = vector.shape_cast %get3A_546 : vector<1x16xf32> to vector<16xf32>
          %get3A_548 = arith.index_cast %add3A_523 : i32 to index
          %get3A_549 = arith.constant 96 : index
          %get3A_550 = tpu.vector_load %arg8[%get3A_548, %get3A_549] {strides = array<i32>} : memref<72x128xf32, #tpu.memory_space<vmem>>, vector<1x16xf32>,
          %get3A_551 = vector.shape_cast %get3A_550 : vector<1x16xf32> to vector<16xf32>
          %get3A_552 = arith.index_cast %add3A_523 : i32 to index
          %get3A_553 = arith.constant 112 : index
          %get3A_554 = tpu.vector_load %arg8[%get3A_552, %get3A_553] {strides = array<i32>} : memref<72x128xf32, #tpu.memory_space<vmem>>, vector<1x16xf32>,
          %get3A_555 = vector.shape_cast %get3A_554 : vector<1x16xf32> to vector<16xf32>
          %sub3A_556 = arith.subf %get3A_527, %add3A_179 : vector<16xf32>
          %max3A_557 = arith.constant 0.000000e+00 : f32
          %max3A_558 = vector.broadcast %max3A_557 : f32 to vector<16xf32>
          %max3A_559 = arith.maximumf %sub3A_556, %max3A_558 : vector<16xf32>
          %add3A_560 = arith.addf %while3A_511, %max3A_559 : vector<16xf32>
          %sub3A_561 = arith.subf %get3A_531, %add3A_185 : vector<16xf32>
          %max3A_562 = arith.constant 0.000000e+00 : f32
          %max3A_563 = vector.broadcast %max3A_562 : f32 to vector<16xf32>
          %max3A_564 = arith.maximumf %sub3A_561, %max3A_563 : vector<16xf32>
          %add3A_565 = arith.addf %while3A_512, %max3A_564 : vector<16xf32>
          %sub3A_566 = arith.subf %get3A_535, %add3A_191 : vector<16xf32>
          %max3A_567 = arith.constant 0.000000e+00 : f32
          %max3A_568 = vector.broadcast %max3A_567 : f32 to vector<16xf32>
          %max3A_569 = arith.maximumf %sub3A_566, %max3A_568 : vector<16xf32>
          %add3A_570 = arith.addf %while3A_513, %max3A_569 : vector<16xf32>
          %sub3A_571 = arith.subf %get3A_539, %add3A_197 : vector<16xf32>
          %max3A_572 = arith.constant 0.000000e+00 : f32
          %max3A_573 = vector.broadcast %max3A_572 : f32 to vector<16xf32>
          %max3A_574 = arith.maximumf %sub3A_571, %max3A_573 : vector<16xf32>
          %add3A_575 = arith.addf %while3A_514, %max3A_574 : vector<16xf32>
          %sub3A_576 = arith.subf %get3A_543, %add3A_203 : vector<16xf32>
          %max3A_577 = arith.constant 0.000000e+00 : f32
          %max3A_578 = vector.broadcast %max3A_577 : f32 to vector<16xf32>
          %max3A_579 = arith.maximumf %sub3A_576, %max3A_578 : vector<16xf32>
          %add3A_580 = arith.addf %while3A_515, %max3A_579 : vector<16xf32>
          %sub3A_581 = arith.subf %get3A_547, %add3A_209 : vector<16xf32>
          %max3A_582 = arith.constant 0.000000e+00 : f32
          %max3A_583 = vector.broadcast %max3A_582 : f32 to vector<16xf32>
          %max3A_584 = arith.maximumf %sub3A_581, %max3A_583 : vector<16xf32>
          %add3A_585 = arith.addf %while3A_516, %max3A_584 : vector<16xf32>
          %sub3A_586 = arith.subf %get3A_551, %add3A_215 : vector<16xf32>
          %max3A_587 = arith.constant 0.000000e+00 : f32
          %max3A_588 = vector.broadcast %max3A_587 : f32 to vector<16xf32>
          %max3A_589 = arith.maximumf %sub3A_586, %max3A_588 : vector<16xf32>
          %add3A_590 = arith.addf %while3A_517, %max3A_589 : vector<16xf32>
          %sub3A_591 = arith.subf %get3A_555, %add3A_221 : vector<16xf32>
          %max3A_592 = arith.constant 0.000000e+00 : f32
          %max3A_593 = vector.broadcast %max3A_592 : f32 to vector<16xf32>
          %max3A_594 = arith.maximumf %sub3A_591, %max3A_593 : vector<16xf32>
          %add3A_595 = arith.addf %while3A_518, %max3A_594 : vector<16xf32>
          %add3A_596 = arith.constant 1 : i32
          %add3A_597 = arith.addi %add3A_521, %add3A_596 : i32
          %get3A_598 = arith.index_cast %add3A_597 : i32 to index
          %get3A_599 = arith.constant 0 : index
          %get3A_600 = tpu.vector_load %arg8[%get3A_598, %get3A_599] {strides = array<i32>} : memref<72x128xf32, #tpu.memory_space<vmem>>, vector<1x16xf32>,
          %get3A_601 = vector.shape_cast %get3A_600 : vector<1x16xf32> to vector<16xf32>
          %get3A_602 = arith.index_cast %add3A_597 : i32 to index
          %get3A_603 = arith.constant 16 : index
          %get3A_604 = tpu.vector_load %arg8[%get3A_602, %get3A_603] {strides = array<i32>} : memref<72x128xf32, #tpu.memory_space<vmem>>, vector<1x16xf32>,
          %get3A_605 = vector.shape_cast %get3A_604 : vector<1x16xf32> to vector<16xf32>
          %get3A_606 = arith.index_cast %add3A_597 : i32 to index
          %get3A_607 = arith.constant 32 : index
          %get3A_608 = tpu.vector_load %arg8[%get3A_606, %get3A_607] {strides = array<i32>} : memref<72x128xf32, #tpu.memory_space<vmem>>, vector<1x16xf32>,
          %get3A_609 = vector.shape_cast %get3A_608 : vector<1x16xf32> to vector<16xf32>
          %get3A_610 = arith.index_cast %add3A_597 : i32 to index
          %get3A_611 = arith.constant 48 : index
          %get3A_612 = tpu.vector_load %arg8[%get3A_610, %get3A_611] {strides = array<i32>} : memref<72x128xf32, #tpu.memory_space<vmem>>, vector<1x16xf32>,
          %get3A_613 = vector.shape_cast %get3A_612 : vector<1x16xf32> to vector<16xf32>
          %get3A_614 = arith.index_cast %add3A_597 : i32 to index
          %get3A_615 = arith.constant 64 : index
          %get3A_616 = tpu.vector_load %arg8[%get3A_614, %get3A_615] {strides = array<i32>} : memref<72x128xf32, #tpu.memory_space<vmem>>, vector<1x16xf32>,
          %get3A_617 = vector.shape_cast %get3A_616 : vector<1x16xf32> to vector<16xf32>
          %get3A_618 = arith.index_cast %add3A_597 : i32 to index
          %get3A_619 = arith.constant 80 : index
          %get3A_620 = tpu.vector_load %arg8[%get3A_618, %get3A_619] {strides = array<i32>} : memref<72x128xf32, #tpu.memory_space<vmem>>, vector<1x16xf32>,
          %get3A_621 = vector.shape_cast %get3A_620 : vector<1x16xf32> to vector<16xf32>
          %get3A_622 = arith.index_cast %add3A_597 : i32 to index
          %get3A_623 = arith.constant 96 : index
          %get3A_624 = tpu.vector_load %arg8[%get3A_622, %get3A_623] {strides = array<i32>} : memref<72x128xf32, #tpu.memory_space<vmem>>, vector<1x16xf32>,
          %get3A_625 = vector.shape_cast %get3A_624 : vector<1x16xf32> to vector<16xf32>
          %get3A_626 = arith.index_cast %add3A_597 : i32 to index
          %get3A_627 = arith.constant 112 : index
          %get3A_628 = tpu.vector_load %arg8[%get3A_626, %get3A_627] {strides = array<i32>} : memref<72x128xf32, #tpu.memory_space<vmem>>, vector<1x16xf32>,
          %get3A_629 = vector.shape_cast %get3A_628 : vector<1x16xf32> to vector<16xf32>
          %sub3A_630 = arith.subf %get3A_601, %add3A_179 : vector<16xf32>
          %max3A_631 = arith.constant 0.000000e+00 : f32
          %max3A_632 = vector.broadcast %max3A_631 : f32 to vector<16xf32>
          %max3A_633 = arith.maximumf %sub3A_630, %max3A_632 : vector<16xf32>
          %add3A_634 = arith.addf %add3A_560, %max3A_633 : vector<16xf32>
          %sub3A_635 = arith.subf %get3A_605, %add3A_185 : vector<16xf32>
          %max3A_636 = arith.constant 0.000000e+00 : f32
          %max3A_637 = vector.broadcast %max3A_636 : f32 to vector<16xf32>
          %max3A_638 = arith.maximumf %sub3A_635, %max3A_637 : vector<16xf32>
          %add3A_639 = arith.addf %add3A_565, %max3A_638 : vector<16xf32>
          %sub3A_640 = arith.subf %get3A_609, %add3A_191 : vector<16xf32>
          %max3A_641 = arith.constant 0.000000e+00 : f32
          %max3A_642 = vector.broadcast %max3A_641 : f32 to vector<16xf32>
          %max3A_643 = arith.maximumf %sub3A_640, %max3A_642 : vector<16xf32>
          %add3A_644 = arith.addf %add3A_570, %max3A_643 : vector<16xf32>
          %sub3A_645 = arith.subf %get3A_613, %add3A_197 : vector<16xf32>
          %max3A_646 = arith.constant 0.000000e+00 : f32
          %max3A_647 = vector.broadcast %max3A_646 : f32 to vector<16xf32>
          %max3A_648 = arith.maximumf %sub3A_645, %max3A_647 : vector<16xf32>
          %add3A_649 = arith.addf %add3A_575, %max3A_648 : vector<16xf32>
          %sub3A_650 = arith.subf %get3A_617, %add3A_203 : vector<16xf32>
          %max3A_651 = arith.constant 0.000000e+00 : f32
          %max3A_652 = vector.broadcast %max3A_651 : f32 to vector<16xf32>
          %max3A_653 = arith.maximumf %sub3A_650, %max3A_652 : vector<16xf32>
          %add3A_654 = arith.addf %add3A_580, %max3A_653 : vector<16xf32>
          %sub3A_655 = arith.subf %get3A_621, %add3A_209 : vector<16xf32>
          %max3A_656 = arith.constant 0.000000e+00 : f32
          %max3A_657 = vector.broadcast %max3A_656 : f32 to vector<16xf32>
          %max3A_658 = arith.maximumf %sub3A_655, %max3A_657 : vector<16xf32>
          %add3A_659 = arith.addf %add3A_585, %max3A_658 : vector<16xf32>
          %sub3A_660 = arith.subf %get3A_625, %add3A_215 : vector<16xf32>
          %max3A_661 = arith.constant 0.000000e+00 : f32
          %max3A_662 = vector.broadcast %max3A_661 : f32 to vector<16xf32>
          %max3A_663 = arith.maximumf %sub3A_660, %max3A_662 : vector<16xf32>
          %add3A_664 = arith.addf %add3A_590, %max3A_663 : vector<16xf32>
          %sub3A_665 = arith.subf %get3A_629, %add3A_221 : vector<16xf32>
          %max3A_666 = arith.constant 0.000000e+00 : f32
          %max3A_667 = vector.broadcast %max3A_666 : f32 to vector<16xf32>
          %max3A_668 = arith.maximumf %sub3A_665, %max3A_667 : vector<16xf32>
          %add3A_669 = arith.addf %add3A_595, %max3A_668 : vector<16xf32>
          %add3A_670 = arith.constant 2 : i32
          %add3A_671 = arith.addi %add3A_521, %add3A_670 : i32
          %get3A_672 = arith.index_cast %add3A_671 : i32 to index
          %get3A_673 = arith.constant 0 : index
          %get3A_674 = tpu.vector_load %arg8[%get3A_672, %get3A_673] {strides = array<i32>} : memref<72x128xf32, #tpu.memory_space<vmem>>, vector<1x16xf32>,
          %get3A_675 = vector.shape_cast %get3A_674 : vector<1x16xf32> to vector<16xf32>
          %get3A_676 = arith.index_cast %add3A_671 : i32 to index
          %get3A_677 = arith.constant 16 : index
          %get3A_678 = tpu.vector_load %arg8[%get3A_676, %get3A_677] {strides = array<i32>} : memref<72x128xf32, #tpu.memory_space<vmem>>, vector<1x16xf32>,
          %get3A_679 = vector.shape_cast %get3A_678 : vector<1x16xf32> to vector<16xf32>
          %get3A_680 = arith.index_cast %add3A_671 : i32 to index
          %get3A_681 = arith.constant 32 : index
          %get3A_682 = tpu.vector_load %arg8[%get3A_680, %get3A_681] {strides = array<i32>} : memref<72x128xf32, #tpu.memory_space<vmem>>, vector<1x16xf32>,
          %get3A_683 = vector.shape_cast %get3A_682 : vector<1x16xf32> to vector<16xf32>
          %get3A_684 = arith.index_cast %add3A_671 : i32 to index
          %get3A_685 = arith.constant 48 : index
          %get3A_686 = tpu.vector_load %arg8[%get3A_684, %get3A_685] {strides = array<i32>} : memref<72x128xf32, #tpu.memory_space<vmem>>, vector<1x16xf32>,
          %get3A_687 = vector.shape_cast %get3A_686 : vector<1x16xf32> to vector<16xf32>
          %get3A_688 = arith.index_cast %add3A_671 : i32 to index
          %get3A_689 = arith.constant 64 : index
          %get3A_690 = tpu.vector_load %arg8[%get3A_688, %get3A_689] {strides = array<i32>} : memref<72x128xf32, #tpu.memory_space<vmem>>, vector<1x16xf32>,
          %get3A_691 = vector.shape_cast %get3A_690 : vector<1x16xf32> to vector<16xf32>
          %get3A_692 = arith.index_cast %add3A_671 : i32 to index
          %get3A_693 = arith.constant 80 : index
          %get3A_694 = tpu.vector_load %arg8[%get3A_692, %get3A_693] {strides = array<i32>} : memref<72x128xf32, #tpu.memory_space<vmem>>, vector<1x16xf32>,
          %get3A_695 = vector.shape_cast %get3A_694 : vector<1x16xf32> to vector<16xf32>
          %get3A_696 = arith.index_cast %add3A_671 : i32 to index
          %get3A_697 = arith.constant 96 : index
          %get3A_698 = tpu.vector_load %arg8[%get3A_696, %get3A_697] {strides = array<i32>} : memref<72x128xf32, #tpu.memory_space<vmem>>, vector<1x16xf32>,
          %get3A_699 = vector.shape_cast %get3A_698 : vector<1x16xf32> to vector<16xf32>
          %get3A_700 = arith.index_cast %add3A_671 : i32 to index
          %get3A_701 = arith.constant 112 : index
          %get3A_702 = tpu.vector_load %arg8[%get3A_700, %get3A_701] {strides = array<i32>} : memref<72x128xf32, #tpu.memory_space<vmem>>, vector<1x16xf32>,
          %get3A_703 = vector.shape_cast %get3A_702 : vector<1x16xf32> to vector<16xf32>
          %sub3A_704 = arith.subf %get3A_675, %add3A_179 : vector<16xf32>
          %max3A_705 = arith.constant 0.000000e+00 : f32
          %max3A_706 = vector.broadcast %max3A_705 : f32 to vector<16xf32>
          %max3A_707 = arith.maximumf %sub3A_704, %max3A_706 : vector<16xf32>
          %add3A_708 = arith.addf %add3A_634, %max3A_707 : vector<16xf32>
          %sub3A_709 = arith.subf %get3A_679, %add3A_185 : vector<16xf32>
          %max3A_710 = arith.constant 0.000000e+00 : f32
          %max3A_711 = vector.broadcast %max3A_710 : f32 to vector<16xf32>
          %max3A_712 = arith.maximumf %sub3A_709, %max3A_711 : vector<16xf32>
          %add3A_713 = arith.addf %add3A_639, %max3A_712 : vector<16xf32>
          %sub3A_714 = arith.subf %get3A_683, %add3A_191 : vector<16xf32>
          %max3A_715 = arith.constant 0.000000e+00 : f32
          %max3A_716 = vector.broadcast %max3A_715 : f32 to vector<16xf32>
          %max3A_717 = arith.maximumf %sub3A_714, %max3A_716 : vector<16xf32>
          %add3A_718 = arith.addf %add3A_644, %max3A_717 : vector<16xf32>
          %sub3A_719 = arith.subf %get3A_687, %add3A_197 : vector<16xf32>
          %max3A_720 = arith.constant 0.000000e+00 : f32
          %max3A_721 = vector.broadcast %max3A_720 : f32 to vector<16xf32>
          %max3A_722 = arith.maximumf %sub3A_719, %max3A_721 : vector<16xf32>
          %add3A_723 = arith.addf %add3A_649, %max3A_722 : vector<16xf32>
          %sub3A_724 = arith.subf %get3A_691, %add3A_203 : vector<16xf32>
          %max3A_725 = arith.constant 0.000000e+00 : f32
          %max3A_726 = vector.broadcast %max3A_725 : f32 to vector<16xf32>
          %max3A_727 = arith.maximumf %sub3A_724, %max3A_726 : vector<16xf32>
          %add3A_728 = arith.addf %add3A_654, %max3A_727 : vector<16xf32>
          %sub3A_729 = arith.subf %get3A_695, %add3A_209 : vector<16xf32>
          %max3A_730 = arith.constant 0.000000e+00 : f32
          %max3A_731 = vector.broadcast %max3A_730 : f32 to vector<16xf32>
          %max3A_732 = arith.maximumf %sub3A_729, %max3A_731 : vector<16xf32>
          %add3A_733 = arith.addf %add3A_659, %max3A_732 : vector<16xf32>
          %sub3A_734 = arith.subf %get3A_699, %add3A_215 : vector<16xf32>
          %max3A_735 = arith.constant 0.000000e+00 : f32
          %max3A_736 = vector.broadcast %max3A_735 : f32 to vector<16xf32>
          %max3A_737 = arith.maximumf %sub3A_734, %max3A_736 : vector<16xf32>
          %add3A_738 = arith.addf %add3A_664, %max3A_737 : vector<16xf32>
          %sub3A_739 = arith.subf %get3A_703, %add3A_221 : vector<16xf32>
          %max3A_740 = arith.constant 0.000000e+00 : f32
          %max3A_741 = vector.broadcast %max3A_740 : f32 to vector<16xf32>
          %max3A_742 = arith.maximumf %sub3A_739, %max3A_741 : vector<16xf32>
          %add3A_743 = arith.addf %add3A_669, %max3A_742 : vector<16xf32>
          %add3A_744 = arith.constant 3 : i32
          %add3A_745 = arith.addi %add3A_521, %add3A_744 : i32
          %get3A_746 = arith.index_cast %add3A_745 : i32 to index
          %get3A_747 = arith.constant 0 : index
          %get3A_748 = tpu.vector_load %arg8[%get3A_746, %get3A_747] {strides = array<i32>} : memref<72x128xf32, #tpu.memory_space<vmem>>, vector<1x16xf32>,
          %get3A_749 = vector.shape_cast %get3A_748 : vector<1x16xf32> to vector<16xf32>
          %get3A_750 = arith.index_cast %add3A_745 : i32 to index
          %get3A_751 = arith.constant 16 : index
          %get3A_752 = tpu.vector_load %arg8[%get3A_750, %get3A_751] {strides = array<i32>} : memref<72x128xf32, #tpu.memory_space<vmem>>, vector<1x16xf32>,
          %get3A_753 = vector.shape_cast %get3A_752 : vector<1x16xf32> to vector<16xf32>
          %get3A_754 = arith.index_cast %add3A_745 : i32 to index
          %get3A_755 = arith.constant 32 : index
          %get3A_756 = tpu.vector_load %arg8[%get3A_754, %get3A_755] {strides = array<i32>} : memref<72x128xf32, #tpu.memory_space<vmem>>, vector<1x16xf32>,
          %get3A_757 = vector.shape_cast %get3A_756 : vector<1x16xf32> to vector<16xf32>
          %get3A_758 = arith.index_cast %add3A_745 : i32 to index
          %get3A_759 = arith.constant 48 : index
          %get3A_760 = tpu.vector_load %arg8[%get3A_758, %get3A_759] {strides = array<i32>} : memref<72x128xf32, #tpu.memory_space<vmem>>, vector<1x16xf32>,
          %get3A_761 = vector.shape_cast %get3A_760 : vector<1x16xf32> to vector<16xf32>
          %get3A_762 = arith.index_cast %add3A_745 : i32 to index
          %get3A_763 = arith.constant 64 : index
          %get3A_764 = tpu.vector_load %arg8[%get3A_762, %get3A_763] {strides = array<i32>} : memref<72x128xf32, #tpu.memory_space<vmem>>, vector<1x16xf32>,
          %get3A_765 = vector.shape_cast %get3A_764 : vector<1x16xf32> to vector<16xf32>
          %get3A_766 = arith.index_cast %add3A_745 : i32 to index
          %get3A_767 = arith.constant 80 : index
          %get3A_768 = tpu.vector_load %arg8[%get3A_766, %get3A_767] {strides = array<i32>} : memref<72x128xf32, #tpu.memory_space<vmem>>, vector<1x16xf32>,
          %get3A_769 = vector.shape_cast %get3A_768 : vector<1x16xf32> to vector<16xf32>
          %get3A_770 = arith.index_cast %add3A_745 : i32 to index
          %get3A_771 = arith.constant 96 : index
          %get3A_772 = tpu.vector_load %arg8[%get3A_770, %get3A_771] {strides = array<i32>} : memref<72x128xf32, #tpu.memory_space<vmem>>, vector<1x16xf32>,
          %get3A_773 = vector.shape_cast %get3A_772 : vector<1x16xf32> to vector<16xf32>
          %get3A_774 = arith.index_cast %add3A_745 : i32 to index
          %get3A_775 = arith.constant 112 : index
          %get3A_776 = tpu.vector_load %arg8[%get3A_774, %get3A_775] {strides = array<i32>} : memref<72x128xf32, #tpu.memory_space<vmem>>, vector<1x16xf32>,
          %get3A_777 = vector.shape_cast %get3A_776 : vector<1x16xf32> to vector<16xf32>
          %sub3A_778 = arith.subf %get3A_749, %add3A_179 : vector<16xf32>
          %max3A_779 = arith.constant 0.000000e+00 : f32
          %max3A_780 = vector.broadcast %max3A_779 : f32 to vector<16xf32>
          %max3A_781 = arith.maximumf %sub3A_778, %max3A_780 : vector<16xf32>
          %add3A_782 = arith.addf %add3A_708, %max3A_781 : vector<16xf32>
          %sub3A_783 = arith.subf %get3A_753, %add3A_185 : vector<16xf32>
          %max3A_784 = arith.constant 0.000000e+00 : f32
          %max3A_785 = vector.broadcast %max3A_784 : f32 to vector<16xf32>
          %max3A_786 = arith.maximumf %sub3A_783, %max3A_785 : vector<16xf32>
          %add3A_787 = arith.addf %add3A_713, %max3A_786 : vector<16xf32>
          %sub3A_788 = arith.subf %get3A_757, %add3A_191 : vector<16xf32>
          %max3A_789 = arith.constant 0.000000e+00 : f32
          %max3A_790 = vector.broadcast %max3A_789 : f32 to vector<16xf32>
          %max3A_791 = arith.maximumf %sub3A_788, %max3A_790 : vector<16xf32>
          %add3A_792 = arith.addf %add3A_718, %max3A_791 : vector<16xf32>
          %sub3A_793 = arith.subf %get3A_761, %add3A_197 : vector<16xf32>
          %max3A_794 = arith.constant 0.000000e+00 : f32
          %max3A_795 = vector.broadcast %max3A_794 : f32 to vector<16xf32>
          %max3A_796 = arith.maximumf %sub3A_793, %max3A_795 : vector<16xf32>
          %add3A_797 = arith.addf %add3A_723, %max3A_796 : vector<16xf32>
          %sub3A_798 = arith.subf %get3A_765, %add3A_203 : vector<16xf32>
          %max3A_799 = arith.constant 0.000000e+00 : f32
          %max3A_800 = vector.broadcast %max3A_799 : f32 to vector<16xf32>
          %max3A_801 = arith.maximumf %sub3A_798, %max3A_800 : vector<16xf32>
          %add3A_802 = arith.addf %add3A_728, %max3A_801 : vector<16xf32>
          %sub3A_803 = arith.subf %get3A_769, %add3A_209 : vector<16xf32>
          %max3A_804 = arith.constant 0.000000e+00 : f32
          %max3A_805 = vector.broadcast %max3A_804 : f32 to vector<16xf32>
          %max3A_806 = arith.maximumf %sub3A_803, %max3A_805 : vector<16xf32>
          %add3A_807 = arith.addf %add3A_733, %max3A_806 : vector<16xf32>
          %sub3A_808 = arith.subf %get3A_773, %add3A_215 : vector<16xf32>
          %max3A_809 = arith.constant 0.000000e+00 : f32
          %max3A_810 = vector.broadcast %max3A_809 : f32 to vector<16xf32>
          %max3A_811 = arith.maximumf %sub3A_808, %max3A_810 : vector<16xf32>
          %add3A_812 = arith.addf %add3A_738, %max3A_811 : vector<16xf32>
          %sub3A_813 = arith.subf %get3A_777, %add3A_221 : vector<16xf32>
          %max3A_814 = arith.constant 0.000000e+00 : f32
          %max3A_815 = vector.broadcast %max3A_814 : f32 to vector<16xf32>
          %max3A_816 = arith.maximumf %sub3A_813, %max3A_815 : vector<16xf32>
          %add3A_817 = arith.addf %add3A_743, %max3A_816 : vector<16xf32>
          scf.yield %add3A_782, %add3A_787, %add3A_792, %add3A_797, %add3A_802, %add3A_807, %add3A_812, %add3A_817 : vector<16xf32>, vector<16xf32>, vector<16xf32>, vector<16xf32>, vector<16xf32>, vector<16xf32>, vector<16xf32>, vector<16xf32>
        }
        %mul3A_498 = arith.constant 4 : i32
        %mul3A_499 = arith.muli %select_n3A_486, %mul3A_498 : i32
        %while3A_500 = arith.subi %min3A_461, %mul3A_499 : i32
        %while3A_501 = arith.addi %mul3A_499, %while3A_500 : i32
        %while3A_502 = arith.constant 1 : i32
        %while3A_503 = arith.divsi %while3A_500, %while3A_502 : i32
        %while3A_504 = arith.muli %while3A_503, %while3A_502 : i32
        %while3A_505 = arith.addi %mul3A_499, %while3A_504 : i32
        %while3A_506 = arith.constant 1 : i32
        %while3A_507:8 = scf.for %while3A_510 = %mul3A_499 to %while3A_505 step %while3A_506 iter_args(%while3A_511 = %while3A_497#0, %while3A_512 = %while3A_497#1, %while3A_513 = %while3A_497#2, %while3A_514 = %while3A_497#3, %while3A_515 = %while3A_497#4, %while3A_516 = %while3A_497#5, %while3A_517 = %while3A_497#6, %while3A_518 = %while3A_497#7) -> (vector<16xf32>, vector<16xf32>, vector<16xf32>, vector<16xf32>, vector<16xf32>, vector<16xf32>, vector<16xf32>, vector<16xf32>)  : i32 {
          %add3A_519 = arith.addi %sub3A_462, %while3A_510 : i32
          %get3A_520 = arith.index_cast %add3A_519 : i32 to index
          %get3A_521 = arith.constant 0 : index
          %get3A_522 = tpu.vector_load %arg8[%get3A_520, %get3A_521] {strides = array<i32>} : memref<72x128xf32, #tpu.memory_space<vmem>>, vector<1x16xf32>,
          %get3A_523 = vector.shape_cast %get3A_522 : vector<1x16xf32> to vector<16xf32>
          %get3A_524 = arith.index_cast %add3A_519 : i32 to index
          %get3A_525 = arith.constant 16 : index
          %get3A_526 = tpu.vector_load %arg8[%get3A_524, %get3A_525] {strides = array<i32>} : memref<72x128xf32, #tpu.memory_space<vmem>>, vector<1x16xf32>,
          %get3A_527 = vector.shape_cast %get3A_526 : vector<1x16xf32> to vector<16xf32>
          %get3A_528 = arith.index_cast %add3A_519 : i32 to index
          %get3A_529 = arith.constant 32 : index
          %get3A_530 = tpu.vector_load %arg8[%get3A_528, %get3A_529] {strides = array<i32>} : memref<72x128xf32, #tpu.memory_space<vmem>>, vector<1x16xf32>,
          %get3A_531 = vector.shape_cast %get3A_530 : vector<1x16xf32> to vector<16xf32>
          %get3A_532 = arith.index_cast %add3A_519 : i32 to index
          %get3A_533 = arith.constant 48 : index
          %get3A_534 = tpu.vector_load %arg8[%get3A_532, %get3A_533] {strides = array<i32>} : memref<72x128xf32, #tpu.memory_space<vmem>>, vector<1x16xf32>,
          %get3A_535 = vector.shape_cast %get3A_534 : vector<1x16xf32> to vector<16xf32>
          %get3A_536 = arith.index_cast %add3A_519 : i32 to index
          %get3A_537 = arith.constant 64 : index
          %get3A_538 = tpu.vector_load %arg8[%get3A_536, %get3A_537] {strides = array<i32>} : memref<72x128xf32, #tpu.memory_space<vmem>>, vector<1x16xf32>,
          %get3A_539 = vector.shape_cast %get3A_538 : vector<1x16xf32> to vector<16xf32>
          %get3A_540 = arith.index_cast %add3A_519 : i32 to index
          %get3A_541 = arith.constant 80 : index
          %get3A_542 = tpu.vector_load %arg8[%get3A_540, %get3A_541] {strides = array<i32>} : memref<72x128xf32, #tpu.memory_space<vmem>>, vector<1x16xf32>,
          %get3A_543 = vector.shape_cast %get3A_542 : vector<1x16xf32> to vector<16xf32>
          %get3A_544 = arith.index_cast %add3A_519 : i32 to index
          %get3A_545 = arith.constant 96 : index
          %get3A_546 = tpu.vector_load %arg8[%get3A_544, %get3A_545] {strides = array<i32>} : memref<72x128xf32, #tpu.memory_space<vmem>>, vector<1x16xf32>,
          %get3A_547 = vector.shape_cast %get3A_546 : vector<1x16xf32> to vector<16xf32>
          %get3A_548 = arith.index_cast %add3A_519 : i32 to index
          %get3A_549 = arith.constant 112 : index
          %get3A_550 = tpu.vector_load %arg8[%get3A_548, %get3A_549] {strides = array<i32>} : memref<72x128xf32, #tpu.memory_space<vmem>>, vector<1x16xf32>,
          %get3A_551 = vector.shape_cast %get3A_550 : vector<1x16xf32> to vector<16xf32>
          %sub3A_552 = arith.subf %get3A_523, %add3A_179 : vector<16xf32>
          %max3A_553 = arith.constant 0.000000e+00 : f32
          %max3A_554 = vector.broadcast %max3A_553 : f32 to vector<16xf32>
          %max3A_555 = arith.maximumf %sub3A_552, %max3A_554 : vector<16xf32>
          %add3A_556 = arith.addf %while3A_511, %max3A_555 : vector<16xf32>
          %sub3A_557 = arith.subf %get3A_527, %add3A_185 : vector<16xf32>
          %max3A_558 = arith.constant 0.000000e+00 : f32
          %max3A_559 = vector.broadcast %max3A_558 : f32 to vector<16xf32>
          %max3A_560 = arith.maximumf %sub3A_557, %max3A_559 : vector<16xf32>
          %add3A_561 = arith.addf %while3A_512, %max3A_560 : vector<16xf32>
          %sub3A_562 = arith.subf %get3A_531, %add3A_191 : vector<16xf32>
          %max3A_563 = arith.constant 0.000000e+00 : f32
          %max3A_564 = vector.broadcast %max3A_563 : f32 to vector<16xf32>
          %max3A_565 = arith.maximumf %sub3A_562, %max3A_564 : vector<16xf32>
          %add3A_566 = arith.addf %while3A_513, %max3A_565 : vector<16xf32>
          %sub3A_567 = arith.subf %get3A_535, %add3A_197 : vector<16xf32>
          %max3A_568 = arith.constant 0.000000e+00 : f32
          %max3A_569 = vector.broadcast %max3A_568 : f32 to vector<16xf32>
          %max3A_570 = arith.maximumf %sub3A_567, %max3A_569 : vector<16xf32>
          %add3A_571 = arith.addf %while3A_514, %max3A_570 : vector<16xf32>
          %sub3A_572 = arith.subf %get3A_539, %add3A_203 : vector<16xf32>
          %max3A_573 = arith.constant 0.000000e+00 : f32
          %max3A_574 = vector.broadcast %max3A_573 : f32 to vector<16xf32>
          %max3A_575 = arith.maximumf %sub3A_572, %max3A_574 : vector<16xf32>
          %add3A_576 = arith.addf %while3A_515, %max3A_575 : vector<16xf32>
          %sub3A_577 = arith.subf %get3A_543, %add3A_209 : vector<16xf32>
          %max3A_578 = arith.constant 0.000000e+00 : f32
          %max3A_579 = vector.broadcast %max3A_578 : f32 to vector<16xf32>
          %max3A_580 = arith.maximumf %sub3A_577, %max3A_579 : vector<16xf32>
          %add3A_581 = arith.addf %while3A_516, %max3A_580 : vector<16xf32>
          %sub3A_582 = arith.subf %get3A_547, %add3A_215 : vector<16xf32>
          %max3A_583 = arith.constant 0.000000e+00 : f32
          %max3A_584 = vector.broadcast %max3A_583 : f32 to vector<16xf32>
          %max3A_585 = arith.maximumf %sub3A_582, %max3A_584 : vector<16xf32>
          %add3A_586 = arith.addf %while3A_517, %max3A_585 : vector<16xf32>
          %sub3A_587 = arith.subf %get3A_551, %add3A_221 : vector<16xf32>
          %max3A_588 = arith.constant 0.000000e+00 : f32
          %max3A_589 = vector.broadcast %max3A_588 : f32 to vector<16xf32>
          %max3A_590 = arith.maximumf %sub3A_587, %max3A_589 : vector<16xf32>
          %add3A_591 = arith.addf %while3A_518, %max3A_590 : vector<16xf32>
          scf.yield %add3A_556, %add3A_561, %add3A_566, %add3A_571, %add3A_576, %add3A_581, %add3A_586, %add3A_591 : vector<16xf32>, vector<16xf32>, vector<16xf32>, vector<16xf32>, vector<16xf32>, vector<16xf32>, vector<16xf32>, vector<16xf32>
        }
        %while3A_508 = arith.constant 1 : i32
        %while3A_509:8 = scf.for %while3A_510 = %while3A_505 to %while3A_501 step %while3A_508 iter_args(%while3A_511 = %while3A_507#0, %while3A_512 = %while3A_507#1, %while3A_513 = %while3A_507#2, %while3A_514 = %while3A_507#3, %while3A_515 = %while3A_507#4, %while3A_516 = %while3A_507#5, %while3A_517 = %while3A_507#6, %while3A_518 = %while3A_507#7) -> (vector<16xf32>, vector<16xf32>, vector<16xf32>, vector<16xf32>, vector<16xf32>, vector<16xf32>, vector<16xf32>, vector<16xf32>)  : i32 {
          %add3A_519 = arith.addi %sub3A_462, %while3A_510 : i32
          %get3A_520 = arith.index_cast %add3A_519 : i32 to index
          %get3A_521 = arith.constant 0 : index
          %get3A_522 = tpu.vector_load %arg8[%get3A_520, %get3A_521] {strides = array<i32>} : memref<72x128xf32, #tpu.memory_space<vmem>>, vector<1x16xf32>,
          %get3A_523 = vector.shape_cast %get3A_522 : vector<1x16xf32> to vector<16xf32>
          %get3A_524 = arith.index_cast %add3A_519 : i32 to index
          %get3A_525 = arith.constant 16 : index
          %get3A_526 = tpu.vector_load %arg8[%get3A_524, %get3A_525] {strides = array<i32>} : memref<72x128xf32, #tpu.memory_space<vmem>>, vector<1x16xf32>,
          %get3A_527 = vector.shape_cast %get3A_526 : vector<1x16xf32> to vector<16xf32>
          %get3A_528 = arith.index_cast %add3A_519 : i32 to index
          %get3A_529 = arith.constant 32 : index
          %get3A_530 = tpu.vector_load %arg8[%get3A_528, %get3A_529] {strides = array<i32>} : memref<72x128xf32, #tpu.memory_space<vmem>>, vector<1x16xf32>,
          %get3A_531 = vector.shape_cast %get3A_530 : vector<1x16xf32> to vector<16xf32>
          %get3A_532 = arith.index_cast %add3A_519 : i32 to index
          %get3A_533 = arith.constant 48 : index
          %get3A_534 = tpu.vector_load %arg8[%get3A_532, %get3A_533] {strides = array<i32>} : memref<72x128xf32, #tpu.memory_space<vmem>>, vector<1x16xf32>,
          %get3A_535 = vector.shape_cast %get3A_534 : vector<1x16xf32> to vector<16xf32>
          %get3A_536 = arith.index_cast %add3A_519 : i32 to index
          %get3A_537 = arith.constant 64 : index
          %get3A_538 = tpu.vector_load %arg8[%get3A_536, %get3A_537] {strides = array<i32>} : memref<72x128xf32, #tpu.memory_space<vmem>>, vector<1x16xf32>,
          %get3A_539 = vector.shape_cast %get3A_538 : vector<1x16xf32> to vector<16xf32>
          %get3A_540 = arith.index_cast %add3A_519 : i32 to index
          %get3A_541 = arith.constant 80 : index
          %get3A_542 = tpu.vector_load %arg8[%get3A_540, %get3A_541] {strides = array<i32>} : memref<72x128xf32, #tpu.memory_space<vmem>>, vector<1x16xf32>,
          %get3A_543 = vector.shape_cast %get3A_542 : vector<1x16xf32> to vector<16xf32>
          %get3A_544 = arith.index_cast %add3A_519 : i32 to index
          %get3A_545 = arith.constant 96 : index
          %get3A_546 = tpu.vector_load %arg8[%get3A_544, %get3A_545] {strides = array<i32>} : memref<72x128xf32, #tpu.memory_space<vmem>>, vector<1x16xf32>,
          %get3A_547 = vector.shape_cast %get3A_546 : vector<1x16xf32> to vector<16xf32>
          %get3A_548 = arith.index_cast %add3A_519 : i32 to index
          %get3A_549 = arith.constant 112 : index
          %get3A_550 = tpu.vector_load %arg8[%get3A_548, %get3A_549] {strides = array<i32>} : memref<72x128xf32, #tpu.memory_space<vmem>>, vector<1x16xf32>,
          %get3A_551 = vector.shape_cast %get3A_550 : vector<1x16xf32> to vector<16xf32>
          %sub3A_552 = arith.subf %get3A_523, %add3A_179 : vector<16xf32>
          %max3A_553 = arith.constant 0.000000e+00 : f32
          %max3A_554 = vector.broadcast %max3A_553 : f32 to vector<16xf32>
          %max3A_555 = arith.maximumf %sub3A_552, %max3A_554 : vector<16xf32>
          %add3A_556 = arith.addf %while3A_511, %max3A_555 : vector<16xf32>
          %sub3A_557 = arith.subf %get3A_527, %add3A_185 : vector<16xf32>
          %max3A_558 = arith.constant 0.000000e+00 : f32
          %max3A_559 = vector.broadcast %max3A_558 : f32 to vector<16xf32>
          %max3A_560 = arith.maximumf %sub3A_557, %max3A_559 : vector<16xf32>
          %add3A_561 = arith.addf %while3A_512, %max3A_560 : vector<16xf32>
          %sub3A_562 = arith.subf %get3A_531, %add3A_191 : vector<16xf32>
          %max3A_563 = arith.constant 0.000000e+00 : f32
          %max3A_564 = vector.broadcast %max3A_563 : f32 to vector<16xf32>
          %max3A_565 = arith.maximumf %sub3A_562, %max3A_564 : vector<16xf32>
          %add3A_566 = arith.addf %while3A_513, %max3A_565 : vector<16xf32>
          %sub3A_567 = arith.subf %get3A_535, %add3A_197 : vector<16xf32>
          %max3A_568 = arith.constant 0.000000e+00 : f32
          %max3A_569 = vector.broadcast %max3A_568 : f32 to vector<16xf32>
          %max3A_570 = arith.maximumf %sub3A_567, %max3A_569 : vector<16xf32>
          %add3A_571 = arith.addf %while3A_514, %max3A_570 : vector<16xf32>
          %sub3A_572 = arith.subf %get3A_539, %add3A_203 : vector<16xf32>
          %max3A_573 = arith.constant 0.000000e+00 : f32
          %max3A_574 = vector.broadcast %max3A_573 : f32 to vector<16xf32>
          %max3A_575 = arith.maximumf %sub3A_572, %max3A_574 : vector<16xf32>
          %add3A_576 = arith.addf %while3A_515, %max3A_575 : vector<16xf32>
          %sub3A_577 = arith.subf %get3A_543, %add3A_209 : vector<16xf32>
          %max3A_578 = arith.constant 0.000000e+00 : f32
          %max3A_579 = vector.broadcast %max3A_578 : f32 to vector<16xf32>
          %max3A_580 = arith.maximumf %sub3A_577, %max3A_579 : vector<16xf32>
          %add3A_581 = arith.addf %while3A_516, %max3A_580 : vector<16xf32>
          %sub3A_582 = arith.subf %get3A_547, %add3A_215 : vector<16xf32>
          %max3A_583 = arith.constant 0.000000e+00 : f32
          %max3A_584 = vector.broadcast %max3A_583 : f32 to vector<16xf32>
          %max3A_585 = arith.maximumf %sub3A_582, %max3A_584 : vector<16xf32>
          %add3A_586 = arith.addf %while3A_517, %max3A_585 : vector<16xf32>
          %sub3A_587 = arith.subf %get3A_551, %add3A_221 : vector<16xf32>
          %max3A_588 = arith.constant 0.000000e+00 : f32
          %max3A_589 = vector.broadcast %max3A_588 : f32 to vector<16xf32>
          %max3A_590 = arith.maximumf %sub3A_587, %max3A_589 : vector<16xf32>
          %add3A_591 = arith.addf %while3A_518, %max3A_590 : vector<16xf32>
          scf.yield %add3A_556, %add3A_561, %add3A_566, %add3A_571, %add3A_576, %add3A_581, %add3A_586, %add3A_591 : vector<16xf32>, vector<16xf32>, vector<16xf32>, vector<16xf32>, vector<16xf32>, vector<16xf32>, vector<16xf32>, vector<16xf32>
        }
        scf.yield %while3A_509#0, %while3A_509#1, %while3A_509#2, %while3A_509#3, %while3A_509#4, %while3A_509#5, %while3A_509#6, %while3A_509#7 : vector<16xf32>, vector<16xf32>, vector<16xf32>, vector<16xf32>, vector<16xf32>, vector<16xf32>, vector<16xf32>, vector<16xf32>
      }
      %convert_element_type3A = arith.sitofp %sub3A : i32 to f32
      %mul3A_249 = arith.mulf %squeeze3A, %convert_element_type3A : f32
      %mul3A_250 = vector.broadcast %squeeze3A_6 : f32 to vector<16xf32>
      %mul3A_251 = arith.mulf %mul3A_250, %while3A_173#0 : vector<16xf32>
      %add3A_252 = vector.broadcast %mul3A_249 : f32 to vector<16xf32>
      %add3A_253 = arith.addf %add3A_252, %mul3A_251 : vector<16xf32>
      %mul3A_254 = vector.broadcast %squeeze3A_8 : f32 to vector<16xf32>
      %mul3A_255 = arith.mulf %mul3A_254, %while3A_173#8 : vector<16xf32>
      %add3A_256 = arith.addf %add3A_253, %mul3A_255 : vector<16xf32>
      %mul3A_257 = vector.broadcast %squeeze3A_10 : f32 to vector<16xf32>
      %mul3A_258 = arith.mulf %mul3A_257, %while3A_248#0 : vector<16xf32>
      %add3A_259 = arith.addf %add3A_256, %mul3A_258 : vector<16xf32>
      %mul3A_260 = vector.broadcast %squeeze3A_12 : f32 to vector<16xf32>
      %mul3A_261 = arith.mulf %mul3A_260, %while3A_173#16 : vector<16xf32>
      %add3A_262 = arith.addf %add3A_259, %mul3A_261 : vector<16xf32>
      %add3A_263 = vector.broadcast %squeeze3A_14 : f32 to vector<16xf32>
      %add3A_264 = arith.addf %add3A_262, %add3A_263 : vector<16xf32>
      %swap3A = arith.index_cast %scan3A_90 : i32 to index
      %swap3A_265 = arith.constant 0 : index
      %swap3A_266 = tpu.vector_load %arg9[%swap3A, %swap3A_265] {strides = array<i32>} : memref<320x128xf32, #tpu.memory_space<vmem>>, vector<1x16xf32>,
      %swap3A_267 = vector.shape_cast %swap3A_266 : vector<1x16xf32> to vector<16xf32>
      %swap3A_268 = vector.shape_cast %add3A_264 : vector<16xf32> to vector<1x16xf32>
      tpu.vector_store %arg9[%swap3A, %swap3A_265], %swap3A_268 {strides = array<i32>} : memref<320x128xf32, #tpu.memory_space<vmem>>, vector<1x16xf32>,
      %mul3A_269 = arith.mulf %squeeze3A, %convert_element_type3A : f32
      %mul3A_270 = vector.broadcast %squeeze3A_6 : f32 to vector<16xf32>
      %mul3A_271 = arith.mulf %mul3A_270, %while3A_173#1 : vector<16xf32>
      %add3A_272 = vector.broadcast %mul3A_269 : f32 to vector<16xf32>
      %add3A_273 = arith.addf %add3A_272, %mul3A_271 : vector<16xf32>
      %mul3A_274 = vector.broadcast %squeeze3A_8 : f32 to vector<16xf32>
      %mul3A_275 = arith.mulf %mul3A_274, %while3A_173#9 : vector<16xf32>
      %add3A_276 = arith.addf %add3A_273, %mul3A_275 : vector<16xf32>
      %mul3A_277 = vector.broadcast %squeeze3A_10 : f32 to vector<16xf32>
      %mul3A_278 = arith.mulf %mul3A_277, %while3A_248#1 : vector<16xf32>
      %add3A_279 = arith.addf %add3A_276, %mul3A_278 : vector<16xf32>
      %mul3A_280 = vector.broadcast %squeeze3A_12 : f32 to vector<16xf32>
      %mul3A_281 = arith.mulf %mul3A_280, %while3A_173#17 : vector<16xf32>
      %add3A_282 = arith.addf %add3A_279, %mul3A_281 : vector<16xf32>
      %add3A_283 = vector.broadcast %squeeze3A_14 : f32 to vector<16xf32>
      %add3A_284 = arith.addf %add3A_282, %add3A_283 : vector<16xf32>
      %swap3A_285 = arith.index_cast %scan3A_90 : i32 to index
      %swap3A_286 = arith.constant 16 : index
      %swap3A_287 = tpu.vector_load %arg9[%swap3A_285, %swap3A_286] {strides = array<i32>} : memref<320x128xf32, #tpu.memory_space<vmem>>, vector<1x16xf32>,
      %swap3A_288 = vector.shape_cast %swap3A_287 : vector<1x16xf32> to vector<16xf32>
      %swap3A_289 = vector.shape_cast %add3A_284 : vector<16xf32> to vector<1x16xf32>
      tpu.vector_store %arg9[%swap3A_285, %swap3A_286], %swap3A_289 {strides = array<i32>} : memref<320x128xf32, #tpu.memory_space<vmem>>, vector<1x16xf32>,
      %mul3A_290 = arith.mulf %squeeze3A, %convert_element_type3A : f32
      %mul3A_291 = vector.broadcast %squeeze3A_6 : f32 to vector<16xf32>
      %mul3A_292 = arith.mulf %mul3A_291, %while3A_173#2 : vector<16xf32>
      %add3A_293 = vector.broadcast %mul3A_290 : f32 to vector<16xf32>
      %add3A_294 = arith.addf %add3A_293, %mul3A_292 : vector<16xf32>
      %mul3A_295 = vector.broadcast %squeeze3A_8 : f32 to vector<16xf32>
      %mul3A_296 = arith.mulf %mul3A_295, %while3A_173#10 : vector<16xf32>
      %add3A_297 = arith.addf %add3A_294, %mul3A_296 : vector<16xf32>
      %mul3A_298 = vector.broadcast %squeeze3A_10 : f32 to vector<16xf32>
      %mul3A_299 = arith.mulf %mul3A_298, %while3A_248#2 : vector<16xf32>
      %add3A_300 = arith.addf %add3A_297, %mul3A_299 : vector<16xf32>
      %mul3A_301 = vector.broadcast %squeeze3A_12 : f32 to vector<16xf32>
      %mul3A_302 = arith.mulf %mul3A_301, %while3A_173#18 : vector<16xf32>
      %add3A_303 = arith.addf %add3A_300, %mul3A_302 : vector<16xf32>
      %add3A_304 = vector.broadcast %squeeze3A_14 : f32 to vector<16xf32>
      %add3A_305 = arith.addf %add3A_303, %add3A_304 : vector<16xf32>
      %swap3A_306 = arith.index_cast %scan3A_90 : i32 to index
      %swap3A_307 = arith.constant 32 : index
      %swap3A_308 = tpu.vector_load %arg9[%swap3A_306, %swap3A_307] {strides = array<i32>} : memref<320x128xf32, #tpu.memory_space<vmem>>, vector<1x16xf32>,
      %swap3A_309 = vector.shape_cast %swap3A_308 : vector<1x16xf32> to vector<16xf32>
      %swap3A_310 = vector.shape_cast %add3A_305 : vector<16xf32> to vector<1x16xf32>
      tpu.vector_store %arg9[%swap3A_306, %swap3A_307], %swap3A_310 {strides = array<i32>} : memref<320x128xf32, #tpu.memory_space<vmem>>, vector<1x16xf32>,
      %mul3A_311 = arith.mulf %squeeze3A, %convert_element_type3A : f32
      %mul3A_312 = vector.broadcast %squeeze3A_6 : f32 to vector<16xf32>
      %mul3A_313 = arith.mulf %mul3A_312, %while3A_173#3 : vector<16xf32>
      %add3A_314 = vector.broadcast %mul3A_311 : f32 to vector<16xf32>
      %add3A_315 = arith.addf %add3A_314, %mul3A_313 : vector<16xf32>
      %mul3A_316 = vector.broadcast %squeeze3A_8 : f32 to vector<16xf32>
      %mul3A_317 = arith.mulf %mul3A_316, %while3A_173#11 : vector<16xf32>
      %add3A_318 = arith.addf %add3A_315, %mul3A_317 : vector<16xf32>
      %mul3A_319 = vector.broadcast %squeeze3A_10 : f32 to vector<16xf32>
      %mul3A_320 = arith.mulf %mul3A_319, %while3A_248#3 : vector<16xf32>
      %add3A_321 = arith.addf %add3A_318, %mul3A_320 : vector<16xf32>
      %mul3A_322 = vector.broadcast %squeeze3A_12 : f32 to vector<16xf32>
      %mul3A_323 = arith.mulf %mul3A_322, %while3A_173#19 : vector<16xf32>
      %add3A_324 = arith.addf %add3A_321, %mul3A_323 : vector<16xf32>
      %add3A_325 = vector.broadcast %squeeze3A_14 : f32 to vector<16xf32>
      %add3A_326 = arith.addf %add3A_324, %add3A_325 : vector<16xf32>
      %swap3A_327 = arith.index_cast %scan3A_90 : i32 to index
      %swap3A_328 = arith.constant 48 : index
      %swap3A_329 = tpu.vector_load %arg9[%swap3A_327, %swap3A_328] {strides = array<i32>} : memref<320x128xf32, #tpu.memory_space<vmem>>, vector<1x16xf32>,
      %swap3A_330 = vector.shape_cast %swap3A_329 : vector<1x16xf32> to vector<16xf32>
      %swap3A_331 = vector.shape_cast %add3A_326 : vector<16xf32> to vector<1x16xf32>
      tpu.vector_store %arg9[%swap3A_327, %swap3A_328], %swap3A_331 {strides = array<i32>} : memref<320x128xf32, #tpu.memory_space<vmem>>, vector<1x16xf32>,
      %mul3A_332 = arith.mulf %squeeze3A, %convert_element_type3A : f32
      %mul3A_333 = vector.broadcast %squeeze3A_6 : f32 to vector<16xf32>
      %mul3A_334 = arith.mulf %mul3A_333, %while3A_173#4 : vector<16xf32>
      %add3A_335 = vector.broadcast %mul3A_332 : f32 to vector<16xf32>
      %add3A_336 = arith.addf %add3A_335, %mul3A_334 : vector<16xf32>
      %mul3A_337 = vector.broadcast %squeeze3A_8 : f32 to vector<16xf32>
      %mul3A_338 = arith.mulf %mul3A_337, %while3A_173#12 : vector<16xf32>
      %add3A_339 = arith.addf %add3A_336, %mul3A_338 : vector<16xf32>
      %mul3A_340 = vector.broadcast %squeeze3A_10 : f32 to vector<16xf32>
      %mul3A_341 = arith.mulf %mul3A_340, %while3A_248#4 : vector<16xf32>
      %add3A_342 = arith.addf %add3A_339, %mul3A_341 : vector<16xf32>
      %mul3A_343 = vector.broadcast %squeeze3A_12 : f32 to vector<16xf32>
      %mul3A_344 = arith.mulf %mul3A_343, %while3A_173#20 : vector<16xf32>
      %add3A_345 = arith.addf %add3A_342, %mul3A_344 : vector<16xf32>
      %add3A_346 = vector.broadcast %squeeze3A_14 : f32 to vector<16xf32>
      %add3A_347 = arith.addf %add3A_345, %add3A_346 : vector<16xf32>
      %swap3A_348 = arith.index_cast %scan3A_90 : i32 to index
      %swap3A_349 = arith.constant 64 : index
      %swap3A_350 = tpu.vector_load %arg9[%swap3A_348, %swap3A_349] {strides = array<i32>} : memref<320x128xf32, #tpu.memory_space<vmem>>, vector<1x16xf32>,
      %swap3A_351 = vector.shape_cast %swap3A_350 : vector<1x16xf32> to vector<16xf32>
      %swap3A_352 = vector.shape_cast %add3A_347 : vector<16xf32> to vector<1x16xf32>
      tpu.vector_store %arg9[%swap3A_348, %swap3A_349], %swap3A_352 {strides = array<i32>} : memref<320x128xf32, #tpu.memory_space<vmem>>, vector<1x16xf32>,
      %mul3A_353 = arith.mulf %squeeze3A, %convert_element_type3A : f32
      %mul3A_354 = vector.broadcast %squeeze3A_6 : f32 to vector<16xf32>
      %mul3A_355 = arith.mulf %mul3A_354, %while3A_173#5 : vector<16xf32>
      %add3A_356 = vector.broadcast %mul3A_353 : f32 to vector<16xf32>
      %add3A_357 = arith.addf %add3A_356, %mul3A_355 : vector<16xf32>
      %mul3A_358 = vector.broadcast %squeeze3A_8 : f32 to vector<16xf32>
      %mul3A_359 = arith.mulf %mul3A_358, %while3A_173#13 : vector<16xf32>
      %add3A_360 = arith.addf %add3A_357, %mul3A_359 : vector<16xf32>
      %mul3A_361 = vector.broadcast %squeeze3A_10 : f32 to vector<16xf32>
      %mul3A_362 = arith.mulf %mul3A_361, %while3A_248#5 : vector<16xf32>
      %add3A_363 = arith.addf %add3A_360, %mul3A_362 : vector<16xf32>
      %mul3A_364 = vector.broadcast %squeeze3A_12 : f32 to vector<16xf32>
      %mul3A_365 = arith.mulf %mul3A_364, %while3A_173#21 : vector<16xf32>
      %add3A_366 = arith.addf %add3A_363, %mul3A_365 : vector<16xf32>
      %add3A_367 = vector.broadcast %squeeze3A_14 : f32 to vector<16xf32>
      %add3A_368 = arith.addf %add3A_366, %add3A_367 : vector<16xf32>
      %swap3A_369 = arith.index_cast %scan3A_90 : i32 to index
      %swap3A_370 = arith.constant 80 : index
      %swap3A_371 = tpu.vector_load %arg9[%swap3A_369, %swap3A_370] {strides = array<i32>} : memref<320x128xf32, #tpu.memory_space<vmem>>, vector<1x16xf32>,
      %swap3A_372 = vector.shape_cast %swap3A_371 : vector<1x16xf32> to vector<16xf32>
      %swap3A_373 = vector.shape_cast %add3A_368 : vector<16xf32> to vector<1x16xf32>
      tpu.vector_store %arg9[%swap3A_369, %swap3A_370], %swap3A_373 {strides = array<i32>} : memref<320x128xf32, #tpu.memory_space<vmem>>, vector<1x16xf32>,
      %mul3A_374 = arith.mulf %squeeze3A, %convert_element_type3A : f32
      %mul3A_375 = vector.broadcast %squeeze3A_6 : f32 to vector<16xf32>
      %mul3A_376 = arith.mulf %mul3A_375, %while3A_173#6 : vector<16xf32>
      %add3A_377 = vector.broadcast %mul3A_374 : f32 to vector<16xf32>
      %add3A_378 = arith.addf %add3A_377, %mul3A_376 : vector<16xf32>
      %mul3A_379 = vector.broadcast %squeeze3A_8 : f32 to vector<16xf32>
      %mul3A_380 = arith.mulf %mul3A_379, %while3A_173#14 : vector<16xf32>
      %add3A_381 = arith.addf %add3A_378, %mul3A_380 : vector<16xf32>
      %mul3A_382 = vector.broadcast %squeeze3A_10 : f32 to vector<16xf32>
      %mul3A_383 = arith.mulf %mul3A_382, %while3A_248#6 : vector<16xf32>
      %add3A_384 = arith.addf %add3A_381, %mul3A_383 : vector<16xf32>
      %mul3A_385 = vector.broadcast %squeeze3A_12 : f32 to vector<16xf32>
      %mul3A_386 = arith.mulf %mul3A_385, %while3A_173#22 : vector<16xf32>
      %add3A_387 = arith.addf %add3A_384, %mul3A_386 : vector<16xf32>
      %add3A_388 = vector.broadcast %squeeze3A_14 : f32 to vector<16xf32>
      %add3A_389 = arith.addf %add3A_387, %add3A_388 : vector<16xf32>
      %swap3A_390 = arith.index_cast %scan3A_90 : i32 to index
      %swap3A_391 = arith.constant 96 : index
      %swap3A_392 = tpu.vector_load %arg9[%swap3A_390, %swap3A_391] {strides = array<i32>} : memref<320x128xf32, #tpu.memory_space<vmem>>, vector<1x16xf32>,
      %swap3A_393 = vector.shape_cast %swap3A_392 : vector<1x16xf32> to vector<16xf32>
      %swap3A_394 = vector.shape_cast %add3A_389 : vector<16xf32> to vector<1x16xf32>
      tpu.vector_store %arg9[%swap3A_390, %swap3A_391], %swap3A_394 {strides = array<i32>} : memref<320x128xf32, #tpu.memory_space<vmem>>, vector<1x16xf32>,
      %mul3A_395 = arith.mulf %squeeze3A, %convert_element_type3A : f32
      %mul3A_396 = vector.broadcast %squeeze3A_6 : f32 to vector<16xf32>
      %mul3A_397 = arith.mulf %mul3A_396, %while3A_173#7 : vector<16xf32>
      %add3A_398 = vector.broadcast %mul3A_395 : f32 to vector<16xf32>
      %add3A_399 = arith.addf %add3A_398, %mul3A_397 : vector<16xf32>
      %mul3A_400 = vector.broadcast %squeeze3A_8 : f32 to vector<16xf32>
      %mul3A_401 = arith.mulf %mul3A_400, %while3A_173#15 : vector<16xf32>
      %add3A_402 = arith.addf %add3A_399, %mul3A_401 : vector<16xf32>
      %mul3A_403 = vector.broadcast %squeeze3A_10 : f32 to vector<16xf32>
      %mul3A_404 = arith.mulf %mul3A_403, %while3A_248#7 : vector<16xf32>
      %add3A_405 = arith.addf %add3A_402, %mul3A_404 : vector<16xf32>
      %mul3A_406 = vector.broadcast %squeeze3A_12 : f32 to vector<16xf32>
      %mul3A_407 = arith.mulf %mul3A_406, %while3A_173#23 : vector<16xf32>
      %add3A_408 = arith.addf %add3A_405, %mul3A_407 : vector<16xf32>
      %add3A_409 = vector.broadcast %squeeze3A_14 : f32 to vector<16xf32>
      %add3A_410 = arith.addf %add3A_408, %add3A_409 : vector<16xf32>
      %swap3A_411 = arith.index_cast %scan3A_90 : i32 to index
      %swap3A_412 = arith.constant 112 : index
      %swap3A_413 = tpu.vector_load %arg9[%swap3A_411, %swap3A_412] {strides = array<i32>} : memref<320x128xf32, #tpu.memory_space<vmem>>, vector<1x16xf32>,
      %swap3A_414 = vector.shape_cast %swap3A_413 : vector<1x16xf32> to vector<16xf32>
      %swap3A_415 = vector.shape_cast %add3A_410 : vector<16xf32> to vector<1x16xf32>
      tpu.vector_store %arg9[%swap3A_411, %swap3A_412], %swap3A_415 {strides = array<i32>} : memref<320x128xf32, #tpu.memory_space<vmem>>, vector<1x16xf32>,
    }
    %scan3A_89 = arith.constant 320 : i32
    "tpu.region"() ({
      %run_scoped3A = tpu.sem_alloc : memref<!tpu.dma_semaphore, #tpu.memory_space<semaphore_mem>>
      %dma_start3A = arith.constant 0 : i32
      %dma_start3A_90 = tpu.memref_slice %arg6[%mul3A_2, %dma_start3A] : memref<10240x128xf32, #tpu.memory_space<hbm>> -> memref<320x128xf32, #tpu.memory_space<hbm>>
      %dma_start3A_91 = arith.constant 0 : i32
      %dma_start3A_92 = tpu.memref_slice %arg6[%mul3A_2, %dma_start3A_91] : memref<10240x128xf32, #tpu.memory_space<hbm>> -> memref<320x128xf32, #tpu.memory_space<hbm>>
      tpu.enqueue_dma source(%arg9 : memref<320x128xf32, #tpu.memory_space<vmem>>) target(%dma_start3A_92 : memref<320x128xf32, #tpu.memory_space<hbm>>) target_semaphore(%run_scoped3A : memref<!tpu.dma_semaphore, #tpu.memory_space<semaphore_mem>>)
      %dma_wait3A = arith.constant 0 : i32
      %dma_wait3A_93 = tpu.memref_slice %arg6[%mul3A_2, %dma_wait3A] : memref<10240x128xf32, #tpu.memory_space<hbm>> -> memref<320x128xf32, #tpu.memory_space<hbm>>
      %dma_wait3A_94 = arith.constant 0 : i32
      %dma_wait3A_95 = tpu.memref_slice %arg6[%mul3A_2, %dma_wait3A_94] : memref<10240x128xf32, #tpu.memory_space<hbm>> -> memref<320x128xf32, #tpu.memory_space<hbm>>
      tpu.wait_dma2 semaphore(%run_scoped3A : memref<!tpu.dma_semaphore, #tpu.memory_space<semaphore_mem>>) src(%arg9 : memref<320x128xf32, #tpu.memory_space<vmem>>) dst(%dma_wait3A_95 : memref<320x128xf32, #tpu.memory_space<hbm>>)
      tpu.yield
    }) : () -> ()
    return
  }
}

</mosaic_0001>

<sc_bundles>
// kernel: gather_offload_async_start
scs
__scs_entry_jumppad:
0x0: {  	(pc) =	sbr.rel $0x88, $3  }
0x1: {  	(tag) =	ssettag $0x0;
	lr =	simm.s32 $0x1  }
0x2: {  	[smem:$0x3F9C] =	sst lr;
	_ =	strace $0xD0000000  }
0x3: {  	_ = 	snop  }
0x4: {  	_ = 	snop  }
0x5: {  	_ = 	snop  }
0x6: {  	_ = 	snop  }
0x7: {  	_ = 	snop  }
__scs_overlays_trampoline_lowered:
0x8: {  	[smem:$0x3FAB] =	sst s0  }
0x9: {  	[smem:$0x3FAC] =	sst s1  }
0xa: {  	[smem:$0x3FAD] =	sst s2  }
0xb: {  	[smem:$0x3FAE] =	sst s3  }
0xc: {  	[smem:$0x3FAF] =	sst s4  }
0xd: {  	[smem:$0x3FB0] =	sst s5  }
0xe: {  	[smem:$0x3FB1] =	sst s6  }
0xf: {  	[smem:$0x3FB2] =	sst s7  }
0x10: {  	[smem:$0x3FB3] =	sst s8  }
0x11: {  	[smem:$0x3FB4] =	sst s9;
	s0 =	simm.s32 @!p0 $0x0  }
0x12: {  	s1 =	sld [smem:$0x3F9A];
	s0 =	simm.s32 @p0 $0x1  }
0x13: {  	[smem:$0x3FB5] =	sst s0;
	s0 =	simm.s32 @!p1 $0x0  }
0x14: {  	s2 =	sld [smem:$0x3F99];
	s0 =	simm.s32 @p1 $0x1  }
0x15: {  	[smem:$0x3FB6] =	sst s0;
	s0 =	simm.s32 @!p2 $0x0  }
0x16: {  	s3 =	sld [smem:$0x3FDB];
	s0 =	simm.s32 @p2 $0x1  }
0x17: {  	s4 =	simm.s32 $0x1BF5;
	[smem:$0x3FB8] =	sst s0  }
0x18: {  	s0 =	sld [smem:$0x3F9B];
	_ =	swait.ge [sflag:s4], $0x0  }
0x19: {  	s7 =	sld [smem:$0x3F9C]  }
0x1a: {  	s8 =	sadd.s32 $0xFFFFE003, lr  }
0x1b: {  	s9 =	sadd.s32 $0xFFFFFEF7, lr;
	s5 =	simm.s32 $0xFFFFFFFF;
	p2 =	slt.u32 s8, $0xFFFFF086  }
0x1c: {  	p1 =	slt.u32 s9, $0xF7A;
	s5 =	simm.s32 @!p2 $0x0  }
0x1d: {  	s5 =	simm.s32 @p1 $0x1;
	p0 =	seq.s32 s7, s2  }
0x1e: {  	s7 =	smul.u32 @!p0 $0xF7A, s2;
	p2 =	seq.s32 @!p0 s5, $0x0  }
0x1f: {  	s9 =	smul.u32 $0xF7A, s1;
	s8 =	simm.s32 @!p0 $0x1BF5;
	p2 =	por !p2, p0  }
0x20: {  	[sflag:s8] =	ssyncset.s32 @!p0 $0xFFFFF086;
	s6 =	sadd.s32 @!p0 s3, s7;
	s7 =	simm.s32 @!p0 $0x108  }
0x21: {  	s3 =	sadd.s32 s3, s9;
	s6 =	sadd.s32 @!p0 $0x88, s6;
	s7 =	simm.s32 @p2 $0x1082  }
0x22: {  	[simem:s7], [sflag:s8] =	dma.local @!p0 [hbm:s6], $0xF7A  }
0x23: {  	s9 =	sor.u32 $0xD0000000, s2;
	s6 =	simm.s32 $0x108;
	_ =	swait.ge @!p0 [sflag:s8], $0x0  }
0x24: {  	s3 =	sadd.s32 $0x88, s3;
	s6 =	simm.s32 @!p1 $0x1082;
	[sflag:s4] =	ssyncset.s32 $0xFFFFF086  }
0x25: {  	[simem:s6], [sflag:s4] =	dma.local [hbm:s3], $0xF7A  }
0x26: {  	[smem:$0x3F9C] =	sst s1;
	(tag) =	ssettag s2;
	_ =	strace s9  }
0x27: {  	s1 =	sld [smem:$0x3FAC]  }
0x28: {  	s2 =	sld [smem:$0x3FAD]  }
0x29: {  	s4 =	sld [smem:$0x3FAF]  }
0x2a: {  	p0 =	seq.s32 s5, $0x0;
	s5 =	sld [smem:$0x3FB0]  }
0x2b: {  	s6 =	sld [smem:$0x3FB1]  }
0x2c: {  	s7 =	sld [smem:$0x3FB2]  }
0x2d: {  	s3 =	simm.s32 $0x108;
	s8 =	sld [smem:$0x3FB3]  }
0x2e: {  	s3 =	simm.s32 @!p0 $0x1082;
	s9 =	sld [smem:$0x3FB4]  }
0x2f: {  	lr =	sadd.s32 s0, s3;
	s0 =	sld [smem:$0x3FAB]  }
0x30: {  	s3 =	sld [smem:$0x3FAE]  }
0x31: {  	[smem:$0x3FB7] =	sst s10  }
0x32: {  	s10 =	sld [smem:$0x3FB5];
	_ =	sdelay $0x3  }
0x33: {  	p0 =	seq.s32 s10, $0x1;
	s10 =	sld [smem:$0x3FB7];
	_ =	sdelay $0x3  }
0x34: {  	[smem:$0x3FB7] =	sst s10  }
0x35: {  	s10 =	sld [smem:$0x3FB6];
	_ =	sdelay $0x3  }
0x36: {  	p1 =	seq.s32 s10, $0x1;
	s10 =	sld [smem:$0x3FB7];
	_ =	sdelay $0x3  }
0x37: {  	[smem:$0x3FB7] =	sst s10  }
0x38: {  	s10 =	sld [smem:$0x3FB8]  }
0x39: {  	_ = 	snop;
	(pc) =	sbr.ind lr, $3  }
0x3a: {  	_ = 	snop  }
0x3b: {  	_ = 	snop  }
0x3c: {  	p2 =	seq.s32 s10, $0x1;
	s10 =	sld [smem:$0x3FB7]  }
0x3d: {  	_ =	shalt  }
0x3e: {  	_ =	shalt  }
0x3f: {  	_ =	shalt  }
0x40: {  	_ =	shalt  }
0x41: {  	_ =	shalt  }
0x42: {  	_ =	shalt  }
0x43: {  	_ =	shalt  }
0x44: {  	_ =	shalt  }
0x45: {  	_ =	shalt  }
0x46: {  	_ =	shalt  }
0x47: {  	_ =	shalt  }
0x48: {  	_ =	shalt  }
0x49: {  	_ =	shalt  }
0x4a: {  	_ =	shalt  }
0x4b: {  	_ =	shalt  }
0x4c: {  	_ =	shalt  }
0x4d: {  	_ =	shalt  }
0x4e: {  	_ =	shalt  }
0x4f: {  	_ =	shalt  }
0x50: {  	_ =	shalt  }
0x51: {  	_ =	shalt  }
0x52: {  	_ =	shalt  }
0x53: {  	_ =	shalt  }
0x54: {  	_ =	shalt  }
0x55: {  	_ =	shalt  }
0x56: {  	_ =	shalt  }
0x57: {  	_ =	shalt  }
0x58: {  	_ =	shalt  }
0x59: {  	_ =	shalt  }
0x5a: {  	_ =	shalt  }
0x5b: {  	_ =	shalt  }
0x5c: {  	_ =	shalt  }
0x5d: {  	_ =	shalt  }
0x5e: {  	_ =	shalt  }
0x5f: {  	_ =	shalt  }
0x60: {  	_ =	shalt  }
0x61: {  	_ =	shalt  }
0x62: {  	_ =	shalt  }
0x63: {  	_ =	shalt  }
0x64: {  	_ =	shalt  }
0x65: {  	_ =	shalt  }
0x66: {  	_ =	shalt  }
0x67: {  	_ =	shalt  }
0x68: {  	_ =	shalt  }
0x69: {  	_ =	shalt  }
0x6a: {  	_ =	shalt  }
0x6b: {  	_ =	shalt  }
0x6c: {  	_ =	shalt  }
0x6d: {  	_ =	shalt  }
0x6e: {  	_ =	shalt  }
0x6f: {  	_ =	shalt  }
0x70: {  	_ =	shalt  }
0x71: {  	_ =	shalt  }
0x72: {  	_ =	shalt  }
0x73: {  	_ =	shalt  }
0x74: {  	_ =	shalt  }
0x75: {  	_ =	shalt  }
0x76: {  	_ =	shalt  }
0x77: {  	_ =	shalt  }
0x78: {  	_ =	shalt  }
0x79: {  	_ =	shalt  }
0x7a: {  	_ =	shalt  }
0x7b: {  	_ =	shalt  }
0x7c: {  	_ =	shalt  }
0x7d: {  	_ =	shalt  }
0x7e: {  	_ =	shalt  }
0x7f: {  	_ =	shalt  }
0x80: {  	_ =	shalt  }
0x81: {  	_ =	shalt  }
0x82: {  	_ =	shalt  }
0x83: {  	_ =	shalt  }
0x84: {  	_ =	shalt  }
0x85: {  	_ =	shalt  }
0x86: {  	_ =	shalt  }
0x87: {  	_ =	shalt  }
.Lfunc_end0:
.L_simem_size_0:
called_computation_lowered:
.L_overlay_start_0:
0x88: {  	s0 =	sld [smem:$0x3FD9]  }
0x89: {  	s1 =	sld [smem:$0x3FFE];
	_ =	sdelay $0x3  }
0x8a: {  	s0 =	sadd.s32 s1, s0  }
0x8b: {  	[smem:$0x3FC3] =	sst s0  }
0x8c: {  	_ = 	snop  }
0x8d: {  	s0 =	sld [smem:$0x3FC8]  }
0x8e: {  	s16 =	sld [smem:$0x3FD0];
	(tm) =	ssettm $0x1  }
0x8f: {  	s2 =	sld [smem:$0x3FFB];
	_ =	sdelay $0x3  }
0x90: {  	_ =	strace s2  }
0x91: {  	s2 =	sld [smem:$0x3FFC];
	_ =	sdelay $0x3  }
0x92: {  	_ =	strace s2  }
0x93: {  	s2 =	sld [smem:$0x3FFD];
	_ =	sdelay $0x3  }
0x94: {  	_ =	strace s2  }
0x95: {  	_ =	strace $0x8FFFFFFF  }
0x96: {  	s17 =	sld [smem:$0x3FDB];
	_ =	sdelay $0x1  }
0x97: {  	s3 =	simm.s32 $_scs_section_size  }
0x98: {  	s4 =	simm.s32 $_size__tile_overlayer_lowered;
	s5 =	simm.s32 $_tile_overlayer_lowered  }
0x99: {  	s20 =	simm.s32 $0x1BFF;
	s19 =	sshll.u32 s5, $0x1;
	s2 =	sadd.s32 s3, s17  }
0x9a: {  	s6 =	simm.s32 $0x0;
	s18 =	sshll.u32 s4, $0x1;
	s4 =	sadd.s32 s19, s2  }
0x9b: {  	[timem:s6], [sflag:s20] =	dma.local [hbm:s4], s18  }
0x9c: {  	_ =	swait.ge [sflag:s20], s18  }
0x9d: {  	s3 =	ssub.s32 $0x0, s18;
	[sflag:s20] =	ssyncset.done $0x0  }
0x9e: {  	[sflag:s20] =	ssyncadd.s32 s3;
	_ =	sdelay $0x1  }
0x9f: {  	s21 =	simm.s32 $0x1B8B  }
0xa0: {  	_ =	swait.ge [sflag:s21], $0x1  }
0xa1: {  	[sflag:s21] =	ssyncset.done $0x0  }
0xa2: {  	s23 =	simm.s32 $0x1B8E;
	s22 =	sld [smem:$0x3FFE];
	[sflag:s21] =	ssyncadd.s32 $0xFFFFFFFF  }
0xa3: {  	s24 =	simm.s32 $execute0_lowered;
	[smem:$0x3FD2] =	sst s23  }
0xa4: {  	s4 =	sshll.u32 s24, $0x1;
	_ =	strace $0x80000049;
	[dreg:$0x1] =	wrdreg $0xFFFFFFFF  }
0xa5: {  	s25 =	simm.s32 $_size_execute0_lowered;
	s2 =	sadd.s32 s2, s4;
	[dreg:$0x0] =	wrdreg $0x0  }
0xa6: {  	s4 =	sshll.u32 s25, $0x1;
	[dreg:$0x2] =	wrdreg s2  }
0xa7: {  	[dreg:$0x3] =	wrdreg s4  }
0xa8: {  	[dreg:$0x4] =	wrdreg $0xC0  }
0xa9: {  	_ =	task [dreg:s6], $0x5FFFF  }
0xaa: {  	[dreg:$0x1] =	wrdreg $0xFFFFFFFF  }
0xab: {  	[dreg:$0x0] =	wrdreg $0x60  }
0xac: {  	[dreg:$0x2] =	wrdreg s0  }
0xad: {  	[dreg:$0x3] =	wrdreg s16  }
0xae: {  	[dreg:$0x4] =	wrdreg s22  }
0xaf: {  	[dreg:$0x5] =	wrdreg $0x9  }
0xb0: {  	_ =	task.clear_ibuf [dreg:s6], $0x6FFFF;
	_ =	strace $0x90000049  }
0xb1: {  	s26 =	simm.s32 $0x9;
	_ =	strace $0x8000004B  }
0xb2: {  	_ =	swait.ge [sflag:s26], $0x1  }
0xb3: {  	[sflag:s26] =	ssyncadd.s32 $0xFFFFFFFF  }
0xb4: {  	_ =	strace $0x9000004B  }
0xb5: {  	_ =	sfence  }
0xb6: {  	s28 =	sld [smem:$0x0];
	_ =	sdelay $0x1  }
0xb7: {  	s29 =	srdreg.scid  }
0xb8: {  	s30 =	sshll.u32 s29, $0xD;
	s31 =	sshrl.u32 s29, $0x2  }
0xb9: {  	s1 =	sand.u32 $0x1, s29;
	s2 =	sand.u32 $0x4000, s30;
	s0 =	sadd.s32 s31, s28  }
0xba: {  	s1 =	sor.u32 s2, s1;
	s0 =	sshll.u32 s0, $0x11  }
0xbb: {  	s0 =	sor.u32 s0, s1  }
0xbc: {  	s0 =	sadd.s32 $0x8F2B, s0  }
0xbd: {  	[sflag:s0] =	ssyncadd.remote.s32 $0x1  }
0xbe: {  	_ =	sfence.sel $0xFFFF  }
0xbf: {  	[dreg:$0x0] =	wrdreg $0xFFFFFFFF;
	(pc) =	sbr.abs _section_cstart, $3  }
0xc0: {  	[dreg:$0x1] =	wrdreg $0xFFFFFFFF  }
0xc1: {  	_ =	task.clear_ibuf [dreg:s6], $0x2FFFF;
	_ =	strace $0x9FFFFFFF  }
0xc2: {  	(tm) =	ssettm $0x7FFFFFFF  }
0xc3: {  	_ =	shalt  }
tec
execute0_lowered:
.L_overlay_start_1:
0x0: {  	(tag) =	ssettag $0x1  }
0x1: {  	s2 =	rddreg [dreg:$0x0]  }
0x2: {  	s3 =	rddreg [dreg:$0x1]  }
0x3: {  	s5 =	rddreg [dreg:$0x2]  }
0x4: {  	s0 =	rddreg [dreg:$0x3];
	s1 =	stileid.u32  }
0x5: {  	_ =	strace $0x8000004A;
	s6 =	simm.s32 $0x1;
	s8 =	simm.s32 $0x2  }
0x6: {  	s30 =	simm.s32 $0x3;
	s12 =	simm.s32 $0x0;
	s4 =	sshll.u32 s1, $0x4  }
0x7: {  	s9 =	simm.s32 $0x0;
	s10 =	simm.s32 $0x0;
	s7 =	ssub.s32 $0x2810, s4  }
0x8: {  	s5 =	sadd.s32 $0x1400, s5;
	[sflag:s6] =	ssyncpa.u1 $0x0;
	s6 =	sshrl.u32 s7, $0x8  }
0x9: {  	[sflag:s8] =	ssyncpa.u1 $0x0;
	s11 =	smov.u32 s4;
	s31 =	sshll.u32 s6, $0x4  }
0xa: {  	[sflag:s30] =	ssyncpa.u1 $0x0;
	s7 =	sadd.s32 $0x2, s6;
	s8 =	sadd.s32 $0x30, s31  }
.LBB2_1:
0xb: {  	p0 =	sgt.u32 s10, s6  }
0xc: {  	s13 =	sxor.u32 @!p0 $0xFFFFFFFF, s9;
	s14 =	sshrl.u32 @!p0 s11, $0x3  }
0xd: {  	s15 =	sand.u32 @!p0 $0x7, s11;
	s13 =	sand.u32 @!p0 $0x10, s13;
	s14 =	sadd.s32 @!p0 s3, s14  }
0xe: {  	[tilespmem:s13], [sflag:$0x2] =	stream.linear.gather @!p0 [hbm4b:s14+s15], $0x10, $0x38;
	[tilespmem:$0x40] =	vst v63  }
0xf: {  	p0 =	seq.s32 s9, $0x0  }
0x10: {  	p1 =	sge.u32 @!p0 s10, s7  }
0x11: {  	p0 =	por p1, p0  }
0x12: {  	s13 =	simm.s32 @!p0 $0x2  }
0x13: {  	_ =	swait.ge @!p0 [sflag:s13], $0x10  }
0x14: {  	[sflag:s13] =	ssyncset.done @!p0 $0x0  }
0x15: {  	[sflag:s13] =	ssyncadd.s32 @!p0 $0xFFFFFFF0;
	s13 =	sand.u32 @!p0 $0x10, s9  }
0x16: {  	(ifvalue) =	ssetifvalue @!p0 $0x7FFFFFFF;
	v0 =	vld.msk @!p0 [tilespmem:s13+$0x0 ss:$0x1], $0xffff;
	_ =	sdelay $0x4  }
0x17: {  	vm0 =	vgt.s32 @!p0 v0, $0x0  }
0x18: {  	v0 =	vnsel @!p0 vm0, $0x0, v0  }
0x19: {  	v0 =	vmin.u32 @!p0 v0, $0x4E1FF;
	_ =	sdelay $0x3  }
0x1a: {  	s14 =	simm.s32 @!p0 $0x0;
	s13 =	sor.u32 @!p0 $0x20, s13;
	(ifvalue) =	ssetifvalue @!p0 $0x7FFFFFFF;
	vm0 =	vmmov @!p0 $0xffff  }
0x1b: {  	[tilespmem:s13], [sflag:$0x1] =	stream.indirect_vreg.gather @!p0 [hbm4b:s2+s14], $0x1, v0, vm0, $0x4038;
	[tilespmem:$0x40] =	vst v63  }
0x1c: {  	s14 =	simm.s32 @!p0 $0x1  }
0x1d: {  	_ =	swait.ge @!p0 [sflag:s14], $0x10  }
0x1e: {  	s15 =	sshrl.u32 @!p0 s12, $0x3;
	[sflag:s14] =	ssyncset.done @!p0 $0x0  }
0x1f: {  	s12 =	sand.u32 @!p0 $0x7, s12;
	[sflag:s14] =	ssyncadd.s32 @!p0 $0xFFFFFFF0;
	s14 =	sadd.s32 @!p0 s5, s15  }
0x20: {  	[hbm4b:s14+s12] =	stream.linear.scatter @!p0 [tilespmem:s13], [sflag:$0x3], $0x10, $0x38;
	[tilespmem:$0x40] =	vst v63  }
0x21: {  	s14 =	sadd.s32 $0x100, s11  }
0x22: {  	s9 =	sadd.s32 $0x10, s9;
	p1 =	sgt.s32 s14, $0x2817  }
0x23: {  	s14 =	smov.u32 @p1 s4;
	p1 =	sne.s32 s8, s9  }
.Ltmp0:
0x24: {  	p0 =	slt.u32 s10, $0x2;
	(pc) =	sbr.rel @p1 .LBB2_1-.Ltmp0, $4  }
0x25: {  	s13 =	simm.s32 @!p0 $0x3  }
0x26: {  	_ =	swait.ge @!p0 [sflag:s13], $0x10  }
0x27: {  	s12 =	smov.u32 s11;
	[sflag:s13] =	ssyncset.done @!p0 $0x0  }
0x28: {  	s10 =	sadd.s32 $0x1, s10;
	s11 =	smov.u32 s14;
	[sflag:s13] =	ssyncadd.s32 @!p0 $0xFFFFFFF0  }
0x29: {  	_ =	sfence.sel $0x180000  }
0x2a: {  	s2 =	simm.s32 $0x2;
	[bflag:$0x0] =	sbarrier.arrive $0xFFFF  }
0x2b: {  	s30 =	simm.s32 $0x3;
	[sflag:s2] =	ssyncpa.u1 $0x1  }
0x2c: {  	s31 =	simm.s32 $0x1;
	[sflag:s30] =	ssyncpa.u1 $0x1  }
0x2d: {  	[sflag:s31] =	ssyncpa.u1 $0x1  }
0x2e: {  	p0 =	sne.s32 s1, $0x0;
	_ =	strace $0x9000004A  }
0x2f: {  	s0 =	sadd.s32 @!p0 $0x100000, s0;
	[bflag:$0x2] =	sbarrier.arrive $0xFFFF  }
0x30: {  	[sflag:s0] =	ssyncadd.tile.s32 @!p0 $0x1;
	_ =	shalt  }
.Lfunc_end2:
_tile_overlayer_lowered:
.L_overlay_start_2:
0x31: {  	(tag) =	ssettag $0x2  }
0x32: {  	s0 =	rddreg [dreg:$0x0];
	s2 =	stileid.u32  }
0x33: {  	s1 =	rddreg [dreg:$0x1];
	p0 =	sne.s32 s2, $0x0  }
0x34: {  	s3 =	rddreg [dreg:$0x2];
	[bflag:$0x3] =	sbarrier.arrive $0xFFFF;
	s2 =	simm.s32 @!p0 $0x1C01  }
0x35: {  	[timem:s3], [sflag:s2] =	dma.local @!p0 [hbm:s0], s1  }
0x36: {  	s0 =	simm.s32 @!p0 $0x1  }
0x37: {  	_ =	swait.ge @!p0 [sflag:s0], s1  }
0x38: {  	s1 =	ssub.s32 @!p0 $0x0, s1;
	[sflag:s0] =	ssyncset.done @!p0 $0x0  }
0x39: {  	[sflag:s0] =	ssyncadd.s32 @!p0 s1  }
0x3a: {  	[bflag:$0x3] =	sbarrier.arrive $0xFFFF  }
0x3b: {  	_ =	shalt  }

// kernel: kernel.3.cloned.1.call-start
scs
__scs_entry_jumppad:
0x0: {  	(pc) =	sbr.rel $0x88, $3  }
0x1: {  	(tag) =	ssettag $0x0;
	lr =	simm.s32 $0x1  }
0x2: {  	[smem:$0x3F9C] =	sst lr;
	_ =	strace $0xD0000000  }
0x3: {  	_ = 	snop  }
0x4: {  	_ = 	snop  }
0x5: {  	_ = 	snop  }
0x6: {  	_ = 	snop  }
0x7: {  	_ = 	snop  }
__scs_overlays_trampoline_lowered:
0x8: {  	[smem:$0x3FAB] =	sst s0  }
0x9: {  	[smem:$0x3FAC] =	sst s1  }
0xa: {  	[smem:$0x3FAD] =	sst s2  }
0xb: {  	[smem:$0x3FAE] =	sst s3  }
0xc: {  	[smem:$0x3FAF] =	sst s4  }
0xd: {  	[smem:$0x3FB0] =	sst s5  }
0xe: {  	[smem:$0x3FB1] =	sst s6  }
0xf: {  	[smem:$0x3FB2] =	sst s7  }
0x10: {  	[smem:$0x3FB3] =	sst s8  }
0x11: {  	[smem:$0x3FB4] =	sst s9;
	s0 =	simm.s32 @!p0 $0x0  }
0x12: {  	s1 =	sld [smem:$0x3F9A];
	s0 =	simm.s32 @p0 $0x1  }
0x13: {  	[smem:$0x3FB5] =	sst s0;
	s0 =	simm.s32 @!p1 $0x0  }
0x14: {  	s2 =	sld [smem:$0x3F99];
	s0 =	simm.s32 @p1 $0x1  }
0x15: {  	[smem:$0x3FB6] =	sst s0;
	s0 =	simm.s32 @!p2 $0x0  }
0x16: {  	s3 =	sld [smem:$0x3FDB];
	s0 =	simm.s32 @p2 $0x1  }
0x17: {  	s4 =	simm.s32 $0x1BF5;
	[smem:$0x3FB8] =	sst s0  }
0x18: {  	s0 =	sld [smem:$0x3F9B];
	_ =	swait.ge [sflag:s4], $0x0  }
0x19: {  	s7 =	sld [smem:$0x3F9C]  }
0x1a: {  	s8 =	sadd.s32 $0xFFFFE003, lr  }
0x1b: {  	s9 =	sadd.s32 $0xFFFFFEF7, lr;
	s5 =	simm.s32 $0xFFFFFFFF;
	p2 =	slt.u32 s8, $0xFFFFF086  }
0x1c: {  	p1 =	slt.u32 s9, $0xF7A;
	s5 =	simm.s32 @!p2 $0x0  }
0x1d: {  	s5 =	simm.s32 @p1 $0x1;
	p0 =	seq.s32 s7, s2  }
0x1e: {  	s7 =	smul.u32 @!p0 $0xF7A, s2;
	p2 =	seq.s32 @!p0 s5, $0x0  }
0x1f: {  	s9 =	smul.u32 $0xF7A, s1;
	s8 =	simm.s32 @!p0 $0x1BF5;
	p2 =	por !p2, p0  }
0x20: {  	[sflag:s8] =	ssyncset.s32 @!p0 $0xFFFFF086;
	s6 =	sadd.s32 @!p0 s3, s7;
	s7 =	simm.s32 @!p0 $0x108  }
0x21: {  	s3 =	sadd.s32 s3, s9;
	s6 =	sadd.s32 @!p0 $0x88, s6;
	s7 =	simm.s32 @p2 $0x1082  }
0x22: {  	[simem:s7], [sflag:s8] =	dma.local @!p0 [hbm:s6], $0xF7A  }
0x23: {  	s9 =	sor.u32 $0xD0000000, s2;
	s6 =	simm.s32 $0x108;
	_ =	swait.ge @!p0 [sflag:s8], $0x0  }
0x24: {  	s3 =	sadd.s32 $0x88, s3;
	s6 =	simm.s32 @!p1 $0x1082;
	[sflag:s4] =	ssyncset.s32 $0xFFFFF086  }
0x25: {  	[simem:s6], [sflag:s4] =	dma.local [hbm:s3], $0xF7A  }
0x26: {  	[smem:$0x3F9C] =	sst s1;
	(tag) =	ssettag s2;
	_ =	strace s9  }
0x27: {  	s1 =	sld [smem:$0x3FAC]  }
0x28: {  	s2 =	sld [smem:$0x3FAD]  }
0x29: {  	s4 =	sld [smem:$0x3FAF]  }
0x2a: {  	p0 =	seq.s32 s5, $0x0;
	s5 =	sld [smem:$0x3FB0]  }
0x2b: {  	s6 =	sld [smem:$0x3FB1]  }
0x2c: {  	s7 =	sld [smem:$0x3FB2]  }
0x2d: {  	s3 =	simm.s32 $0x108;
	s8 =	sld [smem:$0x3FB3]  }
0x2e: {  	s3 =	simm.s32 @!p0 $0x1082;
	s9 =	sld [smem:$0x3FB4]  }
0x2f: {  	lr =	sadd.s32 s0, s3;
	s0 =	sld [smem:$0x3FAB]  }
0x30: {  	s3 =	sld [smem:$0x3FAE]  }
0x31: {  	[smem:$0x3FB7] =	sst s10  }
0x32: {  	s10 =	sld [smem:$0x3FB5];
	_ =	sdelay $0x3  }
0x33: {  	p0 =	seq.s32 s10, $0x1;
	s10 =	sld [smem:$0x3FB7];
	_ =	sdelay $0x3  }
0x34: {  	[smem:$0x3FB7] =	sst s10  }
0x35: {  	s10 =	sld [smem:$0x3FB6];
	_ =	sdelay $0x3  }
0x36: {  	p1 =	seq.s32 s10, $0x1;
	s10 =	sld [smem:$0x3FB7];
	_ =	sdelay $0x3  }
0x37: {  	[smem:$0x3FB7] =	sst s10  }
0x38: {  	s10 =	sld [smem:$0x3FB8]  }
0x39: {  	_ = 	snop;
	(pc) =	sbr.ind lr, $3  }
0x3a: {  	_ = 	snop  }
0x3b: {  	_ = 	snop  }
0x3c: {  	p2 =	seq.s32 s10, $0x1;
	s10 =	sld [smem:$0x3FB7]  }
0x3d: {  	_ =	shalt  }
0x3e: {  	_ =	shalt  }
0x3f: {  	_ =	shalt  }
0x40: {  	_ =	shalt  }
0x41: {  	_ =	shalt  }
0x42: {  	_ =	shalt  }
0x43: {  	_ =	shalt  }
0x44: {  	_ =	shalt  }
0x45: {  	_ =	shalt  }
0x46: {  	_ =	shalt  }
0x47: {  	_ =	shalt  }
0x48: {  	_ =	shalt  }
0x49: {  	_ =	shalt  }
0x4a: {  	_ =	shalt  }
0x4b: {  	_ =	shalt  }
0x4c: {  	_ =	shalt  }
0x4d: {  	_ =	shalt  }
0x4e: {  	_ =	shalt  }
0x4f: {  	_ =	shalt  }
0x50: {  	_ =	shalt  }
0x51: {  	_ =	shalt  }
0x52: {  	_ =	shalt  }
0x53: {  	_ =	shalt  }
0x54: {  	_ =	shalt  }
0x55: {  	_ =	shalt  }
0x56: {  	_ =	shalt  }
0x57: {  	_ =	shalt  }
0x58: {  	_ =	shalt  }
0x59: {  	_ =	shalt  }
0x5a: {  	_ =	shalt  }
0x5b: {  	_ =	shalt  }
0x5c: {  	_ =	shalt  }
0x5d: {  	_ =	shalt  }
0x5e: {  	_ =	shalt  }
0x5f: {  	_ =	shalt  }
0x60: {  	_ =	shalt  }
0x61: {  	_ =	shalt  }
0x62: {  	_ =	shalt  }
0x63: {  	_ =	shalt  }
0x64: {  	_ =	shalt  }
0x65: {  	_ =	shalt  }
0x66: {  	_ =	shalt  }
0x67: {  	_ =	shalt  }
0x68: {  	_ =	shalt  }
0x69: {  	_ =	shalt  }
0x6a: {  	_ =	shalt  }
0x6b: {  	_ =	shalt  }
0x6c: {  	_ =	shalt  }
0x6d: {  	_ =	shalt  }
0x6e: {  	_ =	shalt  }
0x6f: {  	_ =	shalt  }
0x70: {  	_ =	shalt  }
0x71: {  	_ =	shalt  }
0x72: {  	_ =	shalt  }
0x73: {  	_ =	shalt  }
0x74: {  	_ =	shalt  }
0x75: {  	_ =	shalt  }
0x76: {  	_ =	shalt  }
0x77: {  	_ =	shalt  }
0x78: {  	_ =	shalt  }
0x79: {  	_ =	shalt  }
0x7a: {  	_ =	shalt  }
0x7b: {  	_ =	shalt  }
0x7c: {  	_ =	shalt  }
0x7d: {  	_ =	shalt  }
0x7e: {  	_ =	shalt  }
0x7f: {  	_ =	shalt  }
0x80: {  	_ =	shalt  }
0x81: {  	_ =	shalt  }
0x82: {  	_ =	shalt  }
0x83: {  	_ =	shalt  }
0x84: {  	_ =	shalt  }
0x85: {  	_ =	shalt  }
0x86: {  	_ =	shalt  }
0x87: {  	_ =	shalt  }
.Lfunc_end0:
.L_simem_size_0:
called_computation.1_lowered:
.L_overlay_start_0:
0x88: {  	s2 =	sld [smem:$0x3FD9]  }
0x89: {  	s3 =	sld [smem:$0x3FFE];
	_ =	sdelay $0x1  }
0x8a: {  	s1 =	srdreg.scid  }
0x8b: {  	s0 =	sand.u32 $0x1, s1  }
0x8c: {  	s17 =	sshll.u32 s0, $0xA;
	s2 =	sadd.s32 s3, s2  }
0x8d: {  	s2 =	sadd.s32 s2, s17  }
0x8e: {  	[smem:$0x3FC3] =	sst s2  }
0x8f: {  	_ = 	snop  }
0x90: {  	s2 =	sld [smem:$0x3FC9]  }
0x91: {  	s18 =	sld [smem:$0x3FC6]  }
0x92: {  	s4 =	sld [smem:$0x3FD0];
	(tm) =	ssettm $0x1  }
0x93: {  	s5 =	sld [smem:$0x3FFB];
	_ =	sdelay $0x3  }
0x94: {  	_ =	strace s5  }
0x95: {  	s5 =	sld [smem:$0x3FFC];
	_ =	sdelay $0x3  }
0x96: {  	_ =	strace s5  }
0x97: {  	s5 =	sld [smem:$0x3FFD];
	_ =	sdelay $0x3  }
0x98: {  	_ =	strace s5  }
0x99: {  	_ =	strace $0x8FFFFFFF  }
0x9a: {  	s19 =	sld [smem:$0x3FDB];
	_ =	sdelay $0x1  }
0x9b: {  	s6 =	simm.s32 $_scs_section_size  }
0x9c: {  	s7 =	simm.s32 $_size__tile_overlayer_lowered;
	s8 =	simm.s32 $_tile_overlayer_lowered  }
0x9d: {  	s22 =	simm.s32 $0x1BFF;
	s21 =	sshll.u32 s8, $0x1;
	s5 =	sadd.s32 s6, s19  }
0x9e: {  	s9 =	simm.s32 $0x0;
	s20 =	sshll.u32 s7, $0x1;
	s7 =	sadd.s32 s21, s5  }
0x9f: {  	[timem:s9], [sflag:s22] =	dma.local [hbm:s7], s20  }
0xa0: {  	_ =	swait.ge [sflag:s22], s20  }
0xa1: {  	s6 =	ssub.s32 $0x0, s20;
	[sflag:s22] =	ssyncset.done $0x0  }
0xa2: {  	[sflag:s22] =	ssyncadd.s32 s6;
	_ =	sdelay $0x1  }
0xa3: {  	s23 =	simm.s32 $0x1B8B  }
0xa4: {  	_ =	swait.ge [sflag:s23], $0x1  }
0xa5: {  	[sflag:s23] =	ssyncset.done $0x0  }
0xa6: {  	s25 =	simm.s32 $0x1B8E;
	s24 =	sld [smem:$0x3FFE];
	[sflag:s23] =	ssyncadd.s32 $0xFFFFFFFF  }
0xa7: {  	s26 =	simm.s32 $execute0_lowered;
	[smem:$0x3FD2] =	sst s25  }
0xa8: {  	s7 =	sshll.u32 s26, $0x1;
	_ =	strace $0x80000046;
	[dreg:$0x1] =	wrdreg $0xFFFFFFFF  }
0xa9: {  	s28 =	simm.s32 $_size_execute0_lowered;
	s5 =	sadd.s32 s5, s7;
	[dreg:$0x0] =	wrdreg $0x0  }
0xaa: {  	s7 =	sshll.u32 s28, $0x1;
	[dreg:$0x2] =	wrdreg s5  }
0xab: {  	[dreg:$0x3] =	wrdreg s7  }
0xac: {  	[dreg:$0x4] =	wrdreg $0xC0  }
0xad: {  	_ =	task [dreg:s9], $0x5FFFF  }
0xae: {  	[dreg:$0x1] =	wrdreg $0xFFFFFFFF  }
0xaf: {  	[dreg:$0x0] =	wrdreg $0x60  }
0xb0: {  	[dreg:$0x2] =	wrdreg s2  }
0xb1: {  	[dreg:$0x3] =	wrdreg s4  }
0xb2: {  	[dreg:$0x4] =	wrdreg s18  }
0xb3: {  	[dreg:$0x5] =	wrdreg s24  }
0xb4: {  	[dreg:$0x6] =	wrdreg $0x9  }
0xb5: {  	_ =	task.clear_ibuf [dreg:s9], $0x7FFFF;
	_ =	strace $0x90000046  }
0xb6: {  	s29 =	simm.s32 $0x9;
	_ =	strace $0x80000048  }
0xb7: {  	_ =	swait.ge [sflag:s29], $0x1  }
0xb8: {  	[sflag:s29] =	ssyncadd.s32 $0xFFFFFFFF  }
0xb9: {  	_ =	strace $0x90000048  }
0xba: {  	_ =	sfence  }
0xbb: {  	s30 =	sld [smem:$0x0];
	_ =	sdelay $0x2  }
0xbc: {  	s31 =	sshll.u32 s1, $0xD;
	s1 =	sshrl.u32 s1, $0x2  }
0xbd: {  	s3 =	sand.u32 $0x4000, s31;
	s1 =	sadd.s32 s1, s30  }
0xbe: {  	s0 =	sor.u32 s3, s0;
	s1 =	sshll.u32 s1, $0x11  }
0xbf: {  	s0 =	sor.u32 s1, s0  }
0xc0: {  	s0 =	sadd.s32 $0x8F2B, s0  }
0xc1: {  	[sflag:s0] =	ssyncadd.remote.s32 $0x1  }
0xc2: {  	_ =	sfence.sel $0xFFFF  }
0xc3: {  	[dreg:$0x0] =	wrdreg $0xFFFFFFFF;
	(pc) =	sbr.abs _section_cstart, $3  }
0xc4: {  	[dreg:$0x1] =	wrdreg $0xFFFFFFFF  }
0xc5: {  	_ =	task.clear_ibuf [dreg:s9], $0x2FFFF;
	_ =	strace $0x9FFFFFFF  }
0xc6: {  	(tm) =	ssettm $0x7FFFFFFF  }
0xc7: {  	_ =	shalt  }
tec
execute0_lowered:
.L_overlay_start_1:
0x0: {  	(tag) =	ssettag $0x1  }
0x1: {  	s1 =	rddreg [dreg:$0x0]  }
0x2: {  	s0 =	rddreg [dreg:$0x1]  }
0x3: {  	s3 =	rddreg [dreg:$0x2]  }
0x4: {  	s2 =	srdreg.scid;
	s4 =	stileid.u32  }
0x5: {  	s6 =	rddreg [dreg:$0x3];
	s2 =	sand.u32 $0x1, s2;
	s5 =	sshll.u32 s4, $0x1  }
0x6: {  	s10 =	simm.s32 $0xC580;
	s11 =	simm.s32 $0xC600;
	s5 =	sor.u32 s2, s5  }
0x7: {  	s12 =	simm.s32 $0x180;
	s13 =	simm.s32 $0x2580;
	s7 =	smul.u32 $0x1400, s5  }
.Ltmp0:
0x8: {  	s14 =	simm.s32 $0x0;
	s4 =	simm.s32 $0x0;
	(pc) =	sbr.rel .LBB2_1-.Ltmp0, $4  }
0x9: {  	[smem:$0x7FF] =	sst s4;
	s2 =	ssub.s32 $0x2, s2;
	s9 =	smul.u32 $0x28, s5  }
0xa: {  	_ =	strace $0x80000047;
	s8 =	sshrl.u32 s2, $0x1;
	s5 =	sadd.s32 $0x1000, s6  }
0xb: {  	s2 =	ssub.s32 s2, s8;
	s7 =	sadd.s32 s7, s6;
	s6 =	sadd.s32 s0, s9  }
0xc: {  	s8 =	smax.u32 s2, $0x1;
	s9 =	simm.s32 $0x1;
	s7 =	sadd.s32 $0x1200, s7  }
.LBB2_32:
0xd: {  	s14 =	sadd.s32 $0x1, s14  }
0xe: {  	p0 =	sne.s32 s14, s8  }
.Ltmp1:
0xf: {  	_ = 	snop;
	(pc) =	sbr.rel @!p0 .LBB2_33-.Ltmp1, $4  }
0x10: {  	[hbm4b:s7+s4] =	stream.linear.scatter [tilespmem:s13], [sflag:$0x1], $0xA000, $0x38;
	[tilespmem:$0xC680] =	vst v63  }
0x11: {  	_ =	swait.ge [sflag:s9], $0xA000  }
0x12: {  	[sflag:s9] =	ssyncset.done $0x0  }
0x13: {  	[sflag:s9] =	ssyncadd.s32 $0xFFFF6000  }
.LBB2_1:
0x14: {  	[tilespmem:s4], [sflag:$0x1] =	stream.linear.gather [hbm4b:s6+s4], $0x158, $0x38;
	[tilespmem:$0xC680] =	vst v63  }
0x15: {  	_ =	swait.ge [sflag:s9], $0x158  }
0x16: {  	[sflag:s9] =	ssyncset.done $0x0  }
0x17: {  	[sflag:s9] =	ssyncadd.s32 $0xFFFFFEA8  }
0x18: {  	[tilespmem:s10], [sflag:$0x1] =	stream.linear.gather [hbm4b:s3+s4], $0x80, $0x38;
	[tilespmem:$0xC680] =	vst v63  }
0x19: {  	_ =	swait.ge [sflag:s9], $0x80  }
0x1a: {  	[sflag:s9] =	ssyncset.done $0x0  }
0x1b: {  	[sflag:s9] =	ssyncadd.s32 $0xFFFFFF80  }
0x1c: {  	[tilespmem:s11], [sflag:$0x1] =	stream.linear.gather [hbm4b:s5+s4], $0x80, $0x38;
	[tilespmem:$0xC680] =	vst v63  }
0x1d: {  	_ =	swait.ge [sflag:s9], $0x80  }
0x1e: {  	[sflag:s9] =	ssyncset.done $0x0  }
0x1f: {  	[sflag:s9] =	ssyncadd.s32 $0xFFFFFF80  }
0x20: {  	v1 =	vld [tilespmem:$0xC580]  }
0x21: {  	v2 =	vld [tilespmem:$0xC590]  }
0x22: {  	v3 =	vld [tilespmem:$0xC5A0]  }
0x23: {  	v4 =	vld [tilespmem:$0xC5B0]  }
0x24: {  	v5 =	vld [tilespmem:$0xC5C0]  }
0x25: {  	v6 =	vld [tilespmem:$0xC5D0];
	v1 =	vmax.f32 v1, $0.0e+00  }
0x26: {  	v0 =	vld [tilespmem:$0xC600];
	v2 =	vmax.f32 v2, $0.0e+00;
	v8 =	vmin.f32 v1, $1.000000000e+00  }
0x27: {  	v7 =	vld [tilespmem:$0xC5E0];
	v3 =	vmax.f32 v3, $0.0e+00;
	v9 =	vmin.f32 v2, $1.000000000e+00;
	[tilespmem:$0x1FEB0] =	vst v8  }
0x28: {  	v4 =	vmax.f32 v4, $0.0e+00;
	v10 =	vmin.f32 v3, $1.000000000e+00;
	[tilespmem:$0x1FED0] =	vst v9  }
0x29: {  	v51 =	vmax.f32 v5, $0.0e+00;
	v4 =	vmin.f32 v4, $1.000000000e+00;
	[tilespmem:$0x1FEF0] =	vst v10  }
0x2a: {  	v52 =	vmax.f32 v6, $0.0e+00;
	v2 =	vmin.f32 v51, $1.000000000e+00;
	[tilespmem:$0x1FF10] =	vst v4  }
0x2b: {  	v59 =	vbroadcast v0, $0x1;
	v3 =	vmin.f32 v52, $1.000000000e+00;
	[tilespmem:$0x1FF30] =	vst v2  }
0x2c: {  	v50 =	vld [tilespmem:$0xC5F0];
	(v2sf) =	vpush v0, $0x0;
	v53 =	vmax.f32 v7, $0.0e+00;
	[tilespmem:$0x1FF50] =	vst v3  }
0x2d: {  	v61 =	vbroadcast v0, $0x2;
	v54 =	vmin.f32 v53, $1.000000000e+00;
	[tilespmem:$0x1FF70] =	vst v59  }
0x2e: {  	v62 =	vbroadcast v0, $0x3;
	[tilespmem:$0x1FF80] =	vst v54  }
0x2f: {  	v63 =	vbroadcast v0, $0x4;
	[tilespmem:$0x1FFA0] =	vst v61  }
0x30: {  	v0 =	vbroadcast v0, $0x5;
	[tilespmem:$0x1FFB0] =	vst v62  }
0x31: {  	v1 =	vmax.f32 v50, $0.0e+00;
	[tilespmem:$0x1FFE0] =	vst v63  }
0x32: {  	v55 =	vsub.f32 $1.000000000e+00, v8;
	v1 =	vmin.f32 v1, $1.000000000e+00;
	[tilespmem:$0x1FFF0] =	vst v0  }
0x33: {  	v56 =	vsub.f32 $1.000000000e+00, v9;
	[tilespmem:$0x1FFC0] =	vst v1  }
0x34: {  	v57 =	vsub.f32 $1.000000000e+00, v10;
	[tilespmem:$0x1FEC0] =	vst v55  }
0x35: {  	v4 =	vsub.f32 $1.000000000e+00, v4;
	[tilespmem:$0x1FEE0] =	vst v56  }
0x36: {  	v2 =	vsub.f32 $1.000000000e+00, v2;
	[tilespmem:$0x1FF00] =	vst v57  }
.Ltmp2:
0x37: {  	v58 =	vsub.f32 $1.000000000e+00, v3;
	[tilespmem:$0x1FF20] =	vst v4;
	(pc) =	sbr.rel .LBB2_2-.Ltmp2, $4  }
0x38: {  	v60 =	vsub.f32 $1.000000000e+00, v54;
	[tilespmem:$0x1FF40] =	vst v2  }
0x39: {  	v1 =	vsub.f32 $1.000000000e+00, v1;
	[tilespmem:$0x1FF60] =	vst v58  }
0x3a: {  	[tilespmem:$0x1FF90] =	vst v60  }
0x3b: {  	s16 =	simm.s32 $0x0;
	[tilespmem:$0x1FFD0] =	vst v1;
	s15 =	spop (v2sf)  }
.LBB2_31:
0x3c: {  	v9 =	vld [tilespmem:$0x1FF70]  }
0x3d: {  	v14 =	vld [tilespmem:$0x1FFA0]  }
0x3e: {  	v16 =	vld [tilespmem:$0x1FFB0];
	_ =	sdelay $0x1  }
0x3f: {  	v17 =	vld [tilespmem:$0x1FFE0];
	_ =	sdelay $0x1  }
0x40: {  	v1 =	vmul.f32 v45, v9;
	v2 =	vmul.f32 v44, v14  }
0x41: {  	v3 =	vmul.f32 v34, v9;
	v19 =	vmul.f32 v11, v16  }
0x42: {  	s0 =	scvt.s32.f32 s18;
	v4 =	vmul.f32 v40, v14;
	v20 =	vmul.f32 v27, v9  }
0x43: {  	v5 =	vmul.f32 v26, v17;
	v24 =	vmul.f32 v24, v9  }
0x44: {  	s0 =	smul.f32 s0, s15;
	v6 =	vmul.f32 v59, v16;
	v7 =	vmul.f32 v30, v14  }
0x45: {  	v26 =	vmul.f32 v35, v14;
	v27 =	vmul.f32 v31, v17  }
0x46: {  	v8 =	vmul.f32 v39, v14;
	v39 =	vmul.f32 v38, v9;
	v1 =	vadd.f32 s0, v1  }
0x47: {  	v28 =	vmul.f32 v13, v16;
	v32 =	vmul.f32 v43, v9;
	v3 =	vadd.f32 s0, v3  }
0x48: {  	v44 =	vmul.f32 v41, v14;
	v43 =	vadd.f32 s0, v39;
	v1 =	vadd.f32 v2, v1  }
0x49: {  	v30 =	vmul.f32 v18, v16;
	v3 =	vadd.f32 v4, v3;
	v2 =	vadd.f32 s0, v20  }
0x4a: {  	v34 =	vmul.f32 v29, v17;
	v4 =	vadd.f32 s0, v24;
	v46 =	vadd.f32 v44, v43  }
0x4b: {  	v35 =	vmul.f32 v33, v17;
	v1 =	vadd.f32 v19, v1;
	v3 =	vadd.f32 v6, v3  }
0x4c: {  	v31 =	vld [tilespmem:$0x1FFF0];
	v0 =	vmul.f32 v0, v16;
	v2 =	vadd.f32 v7, v2;
	v4 =	vadd.f32 v26, v4  }
0x4d: {  	v45 =	vmul.f32 v42, v9;
	v6 =	vadd.f32 s0, v32;
	v1 =	vadd.f32 v1, v5  }
0x4e: {  	v47 =	vmul.f32 v21, v9;
	v3 =	vadd.f32 v3, v27;
	v2 =	vadd.f32 v28, v2  }
0x4f: {  	v48 =	vmul.f32 v15, v16;
	v4 =	vadd.f32 v30, v4;
	v40 =	vadd.f32 v8, v6  }
0x50: {  	v49 =	vmul.f32 v23, v14;
	v8 =	vadd.f32 s0, v45;
	v6 =	vadd.f32 s0, v47  }
0x51: {  	v56 =	vld [tilespmem:$0x1FEA0];
	v10 =	vmul.f32 v25, v17;
	v5 =	vadd.f32 v48, v46;
	v1 =	vadd.f32 v1, v31  }
0x52: {  	v50 =	vmul.f32 v36, v14;
	v3 =	vadd.f32 v3, v31;
	v2 =	vadd.f32 v2, v34  }
0x53: {  	v53 =	vmul.f32 v37, v17;
	v4 =	vadd.f32 v4, v35;
	v0 =	vadd.f32 v0, v40  }
0x54: {  	s31 =	sshll.u32 s16, $0x7;
	v52 =	vmul.f32 v12, v16;
	v51 =	vadd.f32 v49, v8;
	v6 =	vadd.f32 v50, v6  }
0x55: {  	v54 =	vmul.f32 v54, v16;
	s0 =	sand.u32 $0x3FFFFF80, s31;
	v57 =	vadd.f32 v5, v53;
	v2 =	vadd.f32 v2, v31  }
0x56: {  	v7 =	vmul.f32 v56, v17;
	v4 =	vadd.f32 v4, v31;
	[tilespmem:s0+$0x2580] =	vst v1;
	v55 =	vadd.f32 v52, v51  }
0x57: {  	s16 =	sadd.s32 $0x1, s16;
	v59 =	vmul.f32 v22, v17;
	v0 =	vadd.f32 v0, v10;
	[tilespmem:s0+$0x2590] =	vst v3;
	v58 =	vadd.f32 v54, v6  }
0x58: {  	p0 =	sne.s32 s16, $0x140;
	v60 =	vadd.f32 v57, v31;
	[tilespmem:s0+$0x25A0] =	vst v2;
	v1 =	vadd.f32 v55, v7  }
.Ltmp3:
0x59: {  	v0 =	vadd.f32 v0, v31;
	[tilespmem:s0+$0x25B0] =	vst v4;
	v61 =	vadd.f32 v58, v59;
	(pc) =	sbr.rel @!p0 .LBB2_32-.Ltmp3, $4  }
0x5a: {  	[tilespmem:s0+$0x25D0] =	vst v60;
	v62 =	vadd.f32 v1, v31  }
0x5b: {  	[tilespmem:s0+$0x25C0] =	vst v0;
	v63 =	vadd.f32 v61, v31  }
0x5c: {  	[tilespmem:s0+$0x25E0] =	vst v62  }
0x5d: {  	[tilespmem:s0+$0x25F0] =	vst v63  }
.LBB2_2:
0x5e: {  	v0 =	vld [tilespmem:s16+$0x0];
	_ =	sdelay $0x4  }
0x5f: {  	(v2sf) =	vpush v0, $0x0  }
0x60: {  	(v2sf) =	vpush v0, $0x1;
	_ =	sdelay $0xd  }
0x61: {  	s17 =	spop (v2sf)  }
0x62: {  	s19 =	spop (v2sf)  }
0x63: {  	s18 =	ssub.s32 s19, s17  }
0x64: {  	s0 =	sadd.s32 $0x3F, s18  }
0x65: {  	s2 =	sand.u32 $0x3F, s0  }
0x66: {  	s20 =	sshra.s32 s0, $0x1F;
	p0 =	slt.s32 s0, $0x1;
	p1 =	sne.s32 s2, $0x0  }
0x67: {  	s30 =	sshrl.u32 s20, $0x1A;
	p0 =	por !p0, !p1  }
0x68: {  	s2 =	simm.s32 $0x1;
	s0 =	sadd.s32 s30, s0;
	p0 =	por !p0, !p0  }
0x69: {  	s0 =	sshra.s32 s0, $0x6;
	s2 =	simm.s32 @!p0 $0x0  }
0x6a: {  	s20 =	ssub.s32 s0, s2  }
0x6b: {  	p0 =	slt.s32 s20, $0x1  }
.Ltmp4:
0x6c: {  	_ = 	snop;
	(pc) =	sbr.rel @p0 .LBB2_3-.Ltmp4, $3  }
0x6d: {  	_ =	sdelay $0x1  }
0x6e: {  	s31 =	sshll.u32 s17, $0x9  }
0x6f: {  	v11 =	vimm.f32 $0.0e+00;
	s21 =	sand.u32 $0x7, s17;
	s22 =	sshra.s32 s31, $0x2  }
0x70: {  	v21 =	vimm.f32 $+Inf;
	v36 =	vimm.f32 $-Inf;
	v4 =	vimm.f32 $0.0e+00  }
0x71: {  	v22 =	vimm.f32 $0.0e+00;
	v37 =	vimm.f32 $0.0e+00;
	v25 =	vimm.f32 $0.0e+00  }
0x72: {  	v33 =	vimm.f32 $0.0e+00;
	v29 =	vimm.f32 $0.0e+00;
	v31 =	vimm.f32 $0.0e+00  }
.Ltmp5:
0x73: {  	v26 =	vimm.f32 $0.0e+00;
	v23 =	vimm.f32 $-Inf;
	v41 =	vimm.f32 $-Inf;
	(pc) =	sbr.rel .LBB2_5-.Ltmp5, $4  }
0x74: {  	v39 =	vimm.f32 $-Inf;
	v35 =	vimm.f32 $-Inf;
	v30 =	vimm.f32 $-Inf  }
0x75: {  	v40 =	vimm.f32 $-Inf;
	v44 =	vimm.f32 $-Inf;
	v42 =	vimm.f32 $+Inf  }
0x76: {  	v38 =	vimm.f32 $+Inf;
	v43 =	vimm.f32 $+Inf;
	v24 =	vimm.f32 $+Inf;
	s23 =	sadd.s32 $0x180, s22;
	s24 =	simm.s32 $0x0  }
0x77: {  	p1 =	sne.s32 s21, $0x0;
	s25 =	smov.u32 s17;
	s26 =	smov.u32 s18;
	v27 =	vimm.f32 $+Inf;
	v34 =	vimm.f32 $+Inf;
	v45 =	vimm.f32 $+Inf  }
.LBB2_3:
0x78: {  	v44 =	vimm.f32 $-Inf;
	v45 =	vimm.f32 $+Inf;
	v34 =	vimm.f32 $+Inf  }
0x79: {  	v27 =	vimm.f32 $+Inf;
	v24 =	vimm.f32 $+Inf;
	v43 =	vimm.f32 $+Inf  }
0x7a: {  	v38 =	vimm.f32 $+Inf;
	v42 =	vimm.f32 $+Inf;
	v21 =	vimm.f32 $+Inf  }
0x7b: {  	v40 =	vimm.f32 $-Inf;
	v30 =	vimm.f32 $-Inf;
	v35 =	vimm.f32 $-Inf  }
0x7c: {  	v39 =	vimm.f32 $-Inf;
	v41 =	vimm.f32 $-Inf;
	v23 =	vimm.f32 $-Inf  }
0x7d: {  	v36 =	vimm.f32 $-Inf;
	v26 =	vimm.f32 $0.0e+00;
	v31 =	vimm.f32 $0.0e+00  }
0x7e: {  	v29 =	vimm.f32 $0.0e+00;
	v33 =	vimm.f32 $0.0e+00;
	v25 =	vimm.f32 $0.0e+00  }
0x7f: {  	v37 =	vimm.f32 $0.0e+00;
	v4 =	vimm.f32 $0.0e+00;
	v22 =	vimm.f32 $0.0e+00  }
.LBB2_17:
.Ltmp6:
0x80: {  	(pc) =	sbr.rel @p0 .LBB2_31-.Ltmp6, $4  }
0x81: {  	_ = 	snop  }
0x82: {  	v59 =	vimm.f32 $0.0e+00  }
0x83: {  	v13 =	vimm.f32 $0.0e+00;
	v18 =	vimm.f32 $0.0e+00;
	v0 =	vimm.f32 $0.0e+00  }
0x84: {  	[tilespmem:$0x1FEA0] =	vst v4;
	v15 =	vimm.f32 $0.0e+00;
	v12 =	vimm.f32 $0.0e+00;
	v54 =	vimm.f32 $0.0e+00  }
0x85: {  	v0 =	vld [tilespmem:$0x1FEB0]  }
0x86: {  	v1 =	vld [tilespmem:$0x1FEC0]  }
0x87: {  	v2 =	vld [tilespmem:$0x1FED0]  }
0x88: {  	v3 =	vld [tilespmem:$0x1FEE0];
	_ =	sdelay $0x2  }
0x89: {  	v0 =	vmul.f32 v44, v0;
	v1 =	vmul.f32 v45, v1;
	_ =	sdelay $0x1  }
0x8a: {  	v2 =	vmul.f32 v40, v2;
	v3 =	vmul.f32 v34, v3;
	v46 =	vadd.f32 v0, v1;
	v0 =	vld [tilespmem:$0x1FF10]  }
0x8b: {  	v1 =	vld [tilespmem:$0x1FF20]  }
0x8c: {  	v47 =	vadd.f32 v2, v3;
	v2 =	vld [tilespmem:$0x1FF30]  }
0x8d: {  	v3 =	vld [tilespmem:$0x1FF40]  }
0x8e: {  	v4 =	vld [tilespmem:$0x1FEF0]  }
0x8f: {  	v60 =	vld [tilespmem:$0x1FF00]  }
0x90: {  	v61 =	vld [tilespmem:$0x1FF50];
	v0 =	vmul.f32 v35, v0;
	v1 =	vmul.f32 v24, v1  }
0x91: {  	v63 =	vld [tilespmem:$0x1FF60]  }
0x92: {  	v2 =	vmul.f32 v39, v2;
	v3 =	vmul.f32 v43, v3;
	v49 =	vadd.f32 v0, v1;
	v0 =	vld [tilespmem:$0x1FF80]  }
0x93: {  	v1 =	vld [tilespmem:$0x1FF90]  }
0x94: {  	v50 =	vadd.f32 v2, v3;
	v2 =	vld [tilespmem:$0x1FFC0]  }
0x95: {  	v3 =	vld [tilespmem:$0x1FFD0]  }
0x96: {  	v7 =	vmul.f32 v30, v4;
	v8 =	vmul.f32 v27, v60  }
0x97: {  	v54 =	vimm.f32 $0.0e+00;
	v12 =	vimm.f32 $0.0e+00;
	v15 =	vimm.f32 $0.0e+00  }
.Ltmp7:
0x98: {  	v62 =	vmul.f32 v41, v61;
	v48 =	vadd.f32 v7, v8;
	v8 =	vmul.f32 v38, v63;
	(pc) =	sbr.rel .LBB2_19-.Ltmp7, $4  }
0x99: {  	v18 =	vimm.f32 $0.0e+00;
	v0 =	vmul.f32 v23, v0;
	v1 =	vmul.f32 v42, v1  }
0x9a: {  	v13 =	vimm.f32 $0.0e+00;
	v2 =	vmul.f32 v36, v2;
	v3 =	vmul.f32 v21, v3  }
0x9b: {  	s22 =	sadd.s32 $0x180, s22;
	s23 =	simm.s32 $0x0;
	p0 =	seq.s32 s20, $0x1;
	v59 =	vimm.f32 $0.0e+00;
	v11 =	vimm.f32 $0.0e+00;
	v51 =	vadd.f32 v62, v8  }
0x9c: {  	p1 =	sne.s32 s21, $0x0;
	s21 =	smov.u32 s17;
	s24 =	smov.u32 s18;
	v52 =	vadd.f32 v0, v1;
	v53 =	vadd.f32 v2, v3;
	v0 =	vimm.f32 $0.0e+00  }
.LBB2_11:
0x9d: {  	v49 =	vmov v43;
	v10 =	vmov v39  }
0x9e: {  	v50 =	vmovc v25;
	v51 =	vmovc v38;
	v52 =	vmov v41;
	v53 =	vmov v37;
	v54 =	vmov v42  }
0x9f: {  	v12 =	vmovc v23;
	v0 =	vmovc v4;
	v13 =	vmov v45;
	v15 =	vmov v44;
	v18 =	vmov v26  }
.LBB2_15:
0xa0: {  	v2 =	vmin.f32 @p2 v49, v46;
	v3 =	vmax.f32 @p2 v10, v46;
	v10 =	vadd.f32 @p2 v46, v50  }
0xa1: {  	v46 =	vmin.f32 @p2 v51, v47;
	v49 =	vmax.f32 @p2 v52, v47;
	v47 =	vadd.f32 @p2 v47, v53  }
0xa2: {  	v51 =	vmin.f32 @p2 v54, v48;
	v12 =	vmax.f32 @p2 v12, v48;
	v0 =	vadd.f32 @p2 v48, v0  }
0xa3: {  	v1 =	vld [tilespmem:s0+$0xFFFFFFD0];
	v13 =	vmin.f32 @p2 v13, v8;
	v15 =	vmax.f32 @p2 v15, v8;
	v8 =	vadd.f32 @p2 v8, v18  }
0xa4: {  	v28 =	vld [tilespmem:s0+$0xFFFFFFE0];
	v21 =	vmin.f32 v21, v7;
	v36 =	vmax.f32 v36, v7;
	v22 =	vadd.f32 v7, v22  }
0xa5: {  	v60 =	vld [tilespmem:s0+$0xFFFFFFF0];
	v2 =	vpsel p2, v2, v43;
	v3 =	vpsel p2, v3, v39;
	v41 =	vpsel p2, v49, v41  }
0xa6: {  	v61 =	vld [tilespmem:s0+$0x0];
	v42 =	vpsel p2, v51, v42;
	v12 =	vpsel p2, v12, v23;
	v13 =	vpsel p2, v13, v45  }
0xa7: {  	v7 =	vld [tilespmem:s0+$0x10];
	v15 =	vpsel p2, v15, v44;
	v10 =	vpsel p2, v10, v25;
	v37 =	vpsel p2, v47, v37  }
0xa8: {  	v62 =	vld [tilespmem:s0+$0x20];
	v0 =	vpsel p2, v0, v4;
	v8 =	vpsel p2, v8, v26;
	v34 =	vmin.f32 v34, v1  }
0xa9: {  	v63 =	vld [tilespmem:s0+$0xFFFFFFC0];
	v40 =	vmax.f32 v40, v1;
	v31 =	vadd.f32 v1, v31;
	v27 =	vmin.f32 v27, v28  }
0xaa: {  	v30 =	vmax.f32 v30, v28;
	v29 =	vadd.f32 v28, v29;
	v24 =	vmin.f32 v24, v60  }
0xab: {  	v35 =	vmax.f32 v35, v60;
	v33 =	vadd.f32 v60, v33;
	v28 =	vpsel p2, v46, v38  }
0xac: {  	v43 =	vmin.f32 v2, v61;
	v39 =	vmax.f32 v3, v61;
	v25 =	vadd.f32 v61, v10  }
0xad: {  	v41 =	vmax.f32 v41, v7;
	v37 =	vadd.f32 v7, v37;
	v42 =	vmin.f32 v42, v62  }
0xae: {  	v23 =	vmax.f32 v12, v62;
	v4 =	vadd.f32 v62, v0;
	v45 =	vmin.f32 v13, v63  }
0xaf: {  	v44 =	vmax.f32 v15, v63;
	v26 =	vadd.f32 v63, v8;
	v38 =	vmin.f32 v28, v7  }
.LBB2_16:
0xb0: {  	s24 =	sadd.s32 $0x1, s24  }
0xb1: {  	p2 =	sne.s32 s24, s20  }
.Ltmp8:
0xb2: {  	_ = 	snop;
	(pc) =	sbr.rel @!p2 .LBB2_17-.Ltmp8, $2  }
0xb3: {  	_ =	sdelay $0x2  }
0xb4: {  	s26 =	sadd.s32 $0xFFFFFFC0, s26;
	s23 =	sadd.s32 $0x2000, s23;
	s25 =	sadd.s32 $0x40, s25  }
.LBB2_5:
0xb5: {  	s0 =	sshll.u32 s24, $0x6  }
0xb6: {  	s0 =	sadd.s32 s17, s0  }
0xb7: {  	s2 =	sshra.s32 s0, $0x1F;
	p2 =	slt.s32 s0, $0x1  }
0xb8: {  	s2 =	sshrl.u32 s2, $0x1D;
	p2 =	por !p1, !p2  }
0xb9: {  	s28 =	simm.s32 $0x1;
	s2 =	sadd.s32 s2, s0;
	p2 =	por !p2, !p2  }
0xba: {  	s2 =	sshrl.u32 s2, $0x3;
	s28 =	simm.s32 @!p2 $0x0  }
0xbb: {  	s2 =	ssub.s32 s2, s28  }
0xbc: {  	s28 =	sshll.u32 s2, $0x3  }
0xbd: {  	s29 =	ssub.s32 s19, s0;
	p2 =	slt.s32 s28, $0x4E1B8  }
0xbe: {  	p3 =	sne.s32 s19, s0;
	s0 =	simm.s32 $0x1;
	s28 =	simm.s32 @!p2 $0x4E1B8  }
0xbf: {  	s0 =	simm.s32 @!p3 $0x0;
	p2 =	slt.s32 s29, $0x40;
	s31 =	sshll.u32 s28, $0x4  }
0xc0: {  	s2 =	sadd.s32 s1, s31;
	s31 =	sshra.s32 s29, $0x1F;
	s29 =	simm.s32 @!p2 $0x40  }
0xc1: {  	[tilespmem:s12], [sflag:$0x1] =	stream.linear.gather [hbm4b:s2+s4], $0x2400, $0x38;
	[tilespmem:$0xC680] =	vst v63  }
0xc2: {  	s0 =	sor.u32 s0, s31;
	s31 =	sand.u32 $0x3, s29  }
0xc3: {  	s30 =	sshra.s32 s29, $0x1F;
	p5 =	sne.s32 s0, $0x1;
	p6 =	sne.s32 s31, $0x0  }
0xc4: {  	s31 =	sshrl.u32 s30, $0x1E;
	p2 =	por !p5, !p6  }
0xc5: {  	s2 =	simm.s32 $0x1;
	s0 =	sadd.s32 s31, s29;
	p2 =	por !p2, !p2  }
0xc6: {  	s0 =	sshra.s32 s0, $0x2;
	s2 =	simm.s32 @!p2 $0x0  }
0xc7: {  	s30 =	ssub.s32 s0, s2  }
0xc8: {  	p2 =	slt.s32 s30, $0x1  }
.Ltmp9:
0xc9: {  	_ = 	snop;
	(pc) =	sbr.rel @p2 .LBB2_9-.Ltmp9, $4  }
0xca: {  	_ = 	snop  }
0xcb: {  	_ =	swait.ge [sflag:s9], $0x2400  }
0xcc: {  	[sflag:s9] =	ssyncset.done $0x0  }
0xcd: {  	[sflag:s9] =	ssyncadd.s32 $0xFFFFDC00  }
0xce: {  	s0 =	sshll.u32 s28, $0x9  }
0xcf: {  	s0 =	ssub.s32 $0x0, s0  }
0xd0: {  	s0 =	sshra.s32 s0, $0x2  }
0xd1: {  	v50 =	vmov s0;
	_ =	sdelay $0x4  }
0xd2: {  	v47 =	vld.idx.msk [tilespmem:v50+s23+$0x1B0 ss:$0x1], $0xffff  }
0xd3: {  	v46 =	vld.idx.msk [tilespmem:v50+s23+$0x180 ss:$0x1], $0xffff  }
0xd4: {  	v49 =	vld.idx.msk [tilespmem:v50+s23+$0x150 ss:$0x1], $0xffff  }
0xd5: {  	v48 =	vld.idx.msk [tilespmem:v50+s23+$0x1F0 ss:$0x1], $0xffff  }
0xd6: {  	v0 =	vld.idx.msk [tilespmem:v50+s23+$0x170 ss:$0x1], $0xffff  }
0xd7: {  	v1 =	vld.idx.msk [tilespmem:v50+s23+$0xF0 ss:$0x1], $0xffff  }
0xd8: {  	v2 =	vld.idx.msk [tilespmem:v50+s23+$0x100 ss:$0x1], $0xffff  }
0xd9: {  	v7 =	vld.idx.msk [tilespmem:v50+s23+$0x0 ss:$0x1], $0xffff  }
0xda: {  	v8 =	vld.idx.msk [tilespmem:v50+s23+$0x70 ss:$0x1], $0xffff  }
0xdb: {  	v10 =	vld.idx.msk [tilespmem:v50+s23+$0x60 ss:$0x1], $0xffff  }
0xdc: {  	v15 =	vld.idx.msk [tilespmem:v50+s23+$0x50 ss:$0x1], $0xffff  }
0xdd: {  	v55 =	vld.idx.msk [tilespmem:v50+s23+$0x40 ss:$0x1], $0xffff  }
0xde: {  	v3 =	vld.idx.msk [tilespmem:v50+s23+$0x80 ss:$0x1], $0xffff  }
0xdf: {  	v52 =	vld.idx.msk [tilespmem:v50+s23+$0x1E0 ss:$0x1], $0xffff  }
0xe0: {  	v53 =	vld.idx.msk [tilespmem:v50+s23+$0x160 ss:$0x1], $0xffff;
	v12 =	vmin.f32 v45, v7;
	v13 =	vmax.f32 v44, v7;
	v7 =	vadd.f32 v7, v26  }
0xe1: {  	v51 =	vld.idx.msk [tilespmem:v50+s23+$0xD0 ss:$0x1], $0xffff;
	v18 =	vmin.f32 v21, v8;
	v21 =	vadd.f32 v8, v22;
	v8 =	vmax.f32 v36, v8  }
0xe2: {  	v54 =	vld.idx.msk [tilespmem:v50+s23+$0xE0 ss:$0x1], $0xffff;
	v62 =	vadd.f32 v10, v4;
	v37 =	vadd.f32 v15, v37;
	v59 =	vmin.f32 v43, v55  }
0xe3: {  	v57 =	vld.idx.msk [tilespmem:v50+s23+$0x20 ss:$0x1], $0xffff;
	v39 =	vmax.f32 v39, v55;
	v13 =	vmax.f32 v13, v3;
	v18 =	vmin.f32 v18, v1  }
0xe4: {  	v45 =	vld.idx.msk [tilespmem:v50+s23+$0x30 ss:$0x1], $0xffff;
	v7 =	vadd.f32 v3, v7;
	v44 =	vmax.f32 v13, v2;
	v13 =	vadd.f32 v1, v21  }
0xe5: {  	v32 =	vld.idx.msk [tilespmem:v50+s23+$0xB0 ss:$0x1], $0xffff;
	v18 =	vmin.f32 v18, v0;
	v1 =	vmax.f32 v8, v1;
	v3 =	vmin.f32 v12, v3  }
0xe6: {  	v8 =	vld.idx.msk [tilespmem:v50+s23+$0x10 ss:$0x1], $0xffff;
	v12 =	vmin.f32 v38, v15;
	v21 =	vmin.f32 v18, v48;
	v36 =	vmax.f32 v1, v0  }
0xe7: {  	v43 =	vld.idx.msk [tilespmem:v50+s23+$0xA0 ss:$0x1], $0xffff;
	v1 =	vmin.f32 v42, v10;
	v42 =	vmin.f32 v3, v2;
	v7 =	vadd.f32 v2, v7  }
0xe8: {  	v3 =	vld.idx.msk [tilespmem:v50+s23+$0x90 ss:$0x1], $0xffff;
	v0 =	vadd.f32 v0, v13;
	v2 =	vmax.f32 v41, v15;
	v15 =	vadd.f32 v57, v29  }
0xe9: {  	v56 =	vld.idx.msk [tilespmem:v50+s23+$0x1D0 ss:$0x1], $0xffff;
	v1 =	vmin.f32 v1, v54;
	v13 =	vmax.f32 v2, v51;
	v2 =	vadd.f32 v45, v33  }
0xea: {  	v63 =	vmax.f32 v35, v45;
	v58 =	vmin.f32 v1, v53;
	v26 =	vadd.f32 v46, v7;
	v7 =	vld.idx.msk [tilespmem:v50+s23+$0x110 ss:$0x1], $0xffff  }
0xeb: {  	p2 =	sne.s32 s30, $0x1;
	v33 =	vld.idx.msk [tilespmem:v50+s23+$0x120 ss:$0x1], $0xffff;
	v22 =	vadd.f32 v48, v0;
	v0 =	vmax.f32 v23, v10;
	v61 =	vadd.f32 v8, v31  }
.Ltmp10:
0xec: {  	v38 =	vld.idx.msk [tilespmem:v50+s23+$0x190 ss:$0x1], $0xffff;
	v15 =	vadd.f32 v43, v15;
	v10 =	vmax.f32 v40, v8;
	v0 =	vmax.f32 v0, v54;
	(pc) =	sbr.rel @!p2 .LBB2_8-.Ltmp10, $4  }
0xed: {  	v60 =	vld.idx.msk [tilespmem:v50+s23+$0x1C0 ss:$0x1], $0xffff;
	v8 =	vmin.f32 v34, v8;
	v40 =	vadd.f32 v32, v2;
	v18 =	vadd.f32 v3, v61  }
0xee: {  	v41 =	vld.idx.msk [tilespmem:v50+s23+$0x1A0 ss:$0x1], $0xffff;
	v2 =	vmax.f32 v30, v57;
	v0 =	vmax.f32 v0, v53;
	v35 =	vmax.f32 v10, v3  }
0xef: {  	v10 =	vld.idx.msk [tilespmem:v50+s23+$0xC0 ss:$0x1], $0xffff;
	v23 =	vmax.f32 v0, v52;
	v0 =	vmin.f32 v8, v3;
	v3 =	vadd.f32 v7, v18  }
0xf0: {  	s2 =	sadd.s32 $0xFFFFFFFF, s30;
	s31 =	smov.u32 s23;
	s0 =	sadd.s32 $0x200, s23;
	v8 =	vld.idx.msk [tilespmem:v50+s23+$0x130 ss:$0x1], $0xffff;
	v61 =	vmax.f32 v13, v49;
	v1 =	vadd.f32 v33, v15;
	v0 =	vmin.f32 v0, v7  }
.LBB2_7:
0xf1: {  	v12 =	vmin.f32 v12, v51;
	v2 =	vmax.f32 v2, v43;
	v29 =	vadd.f32 v38, v3  }
0xf2: {  	p2 =	sne.s32 s2, $0x1;
	s2 =	sadd.s32 $0xFFFFFFFF, s2;
	v3 =	vmovc v47;
	v47 =	vld.idx.msk [tilespmem:v50+s0+$0x1B0 ss:$0x1], $0xffff;
	v13 =	vmovc v46;
	v15 =	vmov v49;
	v18 =	vmov v48;
	v28 =	vmov v52  }
0xf3: {  	v31 =	vadd.f32 v54, v62;
	v34 =	vld.idx.msk [tilespmem:v50+s31+$0x140 ss:$0x1], $0xffff;
	v2 =	vmax.f32 v2, v33;
	v1 =	vadd.f32 v41, v1;
	s31 =	smov.u32 s0  }
0xf4: {  	v27 =	vmin.f32 v27, v57;
	v25 =	vadd.f32 v55, v25;
	v0 =	vmin.f32 v0, v38;
	v46 =	vld.idx.msk [tilespmem:v50+s0+$0x180 ss:$0x1], $0xffff  }
0xf5: {  	v52 =	vmax.f32 v63, v32;
	v39 =	vmax.f32 v39, v10;
	v30 =	vmax.f32 v2, v41;
	v49 =	vld.idx.msk [tilespmem:v50+s0+$0x150 ss:$0x1], $0xffff  }
0xf6: {  	v2 =	vmin.f32 v24, v45;
	v24 =	vmin.f32 v59, v10;
	v40 =	vadd.f32 v8, v40;
	v48 =	vld.idx.msk [tilespmem:v50+s0+$0x1F0 ss:$0x1], $0xffff  }
0xf7: {  	v27 =	vmin.f32 v27, v43;
	v10 =	vadd.f32 v10, v25;
	v25 =	vadd.f32 v53, v31;
	v59 =	vld.idx.msk [tilespmem:v50+s0+$0x170 ss:$0x1], $0xffff  }
0xf8: {  	v27 =	vmin.f32 v27, v33;
	v2 =	vmin.f32 v2, v32;
	v33 =	vadd.f32 v3, v40;
	v31 =	vld.idx.msk [tilespmem:v50+s0+$0xF0 ss:$0x1], $0xffff  }
0xf9: {  	v7 =	vmax.f32 v35, v7;
	v2 =	vmin.f32 v2, v8;
	v8 =	vmax.f32 v52, v8;
	v40 =	vld.idx.msk [tilespmem:v50+s0+$0x100 ss:$0x1], $0xffff  }
0xfa: {  	v8 =	vmax.f32 v8, v3;
	v35 =	vmax.f32 v39, v34;
	v39 =	vadd.f32 v28, v25;
	v32 =	vld.idx.msk [tilespmem:v50+s0+$0x80 ss:$0x1], $0xffff  }
0xfb: {  	v25 =	vmin.f32 v24, v34;
	v24 =	vmin.f32 v2, v3;
	v2 =	vmax.f32 v35, v60;
	v43 =	vld.idx.msk [tilespmem:v50+s0+$0x0 ss:$0x1], $0xffff  }
0xfc: {  	v38 =	vmax.f32 v7, v38;
	v35 =	vadd.f32 v51, v37;
	v63 =	vmin.f32 v25, v60;
	v3 =	vld.idx.msk [tilespmem:v50+s0+$0x70 ss:$0x1], $0xffff  }
0xfd: {  	v7 =	vmin.f32 v12, v15;
	v27 =	vmin.f32 v27, v41;
	v10 =	vadd.f32 v34, v10;
	v52 =	vld.idx.msk [tilespmem:v50+s0+$0x1E0 ss:$0x1], $0xffff  }
0xfe: {  	v12 =	vadd.f32 v15, v35;
	v15 =	vmin.f32 v7, v56;
	v7 =	vmax.f32 v61, v56;
	v53 =	vld.idx.msk [tilespmem:v50+s0+$0x160 ss:$0x1], $0xffff  }
0xff: {  	v34 =	vmin.f32 v42, v13;
	v28 =	vmin.f32 v58, v28;
	v25 =	vadd.f32 v60, v10;
	v51 =	vld.idx.msk [tilespmem:v50+s0+$0xD0 ss:$0x1], $0xffff  }
0x100: {  	v10 =	vmax.f32 v44, v13;
	v13 =	vmax.f32 v36, v18;
	v12 =	vadd.f32 v56, v12;
	v54 =	vld.idx.msk [tilespmem:v50+s0+$0xE0 ss:$0x1], $0xffff  }
0x101: {  	v34 =	vmin.f32 v34, v43;
	v10 =	vmax.f32 v10, v43;
	v26 =	vadd.f32 v43, v26;
	v18 =	vld.idx.msk [tilespmem:v50+s0+$0x60 ss:$0x1], $0xffff  }
0x102: {  	v21 =	vmin.f32 v21, v3;
	v22 =	vadd.f32 v3, v22;
	v10 =	vmax.f32 v10, v32;
	v35 =	vld.idx.msk [tilespmem:v50+s0+$0x50 ss:$0x1], $0xffff  }
0x103: {  	v21 =	vmin.f32 v21, v31;
	v26 =	vadd.f32 v32, v26;
	v44 =	vmax.f32 v10, v40;
	v55 =	vld.idx.msk [tilespmem:v50+s0+$0x40 ss:$0x1], $0xffff  }
0x104: {  	v3 =	vmax.f32 v13, v3;
	v10 =	vadd.f32 v31, v22;
	v13 =	vmin.f32 v21, v59;
	v45 =	vld.idx.msk [tilespmem:v50+s0+$0x30 ss:$0x1], $0xffff  }
0x105: {  	v3 =	vmax.f32 v3, v31;
	v22 =	vadd.f32 v40, v26;
	v21 =	vmin.f32 v13, v48;
	v57 =	vld.idx.msk [tilespmem:v50+s0+$0x20 ss:$0x1], $0xffff  }
0x106: {  	v36 =	vmax.f32 v3, v59;
	v26 =	vmin.f32 v34, v32;
	v3 =	vadd.f32 v59, v10;
	v13 =	vld.idx.msk [tilespmem:v50+s0+$0x10 ss:$0x1], $0xffff  }
0x107: {  	v42 =	vmin.f32 v26, v40;
	v28 =	vmin.f32 v28, v18;
	v62 =	vadd.f32 v18, v39;
	v32 =	vld.idx.msk [tilespmem:v50+s0+$0xB0 ss:$0x1], $0xffff  }
0x108: {  	v26 =	vadd.f32 v46, v22;
	v7 =	vmax.f32 v7, v35;
	v37 =	vadd.f32 v35, v12;
	v31 =	vld.idx.msk [tilespmem:v50+s0+$0x90 ss:$0x1], $0xffff  }
0x109: {  	v22 =	vadd.f32 v48, v3;
	v59 =	vmin.f32 v63, v55;
	v34 =	vmax.f32 v7, v51;
	v43 =	vld.idx.msk [tilespmem:v50+s0+$0xA0 ss:$0x1], $0xffff  }
0x10a: {  	v39 =	vmax.f32 v2, v55;
	v2 =	vmax.f32 v23, v18;
	v3 =	vadd.f32 v45, v33;
	v7 =	vld.idx.msk [tilespmem:v50+s0+$0x110 ss:$0x1], $0xffff  }
0x10b: {  	v12 =	vmin.f32 v15, v35;
	v63 =	vmax.f32 v8, v45;
	v1 =	vadd.f32 v57, v1;
	v33 =	vld.idx.msk [tilespmem:v50+s0+$0x120 ss:$0x1], $0xffff  }
0x10c: {  	v2 =	vmax.f32 v2, v54;
	v8 =	vmax.f32 v38, v13;
	v10 =	vadd.f32 v13, v29;
	v38 =	vld.idx.msk [tilespmem:v50+s0+$0x190 ss:$0x1], $0xffff  }
.Ltmp11:
0x10d: {  	v2 =	vmax.f32 v2, v53;
	v0 =	vmin.f32 v0, v13;
	v40 =	vadd.f32 v32, v3;
	v41 =	vld.idx.msk [tilespmem:v50+s0+$0x1A0 ss:$0x1], $0xffff;
	(pc) =	sbr.rel @p2 .LBB2_7-.Ltmp11, $4  }
0x10e: {  	v23 =	vmax.f32 v2, v52;
	v35 =	vmax.f32 v8, v31;
	v3 =	vadd.f32 v31, v10;
	v56 =	vld.idx.msk [tilespmem:v50+s0+$0x1D0 ss:$0x1], $0xffff  }
0x10f: {  	v13 =	vmin.f32 v28, v54;
	v0 =	vmin.f32 v0, v31;
	v1 =	vadd.f32 v43, v1;
	v10 =	vld.idx.msk [tilespmem:v50+s0+$0xC0 ss:$0x1], $0xffff  }
0x110: {  	v2 =	vmax.f32 v30, v57;
	v58 =	vmin.f32 v13, v53;
	v3 =	vadd.f32 v7, v3;
	v8 =	vld.idx.msk [tilespmem:v50+s0+$0x130 ss:$0x1], $0xffff  }
0x111: {  	v61 =	vmax.f32 v34, v49;
	v0 =	vmin.f32 v0, v7;
	v1 =	vadd.f32 v33, v1;
	s0 =	sadd.s32 $0x200, s0;
	v60 =	vld.idx.msk [tilespmem:v50+s31+$0x1C0 ss:$0x1], $0xffff  }
.LBB2_8:
0x112: {  	v12 =	vmin.f32 v12, v51;
	v2 =	vmax.f32 v2, v43;
	v31 =	vadd.f32 v38, v3  }
0x113: {  	v3 =	vadd.f32 v54, v62;
	v54 =	vmin.f32 v27, v57;
	v34 =	vmin.f32 v0, v38  }
0x114: {  	v15 =	vmax.f32 v63, v32;
	v57 =	vmin.f32 v24, v45;
	v7 =	vmax.f32 v35, v7  }
0x115: {  	v62 =	vadd.f32 v51, v37;
	v45 =	vmin.f32 v42, v46;
	v42 =	vmin.f32 v58, v52  }
0x116: {  	v44 =	vmax.f32 v44, v46;
	v36 =	vmax.f32 v36, v48;
	v2 =	vmax.f32 v2, v33  }
0x117: {  	v13 =	vadd.f32 v55, v25;
	v29 =	vadd.f32 v41, v1;
	v30 =	vmax.f32 v2, v41  }
0x118: {  	v1 =	vmin.f32 v54, v43;
	v3 =	vadd.f32 v53, v3;
	v2 =	vmin.f32 v57, v32  }
0x119: {  	v55 =	vld.idx.msk [tilespmem:v50+s31+$0x140 ss:$0x1], $0xffff;
	v63 =	vadd.f32 v49, v62;
	v18 =	vmax.f32 v39, v10;
	v24 =	vmin.f32 v59, v10  }
0x11a: {  	v10 =	vadd.f32 v10, v13;
	v1 =	vmin.f32 v1, v33;
	v25 =	vadd.f32 v8, v40  }
0x11b: {  	v2 =	vmin.f32 v2, v8;
	v8 =	vmax.f32 v15, v8;
	v4 =	vadd.f32 v52, v3  }
0x11c: {  	v40 =	vmax.f32 v7, v38;
	v27 =	vmin.f32 v1, v41;
	v41 =	vmax.f32 v61, v56  }
0x11d: {  	v37 =	vadd.f32 v56, v63;
	v35 =	vmax.f32 v8, v47;
	v33 =	vadd.f32 v47, v25  }
0x11e: {  	v59 =	vmax.f32 v18, v55;
	v3 =	vmin.f32 v24, v55;
	v0 =	vadd.f32 v55, v10  }
0x11f: {  	v24 =	vmin.f32 v2, v47;
	v43 =	vmin.f32 v3, v60;
	v3 =	vmin.f32 v12, v49  }
0x120: {  	v39 =	vmax.f32 v59, v60;
	v38 =	vmin.f32 v3, v56;
	v25 =	vadd.f32 v60, v0  }
.LBB2_9:
0x121: {  	s0 =	sshll.u32 s30, $0x2  }
0x122: {  	p2 =	sge.s32 s0, s29  }
.Ltmp12:
0x123: {  	_ = 	snop;
	(pc) =	sbr.rel @p2 .LBB2_16-.Ltmp12, $1  }
0x124: {  	_ =	sdelay $0x3  }
0x125: {  	p2 =	slt.s32 s26, $0x40;
	s29 =	smov.u32 s26  }
0x126: {  	s29 =	simm.s32 @!p2 $0x40  }
0x127: {  	s30 =	ssub.s32 s29, s0  }
0x128: {  	s2 =	sadd.s32 s0, s25;
	p3 =	sne.s32 s30, $0x1  }
.Ltmp13:
0x129: {  	s2 =	ssub.s32 s2, s28;
	(pc) =	sbr.rel @!p3 .LBB2_11-.Ltmp13, $4  }
0x12a: {  	s2 =	sshll.u32 s2, $0x9  }
0x12b: {  	s31 =	sshra.s32 s2, $0x2  }
0x12c: {  	s0 =	sadd.s32 $0x1C0, s31  }
0x12d: {  	p2 =	por $0x0, $0x0;
	s2 =	sadd.s32 $0xFFFFFFFF, s30;
	v7 =	vld [tilespmem:s0+$0x30]  }
0x12e: {  	v0 =	vld [tilespmem:s0+$0xFFFFFFD0]  }
0x12f: {  	v1 =	vld [tilespmem:s0+$0xFFFFFFE0]  }
0x130: {  	v2 =	vld [tilespmem:s0+$0xFFFFFFF0];
	p3 =	sne.s32 s2, $0x1;
	v49 =	vmov v43;
	v10 =	vmov v39;
	v50 =	vmov v25  }
.Ltmp14:
0x131: {  	v46 =	vld [tilespmem:s0+$0x0];
	v51 =	vmovc v38;
	v52 =	vmovc v41;
	v53 =	vmov v37;
	v54 =	vmov v42;
	v12 =	vmov v23;
	(pc) =	sbr.rel @!p3 .LBB2_13-.Ltmp14, $4  }
0x132: {  	v47 =	vld [tilespmem:s0+$0x10];
	v13 =	vmovc v45;
	v21 =	vmin.f32 v21, v7;
	v36 =	vmax.f32 v36, v7;
	v22 =	vadd.f32 v7, v22  }
0x133: {  	v48 =	vld [tilespmem:s0+$0x20];
	v15 =	vmovc v44;
	v34 =	vmin.f32 v34, v0;
	v40 =	vmax.f32 v40, v0;
	v31 =	vadd.f32 v0, v31  }
0x134: {  	v8 =	vld [tilespmem:s0+$0xFFFFFFC0];
	s0 =	sadd.s32 $0x80, s0;
	v18 =	vmovc v26;
	v27 =	vmin.f32 v27, v1;
	v30 =	vmax.f32 v30, v1;
	v29 =	vadd.f32 v1, v29  }
0x135: {  	s2 =	sadd.s32 $0xFFFFFFFF, s2;
	p2 =	por $0x1, $0x1;
	v7 =	vld [tilespmem:s0+$0x30];
	v24 =	vmin.f32 v24, v2;
	v35 =	vmax.f32 v35, v2;
	v33 =	vadd.f32 v2, v33;
	v0 =	vmovc v4  }
.LBB2_14:
0x136: {  	p3 =	sne.s32 s2, $0x1;
	v1 =	vld [tilespmem:s0+$0xFFFFFFD0];
	v49 =	vmin.f32 v49, v46;
	v10 =	vmax.f32 v10, v46;
	v50 =	vadd.f32 v46, v50  }
0x137: {  	v51 =	vmin.f32 v51, v47;
	v52 =	vmax.f32 v52, v47;
	v53 =	vadd.f32 v47, v53;
	v2 =	vld [tilespmem:s0+$0xFFFFFFE0]  }
0x138: {  	v54 =	vmin.f32 v54, v48;
	v12 =	vmax.f32 v12, v48;
	v0 =	vadd.f32 v48, v0;
	v3 =	vld [tilespmem:s0+$0xFFFFFFF0]  }
.Ltmp15:
0x139: {  	v13 =	vmin.f32 v13, v8;
	v15 =	vmax.f32 v15, v8;
	v18 =	vadd.f32 v8, v18;
	v46 =	vld [tilespmem:s0+$0x0];
	(pc) =	sbr.rel @p3 .LBB2_14-.Ltmp15, $4  }
0x13a: {  	v21 =	vmin.f32 v21, v7;
	v36 =	vmax.f32 v36, v7;
	v22 =	vadd.f32 v7, v22;
	v47 =	vld [tilespmem:s0+$0x10]  }
0x13b: {  	v48 =	vld [tilespmem:s0+$0x20];
	v34 =	vmin.f32 v34, v1;
	v40 =	vmax.f32 v40, v1;
	v31 =	vadd.f32 v1, v31  }
0x13c: {  	v8 =	vld [tilespmem:s0+$0xFFFFFFC0];
	v27 =	vmin.f32 v27, v2;
	v30 =	vmax.f32 v30, v2;
	v29 =	vadd.f32 v2, v29;
	s0 =	sadd.s32 $0x80, s0  }
0x13d: {  	s2 =	sadd.s32 $0xFFFFFFFF, s2;
	v7 =	vld [tilespmem:s0+$0x30];
	v24 =	vmin.f32 v24, v3;
	v35 =	vmax.f32 v35, v3;
	v33 =	vadd.f32 v3, v33  }
.Ltmp16:
0x13e: {  	_ = 	snop;
	(pc) =	sbr.rel .LBB2_15-.Ltmp16, $1  }
0x13f: {  	_ =	sdelay $0x3  }
.LBB2_13:
.Ltmp17:
0x140: {  	(pc) =	sbr.rel .LBB2_15-.Ltmp17, $4  }
0x141: {  	_ = 	snop  }
0x142: {  	v49 =	vmov v43;
	v10 =	vmov v39  }
0x143: {  	v50 =	vmovc v25;
	v51 =	vmovc v38;
	v52 =	vmov v41;
	v53 =	vmov v37;
	v54 =	vmov v42  }
0x144: {  	v12 =	vmovc v23;
	v0 =	vmovc v4;
	v13 =	vmov v45;
	v15 =	vmov v44;
	v18 =	vmov v26  }
.LBB2_25:
0x145: {  	v63 =	vmov v59;
	v60 =	vmov v13  }
0x146: {  	v58 =	vmovc v18;
	v56 =	vmovc v0;
	v55 =	vmov v15;
	v57 =	vmov v12;
	v28 =	vmov v11  }
.LBB2_29:
0x147: {  	v3 =	vadd.f32 @p2 v3, v63;
	v5 =	vsub.f32 @p2 v8, v50  }
0x148: {  	v1 =	vmax.f32 @p2 v1, $0.0e+00;
	v8 =	vsub.f32 @p2 v10, v51;
	v10 =	vsub.f32 @p2 v61, v52  }
0x149: {  	v4 =	vld [tilespmem:s0+$0xFFFFFFD0];
	v2 =	vmax.f32 @p2 v2, $0.0e+00;
	v14 =	vsub.f32 @p2 v62, v46;
	v7 =	vsub.f32 v7, v53  }
0x14a: {  	v6 =	vld [tilespmem:s0+$0xFFFFFFE0];
	v1 =	vadd.f32 @p2 v1, v60;
	v2 =	vadd.f32 @p2 v2, v58  }
0x14b: {  	v9 =	vld [tilespmem:s0+$0xFFFFFFF0];
	v5 =	vmax.f32 @p2 v5, $0.0e+00;
	v8 =	vmax.f32 @p2 v8, $0.0e+00;
	v10 =	vmax.f32 @p2 v10, $0.0e+00  }
0x14c: {  	v16 =	vld [tilespmem:s0+$0x0];
	v14 =	vmax.f32 @p2 v14, $0.0e+00;
	v7 =	vmax.f32 v7, $0.0e+00;
	v5 =	vadd.f32 @p2 v5, v56  }
0x14d: {  	v19 =	vld [tilespmem:s0+$0x20];
	v3 =	vpsel p2, v3, v59;
	v8 =	vadd.f32 @p2 v8, v55;
	v10 =	vadd.f32 @p2 v10, v57  }
0x14e: {  	v17 =	vld [tilespmem:s0+$0x10];
	v14 =	vadd.f32 @p2 v14, v28;
	v54 =	vadd.f32 v7, v54;
	v1 =	vpsel p2, v1, v13  }
0x14f: {  	v20 =	vld [tilespmem:s0+$0xFFFFFFC0];
	v2 =	vpsel p2, v2, v18;
	v4 =	vsub.f32 v4, v47;
	v6 =	vsub.f32 v6, v48  }
0x150: {  	v9 =	vsub.f32 v9, v49;
	v0 =	vpsel p2, v5, v0;
	v60 =	vpsel p2, v8, v15  }
0x151: {  	v61 =	vpsel p2, v10, v12;
	v62 =	vsub.f32 v16, v50;
	v4 =	vmax.f32 v4, $0.0e+00  }
0x152: {  	v63 =	vsub.f32 v19, v52;
	v59 =	vadd.f32 v4, v3;
	v3 =	vmax.f32 v6, $0.0e+00  }
0x153: {  	v8 =	vpsel p2, v14, v11;
	v13 =	vadd.f32 v3, v1;
	v3 =	vsub.f32 v17, v51  }
0x154: {  	v4 =	vmax.f32 v62, $0.0e+00;
	v1 =	vmax.f32 v9, $0.0e+00;
	v9 =	vsub.f32 v20, v46  }
0x155: {  	v0 =	vadd.f32 v4, v0;
	v18 =	vadd.f32 v1, v2;
	v1 =	vmax.f32 v3, $0.0e+00  }
0x156: {  	v2 =	vmax.f32 v9, $0.0e+00;
	v15 =	vadd.f32 v1, v60;
	v1 =	vmax.f32 v63, $0.0e+00  }
0x157: {  	v11 =	vadd.f32 v2, v8;
	v12 =	vadd.f32 v1, v61  }
.LBB2_30:
0x158: {  	s23 =	sadd.s32 $0x1, s23  }
0x159: {  	p2 =	sne.s32 s23, s20  }
.Ltmp18:
0x15a: {  	_ = 	snop;
	(pc) =	sbr.rel @!p2 .LBB2_31-.Ltmp18, $2  }
0x15b: {  	_ =	sdelay $0x2  }
0x15c: {  	s24 =	sadd.s32 $0xFFFFFFC0, s24;
	s22 =	sadd.s32 $0x2000, s22;
	s21 =	sadd.s32 $0x40, s21  }
.LBB2_19:
0x15d: {  	s0 =	sshll.u32 s23, $0x6  }
0x15e: {  	s0 =	sadd.s32 s17, s0  }
0x15f: {  	s2 =	sshra.s32 s0, $0x1F;
	p2 =	slt.s32 s0, $0x1  }
0x160: {  	s2 =	sshrl.u32 s2, $0x1D;
	p2 =	por !p1, !p2  }
0x161: {  	s25 =	simm.s32 $0x1;
	s2 =	sadd.s32 s2, s0;
	p2 =	por !p2, !p2  }
0x162: {  	s2 =	sshrl.u32 s2, $0x3;
	s25 =	simm.s32 @!p2 $0x0  }
0x163: {  	s2 =	ssub.s32 s2, s25  }
0x164: {  	s25 =	sshll.u32 s2, $0x3  }
0x165: {  	p2 =	slt.s32 s25, $0x4E1B8  }
0x166: {  	s25 =	simm.s32 @!p2 $0x4E1B8  }
0x167: {  	s2 =	sshll.u32 @!p0 s25, $0x4  }
0x168: {  	s26 =	simm.s32 @!p0 $0x0;
	s28 =	simm.s32 @!p0 $0x180;
	s2 =	sadd.s32 @!p0 s1, s2  }
0x169: {  	[tilespmem:s28], [sflag:$0x1] =	stream.linear.gather @!p0 [hbm4b:s2+s26], $0x2400, $0x38;
	[tilespmem:$0xC680] =	vst v63  }
0x16a: {  	s26 =	ssub.s32 s19, s0  }
0x16b: {  	p3 =	sne.s32 s19, s0;
	s0 =	simm.s32 $0x1;
	p2 =	slt.s32 s26, $0x40  }
0x16c: {  	s29 =	sshra.s32 s26, $0x1F;
	s0 =	simm.s32 @!p3 $0x0;
	s26 =	simm.s32 @!p2 $0x40  }
0x16d: {  	s0 =	sor.u32 s0, s29;
	s30 =	sand.u32 $0x3, s26  }
0x16e: {  	s28 =	sshra.s32 s26, $0x1F;
	p5 =	sne.s32 s0, $0x1;
	p6 =	sne.s32 s30, $0x0  }
0x16f: {  	s31 =	sshrl.u32 s28, $0x1E;
	p2 =	por !p5, !p6  }
0x170: {  	s2 =	simm.s32 $0x1;
	s0 =	sadd.s32 s31, s26;
	p2 =	por !p2, !p2  }
0x171: {  	s0 =	sshra.s32 s0, $0x2;
	s2 =	simm.s32 @!p2 $0x0  }
0x172: {  	s28 =	ssub.s32 s0, s2  }
0x173: {  	p2 =	slt.s32 s28, $0x1  }
.Ltmp19:
0x174: {  	_ = 	snop;
	(pc) =	sbr.rel @p2 .LBB2_23-.Ltmp19, $4  }
0x175: {  	s29 =	simm.s32 @!p0 $0x1  }
0x176: {  	_ =	swait.ge @!p0 [sflag:s29], $0x2400  }
0x177: {  	[sflag:s29] =	ssyncset.done @!p0 $0x0  }
0x178: {  	[sflag:s29] =	ssyncadd.s32 @!p0 $0xFFFFDC00  }
0x179: {  	s0 =	sshll.u32 s25, $0x9  }
0x17a: {  	s0 =	ssub.s32 $0x0, s0  }
0x17b: {  	s0 =	sshra.s32 s0, $0x2  }
0x17c: {  	v61 =	vmov s0;
	_ =	sdelay $0x4  }
0x17d: {  	v1 =	vld.idx.msk [tilespmem:v61+s22+$0x1D0 ss:$0x1], $0xffff  }
0x17e: {  	v2 =	vld.idx.msk [tilespmem:v61+s22+$0xE0 ss:$0x1], $0xffff  }
0x17f: {  	v3 =	vld.idx.msk [tilespmem:v61+s22+$0x170 ss:$0x1], $0xffff  }
0x180: {  	v7 =	vld.idx.msk [tilespmem:v61+s22+$0x180 ss:$0x1], $0xffff  }
0x181: {  	v8 =	vld.idx.msk [tilespmem:v61+s22+$0x100 ss:$0x1], $0xffff  }
0x182: {  	v10 =	vld.idx.msk [tilespmem:v61+s22+$0x80 ss:$0x1], $0xffff  }
0x183: {  	v28 =	vld.idx.msk [tilespmem:v61+s22+$0x0 ss:$0x1], $0xffff  }
0x184: {  	v57 =	vld.idx.msk [tilespmem:v61+s22+$0xD0 ss:$0x1], $0xffff  }
0x185: {  	v60 =	vld.idx.msk [tilespmem:v61+s22+$0x60 ss:$0x1], $0xffff  }
0x186: {  	v5 =	vld.idx.msk [tilespmem:v61+s22+$0x50 ss:$0x1], $0xffff  }
0x187: {  	v9 =	vld.idx.msk [tilespmem:v61+s22+$0x20 ss:$0x1], $0xffff;
	v62 =	vsub.f32 v1, v51  }
0x188: {  	v55 =	vld.idx.msk [tilespmem:v61+s22+$0x150 ss:$0x1], $0xffff;
	v1 =	vsub.f32 v2, v52;
	v3 =	vsub.f32 v3, v53  }
0x189: {  	v56 =	vld.idx.msk [tilespmem:v61+s22+$0xC0 ss:$0x1], $0xffff;
	v7 =	vsub.f32 v7, v46;
	v8 =	vsub.f32 v8, v46  }
0x18a: {  	v58 =	vld.idx.msk [tilespmem:v61+s22+$0x70 ss:$0x1], $0xffff;
	v28 =	vsub.f32 v28, v46;
	v10 =	vsub.f32 v10, v46  }
0x18b: {  	v2 =	vld.idx.msk [tilespmem:v61+s22+$0xF0 ss:$0x1], $0xffff;
	v57 =	vsub.f32 v57, v51;
	v60 =	vsub.f32 v60, v52  }
0x18c: {  	v5 =	vsub.f32 v5, v51;
	v9 =	vsub.f32 v9, v48;
	v4 =	vmax.f32 v7, $0.0e+00  }
0x18d: {  	v32 =	vld.idx.msk [tilespmem:v61+s22+$0x30 ss:$0x1], $0xffff;
	v7 =	vsub.f32 v55, v51;
	v8 =	vmax.f32 v8, $0.0e+00;
	v6 =	vmax.f32 v1, $0.0e+00  }
0x18e: {  	v1 =	vld.idx.msk [tilespmem:v61+s22+$0x40 ss:$0x1], $0xffff;
	v28 =	vmax.f32 v28, $0.0e+00;
	v55 =	vsub.f32 v56, v50;
	v10 =	vmax.f32 v10, $0.0e+00  }
0x18f: {  	v5 =	vmax.f32 v5, $0.0e+00;
	v11 =	vadd.f32 v28, v11;
	v28 =	vsub.f32 v58, v53;
	v58 =	vld.idx.msk [tilespmem:v61+s22+$0x10 ss:$0x1], $0xffff  }
0x190: {  	v14 =	vld.idx.msk [tilespmem:v61+s22+$0xB0 ss:$0x1], $0xffff;
	v9 =	vmax.f32 v9, $0.0e+00;
	v5 =	vadd.f32 v5, v15;
	v2 =	vsub.f32 v2, v53  }
0x191: {  	v17 =	vld.idx.msk [tilespmem:v61+s22+$0x140 ss:$0x1], $0xffff;
	v28 =	vmax.f32 v28, $0.0e+00;
	v10 =	vadd.f32 v10, v11;
	v11 =	vmax.f32 v60, $0.0e+00  }
0x192: {  	v19 =	vld.idx.msk [tilespmem:v61+s22+$0x1C0 ss:$0x1], $0xffff;
	v63 =	vmax.f32 v7, $0.0e+00;
	v28 =	vadd.f32 v28, v54;
	v16 =	vadd.f32 v11, v12  }
0x193: {  	v55 =	vmax.f32 v55, $0.0e+00;
	v7 =	vld.idx.msk [tilespmem:v61+s22+$0xA0 ss:$0x1], $0xffff;
	v1 =	vsub.f32 v1, v50;
	v8 =	vadd.f32 v8, v10  }
0x194: {  	v54 =	vld.idx.msk [tilespmem:v61+s22+$0x90 ss:$0x1], $0xffff;
	v12 =	vsub.f32 v32, v49;
	v2 =	vmax.f32 v2, $0.0e+00;
	v10 =	vsub.f32 v58, v47  }
0x195: {  	v32 =	vld.idx.msk [tilespmem:v61+s22+$0x1F0 ss:$0x1], $0xffff;
	v2 =	vadd.f32 v2, v28;
	v1 =	vmax.f32 v1, $0.0e+00;
	v11 =	vadd.f32 v4, v8  }
0x196: {  	v60 =	vld.idx.msk [tilespmem:v61+s22+$0x130 ss:$0x1], $0xffff;
	v0 =	vadd.f32 v1, v0;
	v1 =	vmax.f32 v57, $0.0e+00;
	v57 =	vadd.f32 v9, v13  }
0x197: {  	p2 =	sne.s32 s28, $0x1;
	v58 =	vld.idx.msk [tilespmem:v61+s22+$0x120 ss:$0x1], $0xffff;
	v4 =	vmax.f32 v10, $0.0e+00;
	v13 =	vadd.f32 v6, v16;
	v15 =	vadd.f32 v1, v5  }
.Ltmp20:
0x198: {  	v8 =	vld.idx.msk [tilespmem:v61+s22+$0x160 ss:$0x1], $0xffff;
	v1 =	vmax.f32 v3, $0.0e+00;
	v3 =	vadd.f32 v4, v59;
	v4 =	vsub.f32 v14, v49;
	(pc) =	sbr.rel @!p2 .LBB2_22-.Ltmp20, $4  }
0x199: {  	v10 =	vld.idx.msk [tilespmem:v61+s22+$0x110 ss:$0x1], $0xffff;
	v5 =	vmax.f32 v12, $0.0e+00;
	v9 =	vsub.f32 v54, v47;
	v54 =	vsub.f32 v17, v50  }
0x19a: {  	v59 =	vld.idx.msk [tilespmem:v61+s22+$0x1B0 ss:$0x1], $0xffff;
	v0 =	vadd.f32 v55, v0;
	v55 =	vmax.f32 v4, $0.0e+00;
	v4 =	vsub.f32 v32, v53  }
0x19b: {  	v12 =	vld.idx.msk [tilespmem:v61+s22+$0x1E0 ss:$0x1], $0xffff;
	v1 =	vadd.f32 v1, v2;
	v2 =	vadd.f32 v5, v18;
	v5 =	vmax.f32 v9, $0.0e+00  }
0x19c: {  	s29 =	smov.u32 s22;
	s0 =	sadd.s32 $0xFFFFFFFF, s28;
	v18 =	vld.idx.msk [tilespmem:v61+s22+$0x1A0 ss:$0x1], $0xffff;
	v28 =	vadd.f32 v5, v3;
	v3 =	vsub.f32 v19, v50;
	v56 =	vmax.f32 v4, $0.0e+00  }
.LBB2_21:
0x19d: {  	p2 =	sne.s32 s0, $0x1;
	s0 =	sadd.s32 $0xFFFFFFFF, s0;
	v4 =	vmax.f32 v54, $0.0e+00;
	v5 =	vadd.f32 v63, v15;
	v6 =	vld.idx.msk [tilespmem:v61+s29+$0x190 ss:$0x1], $0xffff;
	v1 =	vadd.f32 v56, v1;
	s29 =	sadd.s32 $0x200, s29  }
0x19e: {  	v2 =	vadd.f32 v55, v2;
	v9 =	vld.idx.msk [tilespmem:v61+s29+$0x1D0 ss:$0x1], $0xffff;
	v0 =	vadd.f32 v4, v0;
	v3 =	vmax.f32 v3, $0.0e+00  }
0x19f: {  	v7 =	vsub.f32 v7, v48;
	v8 =	vsub.f32 v8, v52;
	v14 =	vmax.f32 v62, $0.0e+00;
	v4 =	vld.idx.msk [tilespmem:v61+s29+$0xE0 ss:$0x1], $0xffff  }
0x1a0: {  	v10 =	vsub.f32 v10, v47;
	v15 =	vld.idx.msk [tilespmem:v61+s29+$0x170 ss:$0x1], $0xffff;
	v0 =	vadd.f32 v3, v0  }
0x1a1: {  	v8 =	vmax.f32 v8, $0.0e+00;
	v5 =	vadd.f32 v14, v5;
	v12 =	vsub.f32 v12, v52;
	v3 =	vld.idx.msk [tilespmem:v61+s29+$0x180 ss:$0x1], $0xffff  }
0x1a2: {  	v10 =	vmax.f32 v10, $0.0e+00;
	v8 =	vadd.f32 v8, v13;
	v13 =	vsub.f32 v59, v49;
	v14 =	vld.idx.msk [tilespmem:v61+s29+$0x100 ss:$0x1], $0xffff  }
0x1a3: {  	v10 =	vadd.f32 v10, v28;
	v17 =	vsub.f32 v18, v48;
	v12 =	vmax.f32 v12, $0.0e+00;
	v16 =	vld.idx.msk [tilespmem:v61+s29+$0x80 ss:$0x1], $0xffff  }
0x1a4: {  	v7 =	vmax.f32 v7, $0.0e+00;
	v62 =	vsub.f32 v9, v51;
	v9 =	vsub.f32 v60, v49;
	v18 =	vld.idx.msk [tilespmem:v61+s29+$0x0 ss:$0x1], $0xffff  }
0x1a5: {  	v7 =	vadd.f32 v7, v57;
	v4 =	vsub.f32 v4, v52;
	v19 =	vld.idx.msk [tilespmem:v61+s29+$0x150 ss:$0x1], $0xffff  }
0x1a6: {  	v6 =	vsub.f32 v6, v47;
	v54 =	vsub.f32 v15, v53;
	v9 =	vmax.f32 v9, $0.0e+00;
	v28 =	vld.idx.msk [tilespmem:v61+s29+$0xC0 ss:$0x1], $0xffff  }
0x1a7: {  	v3 =	vsub.f32 v3, v46;
	v2 =	vadd.f32 v9, v2;
	v9 =	vmax.f32 v17, $0.0e+00;
	v15 =	vld.idx.msk [tilespmem:v61+s29+$0xD0 ss:$0x1], $0xffff  }
0x1a8: {  	v55 =	vsub.f32 v58, v48;
	v6 =	vmax.f32 v6, $0.0e+00;
	v14 =	vsub.f32 v14, v46;
	v17 =	vld.idx.msk [tilespmem:v61+s29+$0xF0 ss:$0x1], $0xffff  }
0x1a9: {  	v8 =	vadd.f32 v12, v8;
	v16 =	vsub.f32 v16, v46;
	v3 =	vmax.f32 v3, $0.0e+00;
	v56 =	vld.idx.msk [tilespmem:v61+s29+$0x70 ss:$0x1], $0xffff  }
0x1aa: {  	v13 =	vmax.f32 v13, $0.0e+00;
	v18 =	vsub.f32 v18, v46;
	v14 =	vmax.f32 v14, $0.0e+00;
	v12 =	vld.idx.msk [tilespmem:v61+s29+$0x60 ss:$0x1], $0xffff  }
0x1ab: {  	v4 =	vmax.f32 v4, $0.0e+00;
	v2 =	vadd.f32 v13, v2;
	v19 =	vsub.f32 v19, v51;
	v57 =	vld.idx.msk [tilespmem:v61+s29+$0x50 ss:$0x1], $0xffff  }
0x1ac: {  	v55 =	vmax.f32 v55, $0.0e+00;
	v18 =	vmax.f32 v18, $0.0e+00;
	v28 =	vsub.f32 v28, v50;
	v13 =	vld.idx.msk [tilespmem:v61+s29+$0x40 ss:$0x1], $0xffff  }
0x1ad: {  	v6 =	vadd.f32 v6, v10;
	v15 =	vsub.f32 v15, v51;
	v63 =	vmax.f32 v19, $0.0e+00;
	v58 =	vld.idx.msk [tilespmem:v61+s29+$0x30 ss:$0x1], $0xffff  }
0x1ae: {  	v16 =	vmax.f32 v16, $0.0e+00;
	v19 =	vadd.f32 v55, v7;
	v17 =	vsub.f32 v17, v53;
	v10 =	vld.idx.msk [tilespmem:v61+s29+$0x20 ss:$0x1], $0xffff  }
0x1af: {  	v11 =	vadd.f32 v18, v11;
	v28 =	vmax.f32 v28, $0.0e+00;
	v18 =	vsub.f32 v56, v53;
	v55 =	vld.idx.msk [tilespmem:v61+s29+$0x10 ss:$0x1], $0xffff  }
0x1b0: {  	v15 =	vmax.f32 v15, $0.0e+00;
	v9 =	vadd.f32 v9, v19;
	v12 =	vsub.f32 v12, v52;
	v7 =	vld.idx.msk [tilespmem:v61+s29+$0xA0 ss:$0x1], $0xffff  }
0x1b1: {  	v11 =	vadd.f32 v16, v11;
	v19 =	vsub.f32 v57, v51;
	v18 =	vmax.f32 v18, $0.0e+00;
	v56 =	vld.idx.msk [tilespmem:v61+s29+$0xB0 ss:$0x1], $0xffff  }
0x1b2: {  	v13 =	vsub.f32 v13, v50;
	v12 =	vmax.f32 v12, $0.0e+00;
	v1 =	vadd.f32 v18, v1;
	v16 =	vld.idx.msk [tilespmem:v61+s29+$0x90 ss:$0x1], $0xffff  }
0x1b3: {  	v11 =	vadd.f32 v14, v11;
	v18 =	vmax.f32 v19, $0.0e+00;
	v19 =	vadd.f32 v12, v8;
	v20 =	vld.idx.msk [tilespmem:v61+s29+$0x140 ss:$0x1], $0xffff  }
0x1b4: {  	v12 =	vsub.f32 v58, v49;
	v8 =	vsub.f32 v10, v48;
	v10 =	vmax.f32 v13, $0.0e+00;
	v13 =	vld.idx.msk [tilespmem:v61+s29+$0x1F0 ss:$0x1], $0xffff  }
0x1b5: {  	v17 =	vmax.f32 v17, $0.0e+00;
	v5 =	vadd.f32 v18, v5;
	v14 =	vsub.f32 v55, v47;
	v32 =	vld.idx.msk [tilespmem:v61+s29+$0x1C0 ss:$0x1], $0xffff  }
0x1b6: {  	v11 =	vadd.f32 v3, v11;
	v0 =	vadd.f32 v10, v0;
	v18 =	vmax.f32 v8, $0.0e+00;
	v8 =	vld.idx.msk [tilespmem:v61+s29+$0x160 ss:$0x1], $0xffff  }
0x1b7: {  	v1 =	vadd.f32 v17, v1;
	v3 =	vmax.f32 v14, $0.0e+00;
	v57 =	vadd.f32 v18, v9;
	v10 =	vld.idx.msk [tilespmem:v61+s29+$0x110 ss:$0x1], $0xffff  }
0x1b8: {  	v15 =	vadd.f32 v15, v5;
	v5 =	vmax.f32 v54, $0.0e+00;
	v0 =	vadd.f32 v28, v0;
	v60 =	vld.idx.msk [tilespmem:v61+s29+$0x130 ss:$0x1], $0xffff  }
.Ltmp21:
0x1b9: {  	v3 =	vadd.f32 v3, v6;
	v6 =	vsub.f32 v56, v49;
	(pc) =	sbr.rel @p2 .LBB2_21-.Ltmp21, $4  }
0x1ba: {  	v9 =	vmax.f32 v12, $0.0e+00;
	v1 =	vadd.f32 v5, v1;
	v14 =	vsub.f32 v16, v47;
	v59 =	vld.idx.msk [tilespmem:v61+s29+$0x1B0 ss:$0x1], $0xffff  }
0x1bb: {  	v2 =	vadd.f32 v9, v2;
	v55 =	vmax.f32 v6, $0.0e+00;
	v5 =	vsub.f32 v13, v53;
	v12 =	vld.idx.msk [tilespmem:v61+s29+$0x1E0 ss:$0x1], $0xffff  }
0x1bc: {  	v54 =	vsub.f32 v20, v50;
	v6 =	vmax.f32 v14, $0.0e+00;
	v13 =	vadd.f32 v4, v19;
	v58 =	vld.idx.msk [tilespmem:v61+s29+$0x120 ss:$0x1], $0xffff  }
0x1bd: {  	v28 =	vadd.f32 v6, v3;
	v3 =	vsub.f32 v32, v50;
	v56 =	vmax.f32 v5, $0.0e+00;
	v18 =	vld.idx.msk [tilespmem:v61+s29+$0x1A0 ss:$0x1], $0xffff  }
.LBB2_22:
0x1be: {  	_ = 	snop  }
0x1bf: {  	v4 =	vmax.f32 v54, $0.0e+00;
	v5 =	vadd.f32 v63, v15;
	v54 =	vadd.f32 v56, v1  }
0x1c0: {  	v1 =	vadd.f32 v55, v2;
	v0 =	vadd.f32 v4, v0  }
0x1c1: {  	v55 =	vsub.f32 v8, v52;
	v8 =	vsub.f32 v60, v49;
	v2 =	vmax.f32 v3, $0.0e+00  }
0x1c2: {  	v6 =	vmax.f32 v62, $0.0e+00;
	v3 =	vsub.f32 v7, v48;
	v0 =	vadd.f32 v2, v0;
	v2 =	vld.idx.msk [tilespmem:v61+s29+$0x190 ss:$0x1], $0xffff  }
0x1c3: {  	v56 =	vsub.f32 v10, v47;
	v4 =	vmax.f32 v55, $0.0e+00;
	v15 =	vadd.f32 v6, v5  }
0x1c4: {  	v63 =	vsub.f32 v59, v49;
	v8 =	vmax.f32 v8, $0.0e+00;
	v61 =	vsub.f32 v12, v52  }
0x1c5: {  	v4 =	vadd.f32 v4, v13;
	v3 =	vmax.f32 v3, $0.0e+00;
	v10 =	vsub.f32 v58, v48  }
0x1c6: {  	v62 =	vmax.f32 v56, $0.0e+00;
	v1 =	vadd.f32 v8, v1;
	v3 =	vadd.f32 v3, v57  }
0x1c7: {  	v9 =	vsub.f32 v18, v48;
	v8 =	vmax.f32 v10, $0.0e+00;
	v2 =	vsub.f32 v2, v47  }
0x1c8: {  	v6 =	vadd.f32 v62, v28;
	v3 =	vadd.f32 v8, v3  }
0x1c9: {  	v7 =	vmax.f32 v63, $0.0e+00;
	v9 =	vmax.f32 v9, $0.0e+00;
	v2 =	vmax.f32 v2, $0.0e+00  }
0x1ca: {  	v5 =	vmax.f32 v61, $0.0e+00;
	v13 =	vadd.f32 v9, v3;
	v59 =	vadd.f32 v2, v6  }
0x1cb: {  	v18 =	vadd.f32 v7, v1;
	v12 =	vadd.f32 v5, v4  }
.LBB2_23:
0x1cc: {  	s0 =	sshll.u32 s28, $0x2  }
0x1cd: {  	p2 =	sge.s32 s0, s26  }
.Ltmp22:
0x1ce: {  	_ = 	snop;
	(pc) =	sbr.rel @p2 .LBB2_30-.Ltmp22, $1  }
0x1cf: {  	_ =	sdelay $0x3  }
0x1d0: {  	p2 =	slt.s32 s24, $0x40;
	s26 =	smov.u32 s24  }
0x1d1: {  	s2 =	sadd.s32 s0, s21;
	s26 =	simm.s32 @!p2 $0x40  }
0x1d2: {  	s2 =	ssub.s32 s2, s25;
	s30 =	ssub.s32 s26, s0  }
0x1d3: {  	s2 =	sshll.u32 s2, $0x9;
	p3 =	sne.s32 s30, $0x1  }
.Ltmp23:
0x1d4: {  	s31 =	sshra.s32 s2, $0x2;
	(pc) =	sbr.rel @!p3 .LBB2_25-.Ltmp23, $3  }
0x1d5: {  	s0 =	sadd.s32 $0x1C0, s31  }
0x1d6: {  	v7 =	vld [tilespmem:s0+$0x30];
	_ =	sdelay $0x1  }
0x1d7: {  	p2 =	por $0x0, $0x0;
	s2 =	sadd.s32 $0xFFFFFFFF, s30  }
0x1d8: {  	v1 =	vld [tilespmem:s0+$0xFFFFFFD0]  }
0x1d9: {  	v2 =	vld [tilespmem:s0+$0xFFFFFFE0]  }
0x1da: {  	v4 =	vld [tilespmem:s0+$0xFFFFFFF0]  }
0x1db: {  	v8 =	vld [tilespmem:s0+$0x0]  }
0x1dc: {  	v10 =	vld [tilespmem:s0+$0x10];
	p3 =	sne.s32 s2, $0x1  }
.Ltmp24:
0x1dd: {  	v61 =	vld [tilespmem:s0+$0x20];
	(pc) =	sbr.rel @!p3 .LBB2_27-.Ltmp24, $4  }
0x1de: {  	v62 =	vld [tilespmem:s0+$0xFFFFFFC0];
	s0 =	sadd.s32 $0x80, s0;
	v3 =	vsub.f32 v7, v53  }
0x1df: {  	v63 =	vmov v59;
	v60 =	vmov v13;
	v7 =	vld [tilespmem:s0+$0x30];
	v5 =	vsub.f32 v1, v47  }
0x1e0: {  	v58 =	vmovc v18;
	v56 =	vmovc v0;
	v55 =	vmov v15;
	v6 =	vmax.f32 v3, $0.0e+00;
	v1 =	vsub.f32 v2, v48  }
0x1e1: {  	s2 =	sadd.s32 $0xFFFFFFFF, s2;
	p2 =	por $0x1, $0x1;
	v57 =	vmovc v12;
	v28 =	vmovc v11;
	v2 =	vsub.f32 v4, v49;
	v54 =	vadd.f32 v6, v54;
	v3 =	vmax.f32 v5, $0.0e+00  }
.LBB2_28:
0x1e2: {  	p3 =	sne.s32 s2, $0x1;
	v4 =	vld [tilespmem:s0+$0xFFFFFFD0];
	v63 =	vadd.f32 v3, v63;
	v1 =	vmax.f32 v1, $0.0e+00;
	v3 =	vsub.f32 v8, v50  }
0x1e3: {  	v5 =	vld [tilespmem:s0+$0xFFFFFFE0];
	v60 =	vadd.f32 v1, v60;
	v1 =	vmax.f32 v2, $0.0e+00;
	v2 =	vsub.f32 v10, v51  }
0x1e4: {  	v6 =	vld [tilespmem:s0+$0xFFFFFFF0];
	v58 =	vadd.f32 v1, v58;
	v1 =	vmax.f32 v3, $0.0e+00;
	v3 =	vsub.f32 v61, v52  }
.Ltmp25:
0x1e5: {  	v9 =	vsub.f32 v62, v46;
	v8 =	vld [tilespmem:s0+$0x0];
	v56 =	vadd.f32 v1, v56;
	v1 =	vmax.f32 v2, $0.0e+00;
	(pc) =	sbr.rel @p3 .LBB2_28-.Ltmp25, $4  }
0x1e6: {  	v2 =	vsub.f32 v7, v53;
	v10 =	vld [tilespmem:s0+$0x10];
	v55 =	vadd.f32 v1, v55;
	v1 =	vmax.f32 v3, $0.0e+00  }
0x1e7: {  	v61 =	vld [tilespmem:s0+$0x20];
	v3 =	vsub.f32 v4, v47;
	v4 =	vmax.f32 v9, $0.0e+00;
	v57 =	vadd.f32 v1, v57  }
0x1e8: {  	v62 =	vld [tilespmem:s0+$0xFFFFFFC0];
	v1 =	vsub.f32 v5, v48;
	v5 =	vmax.f32 v2, $0.0e+00;
	s0 =	sadd.s32 $0x80, s0;
	v28 =	vadd.f32 v4, v28  }
0x1e9: {  	s2 =	sadd.s32 $0xFFFFFFFF, s2;
	v7 =	vld [tilespmem:s0+$0x30];
	v3 =	vmax.f32 v3, $0.0e+00;
	v2 =	vsub.f32 v6, v49;
	v54 =	vadd.f32 v5, v54  }
.Ltmp26:
0x1ea: {  	_ = 	snop;
	(pc) =	sbr.rel .LBB2_29-.Ltmp26, $1  }
0x1eb: {  	_ =	sdelay $0x3  }
.LBB2_27:
.Ltmp27:
0x1ec: {  	(pc) =	sbr.rel .LBB2_29-.Ltmp27, $3  }
0x1ed: {  	_ =	sdelay $0x1  }
0x1ee: {  	v63 =	vmov v59;
	v60 =	vmov v13  }
0x1ef: {  	v58 =	vmovc v18;
	v56 =	vmovc v0;
	v55 =	vmov v15;
	v57 =	vmov v12;
	v28 =	vmov v11  }
.LBB2_33:
0x1f0: {  	_ =	sfence.sel $0x180000  }
0x1f1: {  	[bflag:$0x0] =	sbarrier.arrive $0xFFFF  }
0x1f2: {  	_ =	strace $0x90000047  }
0x1f3: {  	s0 =	stileid.u32;
	[bflag:$0x2] =	sbarrier.arrive $0xFFFF  }
0x1f4: {  	p0 =	sne.s32 s0, $0x0;
	s0 =	rddreg [dreg:$0x4]  }
0x1f5: {  	s0 =	sadd.s32 @!p0 $0x100000, s0  }
0x1f6: {  	[sflag:s0] =	ssyncadd.tile.s32 @!p0 $0x1;
	_ =	shalt  }
.Lfunc_end2:
_tile_overlayer_lowered:
.L_overlay_start_2:
0x1f7: {  	(tag) =	ssettag $0x2  }
0x1f8: {  	s0 =	rddreg [dreg:$0x0];
	s2 =	stileid.u32  }
0x1f9: {  	s1 =	rddreg [dreg:$0x1];
	p0 =	sne.s32 s2, $0x0  }
0x1fa: {  	s3 =	rddreg [dreg:$0x2];
	[bflag:$0x3] =	sbarrier.arrive $0xFFFF;
	s2 =	simm.s32 @!p0 $0x1C01  }
0x1fb: {  	[timem:s3], [sflag:s2] =	dma.local @!p0 [hbm:s0], s1  }
0x1fc: {  	s0 =	simm.s32 @!p0 $0x1  }
0x1fd: {  	_ =	swait.ge @!p0 [sflag:s0], s1  }
0x1fe: {  	s1 =	ssub.s32 @!p0 $0x0, s1;
	[sflag:s0] =	ssyncset.done @!p0 $0x0  }
0x1ff: {  	[sflag:s0] =	ssyncadd.s32 @!p0 s1  }
0x200: {  	[bflag:$0x3] =	sbarrier.arrive $0xFFFF  }
0x201: {  	_ =	shalt  }

</sc_bundles>
